<compile_context>
chip_gen: v7x
topology: tpu7x:2x2x1
jax: 0.10.2.dev20260603
libtpu: 0.0.44.dev20260713+nightly
codegen_flags: <defaults>
</compile_context>

<pallas_src>
import functools
import math

import jax
import jax.numpy as jnp
import numpy as np
from jax import lax
from jax.experimental import pallas as pl
from jax.experimental.pallas import tpu as pltpu
from jax.experimental.pallas import tpu_sc as plsc

N = 10000
F = 128
NPAD = 10240
NR = NPAD // 128
BLK = 512
G = NPAD // BLK
CHUNK = 128
NTILES = 32
NCH = 80
E_PAD = NTILES * NCH * CHUNK
EPT = NCH * CHUNK
RPT = NPAD // 16
INT_MIN = np.int32(-2147483648)
NEG_INF = np.float32(-np.inf)


@functools.lru_cache(maxsize=None)
def _build_agg():
    mesh = plsc.VectorSubcoreMesh(core_axis_name="c", subcore_axis_name="s")
    out = jax.ShapeDtypeStruct((NPAD, F), jnp.float32)

    @functools.partial(
        pl.kernel, mesh=mesh, out_type=[out, out],
        scratch_types=[
            pltpu.VMEM((2, CHUNK), jnp.int32),
            pltpu.VMEM((2, CHUNK), jnp.int32),
            pltpu.VMEM((2, CHUNK, F), jnp.float32),
            pltpu.VMEM_SHARED((NPAD, F), jnp.float32),
            pltpu.SemaphoreType.DMA,
            pltpu.SemaphoreType.DMA,
        ],
    )
    def agg(h_hbm, src_hbm, dst_hbm, zeros_hbm, out0, out1, sidx, didx, rows,
            acc, sem0, sem1):
        c = lax.axis_index("c")
        s = lax.axis_index("s")
        r0 = pl.multiple_of(s * RPT, 8)
        w = c * 16 + s
        b0 = w * NCH
        pltpu.sync_copy(zeros_hbm.at[pl.ds(r0, RPT)], acc.at[pl.ds(r0, RPT)])
        plsc.subcore_barrier()

        pltpu.sync_copy(src_hbm.at[b0], sidx.at[0])
        pltpu.sync_copy(dst_hbm.at[b0], didx.at[0])
        pltpu.async_copy(h_hbm.at[sidx.at[0]], rows.at[0], sem0)

        def body(j, carry):
            i0 = j * 2
            pltpu.sync_copy(src_hbm.at[b0 + i0 + 1], sidx.at[1])
            pltpu.sync_copy(dst_hbm.at[b0 + i0 + 1], didx.at[1])
            pltpu.async_copy(h_hbm.at[sidx.at[1]], rows.at[1], sem1)
            pltpu.make_async_copy(h_hbm.at[sidx.at[0]], rows.at[0],
                                  sem0).wait()
            pltpu.sync_copy(rows.at[0], acc.at[didx.at[0]], add=True)

            @pl.when(i0 + 2 < NCH)
            def _():
                pltpu.sync_copy(src_hbm.at[b0 + i0 + 2], sidx.at[0])
                pltpu.sync_copy(dst_hbm.at[b0 + i0 + 2], didx.at[0])
                pltpu.async_copy(h_hbm.at[sidx.at[0]], rows.at[0], sem0)

            pltpu.make_async_copy(h_hbm.at[sidx.at[1]], rows.at[1],
                                  sem1).wait()
            pltpu.sync_copy(rows.at[1], acc.at[didx.at[1]], add=True)
            return carry

        lax.fori_loop(0, NCH // 2, body, 0)
        plsc.subcore_barrier()

        @pl.when(c == 0)
        def _():
            pltpu.sync_copy(acc.at[pl.ds(r0, RPT)], out0.at[pl.ds(r0, RPT)])

        @pl.when(c == 1)
        def _():
            pltpu.sync_copy(acc.at[pl.ds(r0, RPT)], out1.at[pl.ds(r0, RPT)])

    return agg


def dense_body(hm_ref, p0_ref, p1_ref, w1_ref, b1_ref, w2_ref, b2_ref,
               wm_ref, nrm_ref, valid_ref, h2_ref, score_ref, key_ref):
    z = hm_ref[...] + p0_ref[...] + p1_ref[...]
    t = jnp.maximum(jnp.dot(z, w1_ref[...]) + b1_ref[...], 0.0)
    h2 = jnp.maximum(jnp.dot(t, w2_ref[...]) + b2_ref[...], 0.0)
    h2_ref[...] = h2
    s = jnp.dot(h2, wm_ref[...])[:, :1]
    score = jnp.tanh(s / nrm_ref[0, 0])
    score_ref[...] = score
    bits = lax.bitcast_convert_type(score, jnp.int32)
    key = jnp.where(bits >= 0, bits, INT_MIN - bits)
    key_ref[...] = jnp.where(valid_ref[...] > 0, key, INT_MIN)


def _dense_call():
    node = lambda: pl.BlockSpec((BLK, F), lambda i: (i, 0))
    mat = lambda: pl.BlockSpec((F, F), lambda i: (0, 0))
    row = lambda: pl.BlockSpec((1, F), lambda i: (0, 0))
    col = lambda: pl.BlockSpec((BLK, 1), lambda i: (i, 0))
    one = lambda: pl.BlockSpec((1, 1), lambda i: (0, 0))
    return pl.pallas_call(
        dense_body,
        grid=(G,),
        in_specs=[node(), node(), node(), mat(), row(), mat(), row(), mat(),
                  one(), col()],
        out_specs=[node(), col(), col()],
        out_shape=[jax.ShapeDtypeStruct((NPAD, F), jnp.float32),
                   jax.ShapeDtypeStruct((NPAD, 1), jnp.float32),
                   jax.ShapeDtypeStruct((NPAD, 1), jnp.int32)],
    )


def _kth_largest(vals, mask, k):
    cnt_nonneg = jnp.sum((mask & (vals >= 0)).astype(jnp.int32))
    pos = cnt_nonneg >= k
    lo = jnp.where(pos, jnp.int32(0), INT_MIN + 2)
    hi = jnp.where(pos, jnp.int32(2147483646), jnp.int32(-1))

    def body(_, lh):
        lo, hi = lh
        mid = lo + ((hi - lo + 1) >> 1)
        go = jnp.sum((mask & (vals >= mid)).astype(jnp.int32)) >= k
        return (jnp.where(go, mid, lo), jnp.where(go, hi, mid - 1))

    lo, hi = lax.fori_loop(0, 31, body, (lo, hi))
    return lo


def select_body(k_keep, n_prev, *refs):
    key_ref = refs[0]
    pk_refs = refs[1:1 + n_prev]
    sel_ref = refs[1 + n_prev]
    key = key_ref[...]
    t1 = _kth_largest(key, key > INT_MIN, k_keep)
    sel = key > t1
    grp = key == t1
    m = k_keep - jnp.sum(sel.astype(jnp.int32))
    for pk_ref in pk_refs:
        pk = pk_ref[...]
        t = _kth_largest(pk, grp, m)
        win = grp & (pk > t)
        sel = sel | win
        m = m - jnp.sum(win.astype(jnp.int32))
        grp = grp & (pk == t)
    idx = (lax.broadcasted_iota(jnp.int32, (NR, 128), 0) * 128
           + lax.broadcasted_iota(jnp.int32, (NR, 128), 1))

    def tbody(_, lh):
        lo, hi = lh
        mid = (lo + hi) >> 1
        go = jnp.sum((grp & (idx <= mid)).astype(jnp.int32)) >= m
        return (jnp.where(go, lo, mid + 1), jnp.where(go, mid, hi))

    jlo, _ = lax.fori_loop(0, 14, tbody, (jnp.int32(0), jnp.int32(NPAD - 1)))
    sel_ref[...] = (sel | (grp & (idx <= jlo))).astype(jnp.float32)


def _select_call(k_keep, n_prev):
    return pl.pallas_call(
        functools.partial(select_body, k_keep, n_prev),
        out_shape=jax.ShapeDtypeStruct((NR, 128), jnp.float32),
    )


def pool_body(k_keep, h2_ref, score_ref, selm_ref, reads_ref, hmn_ref,
              rout_ref):
    i = pl.program_id(0)
    sm = selm_ref[...]
    hv = h2_ref[...] * (score_ref[...] * sm)
    hmn_ref[...] = hv
    bmax = jnp.max(jnp.where(sm > 0, hv, NEG_INF), axis=0)
    bsum = jnp.sum(hv, axis=0)

    @pl.when(i == 0)
    def _():
        rout_ref[...] = jnp.concatenate([bmax, bsum])[None, :]

    @pl.when(i > 0)
    def _():
        prev = rout_ref[...]
        pm = jnp.maximum(prev[:, :F], bmax[None, :])
        ps = prev[:, F:] + bsum[None, :]
        rout_ref[...] = jnp.concatenate([pm, ps], axis=1)

    @pl.when(i == G - 1)
    def _():
        prev = rout_ref[...]
        rout_ref[...] = reads_ref[...] + jnp.concatenate(
            [prev[:, :F], prev[:, F:] / k_keep], axis=1)


def _pool_call(k_keep):
    node = lambda: pl.BlockSpec((BLK, F), lambda i: (i, 0))
    col = lambda: pl.BlockSpec((BLK, 1), lambda i: (i, 0))
    rd = lambda: pl.BlockSpec((1, 2 * F), lambda i: (0, 0))
    return pl.pallas_call(
        functools.partial(pool_body, k_keep),
        grid=(G,),
        in_specs=[node(), col(), col(), rd()],
        out_specs=[node(), rd()],
        out_shape=[jax.ShapeDtypeStruct((NPAD, F), jnp.float32),
                   jax.ShapeDtypeStruct((1, 2 * F), jnp.float32)],
    )


def head_body(reads_ref, l1w_ref, l1b_ref, l2w_ref, l2b_ref, l3w_ref, l3b_ref,
              ls_ref, sg_ref):
    z = jnp.maximum(jnp.dot(reads_ref[...], l1w_ref[...]) + l1b_ref[...], 0.0)
    z = jnp.maximum(jnp.dot(z, l2w_ref[...]) + l2b_ref[...], 0.0)
    logits = jnp.dot(z, l3w_ref[...]) + l3b_ref[...]
    mx = jnp.max(logits, axis=1, keepdims=True)
    lse = jnp.log(jnp.sum(jnp.exp(logits - mx), axis=1, keepdims=True)) + mx
    ls_ref[...] = logits - lse
    sg_ref[...] = 1.0 / (1.0 + jnp.exp(-logits))


def _head_call():
    out = jax.ShapeDtypeStruct((1, 10), jnp.float32)
    return pl.pallas_call(head_body, out_shape=[out, out])


def kernel(x, edge_index, batch, conv1_W1, conv1_b1, conv1_W2, conv1_b2,
           pool1_w, conv2_W1, conv2_b1, conv2_W2, conv2_b2, pool2_w,
           conv3_W1, conv3_b1, conv3_W2, conv3_b2, pool3_w,
           conv4_W1, conv4_b1, conv4_W2, conv4_b2, pool4_w,
           lin1_W, lin1_b, lin2_W, lin2_b, lin3_W, lin3_b):
    src = edge_index[0]
    dst = edge_index[1]
    order = jnp.argsort(dst, stable=True)
    epad = jnp.full((E_PAD - src.shape[0],), NPAD - 1, jnp.int32)
    src_p = jnp.concatenate([src[order], epad]).reshape(NTILES * NCH, CHUNK)
    dst_p = jnp.concatenate([dst[order], epad]).reshape(NTILES * NCH, CHUNK)

    hm = jnp.zeros((NPAD, F), jnp.float32).at[:N].set(x)
    valid = jnp.zeros((NPAD, 1), jnp.float32).at[:N].set(1.0)
    reads = jnp.zeros((1, 2 * F), jnp.float32)
    zeros = jnp.zeros((NPAD, F), jnp.float32)

    convs = [(conv1_W1, conv1_b1, conv1_W2, conv1_b2),
             (conv2_W1, conv2_b1, conv2_W2, conv2_b2),
             (conv3_W1, conv3_b1, conv3_W2, conv3_b2),
             (conv4_W1, conv4_b1, conv4_W2, conv4_b2)]
    pools = [pool1_w, pool2_w, pool3_w, pool4_w]

    n_cur = N
    pks = []
    for (w1, b1, w2, b2), pw in zip(convs, pools):
        k_keep = int(math.ceil(0.75 * n_cur))
        p0, p1 = _build_agg()(hm, src_p, dst_p, zeros)
        wmat = jnp.zeros((F, F), jnp.float32).at[:, 0].set(pw)
        nrm = jnp.sqrt(jnp.sum(pw * pw)).reshape(1, 1)
        h2, score, key = _dense_call()(
            hm, p0, p1, w1, b1.reshape(1, F), w2, b2.reshape(1, F),
            wmat, nrm, valid)
        key2d = key.reshape(NR, 128)
        sel2d = _select_call(k_keep, len(pks))(key2d, *pks)
        valid = sel2d.reshape(NPAD, 1)
        hm, reads = _pool_call(k_keep)(h2, score, valid, reads)
        pks.insert(0, key2d)
        n_cur = k_keep

    ls, sg = _head_call()(
        reads, lin1_W, lin1_b.reshape(1, -1), lin2_W, lin2_b.reshape(1, -1),
        lin3_W, lin3_b.reshape(1, -1))
    return ls, sg

# --- scband reference (transcript-rebuilt; emitter-appended) ---
"""Pipeline reference for scband-gintop-k-41068477284547 (READ-ONLY COPY).

The authoritative reference and input builder live on the scoring server;
editing this copy changes nothing except your own understanding.
"""

import jax
import jax.numpy as jnp
import numpy as np
import math


def _gin(h, src, dst, valid, W1, b1, W2, b2):
    msg = h[src] * valid[:, None]
    agg = jnp.zeros(h.shape, h.dtype).at[dst].add(msg)
    z = h + agg
    return jnp.maximum(z @ W1 + b1, 0.0) @ W2 + b2


def _pool(h, src, dst, valid, w, ratio):
    n = h.shape[0]
    k = int(math.ceil(ratio * n))
    score = jnp.tanh((h @ w) / jnp.sqrt(jnp.sum(w * w)))
    vals, perm = jax.lax.top_k(score, k)
    h_new = h[perm] * vals[:, None]
    inv = jnp.full((n,), -1, dtype=jnp.int32).at[perm].set(jnp.arange(k, dtype=jnp.int32))
    ns = inv[src]
    nd = inv[dst]
    v = valid * ((ns >= 0) & (nd >= 0)).astype(h.dtype)
    return h_new, jnp.maximum(ns, 0), jnp.maximum(nd, 0), v


def _readout(h):
    return jnp.concatenate([jnp.max(h, axis=0, keepdims=True), jnp.mean(h, axis=0, keepdims=True)], axis=1)


def _forward(x, src, dst, convs, pools, lin1_W, lin1_b, lin2_W, lin2_b, lin3_W, lin3_b):
    valid = jnp.ones(src.shape, x.dtype)
    h = x
    reads = None
    for (W1, b1, W2, b2), pw in zip(convs, pools):
        h = jnp.maximum(_gin(h, src, dst, valid, W1, b1, W2, b2), 0.0)
        h, src, dst, valid = _pool(h, src, dst, valid, pw, 0.75)
        r = _readout(h)
        reads = r if reads is None else reads + r
    z = jnp.maximum(reads @ lin1_W + lin1_b, 0.0)
    z = jnp.maximum(z @ lin2_W + lin2_b, 0.0)
    logits = z @ lin3_W + lin3_b
    return jax.nn.log_softmax(logits, axis=-1), jax.nn.sigmoid(logits)


def setup_inputs(seed: int = 0):
    key = jax.random.key(seed)
    N, E, F, H, C = 10000, 320000, 128, 128, 10
    ks = jax.random.split(key, 32)
    inp = {}
    inp['x'] = jax.random.normal(ks[0], (N, F), dtype=jnp.float32)
    inp['edge_index'] = jax.random.randint(ks[1], (2, E), 0, N, dtype=jnp.int32)
    inp['batch'] = jnp.zeros((N,), dtype=jnp.int32)
    i = 2
    dims_in = [F, H, H, H]
    for li in range(4):
        din = dims_in[li]
        inp['conv%d_W1' % (li + 1)] = jax.random.normal(ks[i], (din, H), dtype=jnp.float32) / np.sqrt(din).astype(np.float32); i += 1
        inp['conv%d_b1' % (li + 1)] = jnp.zeros((H,), dtype=jnp.float32)
        inp['conv%d_W2' % (li + 1)] = jax.random.normal(ks[i], (H, H), dtype=jnp.float32) / np.sqrt(H).astype(np.float32); i += 1
        inp['conv%d_b2' % (li + 1)] = jnp.zeros((H,), dtype=jnp.float32)
        inp['pool%d_w' % (li + 1)] = jax.random.normal(ks[i], (H,), dtype=jnp.float32) / np.sqrt(H).astype(np.float32); i += 1
    inp['lin1_W'] = jax.random.normal(ks[i], (2 * H, H), dtype=jnp.float32) / np.sqrt(2 * H).astype(np.float32); i += 1
    inp['lin1_b'] = jnp.zeros((H,), dtype=jnp.float32)
    inp['lin2_W'] = jax.random.normal(ks[i], (H, H // 2), dtype=jnp.float32) / np.sqrt(H).astype(np.float32); i += 1
    inp['lin2_b'] = jnp.zeros((H // 2,), dtype=jnp.float32)
    inp['lin3_W'] = jax.random.normal(ks[i], (H // 2, C), dtype=jnp.float32) / np.sqrt(H // 2).astype(np.float32); i += 1
    inp['lin3_b'] = jnp.zeros((C,), dtype=jnp.float32)
    return inp


def reference(x, edge_index, batch, conv1_W1, conv1_b1, conv1_W2, conv1_b2, pool1_w, conv2_W1, conv2_b1, conv2_W2, conv2_b2, pool2_w, conv3_W1, conv3_b1, conv3_W2, conv3_b2, pool3_w, conv4_W1, conv4_b1, conv4_W2, conv4_b2, pool4_w, lin1_W, lin1_b, lin2_W, lin2_b, lin3_W, lin3_b):
    convs = [(conv1_W1, conv1_b1, conv1_W2, conv1_b2), (conv2_W1, conv2_b1, conv2_W2, conv2_b2), (conv3_W1, conv3_b1, conv3_W2, conv3_b2), (conv4_W1, conv4_b1, conv4_W2, conv4_b2)]
    pools = [pool1_w, pool2_w, pool3_w, pool4_w]
    return _forward(x, edge_index[0], edge_index[1], convs, pools, lin1_W, lin1_b, lin2_W, lin2_b, lin3_W, lin3_b)

if __name__ == "__main__":
    import jax
    _d = setup_inputs()
    print(jax.jit(kernel)(*tuple(_d.values())))

</pallas_src>

<mosaic_0001>
#map = affine_map<(d0, d1) -> (0, 0)>
module attributes {stable_mosaic.version = 14 : i64} {
  func.func @agg(%arg0: i32, %arg1: i32, %arg2: memref<10240x128xf32, #tpu.memory_space<hbm>>, %arg3: memref<2560x128xi32, #tpu.memory_space<hbm>>, %arg4: memref<2560x128xi32, #tpu.memory_space<hbm>>, %arg5: memref<10240x128xf32, #tpu.memory_space<hbm>>, %arg6: memref<10240x128xf32, #tpu.memory_space<hbm>>, %arg7: memref<10240x128xf32, #tpu.memory_space<hbm>>, %arg8: memref<2x128xi32, #tpu.memory_space<vmem>>, %arg9: memref<2x128xi32, #tpu.memory_space<vmem>>, %arg10: memref<2x128x128xf32, #tpu.memory_space<vmem>>, %arg11: memref<10240x128xf32, #tpu.memory_space<vmem_shared>>, %arg12: memref<!tpu.dma_semaphore, #tpu.memory_space<semaphore_mem>>, %arg13: memref<!tpu.dma_semaphore, #tpu.memory_space<semaphore_mem>>) attributes {dimension_semantics = [#tpu.dimension_semantics<core_parallel>, #tpu.dimension_semantics<subcore_parallel>], iteration_bounds = array<i64: 2, 16>, scalar_prefetch = 0 : i64, scratch_operands = 6 : i64, tpu.core_type = #tpu.core_type<sc_vector_subcore>, window_params = [{transform_indices = #map}, {transform_indices = #map}, {transform_indices = #map}, {transform_indices = #map}, {transform_indices = #map}, {transform_indices = #map}]} {
    %mul3A = arith.constant 640 : i32
    %mul3A_0 = arith.muli %arg1, %mul3A : i32
    %multiple_of3A = tpu.assume_multiple %mul3A_0, 8 : i32
    %mul3A_1 = arith.constant 16 : i32
    %mul3A_2 = arith.muli %arg0, %mul3A_1 : i32
    %add3A = arith.addi %mul3A_2, %arg1 : i32
    %mul3A_3 = arith.constant 80 : i32
    %mul3A_4 = arith.muli %add3A, %mul3A_3 : i32
    "tpu.region"() ({
      %run_scoped3A_30 = tpu.sem_alloc : memref<!tpu.dma_semaphore, #tpu.memory_space<semaphore_mem>>
      %dma_start3A_31 = arith.constant 0 : i32
      %dma_start3A_32 = tpu.memref_slice %arg11[%multiple_of3A, %dma_start3A_31] : memref<10240x128xf32, #tpu.memory_space<vmem_shared>> -> memref<640x128xf32, #tpu.memory_space<vmem_shared>>
      %dma_start3A_33 = arith.constant 0 : i32
      %dma_start3A_34 = tpu.memref_slice %arg5[%multiple_of3A, %dma_start3A_33] : memref<10240x128xf32, #tpu.memory_space<hbm>> -> memref<640x128xf32, #tpu.memory_space<hbm>>
      tpu.enqueue_dma source(%dma_start3A_34 : memref<640x128xf32, #tpu.memory_space<hbm>>) target(%dma_start3A_32 : memref<640x128xf32, #tpu.memory_space<vmem_shared>>) target_semaphore(%run_scoped3A_30 : memref<!tpu.dma_semaphore, #tpu.memory_space<semaphore_mem>>)
      %dma_wait3A = arith.constant 0 : i32
      %dma_wait3A_35 = tpu.memref_slice %arg11[%multiple_of3A, %dma_wait3A] : memref<10240x128xf32, #tpu.memory_space<vmem_shared>> -> memref<640x128xf32, #tpu.memory_space<vmem_shared>>
      %dma_wait3A_36 = arith.constant 0 : i32
      %dma_wait3A_37 = tpu.memref_slice %arg5[%multiple_of3A, %dma_wait3A_36] : memref<10240x128xf32, #tpu.memory_space<hbm>> -> memref<640x128xf32, #tpu.memory_space<hbm>>
      tpu.wait_dma2 semaphore(%run_scoped3A_30 : memref<!tpu.dma_semaphore, #tpu.memory_space<semaphore_mem>>) src(%dma_wait3A_37 : memref<640x128xf32, #tpu.memory_space<hbm>>) dst(%dma_wait3A_35 : memref<640x128xf32, #tpu.memory_space<vmem_shared>>)
      tpu.yield
    }) : () -> ()
    %barrier3A = arith.constant 0 : index
    tpu.barrier barrier_id(%barrier3A)
    %run_scoped3A = arith.constant 0 : i32
    "tpu.region"() ({
      %run_scoped3A_30 = tpu.sem_alloc : memref<!tpu.dma_semaphore, #tpu.memory_space<semaphore_mem>>
      %dma_start3A_31 = arith.constant 0 : i32
      %dma_start3A_32 = tpu.memref_slice %arg8[%run_scoped3A, %dma_start3A_31] : memref<2x128xi32, #tpu.memory_space<vmem>> -> memref<1x128xi32, #tpu.memory_space<vmem>>
      %dma_start3A_33 = tpu.memref_squeeze %dma_start3A_32 : memref<1x128xi32, #tpu.memory_space<vmem>> -> memref<128xi32, #tpu.memory_space<vmem>>
      %dma_start3A_34 = arith.constant 0 : i32
      %dma_start3A_35 = tpu.memref_slice %arg3[%mul3A_4, %dma_start3A_34] : memref<2560x128xi32, #tpu.memory_space<hbm>> -> memref<1x128xi32, #tpu.memory_space<hbm>>
      %dma_start3A_36 = tpu.memref_squeeze %dma_start3A_35 : memref<1x128xi32, #tpu.memory_space<hbm>> -> memref<128xi32, #tpu.memory_space<hbm>>
      %dma_start3A_37 = arith.constant 0 : i32
      %dma_start3A_38 = tpu.memref_slice %arg8[%run_scoped3A, %dma_start3A_37] : memref<2x128xi32, #tpu.memory_space<vmem>> -> memref<1x128xi32, #tpu.memory_space<vmem>>
      %dma_start3A_39 = tpu.memref_squeeze %dma_start3A_38 : memref<1x128xi32, #tpu.memory_space<vmem>> -> memref<128xi32, #tpu.memory_space<vmem>>
      %dma_start3A_40 = arith.constant 0 : i32
      %dma_start3A_41 = tpu.memref_slice %arg3[%mul3A_4, %dma_start3A_40] : memref<2560x128xi32, #tpu.memory_space<hbm>> -> memref<1x128xi32, #tpu.memory_space<hbm>>
      %dma_start3A_42 = tpu.memref_squeeze %dma_start3A_41 : memref<1x128xi32, #tpu.memory_space<hbm>> -> memref<128xi32, #tpu.memory_space<hbm>>
      tpu.enqueue_dma source(%dma_start3A_42 : memref<128xi32, #tpu.memory_space<hbm>>) target(%dma_start3A_39 : memref<128xi32, #tpu.memory_space<vmem>>) target_semaphore(%run_scoped3A_30 : memref<!tpu.dma_semaphore, #tpu.memory_space<semaphore_mem>>)
      %dma_wait3A = arith.constant 0 : i32
      %dma_wait3A_43 = tpu.memref_slice %arg8[%run_scoped3A, %dma_wait3A] : memref<2x128xi32, #tpu.memory_space<vmem>> -> memref<1x128xi32, #tpu.memory_space<vmem>>
      %dma_wait3A_44 = tpu.memref_squeeze %dma_wait3A_43 : memref<1x128xi32, #tpu.memory_space<vmem>> -> memref<128xi32, #tpu.memory_space<vmem>>
      %dma_wait3A_45 = arith.constant 0 : i32
      %dma_wait3A_46 = tpu.memref_slice %arg3[%mul3A_4, %dma_wait3A_45] : memref<2560x128xi32, #tpu.memory_space<hbm>> -> memref<1x128xi32, #tpu.memory_space<hbm>>
      %dma_wait3A_47 = tpu.memref_squeeze %dma_wait3A_46 : memref<1x128xi32, #tpu.memory_space<hbm>> -> memref<128xi32, #tpu.memory_space<hbm>>
      %dma_wait3A_48 = arith.constant 0 : i32
      %dma_wait3A_49 = tpu.memref_slice %arg8[%run_scoped3A, %dma_wait3A_48] : memref<2x128xi32, #tpu.memory_space<vmem>> -> memref<1x128xi32, #tpu.memory_space<vmem>>
      %dma_wait3A_50 = tpu.memref_squeeze %dma_wait3A_49 : memref<1x128xi32, #tpu.memory_space<vmem>> -> memref<128xi32, #tpu.memory_space<vmem>>
      %dma_wait3A_51 = arith.constant 0 : i32
      %dma_wait3A_52 = tpu.memref_slice %arg3[%mul3A_4, %dma_wait3A_51] : memref<2560x128xi32, #tpu.memory_space<hbm>> -> memref<1x128xi32, #tpu.memory_space<hbm>>
      %dma_wait3A_53 = tpu.memref_squeeze %dma_wait3A_52 : memref<1x128xi32, #tpu.memory_space<hbm>> -> memref<128xi32, #tpu.memory_space<hbm>>
      tpu.wait_dma2 semaphore(%run_scoped3A_30 : memref<!tpu.dma_semaphore, #tpu.memory_space<semaphore_mem>>) src(%dma_wait3A_53 : memref<128xi32, #tpu.memory_space<hbm>>) dst(%dma_wait3A_50 : memref<128xi32, #tpu.memory_space<vmem>>)
      tpu.yield
    }) : () -> ()
    %run_scoped3A_5 = arith.constant 0 : i32
    "tpu.region"() ({
      %run_scoped3A_30 = tpu.sem_alloc : memref<!tpu.dma_semaphore, #tpu.memory_space<semaphore_mem>>
      %dma_start3A_31 = arith.constant 0 : i32
      %dma_start3A_32 = tpu.memref_slice %arg9[%run_scoped3A_5, %dma_start3A_31] : memref<2x128xi32, #tpu.memory_space<vmem>> -> memref<1x128xi32, #tpu.memory_space<vmem>>
      %dma_start3A_33 = tpu.memref_squeeze %dma_start3A_32 : memref<1x128xi32, #tpu.memory_space<vmem>> -> memref<128xi32, #tpu.memory_space<vmem>>
      %dma_start3A_34 = arith.constant 0 : i32
      %dma_start3A_35 = tpu.memref_slice %arg4[%mul3A_4, %dma_start3A_34] : memref<2560x128xi32, #tpu.memory_space<hbm>> -> memref<1x128xi32, #tpu.memory_space<hbm>>
      %dma_start3A_36 = tpu.memref_squeeze %dma_start3A_35 : memref<1x128xi32, #tpu.memory_space<hbm>> -> memref<128xi32, #tpu.memory_space<hbm>>
      %dma_start3A_37 = arith.constant 0 : i32
      %dma_start3A_38 = tpu.memref_slice %arg9[%run_scoped3A_5, %dma_start3A_37] : memref<2x128xi32, #tpu.memory_space<vmem>> -> memref<1x128xi32, #tpu.memory_space<vmem>>
      %dma_start3A_39 = tpu.memref_squeeze %dma_start3A_38 : memref<1x128xi32, #tpu.memory_space<vmem>> -> memref<128xi32, #tpu.memory_space<vmem>>
      %dma_start3A_40 = arith.constant 0 : i32
      %dma_start3A_41 = tpu.memref_slice %arg4[%mul3A_4, %dma_start3A_40] : memref<2560x128xi32, #tpu.memory_space<hbm>> -> memref<1x128xi32, #tpu.memory_space<hbm>>
      %dma_start3A_42 = tpu.memref_squeeze %dma_start3A_41 : memref<1x128xi32, #tpu.memory_space<hbm>> -> memref<128xi32, #tpu.memory_space<hbm>>
      tpu.enqueue_dma source(%dma_start3A_42 : memref<128xi32, #tpu.memory_space<hbm>>) target(%dma_start3A_39 : memref<128xi32, #tpu.memory_space<vmem>>) target_semaphore(%run_scoped3A_30 : memref<!tpu.dma_semaphore, #tpu.memory_space<semaphore_mem>>)
      %dma_wait3A = arith.constant 0 : i32
      %dma_wait3A_43 = tpu.memref_slice %arg9[%run_scoped3A_5, %dma_wait3A] : memref<2x128xi32, #tpu.memory_space<vmem>> -> memref<1x128xi32, #tpu.memory_space<vmem>>
      %dma_wait3A_44 = tpu.memref_squeeze %dma_wait3A_43 : memref<1x128xi32, #tpu.memory_space<vmem>> -> memref<128xi32, #tpu.memory_space<vmem>>
      %dma_wait3A_45 = arith.constant 0 : i32
      %dma_wait3A_46 = tpu.memref_slice %arg4[%mul3A_4, %dma_wait3A_45] : memref<2560x128xi32, #tpu.memory_space<hbm>> -> memref<1x128xi32, #tpu.memory_space<hbm>>
      %dma_wait3A_47 = tpu.memref_squeeze %dma_wait3A_46 : memref<1x128xi32, #tpu.memory_space<hbm>> -> memref<128xi32, #tpu.memory_space<hbm>>
      %dma_wait3A_48 = arith.constant 0 : i32
      %dma_wait3A_49 = tpu.memref_slice %arg9[%run_scoped3A_5, %dma_wait3A_48] : memref<2x128xi32, #tpu.memory_space<vmem>> -> memref<1x128xi32, #tpu.memory_space<vmem>>
      %dma_wait3A_50 = tpu.memref_squeeze %dma_wait3A_49 : memref<1x128xi32, #tpu.memory_space<vmem>> -> memref<128xi32, #tpu.memory_space<vmem>>
      %dma_wait3A_51 = arith.constant 0 : i32
      %dma_wait3A_52 = tpu.memref_slice %arg4[%mul3A_4, %dma_wait3A_51] : memref<2560x128xi32, #tpu.memory_space<hbm>> -> memref<1x128xi32, #tpu.memory_space<hbm>>
      %dma_wait3A_53 = tpu.memref_squeeze %dma_wait3A_52 : memref<1x128xi32, #tpu.memory_space<hbm>> -> memref<128xi32, #tpu.memory_space<hbm>>
      tpu.wait_dma2 semaphore(%run_scoped3A_30 : memref<!tpu.dma_semaphore, #tpu.memory_space<semaphore_mem>>) src(%dma_wait3A_53 : memref<128xi32, #tpu.memory_space<hbm>>) dst(%dma_wait3A_50 : memref<128xi32, #tpu.memory_space<vmem>>)
      tpu.yield
    }) : () -> ()
    %dma_start3A = arith.constant 0 : i32
    %dma_start3A_6 = arith.constant 0 : i32
    %dma_start3A_7 = arith.constant 0 : i32
    %dma_start3A_8 = arith.constant 0 : i32
    %dma_start3A_9 = tpu.memref_slice %arg10[%dma_start3A_6, %dma_start3A_7, %dma_start3A_8] : memref<2x128x128xf32, #tpu.memory_space<vmem>> -> memref<1x128x128xf32, #tpu.memory_space<vmem>>
    %dma_start3A_10 = tpu.memref_squeeze %dma_start3A_9 : memref<1x128x128xf32, #tpu.memory_space<vmem>> -> memref<128x128xf32, #tpu.memory_space<vmem>>
    %dma_start3A_11 = arith.constant 0 : i32
    %dma_start3A_12 = tpu.memref_slice %arg8[%dma_start3A, %dma_start3A_11] : memref<2x128xi32, #tpu.memory_space<vmem>> -> memref<1x128xi32, #tpu.memory_space<vmem>>
    %dma_start3A_13 = tpu.memref_squeeze %dma_start3A_12 : memref<1x128xi32, #tpu.memory_space<vmem>> -> memref<128xi32, #tpu.memory_space<vmem>>
    %dma_start3A_14 = arith.constant 0 : i32
    %dma_start3A_15 = arith.constant 0 : i32
    %dma_start3A_16 = tpu.memref_slice %arg2[%dma_start3A_14, %dma_start3A_15] : memref<10240x128xf32, #tpu.memory_space<hbm>> -> memref<10240x128xf32, #tpu.memory_space<hbm>>
    tpu.enqueue_indirect_dma source(%dma_start3A_16 : memref<10240x128xf32, #tpu.memory_space<hbm>>) target(%dma_start3A_10 : memref<128x128xf32, #tpu.memory_space<vmem>>) offsets(%dma_start3A_13 : memref<128xi32, #tpu.memory_space<vmem>>) semaphore(%arg12 : memref<!tpu.dma_semaphore, #tpu.memory_space<semaphore_mem>>)
    %scan3A = arith.constant 0 : i32
    %scan3A_17 = arith.constant 0 : i32
    %scan3A_18 = arith.constant 40 : i32
    %scan3A_19 = arith.addi %scan3A_17, %scan3A_18 : i32
    %scan3A_20 = arith.constant 1 : i32
    scf.for %scan3A_30 = %scan3A_17 to %scan3A_19 step %scan3A_20  : i32 {
      %mul3A_31 = arith.constant 2 : i32
      %mul3A_32 = arith.muli %scan3A_30, %mul3A_31 : i32
      %add3A_33 = arith.addi %mul3A_4, %mul3A_32 : i32
      %add3A_34 = arith.constant 1 : i32
      %add3A_35 = arith.addi %add3A_33, %add3A_34 : i32
      %run_scoped3A_36 = arith.constant 1 : i32
      "tpu.region"() ({
        %run_scoped3A_86 = tpu.sem_alloc : memref<!tpu.dma_semaphore, #tpu.memory_space<semaphore_mem>>
        %dma_start3A_87 = arith.constant 0 : i32
        %dma_start3A_88 = tpu.memref_slice %arg8[%run_scoped3A_36, %dma_start3A_87] : memref<2x128xi32, #tpu.memory_space<vmem>> -> memref<1x128xi32, #tpu.memory_space<vmem>>
        %dma_start3A_89 = tpu.memref_squeeze %dma_start3A_88 : memref<1x128xi32, #tpu.memory_space<vmem>> -> memref<128xi32, #tpu.memory_space<vmem>>
        %dma_start3A_90 = arith.constant 0 : i32
        %dma_start3A_91 = tpu.memref_slice %arg3[%add3A_35, %dma_start3A_90] : memref<2560x128xi32, #tpu.memory_space<hbm>> -> memref<1x128xi32, #tpu.memory_space<hbm>>
        %dma_start3A_92 = tpu.memref_squeeze %dma_start3A_91 : memref<1x128xi32, #tpu.memory_space<hbm>> -> memref<128xi32, #tpu.memory_space<hbm>>
        %dma_start3A_93 = arith.constant 0 : i32
        %dma_start3A_94 = tpu.memref_slice %arg8[%run_scoped3A_36, %dma_start3A_93] : memref<2x128xi32, #tpu.memory_space<vmem>> -> memref<1x128xi32, #tpu.memory_space<vmem>>
        %dma_start3A_95 = tpu.memref_squeeze %dma_start3A_94 : memref<1x128xi32, #tpu.memory_space<vmem>> -> memref<128xi32, #tpu.memory_space<vmem>>
        %dma_start3A_96 = arith.constant 0 : i32
        %dma_start3A_97 = tpu.memref_slice %arg3[%add3A_35, %dma_start3A_96] : memref<2560x128xi32, #tpu.memory_space<hbm>> -> memref<1x128xi32, #tpu.memory_space<hbm>>
        %dma_start3A_98 = tpu.memref_squeeze %dma_start3A_97 : memref<1x128xi32, #tpu.memory_space<hbm>> -> memref<128xi32, #tpu.memory_space<hbm>>
        tpu.enqueue_dma source(%dma_start3A_98 : memref<128xi32, #tpu.memory_space<hbm>>) target(%dma_start3A_95 : memref<128xi32, #tpu.memory_space<vmem>>) target_semaphore(%run_scoped3A_86 : memref<!tpu.dma_semaphore, #tpu.memory_space<semaphore_mem>>)
        %dma_wait3A_99 = arith.constant 0 : i32
        %dma_wait3A_100 = tpu.memref_slice %arg8[%run_scoped3A_36, %dma_wait3A_99] : memref<2x128xi32, #tpu.memory_space<vmem>> -> memref<1x128xi32, #tpu.memory_space<vmem>>
        %dma_wait3A_101 = tpu.memref_squeeze %dma_wait3A_100 : memref<1x128xi32, #tpu.memory_space<vmem>> -> memref<128xi32, #tpu.memory_space<vmem>>
        %dma_wait3A_102 = arith.constant 0 : i32
        %dma_wait3A_103 = tpu.memref_slice %arg3[%add3A_35, %dma_wait3A_102] : memref<2560x128xi32, #tpu.memory_space<hbm>> -> memref<1x128xi32, #tpu.memory_space<hbm>>
        %dma_wait3A_104 = tpu.memref_squeeze %dma_wait3A_103 : memref<1x128xi32, #tpu.memory_space<hbm>> -> memref<128xi32, #tpu.memory_space<hbm>>
        %dma_wait3A_105 = arith.constant 0 : i32
        %dma_wait3A_106 = tpu.memref_slice %arg8[%run_scoped3A_36, %dma_wait3A_105] : memref<2x128xi32, #tpu.memory_space<vmem>> -> memref<1x128xi32, #tpu.memory_space<vmem>>
        %dma_wait3A_107 = tpu.memref_squeeze %dma_wait3A_106 : memref<1x128xi32, #tpu.memory_space<vmem>> -> memref<128xi32, #tpu.memory_space<vmem>>
        %dma_wait3A_108 = arith.constant 0 : i32
        %dma_wait3A_109 = tpu.memref_slice %arg3[%add3A_35, %dma_wait3A_108] : memref<2560x128xi32, #tpu.memory_space<hbm>> -> memref<1x128xi32, #tpu.memory_space<hbm>>
        %dma_wait3A_110 = tpu.memref_squeeze %dma_wait3A_109 : memref<1x128xi32, #tpu.memory_space<hbm>> -> memref<128xi32, #tpu.memory_space<hbm>>
        tpu.wait_dma2 semaphore(%run_scoped3A_86 : memref<!tpu.dma_semaphore, #tpu.memory_space<semaphore_mem>>) src(%dma_wait3A_110 : memref<128xi32, #tpu.memory_space<hbm>>) dst(%dma_wait3A_107 : memref<128xi32, #tpu.memory_space<vmem>>)
        tpu.yield
      }) : () -> ()
      %add3A_37 = arith.addi %mul3A_4, %mul3A_32 : i32
      %add3A_38 = arith.constant 1 : i32
      %add3A_39 = arith.addi %add3A_37, %add3A_38 : i32
      %run_scoped3A_40 = arith.constant 1 : i32
      "tpu.region"() ({
        %run_scoped3A_86 = tpu.sem_alloc : memref<!tpu.dma_semaphore, #tpu.memory_space<semaphore_mem>>
        %dma_start3A_87 = arith.constant 0 : i32
        %dma_start3A_88 = tpu.memref_slice %arg9[%run_scoped3A_40, %dma_start3A_87] : memref<2x128xi32, #tpu.memory_space<vmem>> -> memref<1x128xi32, #tpu.memory_space<vmem>>
        %dma_start3A_89 = tpu.memref_squeeze %dma_start3A_88 : memref<1x128xi32, #tpu.memory_space<vmem>> -> memref<128xi32, #tpu.memory_space<vmem>>
        %dma_start3A_90 = arith.constant 0 : i32
        %dma_start3A_91 = tpu.memref_slice %arg4[%add3A_39, %dma_start3A_90] : memref<2560x128xi32, #tpu.memory_space<hbm>> -> memref<1x128xi32, #tpu.memory_space<hbm>>
        %dma_start3A_92 = tpu.memref_squeeze %dma_start3A_91 : memref<1x128xi32, #tpu.memory_space<hbm>> -> memref<128xi32, #tpu.memory_space<hbm>>
        %dma_start3A_93 = arith.constant 0 : i32
        %dma_start3A_94 = tpu.memref_slice %arg9[%run_scoped3A_40, %dma_start3A_93] : memref<2x128xi32, #tpu.memory_space<vmem>> -> memref<1x128xi32, #tpu.memory_space<vmem>>
        %dma_start3A_95 = tpu.memref_squeeze %dma_start3A_94 : memref<1x128xi32, #tpu.memory_space<vmem>> -> memref<128xi32, #tpu.memory_space<vmem>>
        %dma_start3A_96 = arith.constant 0 : i32
        %dma_start3A_97 = tpu.memref_slice %arg4[%add3A_39, %dma_start3A_96] : memref<2560x128xi32, #tpu.memory_space<hbm>> -> memref<1x128xi32, #tpu.memory_space<hbm>>
        %dma_start3A_98 = tpu.memref_squeeze %dma_start3A_97 : memref<1x128xi32, #tpu.memory_space<hbm>> -> memref<128xi32, #tpu.memory_space<hbm>>
        tpu.enqueue_dma source(%dma_start3A_98 : memref<128xi32, #tpu.memory_space<hbm>>) target(%dma_start3A_95 : memref<128xi32, #tpu.memory_space<vmem>>) target_semaphore(%run_scoped3A_86 : memref<!tpu.dma_semaphore, #tpu.memory_space<semaphore_mem>>)
        %dma_wait3A_99 = arith.constant 0 : i32
        %dma_wait3A_100 = tpu.memref_slice %arg9[%run_scoped3A_40, %dma_wait3A_99] : memref<2x128xi32, #tpu.memory_space<vmem>> -> memref<1x128xi32, #tpu.memory_space<vmem>>
        %dma_wait3A_101 = tpu.memref_squeeze %dma_wait3A_100 : memref<1x128xi32, #tpu.memory_space<vmem>> -> memref<128xi32, #tpu.memory_space<vmem>>
        %dma_wait3A_102 = arith.constant 0 : i32
        %dma_wait3A_103 = tpu.memref_slice %arg4[%add3A_39, %dma_wait3A_102] : memref<2560x128xi32, #tpu.memory_space<hbm>> -> memref<1x128xi32, #tpu.memory_space<hbm>>
        %dma_wait3A_104 = tpu.memref_squeeze %dma_wait3A_103 : memref<1x128xi32, #tpu.memory_space<hbm>> -> memref<128xi32, #tpu.memory_space<hbm>>
        %dma_wait3A_105 = arith.constant 0 : i32
        %dma_wait3A_106 = tpu.memref_slice %arg9[%run_scoped3A_40, %dma_wait3A_105] : memref<2x128xi32, #tpu.memory_space<vmem>> -> memref<1x128xi32, #tpu.memory_space<vmem>>
        %dma_wait3A_107 = tpu.memref_squeeze %dma_wait3A_106 : memref<1x128xi32, #tpu.memory_space<vmem>> -> memref<128xi32, #tpu.memory_space<vmem>>
        %dma_wait3A_108 = arith.constant 0 : i32
        %dma_wait3A_109 = tpu.memref_slice %arg4[%add3A_39, %dma_wait3A_108] : memref<2560x128xi32, #tpu.memory_space<hbm>> -> memref<1x128xi32, #tpu.memory_space<hbm>>
        %dma_wait3A_110 = tpu.memref_squeeze %dma_wait3A_109 : memref<1x128xi32, #tpu.memory_space<hbm>> -> memref<128xi32, #tpu.memory_space<hbm>>
        tpu.wait_dma2 semaphore(%run_scoped3A_86 : memref<!tpu.dma_semaphore, #tpu.memory_space<semaphore_mem>>) src(%dma_wait3A_110 : memref<128xi32, #tpu.memory_space<hbm>>) dst(%dma_wait3A_107 : memref<128xi32, #tpu.memory_space<vmem>>)
        tpu.yield
      }) : () -> ()
      %dma_start3A_41 = arith.constant 1 : i32
      %dma_start3A_42 = arith.constant 1 : i32
      %dma_start3A_43 = arith.constant 0 : i32
      %dma_start3A_44 = arith.constant 0 : i32
      %dma_start3A_45 = tpu.memref_slice %arg10[%dma_start3A_42, %dma_start3A_43, %dma_start3A_44] : memref<2x128x128xf32, #tpu.memory_space<vmem>> -> memref<1x128x128xf32, #tpu.memory_space<vmem>>
      %dma_start3A_46 = tpu.memref_squeeze %dma_start3A_45 : memref<1x128x128xf32, #tpu.memory_space<vmem>> -> memref<128x128xf32, #tpu.memory_space<vmem>>
      %dma_start3A_47 = arith.constant 0 : i32
      %dma_start3A_48 = tpu.memref_slice %arg8[%dma_start3A_41, %dma_start3A_47] : memref<2x128xi32, #tpu.memory_space<vmem>> -> memref<1x128xi32, #tpu.memory_space<vmem>>
      %dma_start3A_49 = tpu.memref_squeeze %dma_start3A_48 : memref<1x128xi32, #tpu.memory_space<vmem>> -> memref<128xi32, #tpu.memory_space<vmem>>
      %dma_start3A_50 = arith.constant 0 : i32
      %dma_start3A_51 = arith.constant 0 : i32
      %dma_start3A_52 = tpu.memref_slice %arg2[%dma_start3A_50, %dma_start3A_51] : memref<10240x128xf32, #tpu.memory_space<hbm>> -> memref<10240x128xf32, #tpu.memory_space<hbm>>
      tpu.enqueue_indirect_dma source(%dma_start3A_52 : memref<10240x128xf32, #tpu.memory_space<hbm>>) target(%dma_start3A_46 : memref<128x128xf32, #tpu.memory_space<vmem>>) offsets(%dma_start3A_49 : memref<128xi32, #tpu.memory_space<vmem>>) semaphore(%arg13 : memref<!tpu.dma_semaphore, #tpu.memory_space<semaphore_mem>>)
      %dma_wait3A = arith.constant 0 : i32
      %dma_wait3A_53 = arith.constant 0 : i32
      %dma_wait3A_54 = arith.constant 0 : i32
      %dma_wait3A_55 = arith.constant 0 : i32
      %dma_wait3A_56 = tpu.memref_slice %arg10[%dma_wait3A_53, %dma_wait3A_54, %dma_wait3A_55] : memref<2x128x128xf32, #tpu.memory_space<vmem>> -> memref<1x128x128xf32, #tpu.memory_space<vmem>>
      %dma_wait3A_57 = tpu.memref_squeeze %dma_wait3A_56 : memref<1x128x128xf32, #tpu.memory_space<vmem>> -> memref<128x128xf32, #tpu.memory_space<vmem>>
      %dma_wait3A_58 = arith.constant 0 : i32
      %dma_wait3A_59 = tpu.memref_slice %arg8[%dma_wait3A, %dma_wait3A_58] : memref<2x128xi32, #tpu.memory_space<vmem>> -> memref<1x128xi32, #tpu.memory_space<vmem>>
      %dma_wait3A_60 = tpu.memref_squeeze %dma_wait3A_59 : memref<1x128xi32, #tpu.memory_space<vmem>> -> memref<128xi32, #tpu.memory_space<vmem>>
      %dma_wait3A_61 = arith.constant 0 : i32
      %dma_wait3A_62 = arith.constant 0 : i32
      %dma_wait3A_63 = tpu.memref_slice %arg2[%dma_wait3A_61, %dma_wait3A_62] : memref<10240x128xf32, #tpu.memory_space<hbm>> -> memref<10240x128xf32, #tpu.memory_space<hbm>>
      tpu.wait_indirect_dma semaphore(%arg12 : memref<!tpu.dma_semaphore, #tpu.memory_space<semaphore_mem>>) src(%dma_wait3A_63 : memref<10240x128xf32, #tpu.memory_space<hbm>>) dst(%dma_wait3A_57 : memref<128x128xf32, #tpu.memory_space<vmem>>)
      %run_scoped3A_64 = arith.constant 0 : i32
      %run_scoped3A_65 = arith.constant 0 : i32
      "tpu.region"() ({
        %run_scoped3A_86 = tpu.sem_alloc : memref<!tpu.dma_semaphore, #tpu.memory_space<semaphore_mem>>
        %dma_start3A_87 = arith.constant 0 : i32
        %dma_start3A_88 = arith.constant 0 : i32
        %dma_start3A_89 = tpu.memref_slice %arg10[%run_scoped3A_64, %dma_start3A_87, %dma_start3A_88] : memref<2x128x128xf32, #tpu.memory_space<vmem>> -> memref<1x128x128xf32, #tpu.memory_space<vmem>>
        %dma_start3A_90 = tpu.memref_squeeze %dma_start3A_89 : memref<1x128x128xf32, #tpu.memory_space<vmem>> -> memref<128x128xf32, #tpu.memory_space<vmem>>
        %dma_start3A_91 = arith.constant 0 : i32
        %dma_start3A_92 = tpu.memref_slice %arg9[%run_scoped3A_65, %dma_start3A_91] : memref<2x128xi32, #tpu.memory_space<vmem>> -> memref<1x128xi32, #tpu.memory_space<vmem>>
        %dma_start3A_93 = tpu.memref_squeeze %dma_start3A_92 : memref<1x128xi32, #tpu.memory_space<vmem>> -> memref<128xi32, #tpu.memory_space<vmem>>
        %dma_start3A_94 = arith.constant 0 : i32
        %dma_start3A_95 = arith.constant 0 : i32
        %dma_start3A_96 = tpu.memref_slice %arg11[%dma_start3A_94, %dma_start3A_95] : memref<10240x128xf32, #tpu.memory_space<vmem_shared>> -> memref<10240x128xf32, #tpu.memory_space<vmem_shared>>
        tpu.enqueue_indirect_dma source(%dma_start3A_90 : memref<128x128xf32, #tpu.memory_space<vmem>>) target(%dma_start3A_96 : memref<10240x128xf32, #tpu.memory_space<vmem_shared>>) offsets(%dma_start3A_93 : memref<128xi32, #tpu.memory_space<vmem>>) semaphore(%run_scoped3A_86 : memref<!tpu.dma_semaphore, #tpu.memory_space<semaphore_mem>>) {add = true}
        %dma_wait3A_97 = arith.constant 0 : i32
        %dma_wait3A_98 = arith.constant 0 : i32
        %dma_wait3A_99 = tpu.memref_slice %arg10[%run_scoped3A_64, %dma_wait3A_97, %dma_wait3A_98] : memref<2x128x128xf32, #tpu.memory_space<vmem>> -> memref<1x128x128xf32, #tpu.memory_space<vmem>>
        %dma_wait3A_100 = tpu.memref_squeeze %dma_wait3A_99 : memref<1x128x128xf32, #tpu.memory_space<vmem>> -> memref<128x128xf32, #tpu.memory_space<vmem>>
        %dma_wait3A_101 = arith.constant 0 : i32
        %dma_wait3A_102 = tpu.memref_slice %arg9[%run_scoped3A_65, %dma_wait3A_101] : memref<2x128xi32, #tpu.memory_space<vmem>> -> memref<1x128xi32, #tpu.memory_space<vmem>>
        %dma_wait3A_103 = tpu.memref_squeeze %dma_wait3A_102 : memref<1x128xi32, #tpu.memory_space<vmem>> -> memref<128xi32, #tpu.memory_space<vmem>>
        %dma_wait3A_104 = arith.constant 0 : i32
        %dma_wait3A_105 = arith.constant 0 : i32
        %dma_wait3A_106 = tpu.memref_slice %arg11[%dma_wait3A_104, %dma_wait3A_105] : memref<10240x128xf32, #tpu.memory_space<vmem_shared>> -> memref<10240x128xf32, #tpu.memory_space<vmem_shared>>
        tpu.wait_indirect_dma semaphore(%run_scoped3A_86 : memref<!tpu.dma_semaphore, #tpu.memory_space<semaphore_mem>>) src(%dma_wait3A_100 : memref<128x128xf32, #tpu.memory_space<vmem>>) dst(%dma_wait3A_106 : memref<10240x128xf32, #tpu.memory_space<vmem_shared>>)
        tpu.yield
      }) : () -> ()
      %add3A_66 = arith.constant 2 : i32
      %add3A_67 = arith.addi %mul3A_32, %add3A_66 : i32
      %lt3A = arith.constant 80 : i32
      %lt3A_68 = arith.cmpi slt, %add3A_67, %lt3A : i32
      %convert_element_type3A_69 = arith.extui %lt3A_68 : i1 to i32
      %cond3A_70 = arith.constant 0 : i32
      %cond3A_71 = arith.cmpi ne, %convert_element_type3A_69, %cond3A_70 : i32
      scf.if %cond3A_71 {
        %add3A_86 = arith.addi %mul3A_4, %mul3A_32 : i32
        %add3A_87 = arith.constant 2 : i32
        %add3A_88 = arith.addi %add3A_86, %add3A_87 : i32
        %run_scoped3A_89 = arith.constant 0 : i32
        "tpu.region"() ({
          %run_scoped3A_106 = tpu.sem_alloc : memref<!tpu.dma_semaphore, #tpu.memory_space<semaphore_mem>>
          %dma_start3A_107 = arith.constant 0 : i32
          %dma_start3A_108 = tpu.memref_slice %arg8[%run_scoped3A_89, %dma_start3A_107] : memref<2x128xi32, #tpu.memory_space<vmem>> -> memref<1x128xi32, #tpu.memory_space<vmem>>
          %dma_start3A_109 = tpu.memref_squeeze %dma_start3A_108 : memref<1x128xi32, #tpu.memory_space<vmem>> -> memref<128xi32, #tpu.memory_space<vmem>>
          %dma_start3A_110 = arith.constant 0 : i32
          %dma_start3A_111 = tpu.memref_slice %arg3[%add3A_88, %dma_start3A_110] : memref<2560x128xi32, #tpu.memory_space<hbm>> -> memref<1x128xi32, #tpu.memory_space<hbm>>
          %dma_start3A_112 = tpu.memref_squeeze %dma_start3A_111 : memref<1x128xi32, #tpu.memory_space<hbm>> -> memref<128xi32, #tpu.memory_space<hbm>>
          %dma_start3A_113 = arith.constant 0 : i32
          %dma_start3A_114 = tpu.memref_slice %arg8[%run_scoped3A_89, %dma_start3A_113] : memref<2x128xi32, #tpu.memory_space<vmem>> -> memref<1x128xi32, #tpu.memory_space<vmem>>
          %dma_start3A_115 = tpu.memref_squeeze %dma_start3A_114 : memref<1x128xi32, #tpu.memory_space<vmem>> -> memref<128xi32, #tpu.memory_space<vmem>>
          %dma_start3A_116 = arith.constant 0 : i32
          %dma_start3A_117 = tpu.memref_slice %arg3[%add3A_88, %dma_start3A_116] : memref<2560x128xi32, #tpu.memory_space<hbm>> -> memref<1x128xi32, #tpu.memory_space<hbm>>
          %dma_start3A_118 = tpu.memref_squeeze %dma_start3A_117 : memref<1x128xi32, #tpu.memory_space<hbm>> -> memref<128xi32, #tpu.memory_space<hbm>>
          tpu.enqueue_dma source(%dma_start3A_118 : memref<128xi32, #tpu.memory_space<hbm>>) target(%dma_start3A_115 : memref<128xi32, #tpu.memory_space<vmem>>) target_semaphore(%run_scoped3A_106 : memref<!tpu.dma_semaphore, #tpu.memory_space<semaphore_mem>>)
          %dma_wait3A_119 = arith.constant 0 : i32
          %dma_wait3A_120 = tpu.memref_slice %arg8[%run_scoped3A_89, %dma_wait3A_119] : memref<2x128xi32, #tpu.memory_space<vmem>> -> memref<1x128xi32, #tpu.memory_space<vmem>>
          %dma_wait3A_121 = tpu.memref_squeeze %dma_wait3A_120 : memref<1x128xi32, #tpu.memory_space<vmem>> -> memref<128xi32, #tpu.memory_space<vmem>>
          %dma_wait3A_122 = arith.constant 0 : i32
          %dma_wait3A_123 = tpu.memref_slice %arg3[%add3A_88, %dma_wait3A_122] : memref<2560x128xi32, #tpu.memory_space<hbm>> -> memref<1x128xi32, #tpu.memory_space<hbm>>
          %dma_wait3A_124 = tpu.memref_squeeze %dma_wait3A_123 : memref<1x128xi32, #tpu.memory_space<hbm>> -> memref<128xi32, #tpu.memory_space<hbm>>
          %dma_wait3A_125 = arith.constant 0 : i32
          %dma_wait3A_126 = tpu.memref_slice %arg8[%run_scoped3A_89, %dma_wait3A_125] : memref<2x128xi32, #tpu.memory_space<vmem>> -> memref<1x128xi32, #tpu.memory_space<vmem>>
          %dma_wait3A_127 = tpu.memref_squeeze %dma_wait3A_126 : memref<1x128xi32, #tpu.memory_space<vmem>> -> memref<128xi32, #tpu.memory_space<vmem>>
          %dma_wait3A_128 = arith.constant 0 : i32
          %dma_wait3A_129 = tpu.memref_slice %arg3[%add3A_88, %dma_wait3A_128] : memref<2560x128xi32, #tpu.memory_space<hbm>> -> memref<1x128xi32, #tpu.memory_space<hbm>>
          %dma_wait3A_130 = tpu.memref_squeeze %dma_wait3A_129 : memref<1x128xi32, #tpu.memory_space<hbm>> -> memref<128xi32, #tpu.memory_space<hbm>>
          tpu.wait_dma2 semaphore(%run_scoped3A_106 : memref<!tpu.dma_semaphore, #tpu.memory_space<semaphore_mem>>) src(%dma_wait3A_130 : memref<128xi32, #tpu.memory_space<hbm>>) dst(%dma_wait3A_127 : memref<128xi32, #tpu.memory_space<vmem>>)
          tpu.yield
        }) : () -> ()
        %add3A_90 = arith.addi %mul3A_4, %mul3A_32 : i32
        %add3A_91 = arith.constant 2 : i32
        %add3A_92 = arith.addi %add3A_90, %add3A_91 : i32
        %run_scoped3A_93 = arith.constant 0 : i32
        "tpu.region"() ({
          %run_scoped3A_106 = tpu.sem_alloc : memref<!tpu.dma_semaphore, #tpu.memory_space<semaphore_mem>>
          %dma_start3A_107 = arith.constant 0 : i32
          %dma_start3A_108 = tpu.memref_slice %arg9[%run_scoped3A_93, %dma_start3A_107] : memref<2x128xi32, #tpu.memory_space<vmem>> -> memref<1x128xi32, #tpu.memory_space<vmem>>
          %dma_start3A_109 = tpu.memref_squeeze %dma_start3A_108 : memref<1x128xi32, #tpu.memory_space<vmem>> -> memref<128xi32, #tpu.memory_space<vmem>>
          %dma_start3A_110 = arith.constant 0 : i32
          %dma_start3A_111 = tpu.memref_slice %arg4[%add3A_92, %dma_start3A_110] : memref<2560x128xi32, #tpu.memory_space<hbm>> -> memref<1x128xi32, #tpu.memory_space<hbm>>
          %dma_start3A_112 = tpu.memref_squeeze %dma_start3A_111 : memref<1x128xi32, #tpu.memory_space<hbm>> -> memref<128xi32, #tpu.memory_space<hbm>>
          %dma_start3A_113 = arith.constant 0 : i32
          %dma_start3A_114 = tpu.memref_slice %arg9[%run_scoped3A_93, %dma_start3A_113] : memref<2x128xi32, #tpu.memory_space<vmem>> -> memref<1x128xi32, #tpu.memory_space<vmem>>
          %dma_start3A_115 = tpu.memref_squeeze %dma_start3A_114 : memref<1x128xi32, #tpu.memory_space<vmem>> -> memref<128xi32, #tpu.memory_space<vmem>>
          %dma_start3A_116 = arith.constant 0 : i32
          %dma_start3A_117 = tpu.memref_slice %arg4[%add3A_92, %dma_start3A_116] : memref<2560x128xi32, #tpu.memory_space<hbm>> -> memref<1x128xi32, #tpu.memory_space<hbm>>
          %dma_start3A_118 = tpu.memref_squeeze %dma_start3A_117 : memref<1x128xi32, #tpu.memory_space<hbm>> -> memref<128xi32, #tpu.memory_space<hbm>>
          tpu.enqueue_dma source(%dma_start3A_118 : memref<128xi32, #tpu.memory_space<hbm>>) target(%dma_start3A_115 : memref<128xi32, #tpu.memory_space<vmem>>) target_semaphore(%run_scoped3A_106 : memref<!tpu.dma_semaphore, #tpu.memory_space<semaphore_mem>>)
          %dma_wait3A_119 = arith.constant 0 : i32
          %dma_wait3A_120 = tpu.memref_slice %arg9[%run_scoped3A_93, %dma_wait3A_119] : memref<2x128xi32, #tpu.memory_space<vmem>> -> memref<1x128xi32, #tpu.memory_space<vmem>>
          %dma_wait3A_121 = tpu.memref_squeeze %dma_wait3A_120 : memref<1x128xi32, #tpu.memory_space<vmem>> -> memref<128xi32, #tpu.memory_space<vmem>>
          %dma_wait3A_122 = arith.constant 0 : i32
          %dma_wait3A_123 = tpu.memref_slice %arg4[%add3A_92, %dma_wait3A_122] : memref<2560x128xi32, #tpu.memory_space<hbm>> -> memref<1x128xi32, #tpu.memory_space<hbm>>
          %dma_wait3A_124 = tpu.memref_squeeze %dma_wait3A_123 : memref<1x128xi32, #tpu.memory_space<hbm>> -> memref<128xi32, #tpu.memory_space<hbm>>
          %dma_wait3A_125 = arith.constant 0 : i32
          %dma_wait3A_126 = tpu.memref_slice %arg9[%run_scoped3A_93, %dma_wait3A_125] : memref<2x128xi32, #tpu.memory_space<vmem>> -> memref<1x128xi32, #tpu.memory_space<vmem>>
          %dma_wait3A_127 = tpu.memref_squeeze %dma_wait3A_126 : memref<1x128xi32, #tpu.memory_space<vmem>> -> memref<128xi32, #tpu.memory_space<vmem>>
          %dma_wait3A_128 = arith.constant 0 : i32
          %dma_wait3A_129 = tpu.memref_slice %arg4[%add3A_92, %dma_wait3A_128] : memref<2560x128xi32, #tpu.memory_space<hbm>> -> memref<1x128xi32, #tpu.memory_space<hbm>>
          %dma_wait3A_130 = tpu.memref_squeeze %dma_wait3A_129 : memref<1x128xi32, #tpu.memory_space<hbm>> -> memref<128xi32, #tpu.memory_space<hbm>>
          tpu.wait_dma2 semaphore(%run_scoped3A_106 : memref<!tpu.dma_semaphore, #tpu.memory_space<semaphore_mem>>) src(%dma_wait3A_130 : memref<128xi32, #tpu.memory_space<hbm>>) dst(%dma_wait3A_127 : memref<128xi32, #tpu.memory_space<vmem>>)
          tpu.yield
        }) : () -> ()
        %dma_start3A_94 = arith.constant 0 : i32
        %dma_start3A_95 = arith.constant 0 : i32
        %dma_start3A_96 = arith.constant 0 : i32
        %dma_start3A_97 = arith.constant 0 : i32
        %dma_start3A_98 = tpu.memref_slice %arg10[%dma_start3A_95, %dma_start3A_96, %dma_start3A_97] : memref<2x128x128xf32, #tpu.memory_space<vmem>> -> memref<1x128x128xf32, #tpu.memory_space<vmem>>
        %dma_start3A_99 = tpu.memref_squeeze %dma_start3A_98 : memref<1x128x128xf32, #tpu.memory_space<vmem>> -> memref<128x128xf32, #tpu.memory_space<vmem>>
        %dma_start3A_100 = arith.constant 0 : i32
        %dma_start3A_101 = tpu.memref_slice %arg8[%dma_start3A_94, %dma_start3A_100] : memref<2x128xi32, #tpu.memory_space<vmem>> -> memref<1x128xi32, #tpu.memory_space<vmem>>
        %dma_start3A_102 = tpu.memref_squeeze %dma_start3A_101 : memref<1x128xi32, #tpu.memory_space<vmem>> -> memref<128xi32, #tpu.memory_space<vmem>>
        %dma_start3A_103 = arith.constant 0 : i32
        %dma_start3A_104 = arith.constant 0 : i32
        %dma_start3A_105 = tpu.memref_slice %arg2[%dma_start3A_103, %dma_start3A_104] : memref<10240x128xf32, #tpu.memory_space<hbm>> -> memref<10240x128xf32, #tpu.memory_space<hbm>>
        tpu.enqueue_indirect_dma source(%dma_start3A_105 : memref<10240x128xf32, #tpu.memory_space<hbm>>) target(%dma_start3A_99 : memref<128x128xf32, #tpu.memory_space<vmem>>) offsets(%dma_start3A_102 : memref<128xi32, #tpu.memory_space<vmem>>) semaphore(%arg12 : memref<!tpu.dma_semaphore, #tpu.memory_space<semaphore_mem>>)
      } else {
      }
      %dma_wait3A_72 = arith.constant 1 : i32
      %dma_wait3A_73 = arith.constant 1 : i32
      %dma_wait3A_74 = arith.constant 0 : i32
      %dma_wait3A_75 = arith.constant 0 : i32
      %dma_wait3A_76 = tpu.memref_slice %arg10[%dma_wait3A_73, %dma_wait3A_74, %dma_wait3A_75] : memref<2x128x128xf32, #tpu.memory_space<vmem>> -> memref<1x128x128xf32, #tpu.memory_space<vmem>>
      %dma_wait3A_77 = tpu.memref_squeeze %dma_wait3A_76 : memref<1x128x128xf32, #tpu.memory_space<vmem>> -> memref<128x128xf32, #tpu.memory_space<vmem>>
      %dma_wait3A_78 = arith.constant 0 : i32
      %dma_wait3A_79 = tpu.memref_slice %arg8[%dma_wait3A_72, %dma_wait3A_78] : memref<2x128xi32, #tpu.memory_space<vmem>> -> memref<1x128xi32, #tpu.memory_space<vmem>>
      %dma_wait3A_80 = tpu.memref_squeeze %dma_wait3A_79 : memref<1x128xi32, #tpu.memory_space<vmem>> -> memref<128xi32, #tpu.memory_space<vmem>>
      %dma_wait3A_81 = arith.constant 0 : i32
      %dma_wait3A_82 = arith.constant 0 : i32
      %dma_wait3A_83 = tpu.memref_slice %arg2[%dma_wait3A_81, %dma_wait3A_82] : memref<10240x128xf32, #tpu.memory_space<hbm>> -> memref<10240x128xf32, #tpu.memory_space<hbm>>
      tpu.wait_indirect_dma semaphore(%arg13 : memref<!tpu.dma_semaphore, #tpu.memory_space<semaphore_mem>>) src(%dma_wait3A_83 : memref<10240x128xf32, #tpu.memory_space<hbm>>) dst(%dma_wait3A_77 : memref<128x128xf32, #tpu.memory_space<vmem>>)
      %run_scoped3A_84 = arith.constant 1 : i32
      %run_scoped3A_85 = arith.constant 1 : i32
      "tpu.region"() ({
        %run_scoped3A_86 = tpu.sem_alloc : memref<!tpu.dma_semaphore, #tpu.memory_space<semaphore_mem>>
        %dma_start3A_87 = arith.constant 0 : i32
        %dma_start3A_88 = arith.constant 0 : i32
        %dma_start3A_89 = tpu.memref_slice %arg10[%run_scoped3A_84, %dma_start3A_87, %dma_start3A_88] : memref<2x128x128xf32, #tpu.memory_space<vmem>> -> memref<1x128x128xf32, #tpu.memory_space<vmem>>
        %dma_start3A_90 = tpu.memref_squeeze %dma_start3A_89 : memref<1x128x128xf32, #tpu.memory_space<vmem>> -> memref<128x128xf32, #tpu.memory_space<vmem>>
        %dma_start3A_91 = arith.constant 0 : i32
        %dma_start3A_92 = tpu.memref_slice %arg9[%run_scoped3A_85, %dma_start3A_91] : memref<2x128xi32, #tpu.memory_space<vmem>> -> memref<1x128xi32, #tpu.memory_space<vmem>>
        %dma_start3A_93 = tpu.memref_squeeze %dma_start3A_92 : memref<1x128xi32, #tpu.memory_space<vmem>> -> memref<128xi32, #tpu.memory_space<vmem>>
        %dma_start3A_94 = arith.constant 0 : i32
        %dma_start3A_95 = arith.constant 0 : i32
        %dma_start3A_96 = tpu.memref_slice %arg11[%dma_start3A_94, %dma_start3A_95] : memref<10240x128xf32, #tpu.memory_space<vmem_shared>> -> memref<10240x128xf32, #tpu.memory_space<vmem_shared>>
        tpu.enqueue_indirect_dma source(%dma_start3A_90 : memref<128x128xf32, #tpu.memory_space<vmem>>) target(%dma_start3A_96 : memref<10240x128xf32, #tpu.memory_space<vmem_shared>>) offsets(%dma_start3A_93 : memref<128xi32, #tpu.memory_space<vmem>>) semaphore(%run_scoped3A_86 : memref<!tpu.dma_semaphore, #tpu.memory_space<semaphore_mem>>) {add = true}
        %dma_wait3A_97 = arith.constant 0 : i32
        %dma_wait3A_98 = arith.constant 0 : i32
        %dma_wait3A_99 = tpu.memref_slice %arg10[%run_scoped3A_84, %dma_wait3A_97, %dma_wait3A_98] : memref<2x128x128xf32, #tpu.memory_space<vmem>> -> memref<1x128x128xf32, #tpu.memory_space<vmem>>
        %dma_wait3A_100 = tpu.memref_squeeze %dma_wait3A_99 : memref<1x128x128xf32, #tpu.memory_space<vmem>> -> memref<128x128xf32, #tpu.memory_space<vmem>>
        %dma_wait3A_101 = arith.constant 0 : i32
        %dma_wait3A_102 = tpu.memref_slice %arg9[%run_scoped3A_85, %dma_wait3A_101] : memref<2x128xi32, #tpu.memory_space<vmem>> -> memref<1x128xi32, #tpu.memory_space<vmem>>
        %dma_wait3A_103 = tpu.memref_squeeze %dma_wait3A_102 : memref<1x128xi32, #tpu.memory_space<vmem>> -> memref<128xi32, #tpu.memory_space<vmem>>
        %dma_wait3A_104 = arith.constant 0 : i32
        %dma_wait3A_105 = arith.constant 0 : i32
        %dma_wait3A_106 = tpu.memref_slice %arg11[%dma_wait3A_104, %dma_wait3A_105] : memref<10240x128xf32, #tpu.memory_space<vmem_shared>> -> memref<10240x128xf32, #tpu.memory_space<vmem_shared>>
        tpu.wait_indirect_dma semaphore(%run_scoped3A_86 : memref<!tpu.dma_semaphore, #tpu.memory_space<semaphore_mem>>) src(%dma_wait3A_100 : memref<128x128xf32, #tpu.memory_space<vmem>>) dst(%dma_wait3A_106 : memref<10240x128xf32, #tpu.memory_space<vmem_shared>>)
        tpu.yield
      }) : () -> ()
    }
    %scan3A_21 = arith.constant 40 : i32
    %barrier3A_22 = arith.constant 0 : index
    tpu.barrier barrier_id(%barrier3A_22)
    %eq3A = arith.constant 0 : i32
    %eq3A_23 = arith.cmpi eq, %arg0, %eq3A : i32
    %convert_element_type3A = arith.extui %eq3A_23 : i1 to i32
    %cond3A = arith.constant 0 : i32
    %cond3A_24 = arith.cmpi ne, %convert_element_type3A, %cond3A : i32
    scf.if %cond3A_24 {
      "tpu.region"() ({
        %run_scoped3A_30 = tpu.sem_alloc : memref<!tpu.dma_semaphore, #tpu.memory_space<semaphore_mem>>
        %dma_start3A_31 = arith.constant 0 : i32
        %dma_start3A_32 = tpu.memref_slice %arg6[%multiple_of3A, %dma_start3A_31] : memref<10240x128xf32, #tpu.memory_space<hbm>> -> memref<640x128xf32, #tpu.memory_space<hbm>>
        %dma_start3A_33 = arith.constant 0 : i32
        %dma_start3A_34 = tpu.memref_slice %arg11[%multiple_of3A, %dma_start3A_33] : memref<10240x128xf32, #tpu.memory_space<vmem_shared>> -> memref<640x128xf32, #tpu.memory_space<vmem_shared>>
        tpu.enqueue_dma source(%dma_start3A_34 : memref<640x128xf32, #tpu.memory_space<vmem_shared>>) target(%dma_start3A_32 : memref<640x128xf32, #tpu.memory_space<hbm>>) target_semaphore(%run_scoped3A_30 : memref<!tpu.dma_semaphore, #tpu.memory_space<semaphore_mem>>)
        %dma_wait3A = arith.constant 0 : i32
        %dma_wait3A_35 = tpu.memref_slice %arg6[%multiple_of3A, %dma_wait3A] : memref<10240x128xf32, #tpu.memory_space<hbm>> -> memref<640x128xf32, #tpu.memory_space<hbm>>
        %dma_wait3A_36 = arith.constant 0 : i32
        %dma_wait3A_37 = tpu.memref_slice %arg11[%multiple_of3A, %dma_wait3A_36] : memref<10240x128xf32, #tpu.memory_space<vmem_shared>> -> memref<640x128xf32, #tpu.memory_space<vmem_shared>>
        tpu.wait_dma2 semaphore(%run_scoped3A_30 : memref<!tpu.dma_semaphore, #tpu.memory_space<semaphore_mem>>) src(%dma_wait3A_37 : memref<640x128xf32, #tpu.memory_space<vmem_shared>>) dst(%dma_wait3A_35 : memref<640x128xf32, #tpu.memory_space<hbm>>)
        tpu.yield
      }) : () -> ()
    } else {
    }
    %eq3A_25 = arith.constant 1 : i32
    %eq3A_26 = arith.cmpi eq, %arg0, %eq3A_25 : i32
    %convert_element_type3A_27 = arith.extui %eq3A_26 : i1 to i32
    %cond3A_28 = arith.constant 0 : i32
    %cond3A_29 = arith.cmpi ne, %convert_element_type3A_27, %cond3A_28 : i32
    scf.if %cond3A_29 {
      "tpu.region"() ({
        %run_scoped3A_30 = tpu.sem_alloc : memref<!tpu.dma_semaphore, #tpu.memory_space<semaphore_mem>>
        %dma_start3A_31 = arith.constant 0 : i32
        %dma_start3A_32 = tpu.memref_slice %arg7[%multiple_of3A, %dma_start3A_31] : memref<10240x128xf32, #tpu.memory_space<hbm>> -> memref<640x128xf32, #tpu.memory_space<hbm>>
        %dma_start3A_33 = arith.constant 0 : i32
        %dma_start3A_34 = tpu.memref_slice %arg11[%multiple_of3A, %dma_start3A_33] : memref<10240x128xf32, #tpu.memory_space<vmem_shared>> -> memref<640x128xf32, #tpu.memory_space<vmem_shared>>
        tpu.enqueue_dma source(%dma_start3A_34 : memref<640x128xf32, #tpu.memory_space<vmem_shared>>) target(%dma_start3A_32 : memref<640x128xf32, #tpu.memory_space<hbm>>) target_semaphore(%run_scoped3A_30 : memref<!tpu.dma_semaphore, #tpu.memory_space<semaphore_mem>>)
        %dma_wait3A = arith.constant 0 : i32
        %dma_wait3A_35 = tpu.memref_slice %arg7[%multiple_of3A, %dma_wait3A] : memref<10240x128xf32, #tpu.memory_space<hbm>> -> memref<640x128xf32, #tpu.memory_space<hbm>>
        %dma_wait3A_36 = arith.constant 0 : i32
        %dma_wait3A_37 = tpu.memref_slice %arg11[%multiple_of3A, %dma_wait3A_36] : memref<10240x128xf32, #tpu.memory_space<vmem_shared>> -> memref<640x128xf32, #tpu.memory_space<vmem_shared>>
        tpu.wait_dma2 semaphore(%run_scoped3A_30 : memref<!tpu.dma_semaphore, #tpu.memory_space<semaphore_mem>>) src(%dma_wait3A_37 : memref<640x128xf32, #tpu.memory_space<vmem_shared>>) dst(%dma_wait3A_35 : memref<640x128xf32, #tpu.memory_space<hbm>>)
        tpu.yield
      }) : () -> ()
    } else {
    }
    return
  }
}

#map = affine_map<(d0, d1) -> (0, 0)>
module attributes {stable_mosaic.version = 14 : i64} {
  func.func @agg(%arg0: i32, %arg1: i32, %arg2: memref<10240x128xf32, #tpu.memory_space<hbm>>, %arg3: memref<2560x128xi32, #tpu.memory_space<hbm>>, %arg4: memref<2560x128xi32, #tpu.memory_space<hbm>>, %arg5: memref<10240x128xf32, #tpu.memory_space<hbm>>, %arg6: memref<10240x128xf32, #tpu.memory_space<hbm>>, %arg7: memref<10240x128xf32, #tpu.memory_space<hbm>>, %arg8: memref<2x128xi32, #tpu.memory_space<vmem>>, %arg9: memref<2x128xi32, #tpu.memory_space<vmem>>, %arg10: memref<2x128x128xf32, #tpu.memory_space<vmem>>, %arg11: memref<10240x128xf32, #tpu.memory_space<vmem_shared>>, %arg12: memref<!tpu.dma_semaphore, #tpu.memory_space<semaphore_mem>>, %arg13: memref<!tpu.dma_semaphore, #tpu.memory_space<semaphore_mem>>) attributes {dimension_semantics = [#tpu.dimension_semantics<core_parallel>, #tpu.dimension_semantics<subcore_parallel>], iteration_bounds = array<i64: 2, 16>, scalar_prefetch = 0 : i64, scratch_operands = 6 : i64, tpu.core_type = #tpu.core_type<sc_vector_subcore>, window_params = [{transform_indices = #map}, {transform_indices = #map}, {transform_indices = #map}, {transform_indices = #map}, {transform_indices = #map}, {transform_indices = #map}]} {
    %mul3A = arith.constant 640 : i32
    %mul3A_0 = arith.muli %arg1, %mul3A : i32
    %multiple_of3A = tpu.assume_multiple %mul3A_0, 8 : i32
    %mul3A_1 = arith.constant 16 : i32
    %mul3A_2 = arith.muli %arg0, %mul3A_1 : i32
    %add3A = arith.addi %mul3A_2, %arg1 : i32
    %mul3A_3 = arith.constant 80 : i32
    %mul3A_4 = arith.muli %add3A, %mul3A_3 : i32
    "tpu.region"() ({
      %run_scoped3A_30 = tpu.sem_alloc : memref<!tpu.dma_semaphore, #tpu.memory_space<semaphore_mem>>
      %dma_start3A_31 = arith.constant 0 : i32
      %dma_start3A_32 = tpu.memref_slice %arg11[%multiple_of3A, %dma_start3A_31] : memref<10240x128xf32, #tpu.memory_space<vmem_shared>> -> memref<640x128xf32, #tpu.memory_space<vmem_shared>>
      %dma_start3A_33 = arith.constant 0 : i32
      %dma_start3A_34 = tpu.memref_slice %arg5[%multiple_of3A, %dma_start3A_33] : memref<10240x128xf32, #tpu.memory_space<hbm>> -> memref<640x128xf32, #tpu.memory_space<hbm>>
      tpu.enqueue_dma source(%dma_start3A_34 : memref<640x128xf32, #tpu.memory_space<hbm>>) target(%dma_start3A_32 : memref<640x128xf32, #tpu.memory_space<vmem_shared>>) target_semaphore(%run_scoped3A_30 : memref<!tpu.dma_semaphore, #tpu.memory_space<semaphore_mem>>)
      %dma_wait3A = arith.constant 0 : i32
      %dma_wait3A_35 = tpu.memref_slice %arg11[%multiple_of3A, %dma_wait3A] : memref<10240x128xf32, #tpu.memory_space<vmem_shared>> -> memref<640x128xf32, #tpu.memory_space<vmem_shared>>
      %dma_wait3A_36 = arith.constant 0 : i32
      %dma_wait3A_37 = tpu.memref_slice %arg5[%multiple_of3A, %dma_wait3A_36] : memref<10240x128xf32, #tpu.memory_space<hbm>> -> memref<640x128xf32, #tpu.memory_space<hbm>>
      tpu.wait_dma2 semaphore(%run_scoped3A_30 : memref<!tpu.dma_semaphore, #tpu.memory_space<semaphore_mem>>) src(%dma_wait3A_37 : memref<640x128xf32, #tpu.memory_space<hbm>>) dst(%dma_wait3A_35 : memref<640x128xf32, #tpu.memory_space<vmem_shared>>)
      tpu.yield
    }) : () -> ()
    %barrier3A = arith.constant 0 : index
    tpu.barrier barrier_id(%barrier3A)
    %run_scoped3A = arith.constant 0 : i32
    "tpu.region"() ({
      %run_scoped3A_30 = tpu.sem_alloc : memref<!tpu.dma_semaphore, #tpu.memory_space<semaphore_mem>>
      %dma_start3A_31 = arith.constant 0 : i32
      %dma_start3A_32 = tpu.memref_slice %arg8[%run_scoped3A, %dma_start3A_31] : memref<2x128xi32, #tpu.memory_space<vmem>> -> memref<1x128xi32, #tpu.memory_space<vmem>>
      %dma_start3A_33 = tpu.memref_squeeze %dma_start3A_32 : memref<1x128xi32, #tpu.memory_space<vmem>> -> memref<128xi32, #tpu.memory_space<vmem>>
      %dma_start3A_34 = arith.constant 0 : i32
      %dma_start3A_35 = tpu.memref_slice %arg3[%mul3A_4, %dma_start3A_34] : memref<2560x128xi32, #tpu.memory_space<hbm>> -> memref<1x128xi32, #tpu.memory_space<hbm>>
      %dma_start3A_36 = tpu.memref_squeeze %dma_start3A_35 : memref<1x128xi32, #tpu.memory_space<hbm>> -> memref<128xi32, #tpu.memory_space<hbm>>
      %dma_start3A_37 = arith.constant 0 : i32
      %dma_start3A_38 = tpu.memref_slice %arg8[%run_scoped3A, %dma_start3A_37] : memref<2x128xi32, #tpu.memory_space<vmem>> -> memref<1x128xi32, #tpu.memory_space<vmem>>
      %dma_start3A_39 = tpu.memref_squeeze %dma_start3A_38 : memref<1x128xi32, #tpu.memory_space<vmem>> -> memref<128xi32, #tpu.memory_space<vmem>>
      %dma_start3A_40 = arith.constant 0 : i32
      %dma_start3A_41 = tpu.memref_slice %arg3[%mul3A_4, %dma_start3A_40] : memref<2560x128xi32, #tpu.memory_space<hbm>> -> memref<1x128xi32, #tpu.memory_space<hbm>>
      %dma_start3A_42 = tpu.memref_squeeze %dma_start3A_41 : memref<1x128xi32, #tpu.memory_space<hbm>> -> memref<128xi32, #tpu.memory_space<hbm>>
      tpu.enqueue_dma source(%dma_start3A_42 : memref<128xi32, #tpu.memory_space<hbm>>) target(%dma_start3A_39 : memref<128xi32, #tpu.memory_space<vmem>>) target_semaphore(%run_scoped3A_30 : memref<!tpu.dma_semaphore, #tpu.memory_space<semaphore_mem>>)
      %dma_wait3A = arith.constant 0 : i32
      %dma_wait3A_43 = tpu.memref_slice %arg8[%run_scoped3A, %dma_wait3A] : memref<2x128xi32, #tpu.memory_space<vmem>> -> memref<1x128xi32, #tpu.memory_space<vmem>>
      %dma_wait3A_44 = tpu.memref_squeeze %dma_wait3A_43 : memref<1x128xi32, #tpu.memory_space<vmem>> -> memref<128xi32, #tpu.memory_space<vmem>>
      %dma_wait3A_45 = arith.constant 0 : i32
      %dma_wait3A_46 = tpu.memref_slice %arg3[%mul3A_4, %dma_wait3A_45] : memref<2560x128xi32, #tpu.memory_space<hbm>> -> memref<1x128xi32, #tpu.memory_space<hbm>>
      %dma_wait3A_47 = tpu.memref_squeeze %dma_wait3A_46 : memref<1x128xi32, #tpu.memory_space<hbm>> -> memref<128xi32, #tpu.memory_space<hbm>>
      %dma_wait3A_48 = arith.constant 0 : i32
      %dma_wait3A_49 = tpu.memref_slice %arg8[%run_scoped3A, %dma_wait3A_48] : memref<2x128xi32, #tpu.memory_space<vmem>> -> memref<1x128xi32, #tpu.memory_space<vmem>>
      %dma_wait3A_50 = tpu.memref_squeeze %dma_wait3A_49 : memref<1x128xi32, #tpu.memory_space<vmem>> -> memref<128xi32, #tpu.memory_space<vmem>>
      %dma_wait3A_51 = arith.constant 0 : i32
      %dma_wait3A_52 = tpu.memref_slice %arg3[%mul3A_4, %dma_wait3A_51] : memref<2560x128xi32, #tpu.memory_space<hbm>> -> memref<1x128xi32, #tpu.memory_space<hbm>>
      %dma_wait3A_53 = tpu.memref_squeeze %dma_wait3A_52 : memref<1x128xi32, #tpu.memory_space<hbm>> -> memref<128xi32, #tpu.memory_space<hbm>>
      tpu.wait_dma2 semaphore(%run_scoped3A_30 : memref<!tpu.dma_semaphore, #tpu.memory_space<semaphore_mem>>) src(%dma_wait3A_53 : memref<128xi32, #tpu.memory_space<hbm>>) dst(%dma_wait3A_50 : memref<128xi32, #tpu.memory_space<vmem>>)
      tpu.yield
    }) : () -> ()
    %run_scoped3A_5 = arith.constant 0 : i32
    "tpu.region"() ({
      %run_scoped3A_30 = tpu.sem_alloc : memref<!tpu.dma_semaphore, #tpu.memory_space<semaphore_mem>>
      %dma_start3A_31 = arith.constant 0 : i32
      %dma_start3A_32 = tpu.memref_slice %arg9[%run_scoped3A_5, %dma_start3A_31] : memref<2x128xi32, #tpu.memory_space<vmem>> -> memref<1x128xi32, #tpu.memory_space<vmem>>
      %dma_start3A_33 = tpu.memref_squeeze %dma_start3A_32 : memref<1x128xi32, #tpu.memory_space<vmem>> -> memref<128xi32, #tpu.memory_space<vmem>>
      %dma_start3A_34 = arith.constant 0 : i32
      %dma_start3A_35 = tpu.memref_slice %arg4[%mul3A_4, %dma_start3A_34] : memref<2560x128xi32, #tpu.memory_space<hbm>> -> memref<1x128xi32, #tpu.memory_space<hbm>>
      %dma_start3A_36 = tpu.memref_squeeze %dma_start3A_35 : memref<1x128xi32, #tpu.memory_space<hbm>> -> memref<128xi32, #tpu.memory_space<hbm>>
      %dma_start3A_37 = arith.constant 0 : i32
      %dma_start3A_38 = tpu.memref_slice %arg9[%run_scoped3A_5, %dma_start3A_37] : memref<2x128xi32, #tpu.memory_space<vmem>> -> memref<1x128xi32, #tpu.memory_space<vmem>>
      %dma_start3A_39 = tpu.memref_squeeze %dma_start3A_38 : memref<1x128xi32, #tpu.memory_space<vmem>> -> memref<128xi32, #tpu.memory_space<vmem>>
      %dma_start3A_40 = arith.constant 0 : i32
      %dma_start3A_41 = tpu.memref_slice %arg4[%mul3A_4, %dma_start3A_40] : memref<2560x128xi32, #tpu.memory_space<hbm>> -> memref<1x128xi32, #tpu.memory_space<hbm>>
      %dma_start3A_42 = tpu.memref_squeeze %dma_start3A_41 : memref<1x128xi32, #tpu.memory_space<hbm>> -> memref<128xi32, #tpu.memory_space<hbm>>
      tpu.enqueue_dma source(%dma_start3A_42 : memref<128xi32, #tpu.memory_space<hbm>>) target(%dma_start3A_39 : memref<128xi32, #tpu.memory_space<vmem>>) target_semaphore(%run_scoped3A_30 : memref<!tpu.dma_semaphore, #tpu.memory_space<semaphore_mem>>)
      %dma_wait3A = arith.constant 0 : i32
      %dma_wait3A_43 = tpu.memref_slice %arg9[%run_scoped3A_5, %dma_wait3A] : memref<2x128xi32, #tpu.memory_space<vmem>> -> memref<1x128xi32, #tpu.memory_space<vmem>>
      %dma_wait3A_44 = tpu.memref_squeeze %dma_wait3A_43 : memref<1x128xi32, #tpu.memory_space<vmem>> -> memref<128xi32, #tpu.memory_space<vmem>>
      %dma_wait3A_45 = arith.constant 0 : i32
      %dma_wait3A_46 = tpu.memref_slice %arg4[%mul3A_4, %dma_wait3A_45] : memref<2560x128xi32, #tpu.memory_space<hbm>> -> memref<1x128xi32, #tpu.memory_space<hbm>>
      %dma_wait3A_47 = tpu.memref_squeeze %dma_wait3A_46 : memref<1x128xi32, #tpu.memory_space<hbm>> -> memref<128xi32, #tpu.memory_space<hbm>>
      %dma_wait3A_48 = arith.constant 0 : i32
      %dma_wait3A_49 = tpu.memref_slice %arg9[%run_scoped3A_5, %dma_wait3A_48] : memref<2x128xi32, #tpu.memory_space<vmem>> -> memref<1x128xi32, #tpu.memory_space<vmem>>
      %dma_wait3A_50 = tpu.memref_squeeze %dma_wait3A_49 : memref<1x128xi32, #tpu.memory_space<vmem>> -> memref<128xi32, #tpu.memory_space<vmem>>
      %dma_wait3A_51 = arith.constant 0 : i32
      %dma_wait3A_52 = tpu.memref_slice %arg4[%mul3A_4, %dma_wait3A_51] : memref<2560x128xi32, #tpu.memory_space<hbm>> -> memref<1x128xi32, #tpu.memory_space<hbm>>
      %dma_wait3A_53 = tpu.memref_squeeze %dma_wait3A_52 : memref<1x128xi32, #tpu.memory_space<hbm>> -> memref<128xi32, #tpu.memory_space<hbm>>
      tpu.wait_dma2 semaphore(%run_scoped3A_30 : memref<!tpu.dma_semaphore, #tpu.memory_space<semaphore_mem>>) src(%dma_wait3A_53 : memref<128xi32, #tpu.memory_space<hbm>>) dst(%dma_wait3A_50 : memref<128xi32, #tpu.memory_space<vmem>>)
      tpu.yield
    }) : () -> ()
    %dma_start3A = arith.constant 0 : i32
    %dma_start3A_6 = arith.constant 0 : i32
    %dma_start3A_7 = arith.constant 0 : i32
    %dma_start3A_8 = arith.constant 0 : i32
    %dma_start3A_9 = tpu.memref_slice %arg10[%dma_start3A_6, %dma_start3A_7, %dma_start3A_8] : memref<2x128x128xf32, #tpu.memory_space<vmem>> -> memref<1x128x128xf32, #tpu.memory_space<vmem>>
    %dma_start3A_10 = tpu.memref_squeeze %dma_start3A_9 : memref<1x128x128xf32, #tpu.memory_space<vmem>> -> memref<128x128xf32, #tpu.memory_space<vmem>>
    %dma_start3A_11 = arith.constant 0 : i32
    %dma_start3A_12 = tpu.memref_slice %arg8[%dma_start3A, %dma_start3A_11] : memref<2x128xi32, #tpu.memory_space<vmem>> -> memref<1x128xi32, #tpu.memory_space<vmem>>
    %dma_start3A_13 = tpu.memref_squeeze %dma_start3A_12 : memref<1x128xi32, #tpu.memory_space<vmem>> -> memref<128xi32, #tpu.memory_space<vmem>>
    %dma_start3A_14 = arith.constant 0 : i32
    %dma_start3A_15 = arith.constant 0 : i32
    %dma_start3A_16 = tpu.memref_slice %arg2[%dma_start3A_14, %dma_start3A_15] : memref<10240x128xf32, #tpu.memory_space<hbm>> -> memref<10240x128xf32, #tpu.memory_space<hbm>>
    tpu.enqueue_indirect_dma source(%dma_start3A_16 : memref<10240x128xf32, #tpu.memory_space<hbm>>) target(%dma_start3A_10 : memref<128x128xf32, #tpu.memory_space<vmem>>) offsets(%dma_start3A_13 : memref<128xi32, #tpu.memory_space<vmem>>) semaphore(%arg12 : memref<!tpu.dma_semaphore, #tpu.memory_space<semaphore_mem>>)
    %scan3A = arith.constant 0 : i32
    %scan3A_17 = arith.constant 0 : i32
    %scan3A_18 = arith.constant 40 : i32
    %scan3A_19 = arith.addi %scan3A_17, %scan3A_18 : i32
    %scan3A_20 = arith.constant 1 : i32
    scf.for %scan3A_30 = %scan3A_17 to %scan3A_19 step %scan3A_20  : i32 {
      %mul3A_31 = arith.constant 2 : i32
      %mul3A_32 = arith.muli %scan3A_30, %mul3A_31 : i32
      %add3A_33 = arith.addi %mul3A_4, %mul3A_32 : i32
      %add3A_34 = arith.constant 1 : i32
      %add3A_35 = arith.addi %add3A_33, %add3A_34 : i32
      %run_scoped3A_36 = arith.constant 1 : i32
      "tpu.region"() ({
        %run_scoped3A_86 = tpu.sem_alloc : memref<!tpu.dma_semaphore, #tpu.memory_space<semaphore_mem>>
        %dma_start3A_87 = arith.constant 0 : i32
        %dma_start3A_88 = tpu.memref_slice %arg8[%run_scoped3A_36, %dma_start3A_87] : memref<2x128xi32, #tpu.memory_space<vmem>> -> memref<1x128xi32, #tpu.memory_space<vmem>>
        %dma_start3A_89 = tpu.memref_squeeze %dma_start3A_88 : memref<1x128xi32, #tpu.memory_space<vmem>> -> memref<128xi32, #tpu.memory_space<vmem>>
        %dma_start3A_90 = arith.constant 0 : i32
        %dma_start3A_91 = tpu.memref_slice %arg3[%add3A_35, %dma_start3A_90] : memref<2560x128xi32, #tpu.memory_space<hbm>> -> memref<1x128xi32, #tpu.memory_space<hbm>>
        %dma_start3A_92 = tpu.memref_squeeze %dma_start3A_91 : memref<1x128xi32, #tpu.memory_space<hbm>> -> memref<128xi32, #tpu.memory_space<hbm>>
        %dma_start3A_93 = arith.constant 0 : i32
        %dma_start3A_94 = tpu.memref_slice %arg8[%run_scoped3A_36, %dma_start3A_93] : memref<2x128xi32, #tpu.memory_space<vmem>> -> memref<1x128xi32, #tpu.memory_space<vmem>>
        %dma_start3A_95 = tpu.memref_squeeze %dma_start3A_94 : memref<1x128xi32, #tpu.memory_space<vmem>> -> memref<128xi32, #tpu.memory_space<vmem>>
        %dma_start3A_96 = arith.constant 0 : i32
        %dma_start3A_97 = tpu.memref_slice %arg3[%add3A_35, %dma_start3A_96] : memref<2560x128xi32, #tpu.memory_space<hbm>> -> memref<1x128xi32, #tpu.memory_space<hbm>>
        %dma_start3A_98 = tpu.memref_squeeze %dma_start3A_97 : memref<1x128xi32, #tpu.memory_space<hbm>> -> memref<128xi32, #tpu.memory_space<hbm>>
        tpu.enqueue_dma source(%dma_start3A_98 : memref<128xi32, #tpu.memory_space<hbm>>) target(%dma_start3A_95 : memref<128xi32, #tpu.memory_space<vmem>>) target_semaphore(%run_scoped3A_86 : memref<!tpu.dma_semaphore, #tpu.memory_space<semaphore_mem>>)
        %dma_wait3A_99 = arith.constant 0 : i32
        %dma_wait3A_100 = tpu.memref_slice %arg8[%run_scoped3A_36, %dma_wait3A_99] : memref<2x128xi32, #tpu.memory_space<vmem>> -> memref<1x128xi32, #tpu.memory_space<vmem>>
        %dma_wait3A_101 = tpu.memref_squeeze %dma_wait3A_100 : memref<1x128xi32, #tpu.memory_space<vmem>> -> memref<128xi32, #tpu.memory_space<vmem>>
        %dma_wait3A_102 = arith.constant 0 : i32
        %dma_wait3A_103 = tpu.memref_slice %arg3[%add3A_35, %dma_wait3A_102] : memref<2560x128xi32, #tpu.memory_space<hbm>> -> memref<1x128xi32, #tpu.memory_space<hbm>>
        %dma_wait3A_104 = tpu.memref_squeeze %dma_wait3A_103 : memref<1x128xi32, #tpu.memory_space<hbm>> -> memref<128xi32, #tpu.memory_space<hbm>>
        %dma_wait3A_105 = arith.constant 0 : i32
        %dma_wait3A_106 = tpu.memref_slice %arg8[%run_scoped3A_36, %dma_wait3A_105] : memref<2x128xi32, #tpu.memory_space<vmem>> -> memref<1x128xi32, #tpu.memory_space<vmem>>
        %dma_wait3A_107 = tpu.memref_squeeze %dma_wait3A_106 : memref<1x128xi32, #tpu.memory_space<vmem>> -> memref<128xi32, #tpu.memory_space<vmem>>
        %dma_wait3A_108 = arith.constant 0 : i32
        %dma_wait3A_109 = tpu.memref_slice %arg3[%add3A_35, %dma_wait3A_108] : memref<2560x128xi32, #tpu.memory_space<hbm>> -> memref<1x128xi32, #tpu.memory_space<hbm>>
        %dma_wait3A_110 = tpu.memref_squeeze %dma_wait3A_109 : memref<1x128xi32, #tpu.memory_space<hbm>> -> memref<128xi32, #tpu.memory_space<hbm>>
        tpu.wait_dma2 semaphore(%run_scoped3A_86 : memref<!tpu.dma_semaphore, #tpu.memory_space<semaphore_mem>>) src(%dma_wait3A_110 : memref<128xi32, #tpu.memory_space<hbm>>) dst(%dma_wait3A_107 : memref<128xi32, #tpu.memory_space<vmem>>)
        tpu.yield
      }) : () -> ()
      %add3A_37 = arith.addi %mul3A_4, %mul3A_32 : i32
      %add3A_38 = arith.constant 1 : i32
      %add3A_39 = arith.addi %add3A_37, %add3A_38 : i32
      %run_scoped3A_40 = arith.constant 1 : i32
      "tpu.region"() ({
        %run_scoped3A_86 = tpu.sem_alloc : memref<!tpu.dma_semaphore, #tpu.memory_space<semaphore_mem>>
        %dma_start3A_87 = arith.constant 0 : i32
        %dma_start3A_88 = tpu.memref_slice %arg9[%run_scoped3A_40, %dma_start3A_87] : memref<2x128xi32, #tpu.memory_space<vmem>> -> memref<1x128xi32, #tpu.memory_space<vmem>>
        %dma_start3A_89 = tpu.memref_squeeze %dma_start3A_88 : memref<1x128xi32, #tpu.memory_space<vmem>> -> memref<128xi32, #tpu.memory_space<vmem>>
        %dma_start3A_90 = arith.constant 0 : i32
        %dma_start3A_91 = tpu.memref_slice %arg4[%add3A_39, %dma_start3A_90] : memref<2560x128xi32, #tpu.memory_space<hbm>> -> memref<1x128xi32, #tpu.memory_space<hbm>>
        %dma_start3A_92 = tpu.memref_squeeze %dma_start3A_91 : memref<1x128xi32, #tpu.memory_space<hbm>> -> memref<128xi32, #tpu.memory_space<hbm>>
        %dma_start3A_93 = arith.constant 0 : i32
        %dma_start3A_94 = tpu.memref_slice %arg9[%run_scoped3A_40, %dma_start3A_93] : memref<2x128xi32, #tpu.memory_space<vmem>> -> memref<1x128xi32, #tpu.memory_space<vmem>>
        %dma_start3A_95 = tpu.memref_squeeze %dma_start3A_94 : memref<1x128xi32, #tpu.memory_space<vmem>> -> memref<128xi32, #tpu.memory_space<vmem>>
        %dma_start3A_96 = arith.constant 0 : i32
        %dma_start3A_97 = tpu.memref_slice %arg4[%add3A_39, %dma_start3A_96] : memref<2560x128xi32, #tpu.memory_space<hbm>> -> memref<1x128xi32, #tpu.memory_space<hbm>>
        %dma_start3A_98 = tpu.memref_squeeze %dma_start3A_97 : memref<1x128xi32, #tpu.memory_space<hbm>> -> memref<128xi32, #tpu.memory_space<hbm>>
        tpu.enqueue_dma source(%dma_start3A_98 : memref<128xi32, #tpu.memory_space<hbm>>) target(%dma_start3A_95 : memref<128xi32, #tpu.memory_space<vmem>>) target_semaphore(%run_scoped3A_86 : memref<!tpu.dma_semaphore, #tpu.memory_space<semaphore_mem>>)
        %dma_wait3A_99 = arith.constant 0 : i32
        %dma_wait3A_100 = tpu.memref_slice %arg9[%run_scoped3A_40, %dma_wait3A_99] : memref<2x128xi32, #tpu.memory_space<vmem>> -> memref<1x128xi32, #tpu.memory_space<vmem>>
        %dma_wait3A_101 = tpu.memref_squeeze %dma_wait3A_100 : memref<1x128xi32, #tpu.memory_space<vmem>> -> memref<128xi32, #tpu.memory_space<vmem>>
        %dma_wait3A_102 = arith.constant 0 : i32
        %dma_wait3A_103 = tpu.memref_slice %arg4[%add3A_39, %dma_wait3A_102] : memref<2560x128xi32, #tpu.memory_space<hbm>> -> memref<1x128xi32, #tpu.memory_space<hbm>>
        %dma_wait3A_104 = tpu.memref_squeeze %dma_wait3A_103 : memref<1x128xi32, #tpu.memory_space<hbm>> -> memref<128xi32, #tpu.memory_space<hbm>>
        %dma_wait3A_105 = arith.constant 0 : i32
        %dma_wait3A_106 = tpu.memref_slice %arg9[%run_scoped3A_40, %dma_wait3A_105] : memref<2x128xi32, #tpu.memory_space<vmem>> -> memref<1x128xi32, #tpu.memory_space<vmem>>
        %dma_wait3A_107 = tpu.memref_squeeze %dma_wait3A_106 : memref<1x128xi32, #tpu.memory_space<vmem>> -> memref<128xi32, #tpu.memory_space<vmem>>
        %dma_wait3A_108 = arith.constant 0 : i32
        %dma_wait3A_109 = tpu.memref_slice %arg4[%add3A_39, %dma_wait3A_108] : memref<2560x128xi32, #tpu.memory_space<hbm>> -> memref<1x128xi32, #tpu.memory_space<hbm>>
        %dma_wait3A_110 = tpu.memref_squeeze %dma_wait3A_109 : memref<1x128xi32, #tpu.memory_space<hbm>> -> memref<128xi32, #tpu.memory_space<hbm>>
        tpu.wait_dma2 semaphore(%run_scoped3A_86 : memref<!tpu.dma_semaphore, #tpu.memory_space<semaphore_mem>>) src(%dma_wait3A_110 : memref<128xi32, #tpu.memory_space<hbm>>) dst(%dma_wait3A_107 : memref<128xi32, #tpu.memory_space<vmem>>)
        tpu.yield
      }) : () -> ()
      %dma_start3A_41 = arith.constant 1 : i32
      %dma_start3A_42 = arith.constant 1 : i32
      %dma_start3A_43 = arith.constant 0 : i32
      %dma_start3A_44 = arith.constant 0 : i32
      %dma_start3A_45 = tpu.memref_slice %arg10[%dma_start3A_42, %dma_start3A_43, %dma_start3A_44] : memref<2x128x128xf32, #tpu.memory_space<vmem>> -> memref<1x128x128xf32, #tpu.memory_space<vmem>>
      %dma_start3A_46 = tpu.memref_squeeze %dma_start3A_45 : memref<1x128x128xf32, #tpu.memory_space<vmem>> -> memref<128x128xf32, #tpu.memory_space<vmem>>
      %dma_start3A_47 = arith.constant 0 : i32
      %dma_start3A_48 = tpu.memref_slice %arg8[%dma_start3A_41, %dma_start3A_47] : memref<2x128xi32, #tpu.memory_space<vmem>> -> memref<1x128xi32, #tpu.memory_space<vmem>>
      %dma_start3A_49 = tpu.memref_squeeze %dma_start3A_48 : memref<1x128xi32, #tpu.memory_space<vmem>> -> memref<128xi32, #tpu.memory_space<vmem>>
      %dma_start3A_50 = arith.constant 0 : i32
      %dma_start3A_51 = arith.constant 0 : i32
      %dma_start3A_52 = tpu.memref_slice %arg2[%dma_start3A_50, %dma_start3A_51] : memref<10240x128xf32, #tpu.memory_space<hbm>> -> memref<10240x128xf32, #tpu.memory_space<hbm>>
      tpu.enqueue_indirect_dma source(%dma_start3A_52 : memref<10240x128xf32, #tpu.memory_space<hbm>>) target(%dma_start3A_46 : memref<128x128xf32, #tpu.memory_space<vmem>>) offsets(%dma_start3A_49 : memref<128xi32, #tpu.memory_space<vmem>>) semaphore(%arg13 : memref<!tpu.dma_semaphore, #tpu.memory_space<semaphore_mem>>)
      %dma_wait3A = arith.constant 0 : i32
      %dma_wait3A_53 = arith.constant 0 : i32
      %dma_wait3A_54 = arith.constant 0 : i32
      %dma_wait3A_55 = arith.constant 0 : i32
      %dma_wait3A_56 = tpu.memref_slice %arg10[%dma_wait3A_53, %dma_wait3A_54, %dma_wait3A_55] : memref<2x128x128xf32, #tpu.memory_space<vmem>> -> memref<1x128x128xf32, #tpu.memory_space<vmem>>
      %dma_wait3A_57 = tpu.memref_squeeze %dma_wait3A_56 : memref<1x128x128xf32, #tpu.memory_space<vmem>> -> memref<128x128xf32, #tpu.memory_space<vmem>>
      %dma_wait3A_58 = arith.constant 0 : i32
      %dma_wait3A_59 = tpu.memref_slice %arg8[%dma_wait3A, %dma_wait3A_58] : memref<2x128xi32, #tpu.memory_space<vmem>> -> memref<1x128xi32, #tpu.memory_space<vmem>>
      %dma_wait3A_60 = tpu.memref_squeeze %dma_wait3A_59 : memref<1x128xi32, #tpu.memory_space<vmem>> -> memref<128xi32, #tpu.memory_space<vmem>>
      %dma_wait3A_61 = arith.constant 0 : i32
      %dma_wait3A_62 = arith.constant 0 : i32
      %dma_wait3A_63 = tpu.memref_slice %arg2[%dma_wait3A_61, %dma_wait3A_62] : memref<10240x128xf32, #tpu.memory_space<hbm>> -> memref<10240x128xf32, #tpu.memory_space<hbm>>
      tpu.wait_indirect_dma semaphore(%arg12 : memref<!tpu.dma_semaphore, #tpu.memory_space<semaphore_mem>>) src(%dma_wait3A_63 : memref<10240x128xf32, #tpu.memory_space<hbm>>) dst(%dma_wait3A_57 : memref<128x128xf32, #tpu.memory_space<vmem>>)
      %run_scoped3A_64 = arith.constant 0 : i32
      %run_scoped3A_65 = arith.constant 0 : i32
      "tpu.region"() ({
        %run_scoped3A_86 = tpu.sem_alloc : memref<!tpu.dma_semaphore, #tpu.memory_space<semaphore_mem>>
        %dma_start3A_87 = arith.constant 0 : i32
        %dma_start3A_88 = arith.constant 0 : i32
        %dma_start3A_89 = tpu.memref_slice %arg10[%run_scoped3A_64, %dma_start3A_87, %dma_start3A_88] : memref<2x128x128xf32, #tpu.memory_space<vmem>> -> memref<1x128x128xf32, #tpu.memory_space<vmem>>
        %dma_start3A_90 = tpu.memref_squeeze %dma_start3A_89 : memref<1x128x128xf32, #tpu.memory_space<vmem>> -> memref<128x128xf32, #tpu.memory_space<vmem>>
        %dma_start3A_91 = arith.constant 0 : i32
        %dma_start3A_92 = tpu.memref_slice %arg9[%run_scoped3A_65, %dma_start3A_91] : memref<2x128xi32, #tpu.memory_space<vmem>> -> memref<1x128xi32, #tpu.memory_space<vmem>>
        %dma_start3A_93 = tpu.memref_squeeze %dma_start3A_92 : memref<1x128xi32, #tpu.memory_space<vmem>> -> memref<128xi32, #tpu.memory_space<vmem>>
        %dma_start3A_94 = arith.constant 0 : i32
        %dma_start3A_95 = arith.constant 0 : i32
        %dma_start3A_96 = tpu.memref_slice %arg11[%dma_start3A_94, %dma_start3A_95] : memref<10240x128xf32, #tpu.memory_space<vmem_shared>> -> memref<10240x128xf32, #tpu.memory_space<vmem_shared>>
        tpu.enqueue_indirect_dma source(%dma_start3A_90 : memref<128x128xf32, #tpu.memory_space<vmem>>) target(%dma_start3A_96 : memref<10240x128xf32, #tpu.memory_space<vmem_shared>>) offsets(%dma_start3A_93 : memref<128xi32, #tpu.memory_space<vmem>>) semaphore(%run_scoped3A_86 : memref<!tpu.dma_semaphore, #tpu.memory_space<semaphore_mem>>) {add = true}
        %dma_wait3A_97 = arith.constant 0 : i32
        %dma_wait3A_98 = arith.constant 0 : i32
        %dma_wait3A_99 = tpu.memref_slice %arg10[%run_scoped3A_64, %dma_wait3A_97, %dma_wait3A_98] : memref<2x128x128xf32, #tpu.memory_space<vmem>> -> memref<1x128x128xf32, #tpu.memory_space<vmem>>
        %dma_wait3A_100 = tpu.memref_squeeze %dma_wait3A_99 : memref<1x128x128xf32, #tpu.memory_space<vmem>> -> memref<128x128xf32, #tpu.memory_space<vmem>>
        %dma_wait3A_101 = arith.constant 0 : i32
        %dma_wait3A_102 = tpu.memref_slice %arg9[%run_scoped3A_65, %dma_wait3A_101] : memref<2x128xi32, #tpu.memory_space<vmem>> -> memref<1x128xi32, #tpu.memory_space<vmem>>
        %dma_wait3A_103 = tpu.memref_squeeze %dma_wait3A_102 : memref<1x128xi32, #tpu.memory_space<vmem>> -> memref<128xi32, #tpu.memory_space<vmem>>
        %dma_wait3A_104 = arith.constant 0 : i32
        %dma_wait3A_105 = arith.constant 0 : i32
        %dma_wait3A_106 = tpu.memref_slice %arg11[%dma_wait3A_104, %dma_wait3A_105] : memref<10240x128xf32, #tpu.memory_space<vmem_shared>> -> memref<10240x128xf32, #tpu.memory_space<vmem_shared>>
        tpu.wait_indirect_dma semaphore(%run_scoped3A_86 : memref<!tpu.dma_semaphore, #tpu.memory_space<semaphore_mem>>) src(%dma_wait3A_100 : memref<128x128xf32, #tpu.memory_space<vmem>>) dst(%dma_wait3A_106 : memref<10240x128xf32, #tpu.memory_space<vmem_shared>>)
        tpu.yield
      }) : () -> ()
      %add3A_66 = arith.constant 2 : i32
      %add3A_67 = arith.addi %mul3A_32, %add3A_66 : i32
      %lt3A = arith.constant 80 : i32
      %lt3A_68 = arith.cmpi slt, %add3A_67, %lt3A : i32
      %convert_element_type3A_69 = arith.extui %lt3A_68 : i1 to i32
      %cond3A_70 = arith.constant 0 : i32
      %cond3A_71 = arith.cmpi ne, %convert_element_type3A_69, %cond3A_70 : i32
      scf.if %cond3A_71 {
        %add3A_86 = arith.addi %mul3A_4, %mul3A_32 : i32
        %add3A_87 = arith.constant 2 : i32
        %add3A_88 = arith.addi %add3A_86, %add3A_87 : i32
        %run_scoped3A_89 = arith.constant 0 : i32
        "tpu.region"() ({
          %run_scoped3A_106 = tpu.sem_alloc : memref<!tpu.dma_semaphore, #tpu.memory_space<semaphore_mem>>
          %dma_start3A_107 = arith.constant 0 : i32
          %dma_start3A_108 = tpu.memref_slice %arg8[%run_scoped3A_89, %dma_start3A_107] : memref<2x128xi32, #tpu.memory_space<vmem>> -> memref<1x128xi32, #tpu.memory_space<vmem>>
          %dma_start3A_109 = tpu.memref_squeeze %dma_start3A_108 : memref<1x128xi32, #tpu.memory_space<vmem>> -> memref<128xi32, #tpu.memory_space<vmem>>
          %dma_start3A_110 = arith.constant 0 : i32
          %dma_start3A_111 = tpu.memref_slice %arg3[%add3A_88, %dma_start3A_110] : memref<2560x128xi32, #tpu.memory_space<hbm>> -> memref<1x128xi32, #tpu.memory_space<hbm>>
          %dma_start3A_112 = tpu.memref_squeeze %dma_start3A_111 : memref<1x128xi32, #tpu.memory_space<hbm>> -> memref<128xi32, #tpu.memory_space<hbm>>
          %dma_start3A_113 = arith.constant 0 : i32
          %dma_start3A_114 = tpu.memref_slice %arg8[%run_scoped3A_89, %dma_start3A_113] : memref<2x128xi32, #tpu.memory_space<vmem>> -> memref<1x128xi32, #tpu.memory_space<vmem>>
          %dma_start3A_115 = tpu.memref_squeeze %dma_start3A_114 : memref<1x128xi32, #tpu.memory_space<vmem>> -> memref<128xi32, #tpu.memory_space<vmem>>
          %dma_start3A_116 = arith.constant 0 : i32
          %dma_start3A_117 = tpu.memref_slice %arg3[%add3A_88, %dma_start3A_116] : memref<2560x128xi32, #tpu.memory_space<hbm>> -> memref<1x128xi32, #tpu.memory_space<hbm>>
          %dma_start3A_118 = tpu.memref_squeeze %dma_start3A_117 : memref<1x128xi32, #tpu.memory_space<hbm>> -> memref<128xi32, #tpu.memory_space<hbm>>
          tpu.enqueue_dma source(%dma_start3A_118 : memref<128xi32, #tpu.memory_space<hbm>>) target(%dma_start3A_115 : memref<128xi32, #tpu.memory_space<vmem>>) target_semaphore(%run_scoped3A_106 : memref<!tpu.dma_semaphore, #tpu.memory_space<semaphore_mem>>)
          %dma_wait3A_119 = arith.constant 0 : i32
          %dma_wait3A_120 = tpu.memref_slice %arg8[%run_scoped3A_89, %dma_wait3A_119] : memref<2x128xi32, #tpu.memory_space<vmem>> -> memref<1x128xi32, #tpu.memory_space<vmem>>
          %dma_wait3A_121 = tpu.memref_squeeze %dma_wait3A_120 : memref<1x128xi32, #tpu.memory_space<vmem>> -> memref<128xi32, #tpu.memory_space<vmem>>
          %dma_wait3A_122 = arith.constant 0 : i32
          %dma_wait3A_123 = tpu.memref_slice %arg3[%add3A_88, %dma_wait3A_122] : memref<2560x128xi32, #tpu.memory_space<hbm>> -> memref<1x128xi32, #tpu.memory_space<hbm>>
          %dma_wait3A_124 = tpu.memref_squeeze %dma_wait3A_123 : memref<1x128xi32, #tpu.memory_space<hbm>> -> memref<128xi32, #tpu.memory_space<hbm>>
          %dma_wait3A_125 = arith.constant 0 : i32
          %dma_wait3A_126 = tpu.memref_slice %arg8[%run_scoped3A_89, %dma_wait3A_125] : memref<2x128xi32, #tpu.memory_space<vmem>> -> memref<1x128xi32, #tpu.memory_space<vmem>>
          %dma_wait3A_127 = tpu.memref_squeeze %dma_wait3A_126 : memref<1x128xi32, #tpu.memory_space<vmem>> -> memref<128xi32, #tpu.memory_space<vmem>>
          %dma_wait3A_128 = arith.constant 0 : i32
          %dma_wait3A_129 = tpu.memref_slice %arg3[%add3A_88, %dma_wait3A_128] : memref<2560x128xi32, #tpu.memory_space<hbm>> -> memref<1x128xi32, #tpu.memory_space<hbm>>
          %dma_wait3A_130 = tpu.memref_squeeze %dma_wait3A_129 : memref<1x128xi32, #tpu.memory_space<hbm>> -> memref<128xi32, #tpu.memory_space<hbm>>
          tpu.wait_dma2 semaphore(%run_scoped3A_106 : memref<!tpu.dma_semaphore, #tpu.memory_space<semaphore_mem>>) src(%dma_wait3A_130 : memref<128xi32, #tpu.memory_space<hbm>>) dst(%dma_wait3A_127 : memref<128xi32, #tpu.memory_space<vmem>>)
          tpu.yield
        }) : () -> ()
        %add3A_90 = arith.addi %mul3A_4, %mul3A_32 : i32
        %add3A_91 = arith.constant 2 : i32
        %add3A_92 = arith.addi %add3A_90, %add3A_91 : i32
        %run_scoped3A_93 = arith.constant 0 : i32
        "tpu.region"() ({
          %run_scoped3A_106 = tpu.sem_alloc : memref<!tpu.dma_semaphore, #tpu.memory_space<semaphore_mem>>
          %dma_start3A_107 = arith.constant 0 : i32
          %dma_start3A_108 = tpu.memref_slice %arg9[%run_scoped3A_93, %dma_start3A_107] : memref<2x128xi32, #tpu.memory_space<vmem>> -> memref<1x128xi32, #tpu.memory_space<vmem>>
          %dma_start3A_109 = tpu.memref_squeeze %dma_start3A_108 : memref<1x128xi32, #tpu.memory_space<vmem>> -> memref<128xi32, #tpu.memory_space<vmem>>
          %dma_start3A_110 = arith.constant 0 : i32
          %dma_start3A_111 = tpu.memref_slice %arg4[%add3A_92, %dma_start3A_110] : memref<2560x128xi32, #tpu.memory_space<hbm>> -> memref<1x128xi32, #tpu.memory_space<hbm>>
          %dma_start3A_112 = tpu.memref_squeeze %dma_start3A_111 : memref<1x128xi32, #tpu.memory_space<hbm>> -> memref<128xi32, #tpu.memory_space<hbm>>
          %dma_start3A_113 = arith.constant 0 : i32
          %dma_start3A_114 = tpu.memref_slice %arg9[%run_scoped3A_93, %dma_start3A_113] : memref<2x128xi32, #tpu.memory_space<vmem>> -> memref<1x128xi32, #tpu.memory_space<vmem>>
          %dma_start3A_115 = tpu.memref_squeeze %dma_start3A_114 : memref<1x128xi32, #tpu.memory_space<vmem>> -> memref<128xi32, #tpu.memory_space<vmem>>
          %dma_start3A_116 = arith.constant 0 : i32
          %dma_start3A_117 = tpu.memref_slice %arg4[%add3A_92, %dma_start3A_116] : memref<2560x128xi32, #tpu.memory_space<hbm>> -> memref<1x128xi32, #tpu.memory_space<hbm>>
          %dma_start3A_118 = tpu.memref_squeeze %dma_start3A_117 : memref<1x128xi32, #tpu.memory_space<hbm>> -> memref<128xi32, #tpu.memory_space<hbm>>
          tpu.enqueue_dma source(%dma_start3A_118 : memref<128xi32, #tpu.memory_space<hbm>>) target(%dma_start3A_115 : memref<128xi32, #tpu.memory_space<vmem>>) target_semaphore(%run_scoped3A_106 : memref<!tpu.dma_semaphore, #tpu.memory_space<semaphore_mem>>)
          %dma_wait3A_119 = arith.constant 0 : i32
          %dma_wait3A_120 = tpu.memref_slice %arg9[%run_scoped3A_93, %dma_wait3A_119] : memref<2x128xi32, #tpu.memory_space<vmem>> -> memref<1x128xi32, #tpu.memory_space<vmem>>
          %dma_wait3A_121 = tpu.memref_squeeze %dma_wait3A_120 : memref<1x128xi32, #tpu.memory_space<vmem>> -> memref<128xi32, #tpu.memory_space<vmem>>
          %dma_wait3A_122 = arith.constant 0 : i32
          %dma_wait3A_123 = tpu.memref_slice %arg4[%add3A_92, %dma_wait3A_122] : memref<2560x128xi32, #tpu.memory_space<hbm>> -> memref<1x128xi32, #tpu.memory_space<hbm>>
          %dma_wait3A_124 = tpu.memref_squeeze %dma_wait3A_123 : memref<1x128xi32, #tpu.memory_space<hbm>> -> memref<128xi32, #tpu.memory_space<hbm>>
          %dma_wait3A_125 = arith.constant 0 : i32
          %dma_wait3A_126 = tpu.memref_slice %arg9[%run_scoped3A_93, %dma_wait3A_125] : memref<2x128xi32, #tpu.memory_space<vmem>> -> memref<1x128xi32, #tpu.memory_space<vmem>>
          %dma_wait3A_127 = tpu.memref_squeeze %dma_wait3A_126 : memref<1x128xi32, #tpu.memory_space<vmem>> -> memref<128xi32, #tpu.memory_space<vmem>>
          %dma_wait3A_128 = arith.constant 0 : i32
          %dma_wait3A_129 = tpu.memref_slice %arg4[%add3A_92, %dma_wait3A_128] : memref<2560x128xi32, #tpu.memory_space<hbm>> -> memref<1x128xi32, #tpu.memory_space<hbm>>
          %dma_wait3A_130 = tpu.memref_squeeze %dma_wait3A_129 : memref<1x128xi32, #tpu.memory_space<hbm>> -> memref<128xi32, #tpu.memory_space<hbm>>
          tpu.wait_dma2 semaphore(%run_scoped3A_106 : memref<!tpu.dma_semaphore, #tpu.memory_space<semaphore_mem>>) src(%dma_wait3A_130 : memref<128xi32, #tpu.memory_space<hbm>>) dst(%dma_wait3A_127 : memref<128xi32, #tpu.memory_space<vmem>>)
          tpu.yield
        }) : () -> ()
        %dma_start3A_94 = arith.constant 0 : i32
        %dma_start3A_95 = arith.constant 0 : i32
        %dma_start3A_96 = arith.constant 0 : i32
        %dma_start3A_97 = arith.constant 0 : i32
        %dma_start3A_98 = tpu.memref_slice %arg10[%dma_start3A_95, %dma_start3A_96, %dma_start3A_97] : memref<2x128x128xf32, #tpu.memory_space<vmem>> -> memref<1x128x128xf32, #tpu.memory_space<vmem>>
        %dma_start3A_99 = tpu.memref_squeeze %dma_start3A_98 : memref<1x128x128xf32, #tpu.memory_space<vmem>> -> memref<128x128xf32, #tpu.memory_space<vmem>>
        %dma_start3A_100 = arith.constant 0 : i32
        %dma_start3A_101 = tpu.memref_slice %arg8[%dma_start3A_94, %dma_start3A_100] : memref<2x128xi32, #tpu.memory_space<vmem>> -> memref<1x128xi32, #tpu.memory_space<vmem>>
        %dma_start3A_102 = tpu.memref_squeeze %dma_start3A_101 : memref<1x128xi32, #tpu.memory_space<vmem>> -> memref<128xi32, #tpu.memory_space<vmem>>
        %dma_start3A_103 = arith.constant 0 : i32
        %dma_start3A_104 = arith.constant 0 : i32
        %dma_start3A_105 = tpu.memref_slice %arg2[%dma_start3A_103, %dma_start3A_104] : memref<10240x128xf32, #tpu.memory_space<hbm>> -> memref<10240x128xf32, #tpu.memory_space<hbm>>
        tpu.enqueue_indirect_dma source(%dma_start3A_105 : memref<10240x128xf32, #tpu.memory_space<hbm>>) target(%dma_start3A_99 : memref<128x128xf32, #tpu.memory_space<vmem>>) offsets(%dma_start3A_102 : memref<128xi32, #tpu.memory_space<vmem>>) semaphore(%arg12 : memref<!tpu.dma_semaphore, #tpu.memory_space<semaphore_mem>>)
      } else {
      }
      %dma_wait3A_72 = arith.constant 1 : i32
      %dma_wait3A_73 = arith.constant 1 : i32
      %dma_wait3A_74 = arith.constant 0 : i32
      %dma_wait3A_75 = arith.constant 0 : i32
      %dma_wait3A_76 = tpu.memref_slice %arg10[%dma_wait3A_73, %dma_wait3A_74, %dma_wait3A_75] : memref<2x128x128xf32, #tpu.memory_space<vmem>> -> memref<1x128x128xf32, #tpu.memory_space<vmem>>
      %dma_wait3A_77 = tpu.memref_squeeze %dma_wait3A_76 : memref<1x128x128xf32, #tpu.memory_space<vmem>> -> memref<128x128xf32, #tpu.memory_space<vmem>>
      %dma_wait3A_78 = arith.constant 0 : i32
      %dma_wait3A_79 = tpu.memref_slice %arg8[%dma_wait3A_72, %dma_wait3A_78] : memref<2x128xi32, #tpu.memory_space<vmem>> -> memref<1x128xi32, #tpu.memory_space<vmem>>
      %dma_wait3A_80 = tpu.memref_squeeze %dma_wait3A_79 : memref<1x128xi32, #tpu.memory_space<vmem>> -> memref<128xi32, #tpu.memory_space<vmem>>
      %dma_wait3A_81 = arith.constant 0 : i32
      %dma_wait3A_82 = arith.constant 0 : i32
      %dma_wait3A_83 = tpu.memref_slice %arg2[%dma_wait3A_81, %dma_wait3A_82] : memref<10240x128xf32, #tpu.memory_space<hbm>> -> memref<10240x128xf32, #tpu.memory_space<hbm>>
      tpu.wait_indirect_dma semaphore(%arg13 : memref<!tpu.dma_semaphore, #tpu.memory_space<semaphore_mem>>) src(%dma_wait3A_83 : memref<10240x128xf32, #tpu.memory_space<hbm>>) dst(%dma_wait3A_77 : memref<128x128xf32, #tpu.memory_space<vmem>>)
      %run_scoped3A_84 = arith.constant 1 : i32
      %run_scoped3A_85 = arith.constant 1 : i32
      "tpu.region"() ({
        %run_scoped3A_86 = tpu.sem_alloc : memref<!tpu.dma_semaphore, #tpu.memory_space<semaphore_mem>>
        %dma_start3A_87 = arith.constant 0 : i32
        %dma_start3A_88 = arith.constant 0 : i32
        %dma_start3A_89 = tpu.memref_slice %arg10[%run_scoped3A_84, %dma_start3A_87, %dma_start3A_88] : memref<2x128x128xf32, #tpu.memory_space<vmem>> -> memref<1x128x128xf32, #tpu.memory_space<vmem>>
        %dma_start3A_90 = tpu.memref_squeeze %dma_start3A_89 : memref<1x128x128xf32, #tpu.memory_space<vmem>> -> memref<128x128xf32, #tpu.memory_space<vmem>>
        %dma_start3A_91 = arith.constant 0 : i32
        %dma_start3A_92 = tpu.memref_slice %arg9[%run_scoped3A_85, %dma_start3A_91] : memref<2x128xi32, #tpu.memory_space<vmem>> -> memref<1x128xi32, #tpu.memory_space<vmem>>
        %dma_start3A_93 = tpu.memref_squeeze %dma_start3A_92 : memref<1x128xi32, #tpu.memory_space<vmem>> -> memref<128xi32, #tpu.memory_space<vmem>>
        %dma_start3A_94 = arith.constant 0 : i32
        %dma_start3A_95 = arith.constant 0 : i32
        %dma_start3A_96 = tpu.memref_slice %arg11[%dma_start3A_94, %dma_start3A_95] : memref<10240x128xf32, #tpu.memory_space<vmem_shared>> -> memref<10240x128xf32, #tpu.memory_space<vmem_shared>>
        tpu.enqueue_indirect_dma source(%dma_start3A_90 : memref<128x128xf32, #tpu.memory_space<vmem>>) target(%dma_start3A_96 : memref<10240x128xf32, #tpu.memory_space<vmem_shared>>) offsets(%dma_start3A_93 : memref<128xi32, #tpu.memory_space<vmem>>) semaphore(%run_scoped3A_86 : memref<!tpu.dma_semaphore, #tpu.memory_space<semaphore_mem>>) {add = true}
        %dma_wait3A_97 = arith.constant 0 : i32
        %dma_wait3A_98 = arith.constant 0 : i32
        %dma_wait3A_99 = tpu.memref_slice %arg10[%run_scoped3A_84, %dma_wait3A_97, %dma_wait3A_98] : memref<2x128x128xf32, #tpu.memory_space<vmem>> -> memref<1x128x128xf32, #tpu.memory_space<vmem>>
        %dma_wait3A_100 = tpu.memref_squeeze %dma_wait3A_99 : memref<1x128x128xf32, #tpu.memory_space<vmem>> -> memref<128x128xf32, #tpu.memory_space<vmem>>
        %dma_wait3A_101 = arith.constant 0 : i32
        %dma_wait3A_102 = tpu.memref_slice %arg9[%run_scoped3A_85, %dma_wait3A_101] : memref<2x128xi32, #tpu.memory_space<vmem>> -> memref<1x128xi32, #tpu.memory_space<vmem>>
        %dma_wait3A_103 = tpu.memref_squeeze %dma_wait3A_102 : memref<1x128xi32, #tpu.memory_space<vmem>> -> memref<128xi32, #tpu.memory_space<vmem>>
        %dma_wait3A_104 = arith.constant 0 : i32
        %dma_wait3A_105 = arith.constant 0 : i32
        %dma_wait3A_106 = tpu.memref_slice %arg11[%dma_wait3A_104, %dma_wait3A_105] : memref<10240x128xf32, #tpu.memory_space<vmem_shared>> -> memref<10240x128xf32, #tpu.memory_space<vmem_shared>>
        tpu.wait_indirect_dma semaphore(%run_scoped3A_86 : memref<!tpu.dma_semaphore, #tpu.memory_space<semaphore_mem>>) src(%dma_wait3A_100 : memref<128x128xf32, #tpu.memory_space<vmem>>) dst(%dma_wait3A_106 : memref<10240x128xf32, #tpu.memory_space<vmem_shared>>)
        tpu.yield
      }) : () -> ()
    }
    %scan3A_21 = arith.constant 40 : i32
    %barrier3A_22 = arith.constant 0 : index
    tpu.barrier barrier_id(%barrier3A_22)
    %eq3A = arith.constant 0 : i32
    %eq3A_23 = arith.cmpi eq, %arg0, %eq3A : i32
    %convert_element_type3A = arith.extui %eq3A_23 : i1 to i32
    %cond3A = arith.constant 0 : i32
    %cond3A_24 = arith.cmpi ne, %convert_element_type3A, %cond3A : i32
    scf.if %cond3A_24 {
      "tpu.region"() ({
        %run_scoped3A_30 = tpu.sem_alloc : memref<!tpu.dma_semaphore, #tpu.memory_space<semaphore_mem>>
        %dma_start3A_31 = arith.constant 0 : i32
        %dma_start3A_32 = tpu.memref_slice %arg6[%multiple_of3A, %dma_start3A_31] : memref<10240x128xf32, #tpu.memory_space<hbm>> -> memref<640x128xf32, #tpu.memory_space<hbm>>
        %dma_start3A_33 = arith.constant 0 : i32
        %dma_start3A_34 = tpu.memref_slice %arg11[%multiple_of3A, %dma_start3A_33] : memref<10240x128xf32, #tpu.memory_space<vmem_shared>> -> memref<640x128xf32, #tpu.memory_space<vmem_shared>>
        tpu.enqueue_dma source(%dma_start3A_34 : memref<640x128xf32, #tpu.memory_space<vmem_shared>>) target(%dma_start3A_32 : memref<640x128xf32, #tpu.memory_space<hbm>>) target_semaphore(%run_scoped3A_30 : memref<!tpu.dma_semaphore, #tpu.memory_space<semaphore_mem>>)
        %dma_wait3A = arith.constant 0 : i32
        %dma_wait3A_35 = tpu.memref_slice %arg6[%multiple_of3A, %dma_wait3A] : memref<10240x128xf32, #tpu.memory_space<hbm>> -> memref<640x128xf32, #tpu.memory_space<hbm>>
        %dma_wait3A_36 = arith.constant 0 : i32
        %dma_wait3A_37 = tpu.memref_slice %arg11[%multiple_of3A, %dma_wait3A_36] : memref<10240x128xf32, #tpu.memory_space<vmem_shared>> -> memref<640x128xf32, #tpu.memory_space<vmem_shared>>
        tpu.wait_dma2 semaphore(%run_scoped3A_30 : memref<!tpu.dma_semaphore, #tpu.memory_space<semaphore_mem>>) src(%dma_wait3A_37 : memref<640x128xf32, #tpu.memory_space<vmem_shared>>) dst(%dma_wait3A_35 : memref<640x128xf32, #tpu.memory_space<hbm>>)
        tpu.yield
      }) : () -> ()
    } else {
    }
    %eq3A_25 = arith.constant 1 : i32
    %eq3A_26 = arith.cmpi eq, %arg0, %eq3A_25 : i32
    %convert_element_type3A_27 = arith.extui %eq3A_26 : i1 to i32
    %cond3A_28 = arith.constant 0 : i32
    %cond3A_29 = arith.cmpi ne, %convert_element_type3A_27, %cond3A_28 : i32
    scf.if %cond3A_29 {
      "tpu.region"() ({
        %run_scoped3A_30 = tpu.sem_alloc : memref<!tpu.dma_semaphore, #tpu.memory_space<semaphore_mem>>
        %dma_start3A_31 = arith.constant 0 : i32
        %dma_start3A_32 = tpu.memref_slice %arg7[%multiple_of3A, %dma_start3A_31] : memref<10240x128xf32, #tpu.memory_space<hbm>> -> memref<640x128xf32, #tpu.memory_space<hbm>>
        %dma_start3A_33 = arith.constant 0 : i32
        %dma_start3A_34 = tpu.memref_slice %arg11[%multiple_of3A, %dma_start3A_33] : memref<10240x128xf32, #tpu.memory_space<vmem_shared>> -> memref<640x128xf32, #tpu.memory_space<vmem_shared>>
        tpu.enqueue_dma source(%dma_start3A_34 : memref<640x128xf32, #tpu.memory_space<vmem_shared>>) target(%dma_start3A_32 : memref<640x128xf32, #tpu.memory_space<hbm>>) target_semaphore(%run_scoped3A_30 : memref<!tpu.dma_semaphore, #tpu.memory_space<semaphore_mem>>)
        %dma_wait3A = arith.constant 0 : i32
        %dma_wait3A_35 = tpu.memref_slice %arg7[%multiple_of3A, %dma_wait3A] : memref<10240x128xf32, #tpu.memory_space<hbm>> -> memref<640x128xf32, #tpu.memory_space<hbm>>
        %dma_wait3A_36 = arith.constant 0 : i32
        %dma_wait3A_37 = tpu.memref_slice %arg11[%multiple_of3A, %dma_wait3A_36] : memref<10240x128xf32, #tpu.memory_space<vmem_shared>> -> memref<640x128xf32, #tpu.memory_space<vmem_shared>>
        tpu.wait_dma2 semaphore(%run_scoped3A_30 : memref<!tpu.dma_semaphore, #tpu.memory_space<semaphore_mem>>) src(%dma_wait3A_37 : memref<640x128xf32, #tpu.memory_space<vmem_shared>>) dst(%dma_wait3A_35 : memref<640x128xf32, #tpu.memory_space<hbm>>)
        tpu.yield
      }) : () -> ()
    } else {
    }
    return
  }
}

#map = affine_map<(d0, d1) -> (0, 0)>
module attributes {stable_mosaic.version = 14 : i64} {
  func.func @agg(%arg0: i32, %arg1: i32, %arg2: memref<10240x128xf32, #tpu.memory_space<hbm>>, %arg3: memref<2560x128xi32, #tpu.memory_space<hbm>>, %arg4: memref<2560x128xi32, #tpu.memory_space<hbm>>, %arg5: memref<10240x128xf32, #tpu.memory_space<hbm>>, %arg6: memref<10240x128xf32, #tpu.memory_space<hbm>>, %arg7: memref<10240x128xf32, #tpu.memory_space<hbm>>, %arg8: memref<2x128xi32, #tpu.memory_space<vmem>>, %arg9: memref<2x128xi32, #tpu.memory_space<vmem>>, %arg10: memref<2x128x128xf32, #tpu.memory_space<vmem>>, %arg11: memref<10240x128xf32, #tpu.memory_space<vmem_shared>>, %arg12: memref<!tpu.dma_semaphore, #tpu.memory_space<semaphore_mem>>, %arg13: memref<!tpu.dma_semaphore, #tpu.memory_space<semaphore_mem>>) attributes {dimension_semantics = [#tpu.dimension_semantics<core_parallel>, #tpu.dimension_semantics<subcore_parallel>], iteration_bounds = array<i64: 2, 16>, scalar_prefetch = 0 : i64, scratch_operands = 6 : i64, tpu.core_type = #tpu.core_type<sc_vector_subcore>, window_params = [{transform_indices = #map}, {transform_indices = #map}, {transform_indices = #map}, {transform_indices = #map}, {transform_indices = #map}, {transform_indices = #map}]} {
    %mul3A = arith.constant 640 : i32
    %mul3A_0 = arith.muli %arg1, %mul3A : i32
    %multiple_of3A = tpu.assume_multiple %mul3A_0, 8 : i32
    %mul3A_1 = arith.constant 16 : i32
    %mul3A_2 = arith.muli %arg0, %mul3A_1 : i32
    %add3A = arith.addi %mul3A_2, %arg1 : i32
    %mul3A_3 = arith.constant 80 : i32
    %mul3A_4 = arith.muli %add3A, %mul3A_3 : i32
    "tpu.region"() ({
      %run_scoped3A_30 = tpu.sem_alloc : memref<!tpu.dma_semaphore, #tpu.memory_space<semaphore_mem>>
      %dma_start3A_31 = arith.constant 0 : i32
      %dma_start3A_32 = tpu.memref_slice %arg11[%multiple_of3A, %dma_start3A_31] : memref<10240x128xf32, #tpu.memory_space<vmem_shared>> -> memref<640x128xf32, #tpu.memory_space<vmem_shared>>
      %dma_start3A_33 = arith.constant 0 : i32
      %dma_start3A_34 = tpu.memref_slice %arg5[%multiple_of3A, %dma_start3A_33] : memref<10240x128xf32, #tpu.memory_space<hbm>> -> memref<640x128xf32, #tpu.memory_space<hbm>>
      tpu.enqueue_dma source(%dma_start3A_34 : memref<640x128xf32, #tpu.memory_space<hbm>>) target(%dma_start3A_32 : memref<640x128xf32, #tpu.memory_space<vmem_shared>>) target_semaphore(%run_scoped3A_30 : memref<!tpu.dma_semaphore, #tpu.memory_space<semaphore_mem>>)
      %dma_wait3A = arith.constant 0 : i32
      %dma_wait3A_35 = tpu.memref_slice %arg11[%multiple_of3A, %dma_wait3A] : memref<10240x128xf32, #tpu.memory_space<vmem_shared>> -> memref<640x128xf32, #tpu.memory_space<vmem_shared>>
      %dma_wait3A_36 = arith.constant 0 : i32
      %dma_wait3A_37 = tpu.memref_slice %arg5[%multiple_of3A, %dma_wait3A_36] : memref<10240x128xf32, #tpu.memory_space<hbm>> -> memref<640x128xf32, #tpu.memory_space<hbm>>
      tpu.wait_dma2 semaphore(%run_scoped3A_30 : memref<!tpu.dma_semaphore, #tpu.memory_space<semaphore_mem>>) src(%dma_wait3A_37 : memref<640x128xf32, #tpu.memory_space<hbm>>) dst(%dma_wait3A_35 : memref<640x128xf32, #tpu.memory_space<vmem_shared>>)
      tpu.yield
    }) : () -> ()
    %barrier3A = arith.constant 0 : index
    tpu.barrier barrier_id(%barrier3A)
    %run_scoped3A = arith.constant 0 : i32
    "tpu.region"() ({
      %run_scoped3A_30 = tpu.sem_alloc : memref<!tpu.dma_semaphore, #tpu.memory_space<semaphore_mem>>
      %dma_start3A_31 = arith.constant 0 : i32
      %dma_start3A_32 = tpu.memref_slice %arg8[%run_scoped3A, %dma_start3A_31] : memref<2x128xi32, #tpu.memory_space<vmem>> -> memref<1x128xi32, #tpu.memory_space<vmem>>
      %dma_start3A_33 = tpu.memref_squeeze %dma_start3A_32 : memref<1x128xi32, #tpu.memory_space<vmem>> -> memref<128xi32, #tpu.memory_space<vmem>>
      %dma_start3A_34 = arith.constant 0 : i32
      %dma_start3A_35 = tpu.memref_slice %arg3[%mul3A_4, %dma_start3A_34] : memref<2560x128xi32, #tpu.memory_space<hbm>> -> memref<1x128xi32, #tpu.memory_space<hbm>>
      %dma_start3A_36 = tpu.memref_squeeze %dma_start3A_35 : memref<1x128xi32, #tpu.memory_space<hbm>> -> memref<128xi32, #tpu.memory_space<hbm>>
      %dma_start3A_37 = arith.constant 0 : i32
      %dma_start3A_38 = tpu.memref_slice %arg8[%run_scoped3A, %dma_start3A_37] : memref<2x128xi32, #tpu.memory_space<vmem>> -> memref<1x128xi32, #tpu.memory_space<vmem>>
      %dma_start3A_39 = tpu.memref_squeeze %dma_start3A_38 : memref<1x128xi32, #tpu.memory_space<vmem>> -> memref<128xi32, #tpu.memory_space<vmem>>
      %dma_start3A_40 = arith.constant 0 : i32
      %dma_start3A_41 = tpu.memref_slice %arg3[%mul3A_4, %dma_start3A_40] : memref<2560x128xi32, #tpu.memory_space<hbm>> -> memref<1x128xi32, #tpu.memory_space<hbm>>
      %dma_start3A_42 = tpu.memref_squeeze %dma_start3A_41 : memref<1x128xi32, #tpu.memory_space<hbm>> -> memref<128xi32, #tpu.memory_space<hbm>>
      tpu.enqueue_dma source(%dma_start3A_42 : memref<128xi32, #tpu.memory_space<hbm>>) target(%dma_start3A_39 : memref<128xi32, #tpu.memory_space<vmem>>) target_semaphore(%run_scoped3A_30 : memref<!tpu.dma_semaphore, #tpu.memory_space<semaphore_mem>>)
      %dma_wait3A = arith.constant 0 : i32
      %dma_wait3A_43 = tpu.memref_slice %arg8[%run_scoped3A, %dma_wait3A] : memref<2x128xi32, #tpu.memory_space<vmem>> -> memref<1x128xi32, #tpu.memory_space<vmem>>
      %dma_wait3A_44 = tpu.memref_squeeze %dma_wait3A_43 : memref<1x128xi32, #tpu.memory_space<vmem>> -> memref<128xi32, #tpu.memory_space<vmem>>
      %dma_wait3A_45 = arith.constant 0 : i32
      %dma_wait3A_46 = tpu.memref_slice %arg3[%mul3A_4, %dma_wait3A_45] : memref<2560x128xi32, #tpu.memory_space<hbm>> -> memref<1x128xi32, #tpu.memory_space<hbm>>
      %dma_wait3A_47 = tpu.memref_squeeze %dma_wait3A_46 : memref<1x128xi32, #tpu.memory_space<hbm>> -> memref<128xi32, #tpu.memory_space<hbm>>
      %dma_wait3A_48 = arith.constant 0 : i32
      %dma_wait3A_49 = tpu.memref_slice %arg8[%run_scoped3A, %dma_wait3A_48] : memref<2x128xi32, #tpu.memory_space<vmem>> -> memref<1x128xi32, #tpu.memory_space<vmem>>
      %dma_wait3A_50 = tpu.memref_squeeze %dma_wait3A_49 : memref<1x128xi32, #tpu.memory_space<vmem>> -> memref<128xi32, #tpu.memory_space<vmem>>
      %dma_wait3A_51 = arith.constant 0 : i32
      %dma_wait3A_52 = tpu.memref_slice %arg3[%mul3A_4, %dma_wait3A_51] : memref<2560x128xi32, #tpu.memory_space<hbm>> -> memref<1x128xi32, #tpu.memory_space<hbm>>
      %dma_wait3A_53 = tpu.memref_squeeze %dma_wait3A_52 : memref<1x128xi32, #tpu.memory_space<hbm>> -> memref<128xi32, #tpu.memory_space<hbm>>
      tpu.wait_dma2 semaphore(%run_scoped3A_30 : memref<!tpu.dma_semaphore, #tpu.memory_space<semaphore_mem>>) src(%dma_wait3A_53 : memref<128xi32, #tpu.memory_space<hbm>>) dst(%dma_wait3A_50 : memref<128xi32, #tpu.memory_space<vmem>>)
      tpu.yield
    }) : () -> ()
    %run_scoped3A_5 = arith.constant 0 : i32
    "tpu.region"() ({
      %run_scoped3A_30 = tpu.sem_alloc : memref<!tpu.dma_semaphore, #tpu.memory_space<semaphore_mem>>
      %dma_start3A_31 = arith.constant 0 : i32
      %dma_start3A_32 = tpu.memref_slice %arg9[%run_scoped3A_5, %dma_start3A_31] : memref<2x128xi32, #tpu.memory_space<vmem>> -> memref<1x128xi32, #tpu.memory_space<vmem>>
      %dma_start3A_33 = tpu.memref_squeeze %dma_start3A_32 : memref<1x128xi32, #tpu.memory_space<vmem>> -> memref<128xi32, #tpu.memory_space<vmem>>
      %dma_start3A_34 = arith.constant 0 : i32
      %dma_start3A_35 = tpu.memref_slice %arg4[%mul3A_4, %dma_start3A_34] : memref<2560x128xi32, #tpu.memory_space<hbm>> -> memref<1x128xi32, #tpu.memory_space<hbm>>
      %dma_start3A_36 = tpu.memref_squeeze %dma_start3A_35 : memref<1x128xi32, #tpu.memory_space<hbm>> -> memref<128xi32, #tpu.memory_space<hbm>>
      %dma_start3A_37 = arith.constant 0 : i32
      %dma_start3A_38 = tpu.memref_slice %arg9[%run_scoped3A_5, %dma_start3A_37] : memref<2x128xi32, #tpu.memory_space<vmem>> -> memref<1x128xi32, #tpu.memory_space<vmem>>
      %dma_start3A_39 = tpu.memref_squeeze %dma_start3A_38 : memref<1x128xi32, #tpu.memory_space<vmem>> -> memref<128xi32, #tpu.memory_space<vmem>>
      %dma_start3A_40 = arith.constant 0 : i32
      %dma_start3A_41 = tpu.memref_slice %arg4[%mul3A_4, %dma_start3A_40] : memref<2560x128xi32, #tpu.memory_space<hbm>> -> memref<1x128xi32, #tpu.memory_space<hbm>>
      %dma_start3A_42 = tpu.memref_squeeze %dma_start3A_41 : memref<1x128xi32, #tpu.memory_space<hbm>> -> memref<128xi32, #tpu.memory_space<hbm>>
      tpu.enqueue_dma source(%dma_start3A_42 : memref<128xi32, #tpu.memory_space<hbm>>) target(%dma_start3A_39 : memref<128xi32, #tpu.memory_space<vmem>>) target_semaphore(%run_scoped3A_30 : memref<!tpu.dma_semaphore, #tpu.memory_space<semaphore_mem>>)
      %dma_wait3A = arith.constant 0 : i32
      %dma_wait3A_43 = tpu.memref_slice %arg9[%run_scoped3A_5, %dma_wait3A] : memref<2x128xi32, #tpu.memory_space<vmem>> -> memref<1x128xi32, #tpu.memory_space<vmem>>
      %dma_wait3A_44 = tpu.memref_squeeze %dma_wait3A_43 : memref<1x128xi32, #tpu.memory_space<vmem>> -> memref<128xi32, #tpu.memory_space<vmem>>
      %dma_wait3A_45 = arith.constant 0 : i32
      %dma_wait3A_46 = tpu.memref_slice %arg4[%mul3A_4, %dma_wait3A_45] : memref<2560x128xi32, #tpu.memory_space<hbm>> -> memref<1x128xi32, #tpu.memory_space<hbm>>
      %dma_wait3A_47 = tpu.memref_squeeze %dma_wait3A_46 : memref<1x128xi32, #tpu.memory_space<hbm>> -> memref<128xi32, #tpu.memory_space<hbm>>
      %dma_wait3A_48 = arith.constant 0 : i32
      %dma_wait3A_49 = tpu.memref_slice %arg9[%run_scoped3A_5, %dma_wait3A_48] : memref<2x128xi32, #tpu.memory_space<vmem>> -> memref<1x128xi32, #tpu.memory_space<vmem>>
      %dma_wait3A_50 = tpu.memref_squeeze %dma_wait3A_49 : memref<1x128xi32, #tpu.memory_space<vmem>> -> memref<128xi32, #tpu.memory_space<vmem>>
      %dma_wait3A_51 = arith.constant 0 : i32
      %dma_wait3A_52 = tpu.memref_slice %arg4[%mul3A_4, %dma_wait3A_51] : memref<2560x128xi32, #tpu.memory_space<hbm>> -> memref<1x128xi32, #tpu.memory_space<hbm>>
      %dma_wait3A_53 = tpu.memref_squeeze %dma_wait3A_52 : memref<1x128xi32, #tpu.memory_space<hbm>> -> memref<128xi32, #tpu.memory_space<hbm>>
      tpu.wait_dma2 semaphore(%run_scoped3A_30 : memref<!tpu.dma_semaphore, #tpu.memory_space<semaphore_mem>>) src(%dma_wait3A_53 : memref<128xi32, #tpu.memory_space<hbm>>) dst(%dma_wait3A_50 : memref<128xi32, #tpu.memory_space<vmem>>)
      tpu.yield
    }) : () -> ()
    %dma_start3A = arith.constant 0 : i32
    %dma_start3A_6 = arith.constant 0 : i32
    %dma_start3A_7 = arith.constant 0 : i32
    %dma_start3A_8 = arith.constant 0 : i32
    %dma_start3A_9 = tpu.memref_slice %arg10[%dma_start3A_6, %dma_start3A_7, %dma_start3A_8] : memref<2x128x128xf32, #tpu.memory_space<vmem>> -> memref<1x128x128xf32, #tpu.memory_space<vmem>>
    %dma_start3A_10 = tpu.memref_squeeze %dma_start3A_9 : memref<1x128x128xf32, #tpu.memory_space<vmem>> -> memref<128x128xf32, #tpu.memory_space<vmem>>
    %dma_start3A_11 = arith.constant 0 : i32
    %dma_start3A_12 = tpu.memref_slice %arg8[%dma_start3A, %dma_start3A_11] : memref<2x128xi32, #tpu.memory_space<vmem>> -> memref<1x128xi32, #tpu.memory_space<vmem>>
    %dma_start3A_13 = tpu.memref_squeeze %dma_start3A_12 : memref<1x128xi32, #tpu.memory_space<vmem>> -> memref<128xi32, #tpu.memory_space<vmem>>
    %dma_start3A_14 = arith.constant 0 : i32
    %dma_start3A_15 = arith.constant 0 : i32
    %dma_start3A_16 = tpu.memref_slice %arg2[%dma_start3A_14, %dma_start3A_15] : memref<10240x128xf32, #tpu.memory_space<hbm>> -> memref<10240x128xf32, #tpu.memory_space<hbm>>
    tpu.enqueue_indirect_dma source(%dma_start3A_16 : memref<10240x128xf32, #tpu.memory_space<hbm>>) target(%dma_start3A_10 : memref<128x128xf32, #tpu.memory_space<vmem>>) offsets(%dma_start3A_13 : memref<128xi32, #tpu.memory_space<vmem>>) semaphore(%arg12 : memref<!tpu.dma_semaphore, #tpu.memory_space<semaphore_mem>>)
    %scan3A = arith.constant 0 : i32
    %scan3A_17 = arith.constant 0 : i32
    %scan3A_18 = arith.constant 40 : i32
    %scan3A_19 = arith.addi %scan3A_17, %scan3A_18 : i32
    %scan3A_20 = arith.constant 1 : i32
    scf.for %scan3A_30 = %scan3A_17 to %scan3A_19 step %scan3A_20  : i32 {
      %mul3A_31 = arith.constant 2 : i32
      %mul3A_32 = arith.muli %scan3A_30, %mul3A_31 : i32
      %add3A_33 = arith.addi %mul3A_4, %mul3A_32 : i32
      %add3A_34 = arith.constant 1 : i32
      %add3A_35 = arith.addi %add3A_33, %add3A_34 : i32
      %run_scoped3A_36 = arith.constant 1 : i32
      "tpu.region"() ({
        %run_scoped3A_86 = tpu.sem_alloc : memref<!tpu.dma_semaphore, #tpu.memory_space<semaphore_mem>>
        %dma_start3A_87 = arith.constant 0 : i32
        %dma_start3A_88 = tpu.memref_slice %arg8[%run_scoped3A_36, %dma_start3A_87] : memref<2x128xi32, #tpu.memory_space<vmem>> -> memref<1x128xi32, #tpu.memory_space<vmem>>
        %dma_start3A_89 = tpu.memref_squeeze %dma_start3A_88 : memref<1x128xi32, #tpu.memory_space<vmem>> -> memref<128xi32, #tpu.memory_space<vmem>>
        %dma_start3A_90 = arith.constant 0 : i32
        %dma_start3A_91 = tpu.memref_slice %arg3[%add3A_35, %dma_start3A_90] : memref<2560x128xi32, #tpu.memory_space<hbm>> -> memref<1x128xi32, #tpu.memory_space<hbm>>
        %dma_start3A_92 = tpu.memref_squeeze %dma_start3A_91 : memref<1x128xi32, #tpu.memory_space<hbm>> -> memref<128xi32, #tpu.memory_space<hbm>>
        %dma_start3A_93 = arith.constant 0 : i32
        %dma_start3A_94 = tpu.memref_slice %arg8[%run_scoped3A_36, %dma_start3A_93] : memref<2x128xi32, #tpu.memory_space<vmem>> -> memref<1x128xi32, #tpu.memory_space<vmem>>
        %dma_start3A_95 = tpu.memref_squeeze %dma_start3A_94 : memref<1x128xi32, #tpu.memory_space<vmem>> -> memref<128xi32, #tpu.memory_space<vmem>>
        %dma_start3A_96 = arith.constant 0 : i32
        %dma_start3A_97 = tpu.memref_slice %arg3[%add3A_35, %dma_start3A_96] : memref<2560x128xi32, #tpu.memory_space<hbm>> -> memref<1x128xi32, #tpu.memory_space<hbm>>
        %dma_start3A_98 = tpu.memref_squeeze %dma_start3A_97 : memref<1x128xi32, #tpu.memory_space<hbm>> -> memref<128xi32, #tpu.memory_space<hbm>>
        tpu.enqueue_dma source(%dma_start3A_98 : memref<128xi32, #tpu.memory_space<hbm>>) target(%dma_start3A_95 : memref<128xi32, #tpu.memory_space<vmem>>) target_semaphore(%run_scoped3A_86 : memref<!tpu.dma_semaphore, #tpu.memory_space<semaphore_mem>>)
        %dma_wait3A_99 = arith.constant 0 : i32
        %dma_wait3A_100 = tpu.memref_slice %arg8[%run_scoped3A_36, %dma_wait3A_99] : memref<2x128xi32, #tpu.memory_space<vmem>> -> memref<1x128xi32, #tpu.memory_space<vmem>>
        %dma_wait3A_101 = tpu.memref_squeeze %dma_wait3A_100 : memref<1x128xi32, #tpu.memory_space<vmem>> -> memref<128xi32, #tpu.memory_space<vmem>>
        %dma_wait3A_102 = arith.constant 0 : i32
        %dma_wait3A_103 = tpu.memref_slice %arg3[%add3A_35, %dma_wait3A_102] : memref<2560x128xi32, #tpu.memory_space<hbm>> -> memref<1x128xi32, #tpu.memory_space<hbm>>
        %dma_wait3A_104 = tpu.memref_squeeze %dma_wait3A_103 : memref<1x128xi32, #tpu.memory_space<hbm>> -> memref<128xi32, #tpu.memory_space<hbm>>
        %dma_wait3A_105 = arith.constant 0 : i32
        %dma_wait3A_106 = tpu.memref_slice %arg8[%run_scoped3A_36, %dma_wait3A_105] : memref<2x128xi32, #tpu.memory_space<vmem>> -> memref<1x128xi32, #tpu.memory_space<vmem>>
        %dma_wait3A_107 = tpu.memref_squeeze %dma_wait3A_106 : memref<1x128xi32, #tpu.memory_space<vmem>> -> memref<128xi32, #tpu.memory_space<vmem>>
        %dma_wait3A_108 = arith.constant 0 : i32
        %dma_wait3A_109 = tpu.memref_slice %arg3[%add3A_35, %dma_wait3A_108] : memref<2560x128xi32, #tpu.memory_space<hbm>> -> memref<1x128xi32, #tpu.memory_space<hbm>>
        %dma_wait3A_110 = tpu.memref_squeeze %dma_wait3A_109 : memref<1x128xi32, #tpu.memory_space<hbm>> -> memref<128xi32, #tpu.memory_space<hbm>>
        tpu.wait_dma2 semaphore(%run_scoped3A_86 : memref<!tpu.dma_semaphore, #tpu.memory_space<semaphore_mem>>) src(%dma_wait3A_110 : memref<128xi32, #tpu.memory_space<hbm>>) dst(%dma_wait3A_107 : memref<128xi32, #tpu.memory_space<vmem>>)
        tpu.yield
      }) : () -> ()
      %add3A_37 = arith.addi %mul3A_4, %mul3A_32 : i32
      %add3A_38 = arith.constant 1 : i32
      %add3A_39 = arith.addi %add3A_37, %add3A_38 : i32
      %run_scoped3A_40 = arith.constant 1 : i32
      "tpu.region"() ({
        %run_scoped3A_86 = tpu.sem_alloc : memref<!tpu.dma_semaphore, #tpu.memory_space<semaphore_mem>>
        %dma_start3A_87 = arith.constant 0 : i32
        %dma_start3A_88 = tpu.memref_slice %arg9[%run_scoped3A_40, %dma_start3A_87] : memref<2x128xi32, #tpu.memory_space<vmem>> -> memref<1x128xi32, #tpu.memory_space<vmem>>
        %dma_start3A_89 = tpu.memref_squeeze %dma_start3A_88 : memref<1x128xi32, #tpu.memory_space<vmem>> -> memref<128xi32, #tpu.memory_space<vmem>>
        %dma_start3A_90 = arith.constant 0 : i32
        %dma_start3A_91 = tpu.memref_slice %arg4[%add3A_39, %dma_start3A_90] : memref<2560x128xi32, #tpu.memory_space<hbm>> -> memref<1x128xi32, #tpu.memory_space<hbm>>
        %dma_start3A_92 = tpu.memref_squeeze %dma_start3A_91 : memref<1x128xi32, #tpu.memory_space<hbm>> -> memref<128xi32, #tpu.memory_space<hbm>>
        %dma_start3A_93 = arith.constant 0 : i32
        %dma_start3A_94 = tpu.memref_slice %arg9[%run_scoped3A_40, %dma_start3A_93] : memref<2x128xi32, #tpu.memory_space<vmem>> -> memref<1x128xi32, #tpu.memory_space<vmem>>
        %dma_start3A_95 = tpu.memref_squeeze %dma_start3A_94 : memref<1x128xi32, #tpu.memory_space<vmem>> -> memref<128xi32, #tpu.memory_space<vmem>>
        %dma_start3A_96 = arith.constant 0 : i32
        %dma_start3A_97 = tpu.memref_slice %arg4[%add3A_39, %dma_start3A_96] : memref<2560x128xi32, #tpu.memory_space<hbm>> -> memref<1x128xi32, #tpu.memory_space<hbm>>
        %dma_start3A_98 = tpu.memref_squeeze %dma_start3A_97 : memref<1x128xi32, #tpu.memory_space<hbm>> -> memref<128xi32, #tpu.memory_space<hbm>>
        tpu.enqueue_dma source(%dma_start3A_98 : memref<128xi32, #tpu.memory_space<hbm>>) target(%dma_start3A_95 : memref<128xi32, #tpu.memory_space<vmem>>) target_semaphore(%run_scoped3A_86 : memref<!tpu.dma_semaphore, #tpu.memory_space<semaphore_mem>>)
        %dma_wait3A_99 = arith.constant 0 : i32
        %dma_wait3A_100 = tpu.memref_slice %arg9[%run_scoped3A_40, %dma_wait3A_99] : memref<2x128xi32, #tpu.memory_space<vmem>> -> memref<1x128xi32, #tpu.memory_space<vmem>>
        %dma_wait3A_101 = tpu.memref_squeeze %dma_wait3A_100 : memref<1x128xi32, #tpu.memory_space<vmem>> -> memref<128xi32, #tpu.memory_space<vmem>>
        %dma_wait3A_102 = arith.constant 0 : i32
        %dma_wait3A_103 = tpu.memref_slice %arg4[%add3A_39, %dma_wait3A_102] : memref<2560x128xi32, #tpu.memory_space<hbm>> -> memref<1x128xi32, #tpu.memory_space<hbm>>
        %dma_wait3A_104 = tpu.memref_squeeze %dma_wait3A_103 : memref<1x128xi32, #tpu.memory_space<hbm>> -> memref<128xi32, #tpu.memory_space<hbm>>
        %dma_wait3A_105 = arith.constant 0 : i32
        %dma_wait3A_106 = tpu.memref_slice %arg9[%run_scoped3A_40, %dma_wait3A_105] : memref<2x128xi32, #tpu.memory_space<vmem>> -> memref<1x128xi32, #tpu.memory_space<vmem>>
        %dma_wait3A_107 = tpu.memref_squeeze %dma_wait3A_106 : memref<1x128xi32, #tpu.memory_space<vmem>> -> memref<128xi32, #tpu.memory_space<vmem>>
        %dma_wait3A_108 = arith.constant 0 : i32
        %dma_wait3A_109 = tpu.memref_slice %arg4[%add3A_39, %dma_wait3A_108] : memref<2560x128xi32, #tpu.memory_space<hbm>> -> memref<1x128xi32, #tpu.memory_space<hbm>>
        %dma_wait3A_110 = tpu.memref_squeeze %dma_wait3A_109 : memref<1x128xi32, #tpu.memory_space<hbm>> -> memref<128xi32, #tpu.memory_space<hbm>>
        tpu.wait_dma2 semaphore(%run_scoped3A_86 : memref<!tpu.dma_semaphore, #tpu.memory_space<semaphore_mem>>) src(%dma_wait3A_110 : memref<128xi32, #tpu.memory_space<hbm>>) dst(%dma_wait3A_107 : memref<128xi32, #tpu.memory_space<vmem>>)
        tpu.yield
      }) : () -> ()
      %dma_start3A_41 = arith.constant 1 : i32
      %dma_start3A_42 = arith.constant 1 : i32
      %dma_start3A_43 = arith.constant 0 : i32
      %dma_start3A_44 = arith.constant 0 : i32
      %dma_start3A_45 = tpu.memref_slice %arg10[%dma_start3A_42, %dma_start3A_43, %dma_start3A_44] : memref<2x128x128xf32, #tpu.memory_space<vmem>> -> memref<1x128x128xf32, #tpu.memory_space<vmem>>
      %dma_start3A_46 = tpu.memref_squeeze %dma_start3A_45 : memref<1x128x128xf32, #tpu.memory_space<vmem>> -> memref<128x128xf32, #tpu.memory_space<vmem>>
      %dma_start3A_47 = arith.constant 0 : i32
      %dma_start3A_48 = tpu.memref_slice %arg8[%dma_start3A_41, %dma_start3A_47] : memref<2x128xi32, #tpu.memory_space<vmem>> -> memref<1x128xi32, #tpu.memory_space<vmem>>
      %dma_start3A_49 = tpu.memref_squeeze %dma_start3A_48 : memref<1x128xi32, #tpu.memory_space<vmem>> -> memref<128xi32, #tpu.memory_space<vmem>>
      %dma_start3A_50 = arith.constant 0 : i32
      %dma_start3A_51 = arith.constant 0 : i32
      %dma_start3A_52 = tpu.memref_slice %arg2[%dma_start3A_50, %dma_start3A_51] : memref<10240x128xf32, #tpu.memory_space<hbm>> -> memref<10240x128xf32, #tpu.memory_space<hbm>>
      tpu.enqueue_indirect_dma source(%dma_start3A_52 : memref<10240x128xf32, #tpu.memory_space<hbm>>) target(%dma_start3A_46 : memref<128x128xf32, #tpu.memory_space<vmem>>) offsets(%dma_start3A_49 : memref<128xi32, #tpu.memory_space<vmem>>) semaphore(%arg13 : memref<!tpu.dma_semaphore, #tpu.memory_space<semaphore_mem>>)
      %dma_wait3A = arith.constant 0 : i32
      %dma_wait3A_53 = arith.constant 0 : i32
      %dma_wait3A_54 = arith.constant 0 : i32
      %dma_wait3A_55 = arith.constant 0 : i32
      %dma_wait3A_56 = tpu.memref_slice %arg10[%dma_wait3A_53, %dma_wait3A_54, %dma_wait3A_55] : memref<2x128x128xf32, #tpu.memory_space<vmem>> -> memref<1x128x128xf32, #tpu.memory_space<vmem>>
      %dma_wait3A_57 = tpu.memref_squeeze %dma_wait3A_56 : memref<1x128x128xf32, #tpu.memory_space<vmem>> -> memref<128x128xf32, #tpu.memory_space<vmem>>
      %dma_wait3A_58 = arith.constant 0 : i32
      %dma_wait3A_59 = tpu.memref_slice %arg8[%dma_wait3A, %dma_wait3A_58] : memref<2x128xi32, #tpu.memory_space<vmem>> -> memref<1x128xi32, #tpu.memory_space<vmem>>
      %dma_wait3A_60 = tpu.memref_squeeze %dma_wait3A_59 : memref<1x128xi32, #tpu.memory_space<vmem>> -> memref<128xi32, #tpu.memory_space<vmem>>
      %dma_wait3A_61 = arith.constant 0 : i32
      %dma_wait3A_62 = arith.constant 0 : i32
      %dma_wait3A_63 = tpu.memref_slice %arg2[%dma_wait3A_61, %dma_wait3A_62] : memref<10240x128xf32, #tpu.memory_space<hbm>> -> memref<10240x128xf32, #tpu.memory_space<hbm>>
      tpu.wait_indirect_dma semaphore(%arg12 : memref<!tpu.dma_semaphore, #tpu.memory_space<semaphore_mem>>) src(%dma_wait3A_63 : memref<10240x128xf32, #tpu.memory_space<hbm>>) dst(%dma_wait3A_57 : memref<128x128xf32, #tpu.memory_space<vmem>>)
      %run_scoped3A_64 = arith.constant 0 : i32
      %run_scoped3A_65 = arith.constant 0 : i32
      "tpu.region"() ({
        %run_scoped3A_86 = tpu.sem_alloc : memref<!tpu.dma_semaphore, #tpu.memory_space<semaphore_mem>>
        %dma_start3A_87 = arith.constant 0 : i32
        %dma_start3A_88 = arith.constant 0 : i32
        %dma_start3A_89 = tpu.memref_slice %arg10[%run_scoped3A_64, %dma_start3A_87, %dma_start3A_88] : memref<2x128x128xf32, #tpu.memory_space<vmem>> -> memref<1x128x128xf32, #tpu.memory_space<vmem>>
        %dma_start3A_90 = tpu.memref_squeeze %dma_start3A_89 : memref<1x128x128xf32, #tpu.memory_space<vmem>> -> memref<128x128xf32, #tpu.memory_space<vmem>>
        %dma_start3A_91 = arith.constant 0 : i32
        %dma_start3A_92 = tpu.memref_slice %arg9[%run_scoped3A_65, %dma_start3A_91] : memref<2x128xi32, #tpu.memory_space<vmem>> -> memref<1x128xi32, #tpu.memory_space<vmem>>
        %dma_start3A_93 = tpu.memref_squeeze %dma_start3A_92 : memref<1x128xi32, #tpu.memory_space<vmem>> -> memref<128xi32, #tpu.memory_space<vmem>>
        %dma_start3A_94 = arith.constant 0 : i32
        %dma_start3A_95 = arith.constant 0 : i32
        %dma_start3A_96 = tpu.memref_slice %arg11[%dma_start3A_94, %dma_start3A_95] : memref<10240x128xf32, #tpu.memory_space<vmem_shared>> -> memref<10240x128xf32, #tpu.memory_space<vmem_shared>>
        tpu.enqueue_indirect_dma source(%dma_start3A_90 : memref<128x128xf32, #tpu.memory_space<vmem>>) target(%dma_start3A_96 : memref<10240x128xf32, #tpu.memory_space<vmem_shared>>) offsets(%dma_start3A_93 : memref<128xi32, #tpu.memory_space<vmem>>) semaphore(%run_scoped3A_86 : memref<!tpu.dma_semaphore, #tpu.memory_space<semaphore_mem>>) {add = true}
        %dma_wait3A_97 = arith.constant 0 : i32
        %dma_wait3A_98 = arith.constant 0 : i32
        %dma_wait3A_99 = tpu.memref_slice %arg10[%run_scoped3A_64, %dma_wait3A_97, %dma_wait3A_98] : memref<2x128x128xf32, #tpu.memory_space<vmem>> -> memref<1x128x128xf32, #tpu.memory_space<vmem>>
        %dma_wait3A_100 = tpu.memref_squeeze %dma_wait3A_99 : memref<1x128x128xf32, #tpu.memory_space<vmem>> -> memref<128x128xf32, #tpu.memory_space<vmem>>
        %dma_wait3A_101 = arith.constant 0 : i32
        %dma_wait3A_102 = tpu.memref_slice %arg9[%run_scoped3A_65, %dma_wait3A_101] : memref<2x128xi32, #tpu.memory_space<vmem>> -> memref<1x128xi32, #tpu.memory_space<vmem>>
        %dma_wait3A_103 = tpu.memref_squeeze %dma_wait3A_102 : memref<1x128xi32, #tpu.memory_space<vmem>> -> memref<128xi32, #tpu.memory_space<vmem>>
        %dma_wait3A_104 = arith.constant 0 : i32
        %dma_wait3A_105 = arith.constant 0 : i32
        %dma_wait3A_106 = tpu.memref_slice %arg11[%dma_wait3A_104, %dma_wait3A_105] : memref<10240x128xf32, #tpu.memory_space<vmem_shared>> -> memref<10240x128xf32, #tpu.memory_space<vmem_shared>>
        tpu.wait_indirect_dma semaphore(%run_scoped3A_86 : memref<!tpu.dma_semaphore, #tpu.memory_space<semaphore_mem>>) src(%dma_wait3A_100 : memref<128x128xf32, #tpu.memory_space<vmem>>) dst(%dma_wait3A_106 : memref<10240x128xf32, #tpu.memory_space<vmem_shared>>)
        tpu.yield
      }) : () -> ()
      %add3A_66 = arith.constant 2 : i32
      %add3A_67 = arith.addi %mul3A_32, %add3A_66 : i32
      %lt3A = arith.constant 80 : i32
      %lt3A_68 = arith.cmpi slt, %add3A_67, %lt3A : i32
      %convert_element_type3A_69 = arith.extui %lt3A_68 : i1 to i32
      %cond3A_70 = arith.constant 0 : i32
      %cond3A_71 = arith.cmpi ne, %convert_element_type3A_69, %cond3A_70 : i32
      scf.if %cond3A_71 {
        %add3A_86 = arith.addi %mul3A_4, %mul3A_32 : i32
        %add3A_87 = arith.constant 2 : i32
        %add3A_88 = arith.addi %add3A_86, %add3A_87 : i32
        %run_scoped3A_89 = arith.constant 0 : i32
        "tpu.region"() ({
          %run_scoped3A_106 = tpu.sem_alloc : memref<!tpu.dma_semaphore, #tpu.memory_space<semaphore_mem>>
          %dma_start3A_107 = arith.constant 0 : i32
          %dma_start3A_108 = tpu.memref_slice %arg8[%run_scoped3A_89, %dma_start3A_107] : memref<2x128xi32, #tpu.memory_space<vmem>> -> memref<1x128xi32, #tpu.memory_space<vmem>>
          %dma_start3A_109 = tpu.memref_squeeze %dma_start3A_108 : memref<1x128xi32, #tpu.memory_space<vmem>> -> memref<128xi32, #tpu.memory_space<vmem>>
          %dma_start3A_110 = arith.constant 0 : i32
          %dma_start3A_111 = tpu.memref_slice %arg3[%add3A_88, %dma_start3A_110] : memref<2560x128xi32, #tpu.memory_space<hbm>> -> memref<1x128xi32, #tpu.memory_space<hbm>>
          %dma_start3A_112 = tpu.memref_squeeze %dma_start3A_111 : memref<1x128xi32, #tpu.memory_space<hbm>> -> memref<128xi32, #tpu.memory_space<hbm>>
          %dma_start3A_113 = arith.constant 0 : i32
          %dma_start3A_114 = tpu.memref_slice %arg8[%run_scoped3A_89, %dma_start3A_113] : memref<2x128xi32, #tpu.memory_space<vmem>> -> memref<1x128xi32, #tpu.memory_space<vmem>>
          %dma_start3A_115 = tpu.memref_squeeze %dma_start3A_114 : memref<1x128xi32, #tpu.memory_space<vmem>> -> memref<128xi32, #tpu.memory_space<vmem>>
          %dma_start3A_116 = arith.constant 0 : i32
          %dma_start3A_117 = tpu.memref_slice %arg3[%add3A_88, %dma_start3A_116] : memref<2560x128xi32, #tpu.memory_space<hbm>> -> memref<1x128xi32, #tpu.memory_space<hbm>>
          %dma_start3A_118 = tpu.memref_squeeze %dma_start3A_117 : memref<1x128xi32, #tpu.memory_space<hbm>> -> memref<128xi32, #tpu.memory_space<hbm>>
          tpu.enqueue_dma source(%dma_start3A_118 : memref<128xi32, #tpu.memory_space<hbm>>) target(%dma_start3A_115 : memref<128xi32, #tpu.memory_space<vmem>>) target_semaphore(%run_scoped3A_106 : memref<!tpu.dma_semaphore, #tpu.memory_space<semaphore_mem>>)
          %dma_wait3A_119 = arith.constant 0 : i32
          %dma_wait3A_120 = tpu.memref_slice %arg8[%run_scoped3A_89, %dma_wait3A_119] : memref<2x128xi32, #tpu.memory_space<vmem>> -> memref<1x128xi32, #tpu.memory_space<vmem>>
          %dma_wait3A_121 = tpu.memref_squeeze %dma_wait3A_120 : memref<1x128xi32, #tpu.memory_space<vmem>> -> memref<128xi32, #tpu.memory_space<vmem>>
          %dma_wait3A_122 = arith.constant 0 : i32
          %dma_wait3A_123 = tpu.memref_slice %arg3[%add3A_88, %dma_wait3A_122] : memref<2560x128xi32, #tpu.memory_space<hbm>> -> memref<1x128xi32, #tpu.memory_space<hbm>>
          %dma_wait3A_124 = tpu.memref_squeeze %dma_wait3A_123 : memref<1x128xi32, #tpu.memory_space<hbm>> -> memref<128xi32, #tpu.memory_space<hbm>>
          %dma_wait3A_125 = arith.constant 0 : i32
          %dma_wait3A_126 = tpu.memref_slice %arg8[%run_scoped3A_89, %dma_wait3A_125] : memref<2x128xi32, #tpu.memory_space<vmem>> -> memref<1x128xi32, #tpu.memory_space<vmem>>
          %dma_wait3A_127 = tpu.memref_squeeze %dma_wait3A_126 : memref<1x128xi32, #tpu.memory_space<vmem>> -> memref<128xi32, #tpu.memory_space<vmem>>
          %dma_wait3A_128 = arith.constant 0 : i32
          %dma_wait3A_129 = tpu.memref_slice %arg3[%add3A_88, %dma_wait3A_128] : memref<2560x128xi32, #tpu.memory_space<hbm>> -> memref<1x128xi32, #tpu.memory_space<hbm>>
          %dma_wait3A_130 = tpu.memref_squeeze %dma_wait3A_129 : memref<1x128xi32, #tpu.memory_space<hbm>> -> memref<128xi32, #tpu.memory_space<hbm>>
          tpu.wait_dma2 semaphore(%run_scoped3A_106 : memref<!tpu.dma_semaphore, #tpu.memory_space<semaphore_mem>>) src(%dma_wait3A_130 : memref<128xi32, #tpu.memory_space<hbm>>) dst(%dma_wait3A_127 : memref<128xi32, #tpu.memory_space<vmem>>)
          tpu.yield
        }) : () -> ()
        %add3A_90 = arith.addi %mul3A_4, %mul3A_32 : i32
        %add3A_91 = arith.constant 2 : i32
        %add3A_92 = arith.addi %add3A_90, %add3A_91 : i32
        %run_scoped3A_93 = arith.constant 0 : i32
        "tpu.region"() ({
          %run_scoped3A_106 = tpu.sem_alloc : memref<!tpu.dma_semaphore, #tpu.memory_space<semaphore_mem>>
          %dma_start3A_107 = arith.constant 0 : i32
          %dma_start3A_108 = tpu.memref_slice %arg9[%run_scoped3A_93, %dma_start3A_107] : memref<2x128xi32, #tpu.memory_space<vmem>> -> memref<1x128xi32, #tpu.memory_space<vmem>>
          %dma_start3A_109 = tpu.memref_squeeze %dma_start3A_108 : memref<1x128xi32, #tpu.memory_space<vmem>> -> memref<128xi32, #tpu.memory_space<vmem>>
          %dma_start3A_110 = arith.constant 0 : i32
          %dma_start3A_111 = tpu.memref_slice %arg4[%add3A_92, %dma_start3A_110] : memref<2560x128xi32, #tpu.memory_space<hbm>> -> memref<1x128xi32, #tpu.memory_space<hbm>>
          %dma_start3A_112 = tpu.memref_squeeze %dma_start3A_111 : memref<1x128xi32, #tpu.memory_space<hbm>> -> memref<128xi32, #tpu.memory_space<hbm>>
          %dma_start3A_113 = arith.constant 0 : i32
          %dma_start3A_114 = tpu.memref_slice %arg9[%run_scoped3A_93, %dma_start3A_113] : memref<2x128xi32, #tpu.memory_space<vmem>> -> memref<1x128xi32, #tpu.memory_space<vmem>>
          %dma_start3A_115 = tpu.memref_squeeze %dma_start3A_114 : memref<1x128xi32, #tpu.memory_space<vmem>> -> memref<128xi32, #tpu.memory_space<vmem>>
          %dma_start3A_116 = arith.constant 0 : i32
          %dma_start3A_117 = tpu.memref_slice %arg4[%add3A_92, %dma_start3A_116] : memref<2560x128xi32, #tpu.memory_space<hbm>> -> memref<1x128xi32, #tpu.memory_space<hbm>>
          %dma_start3A_118 = tpu.memref_squeeze %dma_start3A_117 : memref<1x128xi32, #tpu.memory_space<hbm>> -> memref<128xi32, #tpu.memory_space<hbm>>
          tpu.enqueue_dma source(%dma_start3A_118 : memref<128xi32, #tpu.memory_space<hbm>>) target(%dma_start3A_115 : memref<128xi32, #tpu.memory_space<vmem>>) target_semaphore(%run_scoped3A_106 : memref<!tpu.dma_semaphore, #tpu.memory_space<semaphore_mem>>)
          %dma_wait3A_119 = arith.constant 0 : i32
          %dma_wait3A_120 = tpu.memref_slice %arg9[%run_scoped3A_93, %dma_wait3A_119] : memref<2x128xi32, #tpu.memory_space<vmem>> -> memref<1x128xi32, #tpu.memory_space<vmem>>
          %dma_wait3A_121 = tpu.memref_squeeze %dma_wait3A_120 : memref<1x128xi32, #tpu.memory_space<vmem>> -> memref<128xi32, #tpu.memory_space<vmem>>
          %dma_wait3A_122 = arith.constant 0 : i32
          %dma_wait3A_123 = tpu.memref_slice %arg4[%add3A_92, %dma_wait3A_122] : memref<2560x128xi32, #tpu.memory_space<hbm>> -> memref<1x128xi32, #tpu.memory_space<hbm>>
          %dma_wait3A_124 = tpu.memref_squeeze %dma_wait3A_123 : memref<1x128xi32, #tpu.memory_space<hbm>> -> memref<128xi32, #tpu.memory_space<hbm>>
          %dma_wait3A_125 = arith.constant 0 : i32
          %dma_wait3A_126 = tpu.memref_slice %arg9[%run_scoped3A_93, %dma_wait3A_125] : memref<2x128xi32, #tpu.memory_space<vmem>> -> memref<1x128xi32, #tpu.memory_space<vmem>>
          %dma_wait3A_127 = tpu.memref_squeeze %dma_wait3A_126 : memref<1x128xi32, #tpu.memory_space<vmem>> -> memref<128xi32, #tpu.memory_space<vmem>>
          %dma_wait3A_128 = arith.constant 0 : i32
          %dma_wait3A_129 = tpu.memref_slice %arg4[%add3A_92, %dma_wait3A_128] : memref<2560x128xi32, #tpu.memory_space<hbm>> -> memref<1x128xi32, #tpu.memory_space<hbm>>
          %dma_wait3A_130 = tpu.memref_squeeze %dma_wait3A_129 : memref<1x128xi32, #tpu.memory_space<hbm>> -> memref<128xi32, #tpu.memory_space<hbm>>
          tpu.wait_dma2 semaphore(%run_scoped3A_106 : memref<!tpu.dma_semaphore, #tpu.memory_space<semaphore_mem>>) src(%dma_wait3A_130 : memref<128xi32, #tpu.memory_space<hbm>>) dst(%dma_wait3A_127 : memref<128xi32, #tpu.memory_space<vmem>>)
          tpu.yield
        }) : () -> ()
        %dma_start3A_94 = arith.constant 0 : i32
        %dma_start3A_95 = arith.constant 0 : i32
        %dma_start3A_96 = arith.constant 0 : i32
        %dma_start3A_97 = arith.constant 0 : i32
        %dma_start3A_98 = tpu.memref_slice %arg10[%dma_start3A_95, %dma_start3A_96, %dma_start3A_97] : memref<2x128x128xf32, #tpu.memory_space<vmem>> -> memref<1x128x128xf32, #tpu.memory_space<vmem>>
        %dma_start3A_99 = tpu.memref_squeeze %dma_start3A_98 : memref<1x128x128xf32, #tpu.memory_space<vmem>> -> memref<128x128xf32, #tpu.memory_space<vmem>>
        %dma_start3A_100 = arith.constant 0 : i32
        %dma_start3A_101 = tpu.memref_slice %arg8[%dma_start3A_94, %dma_start3A_100] : memref<2x128xi32, #tpu.memory_space<vmem>> -> memref<1x128xi32, #tpu.memory_space<vmem>>
        %dma_start3A_102 = tpu.memref_squeeze %dma_start3A_101 : memref<1x128xi32, #tpu.memory_space<vmem>> -> memref<128xi32, #tpu.memory_space<vmem>>
        %dma_start3A_103 = arith.constant 0 : i32
        %dma_start3A_104 = arith.constant 0 : i32
        %dma_start3A_105 = tpu.memref_slice %arg2[%dma_start3A_103, %dma_start3A_104] : memref<10240x128xf32, #tpu.memory_space<hbm>> -> memref<10240x128xf32, #tpu.memory_space<hbm>>
        tpu.enqueue_indirect_dma source(%dma_start3A_105 : memref<10240x128xf32, #tpu.memory_space<hbm>>) target(%dma_start3A_99 : memref<128x128xf32, #tpu.memory_space<vmem>>) offsets(%dma_start3A_102 : memref<128xi32, #tpu.memory_space<vmem>>) semaphore(%arg12 : memref<!tpu.dma_semaphore, #tpu.memory_space<semaphore_mem>>)
      } else {
      }
      %dma_wait3A_72 = arith.constant 1 : i32
      %dma_wait3A_73 = arith.constant 1 : i32
      %dma_wait3A_74 = arith.constant 0 : i32
      %dma_wait3A_75 = arith.constant 0 : i32
      %dma_wait3A_76 = tpu.memref_slice %arg10[%dma_wait3A_73, %dma_wait3A_74, %dma_wait3A_75] : memref<2x128x128xf32, #tpu.memory_space<vmem>> -> memref<1x128x128xf32, #tpu.memory_space<vmem>>
      %dma_wait3A_77 = tpu.memref_squeeze %dma_wait3A_76 : memref<1x128x128xf32, #tpu.memory_space<vmem>> -> memref<128x128xf32, #tpu.memory_space<vmem>>
      %dma_wait3A_78 = arith.constant 0 : i32
      %dma_wait3A_79 = tpu.memref_slice %arg8[%dma_wait3A_72, %dma_wait3A_78] : memref<2x128xi32, #tpu.memory_space<vmem>> -> memref<1x128xi32, #tpu.memory_space<vmem>>
      %dma_wait3A_80 = tpu.memref_squeeze %dma_wait3A_79 : memref<1x128xi32, #tpu.memory_space<vmem>> -> memref<128xi32, #tpu.memory_space<vmem>>
      %dma_wait3A_81 = arith.constant 0 : i32
      %dma_wait3A_82 = arith.constant 0 : i32
      %dma_wait3A_83 = tpu.memref_slice %arg2[%dma_wait3A_81, %dma_wait3A_82] : memref<10240x128xf32, #tpu.memory_space<hbm>> -> memref<10240x128xf32, #tpu.memory_space<hbm>>
      tpu.wait_indirect_dma semaphore(%arg13 : memref<!tpu.dma_semaphore, #tpu.memory_space<semaphore_mem>>) src(%dma_wait3A_83 : memref<10240x128xf32, #tpu.memory_space<hbm>>) dst(%dma_wait3A_77 : memref<128x128xf32, #tpu.memory_space<vmem>>)
      %run_scoped3A_84 = arith.constant 1 : i32
      %run_scoped3A_85 = arith.constant 1 : i32
      "tpu.region"() ({
        %run_scoped3A_86 = tpu.sem_alloc : memref<!tpu.dma_semaphore, #tpu.memory_space<semaphore_mem>>
        %dma_start3A_87 = arith.constant 0 : i32
        %dma_start3A_88 = arith.constant 0 : i32
        %dma_start3A_89 = tpu.memref_slice %arg10[%run_scoped3A_84, %dma_start3A_87, %dma_start3A_88] : memref<2x128x128xf32, #tpu.memory_space<vmem>> -> memref<1x128x128xf32, #tpu.memory_space<vmem>>
        %dma_start3A_90 = tpu.memref_squeeze %dma_start3A_89 : memref<1x128x128xf32, #tpu.memory_space<vmem>> -> memref<128x128xf32, #tpu.memory_space<vmem>>
        %dma_start3A_91 = arith.constant 0 : i32
        %dma_start3A_92 = tpu.memref_slice %arg9[%run_scoped3A_85, %dma_start3A_91] : memref<2x128xi32, #tpu.memory_space<vmem>> -> memref<1x128xi32, #tpu.memory_space<vmem>>
        %dma_start3A_93 = tpu.memref_squeeze %dma_start3A_92 : memref<1x128xi32, #tpu.memory_space<vmem>> -> memref<128xi32, #tpu.memory_space<vmem>>
        %dma_start3A_94 = arith.constant 0 : i32
        %dma_start3A_95 = arith.constant 0 : i32
        %dma_start3A_96 = tpu.memref_slice %arg11[%dma_start3A_94, %dma_start3A_95] : memref<10240x128xf32, #tpu.memory_space<vmem_shared>> -> memref<10240x128xf32, #tpu.memory_space<vmem_shared>>
        tpu.enqueue_indirect_dma source(%dma_start3A_90 : memref<128x128xf32, #tpu.memory_space<vmem>>) target(%dma_start3A_96 : memref<10240x128xf32, #tpu.memory_space<vmem_shared>>) offsets(%dma_start3A_93 : memref<128xi32, #tpu.memory_space<vmem>>) semaphore(%run_scoped3A_86 : memref<!tpu.dma_semaphore, #tpu.memory_space<semaphore_mem>>) {add = true}
        %dma_wait3A_97 = arith.constant 0 : i32
        %dma_wait3A_98 = arith.constant 0 : i32
        %dma_wait3A_99 = tpu.memref_slice %arg10[%run_scoped3A_84, %dma_wait3A_97, %dma_wait3A_98] : memref<2x128x128xf32, #tpu.memory_space<vmem>> -> memref<1x128x128xf32, #tpu.memory_space<vmem>>
        %dma_wait3A_100 = tpu.memref_squeeze %dma_wait3A_99 : memref<1x128x128xf32, #tpu.memory_space<vmem>> -> memref<128x128xf32, #tpu.memory_space<vmem>>
        %dma_wait3A_101 = arith.constant 0 : i32
        %dma_wait3A_102 = tpu.memref_slice %arg9[%run_scoped3A_85, %dma_wait3A_101] : memref<2x128xi32, #tpu.memory_space<vmem>> -> memref<1x128xi32, #tpu.memory_space<vmem>>
        %dma_wait3A_103 = tpu.memref_squeeze %dma_wait3A_102 : memref<1x128xi32, #tpu.memory_space<vmem>> -> memref<128xi32, #tpu.memory_space<vmem>>
        %dma_wait3A_104 = arith.constant 0 : i32
        %dma_wait3A_105 = arith.constant 0 : i32
        %dma_wait3A_106 = tpu.memref_slice %arg11[%dma_wait3A_104, %dma_wait3A_105] : memref<10240x128xf32, #tpu.memory_space<vmem_shared>> -> memref<10240x128xf32, #tpu.memory_space<vmem_shared>>
        tpu.wait_indirect_dma semaphore(%run_scoped3A_86 : memref<!tpu.dma_semaphore, #tpu.memory_space<semaphore_mem>>) src(%dma_wait3A_100 : memref<128x128xf32, #tpu.memory_space<vmem>>) dst(%dma_wait3A_106 : memref<10240x128xf32, #tpu.memory_space<vmem_shared>>)
        tpu.yield
      }) : () -> ()
    }
    %scan3A_21 = arith.constant 40 : i32
    %barrier3A_22 = arith.constant 0 : index
    tpu.barrier barrier_id(%barrier3A_22)
    %eq3A = arith.constant 0 : i32
    %eq3A_23 = arith.cmpi eq, %arg0, %eq3A : i32
    %convert_element_type3A = arith.extui %eq3A_23 : i1 to i32
    %cond3A = arith.constant 0 : i32
    %cond3A_24 = arith.cmpi ne, %convert_element_type3A, %cond3A : i32
    scf.if %cond3A_24 {
      "tpu.region"() ({
        %run_scoped3A_30 = tpu.sem_alloc : memref<!tpu.dma_semaphore, #tpu.memory_space<semaphore_mem>>
        %dma_start3A_31 = arith.constant 0 : i32
        %dma_start3A_32 = tpu.memref_slice %arg6[%multiple_of3A, %dma_start3A_31] : memref<10240x128xf32, #tpu.memory_space<hbm>> -> memref<640x128xf32, #tpu.memory_space<hbm>>
        %dma_start3A_33 = arith.constant 0 : i32
        %dma_start3A_34 = tpu.memref_slice %arg11[%multiple_of3A, %dma_start3A_33] : memref<10240x128xf32, #tpu.memory_space<vmem_shared>> -> memref<640x128xf32, #tpu.memory_space<vmem_shared>>
        tpu.enqueue_dma source(%dma_start3A_34 : memref<640x128xf32, #tpu.memory_space<vmem_shared>>) target(%dma_start3A_32 : memref<640x128xf32, #tpu.memory_space<hbm>>) target_semaphore(%run_scoped3A_30 : memref<!tpu.dma_semaphore, #tpu.memory_space<semaphore_mem>>)
        %dma_wait3A = arith.constant 0 : i32
        %dma_wait3A_35 = tpu.memref_slice %arg6[%multiple_of3A, %dma_wait3A] : memref<10240x128xf32, #tpu.memory_space<hbm>> -> memref<640x128xf32, #tpu.memory_space<hbm>>
        %dma_wait3A_36 = arith.constant 0 : i32
        %dma_wait3A_37 = tpu.memref_slice %arg11[%multiple_of3A, %dma_wait3A_36] : memref<10240x128xf32, #tpu.memory_space<vmem_shared>> -> memref<640x128xf32, #tpu.memory_space<vmem_shared>>
        tpu.wait_dma2 semaphore(%run_scoped3A_30 : memref<!tpu.dma_semaphore, #tpu.memory_space<semaphore_mem>>) src(%dma_wait3A_37 : memref<640x128xf32, #tpu.memory_space<vmem_shared>>) dst(%dma_wait3A_35 : memref<640x128xf32, #tpu.memory_space<hbm>>)
        tpu.yield
      }) : () -> ()
    } else {
    }
    %eq3A_25 = arith.constant 1 : i32
    %eq3A_26 = arith.cmpi eq, %arg0, %eq3A_25 : i32
    %convert_element_type3A_27 = arith.extui %eq3A_26 : i1 to i32
    %cond3A_28 = arith.constant 0 : i32
    %cond3A_29 = arith.cmpi ne, %convert_element_type3A_27, %cond3A_28 : i32
    scf.if %cond3A_29 {
      "tpu.region"() ({
        %run_scoped3A_30 = tpu.sem_alloc : memref<!tpu.dma_semaphore, #tpu.memory_space<semaphore_mem>>
        %dma_start3A_31 = arith.constant 0 : i32
        %dma_start3A_32 = tpu.memref_slice %arg7[%multiple_of3A, %dma_start3A_31] : memref<10240x128xf32, #tpu.memory_space<hbm>> -> memref<640x128xf32, #tpu.memory_space<hbm>>
        %dma_start3A_33 = arith.constant 0 : i32
        %dma_start3A_34 = tpu.memref_slice %arg11[%multiple_of3A, %dma_start3A_33] : memref<10240x128xf32, #tpu.memory_space<vmem_shared>> -> memref<640x128xf32, #tpu.memory_space<vmem_shared>>
        tpu.enqueue_dma source(%dma_start3A_34 : memref<640x128xf32, #tpu.memory_space<vmem_shared>>) target(%dma_start3A_32 : memref<640x128xf32, #tpu.memory_space<hbm>>) target_semaphore(%run_scoped3A_30 : memref<!tpu.dma_semaphore, #tpu.memory_space<semaphore_mem>>)
        %dma_wait3A = arith.constant 0 : i32
        %dma_wait3A_35 = tpu.memref_slice %arg7[%multiple_of3A, %dma_wait3A] : memref<10240x128xf32, #tpu.memory_space<hbm>> -> memref<640x128xf32, #tpu.memory_space<hbm>>
        %dma_wait3A_36 = arith.constant 0 : i32
        %dma_wait3A_37 = tpu.memref_slice %arg11[%multiple_of3A, %dma_wait3A_36] : memref<10240x128xf32, #tpu.memory_space<vmem_shared>> -> memref<640x128xf32, #tpu.memory_space<vmem_shared>>
        tpu.wait_dma2 semaphore(%run_scoped3A_30 : memref<!tpu.dma_semaphore, #tpu.memory_space<semaphore_mem>>) src(%dma_wait3A_37 : memref<640x128xf32, #tpu.memory_space<vmem_shared>>) dst(%dma_wait3A_35 : memref<640x128xf32, #tpu.memory_space<hbm>>)
        tpu.yield
      }) : () -> ()
    } else {
    }
    return
  }
}

#map = affine_map<(d0, d1) -> (0, 0)>
module attributes {stable_mosaic.version = 14 : i64} {
  func.func @agg(%arg0: i32, %arg1: i32, %arg2: memref<10240x128xf32, #tpu.memory_space<hbm>>, %arg3: memref<2560x128xi32, #tpu.memory_space<hbm>>, %arg4: memref<2560x128xi32, #tpu.memory_space<hbm>>, %arg5: memref<10240x128xf32, #tpu.memory_space<hbm>>, %arg6: memref<10240x128xf32, #tpu.memory_space<hbm>>, %arg7: memref<10240x128xf32, #tpu.memory_space<hbm>>, %arg8: memref<2x128xi32, #tpu.memory_space<vmem>>, %arg9: memref<2x128xi32, #tpu.memory_space<vmem>>, %arg10: memref<2x128x128xf32, #tpu.memory_space<vmem>>, %arg11: memref<10240x128xf32, #tpu.memory_space<vmem_shared>>, %arg12: memref<!tpu.dma_semaphore, #tpu.memory_space<semaphore_mem>>, %arg13: memref<!tpu.dma_semaphore, #tpu.memory_space<semaphore_mem>>) attributes {dimension_semantics = [#tpu.dimension_semantics<core_parallel>, #tpu.dimension_semantics<subcore_parallel>], iteration_bounds = array<i64: 2, 16>, scalar_prefetch = 0 : i64, scratch_operands = 6 : i64, tpu.core_type = #tpu.core_type<sc_vector_subcore>, window_params = [{transform_indices = #map}, {transform_indices = #map}, {transform_indices = #map}, {transform_indices = #map}, {transform_indices = #map}, {transform_indices = #map}]} {
    %mul3A = arith.constant 640 : i32
    %mul3A_0 = arith.muli %arg1, %mul3A : i32
    %multiple_of3A = tpu.assume_multiple %mul3A_0, 8 : i32
    %mul3A_1 = arith.constant 16 : i32
    %mul3A_2 = arith.muli %arg0, %mul3A_1 : i32
    %add3A = arith.addi %mul3A_2, %arg1 : i32
    %mul3A_3 = arith.constant 80 : i32
    %mul3A_4 = arith.muli %add3A, %mul3A_3 : i32
    "tpu.region"() ({
      %run_scoped3A_30 = tpu.sem_alloc : memref<!tpu.dma_semaphore, #tpu.memory_space<semaphore_mem>>
      %dma_start3A_31 = arith.constant 0 : i32
      %dma_start3A_32 = tpu.memref_slice %arg11[%multiple_of3A, %dma_start3A_31] : memref<10240x128xf32, #tpu.memory_space<vmem_shared>> -> memref<640x128xf32, #tpu.memory_space<vmem_shared>>
      %dma_start3A_33 = arith.constant 0 : i32
      %dma_start3A_34 = tpu.memref_slice %arg5[%multiple_of3A, %dma_start3A_33] : memref<10240x128xf32, #tpu.memory_space<hbm>> -> memref<640x128xf32, #tpu.memory_space<hbm>>
      tpu.enqueue_dma source(%dma_start3A_34 : memref<640x128xf32, #tpu.memory_space<hbm>>) target(%dma_start3A_32 : memref<640x128xf32, #tpu.memory_space<vmem_shared>>) target_semaphore(%run_scoped3A_30 : memref<!tpu.dma_semaphore, #tpu.memory_space<semaphore_mem>>)
      %dma_wait3A = arith.constant 0 : i32
      %dma_wait3A_35 = tpu.memref_slice %arg11[%multiple_of3A, %dma_wait3A] : memref<10240x128xf32, #tpu.memory_space<vmem_shared>> -> memref<640x128xf32, #tpu.memory_space<vmem_shared>>
      %dma_wait3A_36 = arith.constant 0 : i32
      %dma_wait3A_37 = tpu.memref_slice %arg5[%multiple_of3A, %dma_wait3A_36] : memref<10240x128xf32, #tpu.memory_space<hbm>> -> memref<640x128xf32, #tpu.memory_space<hbm>>
      tpu.wait_dma2 semaphore(%run_scoped3A_30 : memref<!tpu.dma_semaphore, #tpu.memory_space<semaphore_mem>>) src(%dma_wait3A_37 : memref<640x128xf32, #tpu.memory_space<hbm>>) dst(%dma_wait3A_35 : memref<640x128xf32, #tpu.memory_space<vmem_shared>>)
      tpu.yield
    }) : () -> ()
    %barrier3A = arith.constant 0 : index
    tpu.barrier barrier_id(%barrier3A)
    %run_scoped3A = arith.constant 0 : i32
    "tpu.region"() ({
      %run_scoped3A_30 = tpu.sem_alloc : memref<!tpu.dma_semaphore, #tpu.memory_space<semaphore_mem>>
      %dma_start3A_31 = arith.constant 0 : i32
      %dma_start3A_32 = tpu.memref_slice %arg8[%run_scoped3A, %dma_start3A_31] : memref<2x128xi32, #tpu.memory_space<vmem>> -> memref<1x128xi32, #tpu.memory_space<vmem>>
      %dma_start3A_33 = tpu.memref_squeeze %dma_start3A_32 : memref<1x128xi32, #tpu.memory_space<vmem>> -> memref<128xi32, #tpu.memory_space<vmem>>
      %dma_start3A_34 = arith.constant 0 : i32
      %dma_start3A_35 = tpu.memref_slice %arg3[%mul3A_4, %dma_start3A_34] : memref<2560x128xi32, #tpu.memory_space<hbm>> -> memref<1x128xi32, #tpu.memory_space<hbm>>
      %dma_start3A_36 = tpu.memref_squeeze %dma_start3A_35 : memref<1x128xi32, #tpu.memory_space<hbm>> -> memref<128xi32, #tpu.memory_space<hbm>>
      %dma_start3A_37 = arith.constant 0 : i32
      %dma_start3A_38 = tpu.memref_slice %arg8[%run_scoped3A, %dma_start3A_37] : memref<2x128xi32, #tpu.memory_space<vmem>> -> memref<1x128xi32, #tpu.memory_space<vmem>>
      %dma_start3A_39 = tpu.memref_squeeze %dma_start3A_38 : memref<1x128xi32, #tpu.memory_space<vmem>> -> memref<128xi32, #tpu.memory_space<vmem>>
      %dma_start3A_40 = arith.constant 0 : i32
      %dma_start3A_41 = tpu.memref_slice %arg3[%mul3A_4, %dma_start3A_40] : memref<2560x128xi32, #tpu.memory_space<hbm>> -> memref<1x128xi32, #tpu.memory_space<hbm>>
      %dma_start3A_42 = tpu.memref_squeeze %dma_start3A_41 : memref<1x128xi32, #tpu.memory_space<hbm>> -> memref<128xi32, #tpu.memory_space<hbm>>
      tpu.enqueue_dma source(%dma_start3A_42 : memref<128xi32, #tpu.memory_space<hbm>>) target(%dma_start3A_39 : memref<128xi32, #tpu.memory_space<vmem>>) target_semaphore(%run_scoped3A_30 : memref<!tpu.dma_semaphore, #tpu.memory_space<semaphore_mem>>)
      %dma_wait3A = arith.constant 0 : i32
      %dma_wait3A_43 = tpu.memref_slice %arg8[%run_scoped3A, %dma_wait3A] : memref<2x128xi32, #tpu.memory_space<vmem>> -> memref<1x128xi32, #tpu.memory_space<vmem>>
      %dma_wait3A_44 = tpu.memref_squeeze %dma_wait3A_43 : memref<1x128xi32, #tpu.memory_space<vmem>> -> memref<128xi32, #tpu.memory_space<vmem>>
      %dma_wait3A_45 = arith.constant 0 : i32
      %dma_wait3A_46 = tpu.memref_slice %arg3[%mul3A_4, %dma_wait3A_45] : memref<2560x128xi32, #tpu.memory_space<hbm>> -> memref<1x128xi32, #tpu.memory_space<hbm>>
      %dma_wait3A_47 = tpu.memref_squeeze %dma_wait3A_46 : memref<1x128xi32, #tpu.memory_space<hbm>> -> memref<128xi32, #tpu.memory_space<hbm>>
      %dma_wait3A_48 = arith.constant 0 : i32
      %dma_wait3A_49 = tpu.memref_slice %arg8[%run_scoped3A, %dma_wait3A_48] : memref<2x128xi32, #tpu.memory_space<vmem>> -> memref<1x128xi32, #tpu.memory_space<vmem>>
      %dma_wait3A_50 = tpu.memref_squeeze %dma_wait3A_49 : memref<1x128xi32, #tpu.memory_space<vmem>> -> memref<128xi32, #tpu.memory_space<vmem>>
      %dma_wait3A_51 = arith.constant 0 : i32
      %dma_wait3A_52 = tpu.memref_slice %arg3[%mul3A_4, %dma_wait3A_51] : memref<2560x128xi32, #tpu.memory_space<hbm>> -> memref<1x128xi32, #tpu.memory_space<hbm>>
      %dma_wait3A_53 = tpu.memref_squeeze %dma_wait3A_52 : memref<1x128xi32, #tpu.memory_space<hbm>> -> memref<128xi32, #tpu.memory_space<hbm>>
      tpu.wait_dma2 semaphore(%run_scoped3A_30 : memref<!tpu.dma_semaphore, #tpu.memory_space<semaphore_mem>>) src(%dma_wait3A_53 : memref<128xi32, #tpu.memory_space<hbm>>) dst(%dma_wait3A_50 : memref<128xi32, #tpu.memory_space<vmem>>)
      tpu.yield
    }) : () -> ()
    %run_scoped3A_5 = arith.constant 0 : i32
    "tpu.region"() ({
      %run_scoped3A_30 = tpu.sem_alloc : memref<!tpu.dma_semaphore, #tpu.memory_space<semaphore_mem>>
      %dma_start3A_31 = arith.constant 0 : i32
      %dma_start3A_32 = tpu.memref_slice %arg9[%run_scoped3A_5, %dma_start3A_31] : memref<2x128xi32, #tpu.memory_space<vmem>> -> memref<1x128xi32, #tpu.memory_space<vmem>>
      %dma_start3A_33 = tpu.memref_squeeze %dma_start3A_32 : memref<1x128xi32, #tpu.memory_space<vmem>> -> memref<128xi32, #tpu.memory_space<vmem>>
      %dma_start3A_34 = arith.constant 0 : i32
      %dma_start3A_35 = tpu.memref_slice %arg4[%mul3A_4, %dma_start3A_34] : memref<2560x128xi32, #tpu.memory_space<hbm>> -> memref<1x128xi32, #tpu.memory_space<hbm>>
      %dma_start3A_36 = tpu.memref_squeeze %dma_start3A_35 : memref<1x128xi32, #tpu.memory_space<hbm>> -> memref<128xi32, #tpu.memory_space<hbm>>
      %dma_start3A_37 = arith.constant 0 : i32
      %dma_start3A_38 = tpu.memref_slice %arg9[%run_scoped3A_5, %dma_start3A_37] : memref<2x128xi32, #tpu.memory_space<vmem>> -> memref<1x128xi32, #tpu.memory_space<vmem>>
      %dma_start3A_39 = tpu.memref_squeeze %dma_start3A_38 : memref<1x128xi32, #tpu.memory_space<vmem>> -> memref<128xi32, #tpu.memory_space<vmem>>
      %dma_start3A_40 = arith.constant 0 : i32
      %dma_start3A_41 = tpu.memref_slice %arg4[%mul3A_4, %dma_start3A_40] : memref<2560x128xi32, #tpu.memory_space<hbm>> -> memref<1x128xi32, #tpu.memory_space<hbm>>
      %dma_start3A_42 = tpu.memref_squeeze %dma_start3A_41 : memref<1x128xi32, #tpu.memory_space<hbm>> -> memref<128xi32, #tpu.memory_space<hbm>>
      tpu.enqueue_dma source(%dma_start3A_42 : memref<128xi32, #tpu.memory_space<hbm>>) target(%dma_start3A_39 : memref<128xi32, #tpu.memory_space<vmem>>) target_semaphore(%run_scoped3A_30 : memref<!tpu.dma_semaphore, #tpu.memory_space<semaphore_mem>>)
      %dma_wait3A = arith.constant 0 : i32
      %dma_wait3A_43 = tpu.memref_slice %arg9[%run_scoped3A_5, %dma_wait3A] : memref<2x128xi32, #tpu.memory_space<vmem>> -> memref<1x128xi32, #tpu.memory_space<vmem>>
      %dma_wait3A_44 = tpu.memref_squeeze %dma_wait3A_43 : memref<1x128xi32, #tpu.memory_space<vmem>> -> memref<128xi32, #tpu.memory_space<vmem>>
      %dma_wait3A_45 = arith.constant 0 : i32
      %dma_wait3A_46 = tpu.memref_slice %arg4[%mul3A_4, %dma_wait3A_45] : memref<2560x128xi32, #tpu.memory_space<hbm>> -> memref<1x128xi32, #tpu.memory_space<hbm>>
      %dma_wait3A_47 = tpu.memref_squeeze %dma_wait3A_46 : memref<1x128xi32, #tpu.memory_space<hbm>> -> memref<128xi32, #tpu.memory_space<hbm>>
      %dma_wait3A_48 = arith.constant 0 : i32
      %dma_wait3A_49 = tpu.memref_slice %arg9[%run_scoped3A_5, %dma_wait3A_48] : memref<2x128xi32, #tpu.memory_space<vmem>> -> memref<1x128xi32, #tpu.memory_space<vmem>>
      %dma_wait3A_50 = tpu.memref_squeeze %dma_wait3A_49 : memref<1x128xi32, #tpu.memory_space<vmem>> -> memref<128xi32, #tpu.memory_space<vmem>>
      %dma_wait3A_51 = arith.constant 0 : i32
      %dma_wait3A_52 = tpu.memref_slice %arg4[%mul3A_4, %dma_wait3A_51] : memref<2560x128xi32, #tpu.memory_space<hbm>> -> memref<1x128xi32, #tpu.memory_space<hbm>>
      %dma_wait3A_53 = tpu.memref_squeeze %dma_wait3A_52 : memref<1x128xi32, #tpu.memory_space<hbm>> -> memref<128xi32, #tpu.memory_space<hbm>>
      tpu.wait_dma2 semaphore(%run_scoped3A_30 : memref<!tpu.dma_semaphore, #tpu.memory_space<semaphore_mem>>) src(%dma_wait3A_53 : memref<128xi32, #tpu.memory_space<hbm>>) dst(%dma_wait3A_50 : memref<128xi32, #tpu.memory_space<vmem>>)
      tpu.yield
    }) : () -> ()
    %dma_start3A = arith.constant 0 : i32
    %dma_start3A_6 = arith.constant 0 : i32
    %dma_start3A_7 = arith.constant 0 : i32
    %dma_start3A_8 = arith.constant 0 : i32
    %dma_start3A_9 = tpu.memref_slice %arg10[%dma_start3A_6, %dma_start3A_7, %dma_start3A_8] : memref<2x128x128xf32, #tpu.memory_space<vmem>> -> memref<1x128x128xf32, #tpu.memory_space<vmem>>
    %dma_start3A_10 = tpu.memref_squeeze %dma_start3A_9 : memref<1x128x128xf32, #tpu.memory_space<vmem>> -> memref<128x128xf32, #tpu.memory_space<vmem>>
    %dma_start3A_11 = arith.constant 0 : i32
    %dma_start3A_12 = tpu.memref_slice %arg8[%dma_start3A, %dma_start3A_11] : memref<2x128xi32, #tpu.memory_space<vmem>> -> memref<1x128xi32, #tpu.memory_space<vmem>>
    %dma_start3A_13 = tpu.memref_squeeze %dma_start3A_12 : memref<1x128xi32, #tpu.memory_space<vmem>> -> memref<128xi32, #tpu.memory_space<vmem>>
    %dma_start3A_14 = arith.constant 0 : i32
    %dma_start3A_15 = arith.constant 0 : i32
    %dma_start3A_16 = tpu.memref_slice %arg2[%dma_start3A_14, %dma_start3A_15] : memref<10240x128xf32, #tpu.memory_space<hbm>> -> memref<10240x128xf32, #tpu.memory_space<hbm>>
    tpu.enqueue_indirect_dma source(%dma_start3A_16 : memref<10240x128xf32, #tpu.memory_space<hbm>>) target(%dma_start3A_10 : memref<128x128xf32, #tpu.memory_space<vmem>>) offsets(%dma_start3A_13 : memref<128xi32, #tpu.memory_space<vmem>>) semaphore(%arg12 : memref<!tpu.dma_semaphore, #tpu.memory_space<semaphore_mem>>)
    %scan3A = arith.constant 0 : i32
    %scan3A_17 = arith.constant 0 : i32
    %scan3A_18 = arith.constant 40 : i32
    %scan3A_19 = arith.addi %scan3A_17, %scan3A_18 : i32
    %scan3A_20 = arith.constant 1 : i32
    scf.for %scan3A_30 = %scan3A_17 to %scan3A_19 step %scan3A_20  : i32 {
      %mul3A_31 = arith.constant 2 : i32
      %mul3A_32 = arith.muli %scan3A_30, %mul3A_31 : i32
      %add3A_33 = arith.addi %mul3A_4, %mul3A_32 : i32
      %add3A_34 = arith.constant 1 : i32
      %add3A_35 = arith.addi %add3A_33, %add3A_34 : i32
      %run_scoped3A_36 = arith.constant 1 : i32
      "tpu.region"() ({
        %run_scoped3A_86 = tpu.sem_alloc : memref<!tpu.dma_semaphore, #tpu.memory_space<semaphore_mem>>
        %dma_start3A_87 = arith.constant 0 : i32
        %dma_start3A_88 = tpu.memref_slice %arg8[%run_scoped3A_36, %dma_start3A_87] : memref<2x128xi32, #tpu.memory_space<vmem>> -> memref<1x128xi32, #tpu.memory_space<vmem>>
        %dma_start3A_89 = tpu.memref_squeeze %dma_start3A_88 : memref<1x128xi32, #tpu.memory_space<vmem>> -> memref<128xi32, #tpu.memory_space<vmem>>
        %dma_start3A_90 = arith.constant 0 : i32
        %dma_start3A_91 = tpu.memref_slice %arg3[%add3A_35, %dma_start3A_90] : memref<2560x128xi32, #tpu.memory_space<hbm>> -> memref<1x128xi32, #tpu.memory_space<hbm>>
        %dma_start3A_92 = tpu.memref_squeeze %dma_start3A_91 : memref<1x128xi32, #tpu.memory_space<hbm>> -> memref<128xi32, #tpu.memory_space<hbm>>
        %dma_start3A_93 = arith.constant 0 : i32
        %dma_start3A_94 = tpu.memref_slice %arg8[%run_scoped3A_36, %dma_start3A_93] : memref<2x128xi32, #tpu.memory_space<vmem>> -> memref<1x128xi32, #tpu.memory_space<vmem>>
        %dma_start3A_95 = tpu.memref_squeeze %dma_start3A_94 : memref<1x128xi32, #tpu.memory_space<vmem>> -> memref<128xi32, #tpu.memory_space<vmem>>
        %dma_start3A_96 = arith.constant 0 : i32
        %dma_start3A_97 = tpu.memref_slice %arg3[%add3A_35, %dma_start3A_96] : memref<2560x128xi32, #tpu.memory_space<hbm>> -> memref<1x128xi32, #tpu.memory_space<hbm>>
        %dma_start3A_98 = tpu.memref_squeeze %dma_start3A_97 : memref<1x128xi32, #tpu.memory_space<hbm>> -> memref<128xi32, #tpu.memory_space<hbm>>
        tpu.enqueue_dma source(%dma_start3A_98 : memref<128xi32, #tpu.memory_space<hbm>>) target(%dma_start3A_95 : memref<128xi32, #tpu.memory_space<vmem>>) target_semaphore(%run_scoped3A_86 : memref<!tpu.dma_semaphore, #tpu.memory_space<semaphore_mem>>)
        %dma_wait3A_99 = arith.constant 0 : i32
        %dma_wait3A_100 = tpu.memref_slice %arg8[%run_scoped3A_36, %dma_wait3A_99] : memref<2x128xi32, #tpu.memory_space<vmem>> -> memref<1x128xi32, #tpu.memory_space<vmem>>
        %dma_wait3A_101 = tpu.memref_squeeze %dma_wait3A_100 : memref<1x128xi32, #tpu.memory_space<vmem>> -> memref<128xi32, #tpu.memory_space<vmem>>
        %dma_wait3A_102 = arith.constant 0 : i32
        %dma_wait3A_103 = tpu.memref_slice %arg3[%add3A_35, %dma_wait3A_102] : memref<2560x128xi32, #tpu.memory_space<hbm>> -> memref<1x128xi32, #tpu.memory_space<hbm>>
        %dma_wait3A_104 = tpu.memref_squeeze %dma_wait3A_103 : memref<1x128xi32, #tpu.memory_space<hbm>> -> memref<128xi32, #tpu.memory_space<hbm>>
        %dma_wait3A_105 = arith.constant 0 : i32
        %dma_wait3A_106 = tpu.memref_slice %arg8[%run_scoped3A_36, %dma_wait3A_105] : memref<2x128xi32, #tpu.memory_space<vmem>> -> memref<1x128xi32, #tpu.memory_space<vmem>>
        %dma_wait3A_107 = tpu.memref_squeeze %dma_wait3A_106 : memref<1x128xi32, #tpu.memory_space<vmem>> -> memref<128xi32, #tpu.memory_space<vmem>>
        %dma_wait3A_108 = arith.constant 0 : i32
        %dma_wait3A_109 = tpu.memref_slice %arg3[%add3A_35, %dma_wait3A_108] : memref<2560x128xi32, #tpu.memory_space<hbm>> -> memref<1x128xi32, #tpu.memory_space<hbm>>
        %dma_wait3A_110 = tpu.memref_squeeze %dma_wait3A_109 : memref<1x128xi32, #tpu.memory_space<hbm>> -> memref<128xi32, #tpu.memory_space<hbm>>
        tpu.wait_dma2 semaphore(%run_scoped3A_86 : memref<!tpu.dma_semaphore, #tpu.memory_space<semaphore_mem>>) src(%dma_wait3A_110 : memref<128xi32, #tpu.memory_space<hbm>>) dst(%dma_wait3A_107 : memref<128xi32, #tpu.memory_space<vmem>>)
        tpu.yield
      }) : () -> ()
      %add3A_37 = arith.addi %mul3A_4, %mul3A_32 : i32
      %add3A_38 = arith.constant 1 : i32
      %add3A_39 = arith.addi %add3A_37, %add3A_38 : i32
      %run_scoped3A_40 = arith.constant 1 : i32
      "tpu.region"() ({
        %run_scoped3A_86 = tpu.sem_alloc : memref<!tpu.dma_semaphore, #tpu.memory_space<semaphore_mem>>
        %dma_start3A_87 = arith.constant 0 : i32
        %dma_start3A_88 = tpu.memref_slice %arg9[%run_scoped3A_40, %dma_start3A_87] : memref<2x128xi32, #tpu.memory_space<vmem>> -> memref<1x128xi32, #tpu.memory_space<vmem>>
        %dma_start3A_89 = tpu.memref_squeeze %dma_start3A_88 : memref<1x128xi32, #tpu.memory_space<vmem>> -> memref<128xi32, #tpu.memory_space<vmem>>
        %dma_start3A_90 = arith.constant 0 : i32
        %dma_start3A_91 = tpu.memref_slice %arg4[%add3A_39, %dma_start3A_90] : memref<2560x128xi32, #tpu.memory_space<hbm>> -> memref<1x128xi32, #tpu.memory_space<hbm>>
        %dma_start3A_92 = tpu.memref_squeeze %dma_start3A_91 : memref<1x128xi32, #tpu.memory_space<hbm>> -> memref<128xi32, #tpu.memory_space<hbm>>
        %dma_start3A_93 = arith.constant 0 : i32
        %dma_start3A_94 = tpu.memref_slice %arg9[%run_scoped3A_40, %dma_start3A_93] : memref<2x128xi32, #tpu.memory_space<vmem>> -> memref<1x128xi32, #tpu.memory_space<vmem>>
        %dma_start3A_95 = tpu.memref_squeeze %dma_start3A_94 : memref<1x128xi32, #tpu.memory_space<vmem>> -> memref<128xi32, #tpu.memory_space<vmem>>
        %dma_start3A_96 = arith.constant 0 : i32
        %dma_start3A_97 = tpu.memref_slice %arg4[%add3A_39, %dma_start3A_96] : memref<2560x128xi32, #tpu.memory_space<hbm>> -> memref<1x128xi32, #tpu.memory_space<hbm>>
        %dma_start3A_98 = tpu.memref_squeeze %dma_start3A_97 : memref<1x128xi32, #tpu.memory_space<hbm>> -> memref<128xi32, #tpu.memory_space<hbm>>
        tpu.enqueue_dma source(%dma_start3A_98 : memref<128xi32, #tpu.memory_space<hbm>>) target(%dma_start3A_95 : memref<128xi32, #tpu.memory_space<vmem>>) target_semaphore(%run_scoped3A_86 : memref<!tpu.dma_semaphore, #tpu.memory_space<semaphore_mem>>)
        %dma_wait3A_99 = arith.constant 0 : i32
        %dma_wait3A_100 = tpu.memref_slice %arg9[%run_scoped3A_40, %dma_wait3A_99] : memref<2x128xi32, #tpu.memory_space<vmem>> -> memref<1x128xi32, #tpu.memory_space<vmem>>
        %dma_wait3A_101 = tpu.memref_squeeze %dma_wait3A_100 : memref<1x128xi32, #tpu.memory_space<vmem>> -> memref<128xi32, #tpu.memory_space<vmem>>
        %dma_wait3A_102 = arith.constant 0 : i32
        %dma_wait3A_103 = tpu.memref_slice %arg4[%add3A_39, %dma_wait3A_102] : memref<2560x128xi32, #tpu.memory_space<hbm>> -> memref<1x128xi32, #tpu.memory_space<hbm>>
        %dma_wait3A_104 = tpu.memref_squeeze %dma_wait3A_103 : memref<1x128xi32, #tpu.memory_space<hbm>> -> memref<128xi32, #tpu.memory_space<hbm>>
        %dma_wait3A_105 = arith.constant 0 : i32
        %dma_wait3A_106 = tpu.memref_slice %arg9[%run_scoped3A_40, %dma_wait3A_105] : memref<2x128xi32, #tpu.memory_space<vmem>> -> memref<1x128xi32, #tpu.memory_space<vmem>>
        %dma_wait3A_107 = tpu.memref_squeeze %dma_wait3A_106 : memref<1x128xi32, #tpu.memory_space<vmem>> -> memref<128xi32, #tpu.memory_space<vmem>>
        %dma_wait3A_108 = arith.constant 0 : i32
        %dma_wait3A_109 = tpu.memref_slice %arg4[%add3A_39, %dma_wait3A_108] : memref<2560x128xi32, #tpu.memory_space<hbm>> -> memref<1x128xi32, #tpu.memory_space<hbm>>
        %dma_wait3A_110 = tpu.memref_squeeze %dma_wait3A_109 : memref<1x128xi32, #tpu.memory_space<hbm>> -> memref<128xi32, #tpu.memory_space<hbm>>
        tpu.wait_dma2 semaphore(%run_scoped3A_86 : memref<!tpu.dma_semaphore, #tpu.memory_space<semaphore_mem>>) src(%dma_wait3A_110 : memref<128xi32, #tpu.memory_space<hbm>>) dst(%dma_wait3A_107 : memref<128xi32, #tpu.memory_space<vmem>>)
        tpu.yield
      }) : () -> ()
      %dma_start3A_41 = arith.constant 1 : i32
      %dma_start3A_42 = arith.constant 1 : i32
      %dma_start3A_43 = arith.constant 0 : i32
      %dma_start3A_44 = arith.constant 0 : i32
      %dma_start3A_45 = tpu.memref_slice %arg10[%dma_start3A_42, %dma_start3A_43, %dma_start3A_44] : memref<2x128x128xf32, #tpu.memory_space<vmem>> -> memref<1x128x128xf32, #tpu.memory_space<vmem>>
      %dma_start3A_46 = tpu.memref_squeeze %dma_start3A_45 : memref<1x128x128xf32, #tpu.memory_space<vmem>> -> memref<128x128xf32, #tpu.memory_space<vmem>>
      %dma_start3A_47 = arith.constant 0 : i32
      %dma_start3A_48 = tpu.memref_slice %arg8[%dma_start3A_41, %dma_start3A_47] : memref<2x128xi32, #tpu.memory_space<vmem>> -> memref<1x128xi32, #tpu.memory_space<vmem>>
      %dma_start3A_49 = tpu.memref_squeeze %dma_start3A_48 : memref<1x128xi32, #tpu.memory_space<vmem>> -> memref<128xi32, #tpu.memory_space<vmem>>
      %dma_start3A_50 = arith.constant 0 : i32
      %dma_start3A_51 = arith.constant 0 : i32
      %dma_start3A_52 = tpu.memref_slice %arg2[%dma_start3A_50, %dma_start3A_51] : memref<10240x128xf32, #tpu.memory_space<hbm>> -> memref<10240x128xf32, #tpu.memory_space<hbm>>
      tpu.enqueue_indirect_dma source(%dma_start3A_52 : memref<10240x128xf32, #tpu.memory_space<hbm>>) target(%dma_start3A_46 : memref<128x128xf32, #tpu.memory_space<vmem>>) offsets(%dma_start3A_49 : memref<128xi32, #tpu.memory_space<vmem>>) semaphore(%arg13 : memref<!tpu.dma_semaphore, #tpu.memory_space<semaphore_mem>>)
      %dma_wait3A = arith.constant 0 : i32
      %dma_wait3A_53 = arith.constant 0 : i32
      %dma_wait3A_54 = arith.constant 0 : i32
      %dma_wait3A_55 = arith.constant 0 : i32
      %dma_wait3A_56 = tpu.memref_slice %arg10[%dma_wait3A_53, %dma_wait3A_54, %dma_wait3A_55] : memref<2x128x128xf32, #tpu.memory_space<vmem>> -> memref<1x128x128xf32, #tpu.memory_space<vmem>>
      %dma_wait3A_57 = tpu.memref_squeeze %dma_wait3A_56 : memref<1x128x128xf32, #tpu.memory_space<vmem>> -> memref<128x128xf32, #tpu.memory_space<vmem>>
      %dma_wait3A_58 = arith.constant 0 : i32
      %dma_wait3A_59 = tpu.memref_slice %arg8[%dma_wait3A, %dma_wait3A_58] : memref<2x128xi32, #tpu.memory_space<vmem>> -> memref<1x128xi32, #tpu.memory_space<vmem>>
      %dma_wait3A_60 = tpu.memref_squeeze %dma_wait3A_59 : memref<1x128xi32, #tpu.memory_space<vmem>> -> memref<128xi32, #tpu.memory_space<vmem>>
      %dma_wait3A_61 = arith.constant 0 : i32
      %dma_wait3A_62 = arith.constant 0 : i32
      %dma_wait3A_63 = tpu.memref_slice %arg2[%dma_wait3A_61, %dma_wait3A_62] : memref<10240x128xf32, #tpu.memory_space<hbm>> -> memref<10240x128xf32, #tpu.memory_space<hbm>>
      tpu.wait_indirect_dma semaphore(%arg12 : memref<!tpu.dma_semaphore, #tpu.memory_space<semaphore_mem>>) src(%dma_wait3A_63 : memref<10240x128xf32, #tpu.memory_space<hbm>>) dst(%dma_wait3A_57 : memref<128x128xf32, #tpu.memory_space<vmem>>)
      %run_scoped3A_64 = arith.constant 0 : i32
      %run_scoped3A_65 = arith.constant 0 : i32
      "tpu.region"() ({
        %run_scoped3A_86 = tpu.sem_alloc : memref<!tpu.dma_semaphore, #tpu.memory_space<semaphore_mem>>
        %dma_start3A_87 = arith.constant 0 : i32
        %dma_start3A_88 = arith.constant 0 : i32
        %dma_start3A_89 = tpu.memref_slice %arg10[%run_scoped3A_64, %dma_start3A_87, %dma_start3A_88] : memref<2x128x128xf32, #tpu.memory_space<vmem>> -> memref<1x128x128xf32, #tpu.memory_space<vmem>>
        %dma_start3A_90 = tpu.memref_squeeze %dma_start3A_89 : memref<1x128x128xf32, #tpu.memory_space<vmem>> -> memref<128x128xf32, #tpu.memory_space<vmem>>
        %dma_start3A_91 = arith.constant 0 : i32
        %dma_start3A_92 = tpu.memref_slice %arg9[%run_scoped3A_65, %dma_start3A_91] : memref<2x128xi32, #tpu.memory_space<vmem>> -> memref<1x128xi32, #tpu.memory_space<vmem>>
        %dma_start3A_93 = tpu.memref_squeeze %dma_start3A_92 : memref<1x128xi32, #tpu.memory_space<vmem>> -> memref<128xi32, #tpu.memory_space<vmem>>
        %dma_start3A_94 = arith.constant 0 : i32
        %dma_start3A_95 = arith.constant 0 : i32
        %dma_start3A_96 = tpu.memref_slice %arg11[%dma_start3A_94, %dma_start3A_95] : memref<10240x128xf32, #tpu.memory_space<vmem_shared>> -> memref<10240x128xf32, #tpu.memory_space<vmem_shared>>
        tpu.enqueue_indirect_dma source(%dma_start3A_90 : memref<128x128xf32, #tpu.memory_space<vmem>>) target(%dma_start3A_96 : memref<10240x128xf32, #tpu.memory_space<vmem_shared>>) offsets(%dma_start3A_93 : memref<128xi32, #tpu.memory_space<vmem>>) semaphore(%run_scoped3A_86 : memref<!tpu.dma_semaphore, #tpu.memory_space<semaphore_mem>>) {add = true}
        %dma_wait3A_97 = arith.constant 0 : i32
        %dma_wait3A_98 = arith.constant 0 : i32
        %dma_wait3A_99 = tpu.memref_slice %arg10[%run_scoped3A_64, %dma_wait3A_97, %dma_wait3A_98] : memref<2x128x128xf32, #tpu.memory_space<vmem>> -> memref<1x128x128xf32, #tpu.memory_space<vmem>>
        %dma_wait3A_100 = tpu.memref_squeeze %dma_wait3A_99 : memref<1x128x128xf32, #tpu.memory_space<vmem>> -> memref<128x128xf32, #tpu.memory_space<vmem>>
        %dma_wait3A_101 = arith.constant 0 : i32
        %dma_wait3A_102 = tpu.memref_slice %arg9[%run_scoped3A_65, %dma_wait3A_101] : memref<2x128xi32, #tpu.memory_space<vmem>> -> memref<1x128xi32, #tpu.memory_space<vmem>>
        %dma_wait3A_103 = tpu.memref_squeeze %dma_wait3A_102 : memref<1x128xi32, #tpu.memory_space<vmem>> -> memref<128xi32, #tpu.memory_space<vmem>>
        %dma_wait3A_104 = arith.constant 0 : i32
        %dma_wait3A_105 = arith.constant 0 : i32
        %dma_wait3A_106 = tpu.memref_slice %arg11[%dma_wait3A_104, %dma_wait3A_105] : memref<10240x128xf32, #tpu.memory_space<vmem_shared>> -> memref<10240x128xf32, #tpu.memory_space<vmem_shared>>
        tpu.wait_indirect_dma semaphore(%run_scoped3A_86 : memref<!tpu.dma_semaphore, #tpu.memory_space<semaphore_mem>>) src(%dma_wait3A_100 : memref<128x128xf32, #tpu.memory_space<vmem>>) dst(%dma_wait3A_106 : memref<10240x128xf32, #tpu.memory_space<vmem_shared>>)
        tpu.yield
      }) : () -> ()
      %add3A_66 = arith.constant 2 : i32
      %add3A_67 = arith.addi %mul3A_32, %add3A_66 : i32
      %lt3A = arith.constant 80 : i32
      %lt3A_68 = arith.cmpi slt, %add3A_67, %lt3A : i32
      %convert_element_type3A_69 = arith.extui %lt3A_68 : i1 to i32
      %cond3A_70 = arith.constant 0 : i32
      %cond3A_71 = arith.cmpi ne, %convert_element_type3A_69, %cond3A_70 : i32
      scf.if %cond3A_71 {
        %add3A_86 = arith.addi %mul3A_4, %mul3A_32 : i32
        %add3A_87 = arith.constant 2 : i32
        %add3A_88 = arith.addi %add3A_86, %add3A_87 : i32
        %run_scoped3A_89 = arith.constant 0 : i32
        "tpu.region"() ({
          %run_scoped3A_106 = tpu.sem_alloc : memref<!tpu.dma_semaphore, #tpu.memory_space<semaphore_mem>>
          %dma_start3A_107 = arith.constant 0 : i32
          %dma_start3A_108 = tpu.memref_slice %arg8[%run_scoped3A_89, %dma_start3A_107] : memref<2x128xi32, #tpu.memory_space<vmem>> -> memref<1x128xi32, #tpu.memory_space<vmem>>
          %dma_start3A_109 = tpu.memref_squeeze %dma_start3A_108 : memref<1x128xi32, #tpu.memory_space<vmem>> -> memref<128xi32, #tpu.memory_space<vmem>>
          %dma_start3A_110 = arith.constant 0 : i32
          %dma_start3A_111 = tpu.memref_slice %arg3[%add3A_88, %dma_start3A_110] : memref<2560x128xi32, #tpu.memory_space<hbm>> -> memref<1x128xi32, #tpu.memory_space<hbm>>
          %dma_start3A_112 = tpu.memref_squeeze %dma_start3A_111 : memref<1x128xi32, #tpu.memory_space<hbm>> -> memref<128xi32, #tpu.memory_space<hbm>>
          %dma_start3A_113 = arith.constant 0 : i32
          %dma_start3A_114 = tpu.memref_slice %arg8[%run_scoped3A_89, %dma_start3A_113] : memref<2x128xi32, #tpu.memory_space<vmem>> -> memref<1x128xi32, #tpu.memory_space<vmem>>
          %dma_start3A_115 = tpu.memref_squeeze %dma_start3A_114 : memref<1x128xi32, #tpu.memory_space<vmem>> -> memref<128xi32, #tpu.memory_space<vmem>>
          %dma_start3A_116 = arith.constant 0 : i32
          %dma_start3A_117 = tpu.memref_slice %arg3[%add3A_88, %dma_start3A_116] : memref<2560x128xi32, #tpu.memory_space<hbm>> -> memref<1x128xi32, #tpu.memory_space<hbm>>
          %dma_start3A_118 = tpu.memref_squeeze %dma_start3A_117 : memref<1x128xi32, #tpu.memory_space<hbm>> -> memref<128xi32, #tpu.memory_space<hbm>>
          tpu.enqueue_dma source(%dma_start3A_118 : memref<128xi32, #tpu.memory_space<hbm>>) target(%dma_start3A_115 : memref<128xi32, #tpu.memory_space<vmem>>) target_semaphore(%run_scoped3A_106 : memref<!tpu.dma_semaphore, #tpu.memory_space<semaphore_mem>>)
          %dma_wait3A_119 = arith.constant 0 : i32
          %dma_wait3A_120 = tpu.memref_slice %arg8[%run_scoped3A_89, %dma_wait3A_119] : memref<2x128xi32, #tpu.memory_space<vmem>> -> memref<1x128xi32, #tpu.memory_space<vmem>>
          %dma_wait3A_121 = tpu.memref_squeeze %dma_wait3A_120 : memref<1x128xi32, #tpu.memory_space<vmem>> -> memref<128xi32, #tpu.memory_space<vmem>>
          %dma_wait3A_122 = arith.constant 0 : i32
          %dma_wait3A_123 = tpu.memref_slice %arg3[%add3A_88, %dma_wait3A_122] : memref<2560x128xi32, #tpu.memory_space<hbm>> -> memref<1x128xi32, #tpu.memory_space<hbm>>
          %dma_wait3A_124 = tpu.memref_squeeze %dma_wait3A_123 : memref<1x128xi32, #tpu.memory_space<hbm>> -> memref<128xi32, #tpu.memory_space<hbm>>
          %dma_wait3A_125 = arith.constant 0 : i32
          %dma_wait3A_126 = tpu.memref_slice %arg8[%run_scoped3A_89, %dma_wait3A_125] : memref<2x128xi32, #tpu.memory_space<vmem>> -> memref<1x128xi32, #tpu.memory_space<vmem>>
          %dma_wait3A_127 = tpu.memref_squeeze %dma_wait3A_126 : memref<1x128xi32, #tpu.memory_space<vmem>> -> memref<128xi32, #tpu.memory_space<vmem>>
          %dma_wait3A_128 = arith.constant 0 : i32
          %dma_wait3A_129 = tpu.memref_slice %arg3[%add3A_88, %dma_wait3A_128] : memref<2560x128xi32, #tpu.memory_space<hbm>> -> memref<1x128xi32, #tpu.memory_space<hbm>>
          %dma_wait3A_130 = tpu.memref_squeeze %dma_wait3A_129 : memref<1x128xi32, #tpu.memory_space<hbm>> -> memref<128xi32, #tpu.memory_space<hbm>>
          tpu.wait_dma2 semaphore(%run_scoped3A_106 : memref<!tpu.dma_semaphore, #tpu.memory_space<semaphore_mem>>) src(%dma_wait3A_130 : memref<128xi32, #tpu.memory_space<hbm>>) dst(%dma_wait3A_127 : memref<128xi32, #tpu.memory_space<vmem>>)
          tpu.yield
        }) : () -> ()
        %add3A_90 = arith.addi %mul3A_4, %mul3A_32 : i32
        %add3A_91 = arith.constant 2 : i32
        %add3A_92 = arith.addi %add3A_90, %add3A_91 : i32
        %run_scoped3A_93 = arith.constant 0 : i32
        "tpu.region"() ({
          %run_scoped3A_106 = tpu.sem_alloc : memref<!tpu.dma_semaphore, #tpu.memory_space<semaphore_mem>>
          %dma_start3A_107 = arith.constant 0 : i32
          %dma_start3A_108 = tpu.memref_slice %arg9[%run_scoped3A_93, %dma_start3A_107] : memref<2x128xi32, #tpu.memory_space<vmem>> -> memref<1x128xi32, #tpu.memory_space<vmem>>
          %dma_start3A_109 = tpu.memref_squeeze %dma_start3A_108 : memref<1x128xi32, #tpu.memory_space<vmem>> -> memref<128xi32, #tpu.memory_space<vmem>>
          %dma_start3A_110 = arith.constant 0 : i32
          %dma_start3A_111 = tpu.memref_slice %arg4[%add3A_92, %dma_start3A_110] : memref<2560x128xi32, #tpu.memory_space<hbm>> -> memref<1x128xi32, #tpu.memory_space<hbm>>
          %dma_start3A_112 = tpu.memref_squeeze %dma_start3A_111 : memref<1x128xi32, #tpu.memory_space<hbm>> -> memref<128xi32, #tpu.memory_space<hbm>>
          %dma_start3A_113 = arith.constant 0 : i32
          %dma_start3A_114 = tpu.memref_slice %arg9[%run_scoped3A_93, %dma_start3A_113] : memref<2x128xi32, #tpu.memory_space<vmem>> -> memref<1x128xi32, #tpu.memory_space<vmem>>
          %dma_start3A_115 = tpu.memref_squeeze %dma_start3A_114 : memref<1x128xi32, #tpu.memory_space<vmem>> -> memref<128xi32, #tpu.memory_space<vmem>>
          %dma_start3A_116 = arith.constant 0 : i32
          %dma_start3A_117 = tpu.memref_slice %arg4[%add3A_92, %dma_start3A_116] : memref<2560x128xi32, #tpu.memory_space<hbm>> -> memref<1x128xi32, #tpu.memory_space<hbm>>
          %dma_start3A_118 = tpu.memref_squeeze %dma_start3A_117 : memref<1x128xi32, #tpu.memory_space<hbm>> -> memref<128xi32, #tpu.memory_space<hbm>>
          tpu.enqueue_dma source(%dma_start3A_118 : memref<128xi32, #tpu.memory_space<hbm>>) target(%dma_start3A_115 : memref<128xi32, #tpu.memory_space<vmem>>) target_semaphore(%run_scoped3A_106 : memref<!tpu.dma_semaphore, #tpu.memory_space<semaphore_mem>>)
          %dma_wait3A_119 = arith.constant 0 : i32
          %dma_wait3A_120 = tpu.memref_slice %arg9[%run_scoped3A_93, %dma_wait3A_119] : memref<2x128xi32, #tpu.memory_space<vmem>> -> memref<1x128xi32, #tpu.memory_space<vmem>>
          %dma_wait3A_121 = tpu.memref_squeeze %dma_wait3A_120 : memref<1x128xi32, #tpu.memory_space<vmem>> -> memref<128xi32, #tpu.memory_space<vmem>>
          %dma_wait3A_122 = arith.constant 0 : i32
          %dma_wait3A_123 = tpu.memref_slice %arg4[%add3A_92, %dma_wait3A_122] : memref<2560x128xi32, #tpu.memory_space<hbm>> -> memref<1x128xi32, #tpu.memory_space<hbm>>
          %dma_wait3A_124 = tpu.memref_squeeze %dma_wait3A_123 : memref<1x128xi32, #tpu.memory_space<hbm>> -> memref<128xi32, #tpu.memory_space<hbm>>
          %dma_wait3A_125 = arith.constant 0 : i32
          %dma_wait3A_126 = tpu.memref_slice %arg9[%run_scoped3A_93, %dma_wait3A_125] : memref<2x128xi32, #tpu.memory_space<vmem>> -> memref<1x128xi32, #tpu.memory_space<vmem>>
          %dma_wait3A_127 = tpu.memref_squeeze %dma_wait3A_126 : memref<1x128xi32, #tpu.memory_space<vmem>> -> memref<128xi32, #tpu.memory_space<vmem>>
          %dma_wait3A_128 = arith.constant 0 : i32
          %dma_wait3A_129 = tpu.memref_slice %arg4[%add3A_92, %dma_wait3A_128] : memref<2560x128xi32, #tpu.memory_space<hbm>> -> memref<1x128xi32, #tpu.memory_space<hbm>>
          %dma_wait3A_130 = tpu.memref_squeeze %dma_wait3A_129 : memref<1x128xi32, #tpu.memory_space<hbm>> -> memref<128xi32, #tpu.memory_space<hbm>>
          tpu.wait_dma2 semaphore(%run_scoped3A_106 : memref<!tpu.dma_semaphore, #tpu.memory_space<semaphore_mem>>) src(%dma_wait3A_130 : memref<128xi32, #tpu.memory_space<hbm>>) dst(%dma_wait3A_127 : memref<128xi32, #tpu.memory_space<vmem>>)
          tpu.yield
        }) : () -> ()
        %dma_start3A_94 = arith.constant 0 : i32
        %dma_start3A_95 = arith.constant 0 : i32
        %dma_start3A_96 = arith.constant 0 : i32
        %dma_start3A_97 = arith.constant 0 : i32
        %dma_start3A_98 = tpu.memref_slice %arg10[%dma_start3A_95, %dma_start3A_96, %dma_start3A_97] : memref<2x128x128xf32, #tpu.memory_space<vmem>> -> memref<1x128x128xf32, #tpu.memory_space<vmem>>
        %dma_start3A_99 = tpu.memref_squeeze %dma_start3A_98 : memref<1x128x128xf32, #tpu.memory_space<vmem>> -> memref<128x128xf32, #tpu.memory_space<vmem>>
        %dma_start3A_100 = arith.constant 0 : i32
        %dma_start3A_101 = tpu.memref_slice %arg8[%dma_start3A_94, %dma_start3A_100] : memref<2x128xi32, #tpu.memory_space<vmem>> -> memref<1x128xi32, #tpu.memory_space<vmem>>
        %dma_start3A_102 = tpu.memref_squeeze %dma_start3A_101 : memref<1x128xi32, #tpu.memory_space<vmem>> -> memref<128xi32, #tpu.memory_space<vmem>>
        %dma_start3A_103 = arith.constant 0 : i32
        %dma_start3A_104 = arith.constant 0 : i32
        %dma_start3A_105 = tpu.memref_slice %arg2[%dma_start3A_103, %dma_start3A_104] : memref<10240x128xf32, #tpu.memory_space<hbm>> -> memref<10240x128xf32, #tpu.memory_space<hbm>>
        tpu.enqueue_indirect_dma source(%dma_start3A_105 : memref<10240x128xf32, #tpu.memory_space<hbm>>) target(%dma_start3A_99 : memref<128x128xf32, #tpu.memory_space<vmem>>) offsets(%dma_start3A_102 : memref<128xi32, #tpu.memory_space<vmem>>) semaphore(%arg12 : memref<!tpu.dma_semaphore, #tpu.memory_space<semaphore_mem>>)
      } else {
      }
      %dma_wait3A_72 = arith.constant 1 : i32
      %dma_wait3A_73 = arith.constant 1 : i32
      %dma_wait3A_74 = arith.constant 0 : i32
      %dma_wait3A_75 = arith.constant 0 : i32
      %dma_wait3A_76 = tpu.memref_slice %arg10[%dma_wait3A_73, %dma_wait3A_74, %dma_wait3A_75] : memref<2x128x128xf32, #tpu.memory_space<vmem>> -> memref<1x128x128xf32, #tpu.memory_space<vmem>>
      %dma_wait3A_77 = tpu.memref_squeeze %dma_wait3A_76 : memref<1x128x128xf32, #tpu.memory_space<vmem>> -> memref<128x128xf32, #tpu.memory_space<vmem>>
      %dma_wait3A_78 = arith.constant 0 : i32
      %dma_wait3A_79 = tpu.memref_slice %arg8[%dma_wait3A_72, %dma_wait3A_78] : memref<2x128xi32, #tpu.memory_space<vmem>> -> memref<1x128xi32, #tpu.memory_space<vmem>>
      %dma_wait3A_80 = tpu.memref_squeeze %dma_wait3A_79 : memref<1x128xi32, #tpu.memory_space<vmem>> -> memref<128xi32, #tpu.memory_space<vmem>>
      %dma_wait3A_81 = arith.constant 0 : i32
      %dma_wait3A_82 = arith.constant 0 : i32
      %dma_wait3A_83 = tpu.memref_slice %arg2[%dma_wait3A_81, %dma_wait3A_82] : memref<10240x128xf32, #tpu.memory_space<hbm>> -> memref<10240x128xf32, #tpu.memory_space<hbm>>
      tpu.wait_indirect_dma semaphore(%arg13 : memref<!tpu.dma_semaphore, #tpu.memory_space<semaphore_mem>>) src(%dma_wait3A_83 : memref<10240x128xf32, #tpu.memory_space<hbm>>) dst(%dma_wait3A_77 : memref<128x128xf32, #tpu.memory_space<vmem>>)
      %run_scoped3A_84 = arith.constant 1 : i32
      %run_scoped3A_85 = arith.constant 1 : i32
      "tpu.region"() ({
        %run_scoped3A_86 = tpu.sem_alloc : memref<!tpu.dma_semaphore, #tpu.memory_space<semaphore_mem>>
        %dma_start3A_87 = arith.constant 0 : i32
        %dma_start3A_88 = arith.constant 0 : i32
        %dma_start3A_89 = tpu.memref_slice %arg10[%run_scoped3A_84, %dma_start3A_87, %dma_start3A_88] : memref<2x128x128xf32, #tpu.memory_space<vmem>> -> memref<1x128x128xf32, #tpu.memory_space<vmem>>
        %dma_start3A_90 = tpu.memref_squeeze %dma_start3A_89 : memref<1x128x128xf32, #tpu.memory_space<vmem>> -> memref<128x128xf32, #tpu.memory_space<vmem>>
        %dma_start3A_91 = arith.constant 0 : i32
        %dma_start3A_92 = tpu.memref_slice %arg9[%run_scoped3A_85, %dma_start3A_91] : memref<2x128xi32, #tpu.memory_space<vmem>> -> memref<1x128xi32, #tpu.memory_space<vmem>>
        %dma_start3A_93 = tpu.memref_squeeze %dma_start3A_92 : memref<1x128xi32, #tpu.memory_space<vmem>> -> memref<128xi32, #tpu.memory_space<vmem>>
        %dma_start3A_94 = arith.constant 0 : i32
        %dma_start3A_95 = arith.constant 0 : i32
        %dma_start3A_96 = tpu.memref_slice %arg11[%dma_start3A_94, %dma_start3A_95] : memref<10240x128xf32, #tpu.memory_space<vmem_shared>> -> memref<10240x128xf32, #tpu.memory_space<vmem_shared>>
        tpu.enqueue_indirect_dma source(%dma_start3A_90 : memref<128x128xf32, #tpu.memory_space<vmem>>) target(%dma_start3A_96 : memref<10240x128xf32, #tpu.memory_space<vmem_shared>>) offsets(%dma_start3A_93 : memref<128xi32, #tpu.memory_space<vmem>>) semaphore(%run_scoped3A_86 : memref<!tpu.dma_semaphore, #tpu.memory_space<semaphore_mem>>) {add = true}
        %dma_wait3A_97 = arith.constant 0 : i32
        %dma_wait3A_98 = arith.constant 0 : i32
        %dma_wait3A_99 = tpu.memref_slice %arg10[%run_scoped3A_84, %dma_wait3A_97, %dma_wait3A_98] : memref<2x128x128xf32, #tpu.memory_space<vmem>> -> memref<1x128x128xf32, #tpu.memory_space<vmem>>
        %dma_wait3A_100 = tpu.memref_squeeze %dma_wait3A_99 : memref<1x128x128xf32, #tpu.memory_space<vmem>> -> memref<128x128xf32, #tpu.memory_space<vmem>>
        %dma_wait3A_101 = arith.constant 0 : i32
        %dma_wait3A_102 = tpu.memref_slice %arg9[%run_scoped3A_85, %dma_wait3A_101] : memref<2x128xi32, #tpu.memory_space<vmem>> -> memref<1x128xi32, #tpu.memory_space<vmem>>
        %dma_wait3A_103 = tpu.memref_squeeze %dma_wait3A_102 : memref<1x128xi32, #tpu.memory_space<vmem>> -> memref<128xi32, #tpu.memory_space<vmem>>
        %dma_wait3A_104 = arith.constant 0 : i32
        %dma_wait3A_105 = arith.constant 0 : i32
        %dma_wait3A_106 = tpu.memref_slice %arg11[%dma_wait3A_104, %dma_wait3A_105] : memref<10240x128xf32, #tpu.memory_space<vmem_shared>> -> memref<10240x128xf32, #tpu.memory_space<vmem_shared>>
        tpu.wait_indirect_dma semaphore(%run_scoped3A_86 : memref<!tpu.dma_semaphore, #tpu.memory_space<semaphore_mem>>) src(%dma_wait3A_100 : memref<128x128xf32, #tpu.memory_space<vmem>>) dst(%dma_wait3A_106 : memref<10240x128xf32, #tpu.memory_space<vmem_shared>>)
        tpu.yield
      }) : () -> ()
    }
    %scan3A_21 = arith.constant 40 : i32
    %barrier3A_22 = arith.constant 0 : index
    tpu.barrier barrier_id(%barrier3A_22)
    %eq3A = arith.constant 0 : i32
    %eq3A_23 = arith.cmpi eq, %arg0, %eq3A : i32
    %convert_element_type3A = arith.extui %eq3A_23 : i1 to i32
    %cond3A = arith.constant 0 : i32
    %cond3A_24 = arith.cmpi ne, %convert_element_type3A, %cond3A : i32
    scf.if %cond3A_24 {
      "tpu.region"() ({
        %run_scoped3A_30 = tpu.sem_alloc : memref<!tpu.dma_semaphore, #tpu.memory_space<semaphore_mem>>
        %dma_start3A_31 = arith.constant 0 : i32
        %dma_start3A_32 = tpu.memref_slice %arg6[%multiple_of3A, %dma_start3A_31] : memref<10240x128xf32, #tpu.memory_space<hbm>> -> memref<640x128xf32, #tpu.memory_space<hbm>>
        %dma_start3A_33 = arith.constant 0 : i32
        %dma_start3A_34 = tpu.memref_slice %arg11[%multiple_of3A, %dma_start3A_33] : memref<10240x128xf32, #tpu.memory_space<vmem_shared>> -> memref<640x128xf32, #tpu.memory_space<vmem_shared>>
        tpu.enqueue_dma source(%dma_start3A_34 : memref<640x128xf32, #tpu.memory_space<vmem_shared>>) target(%dma_start3A_32 : memref<640x128xf32, #tpu.memory_space<hbm>>) target_semaphore(%run_scoped3A_30 : memref<!tpu.dma_semaphore, #tpu.memory_space<semaphore_mem>>)
        %dma_wait3A = arith.constant 0 : i32
        %dma_wait3A_35 = tpu.memref_slice %arg6[%multiple_of3A, %dma_wait3A] : memref<10240x128xf32, #tpu.memory_space<hbm>> -> memref<640x128xf32, #tpu.memory_space<hbm>>
        %dma_wait3A_36 = arith.constant 0 : i32
        %dma_wait3A_37 = tpu.memref_slice %arg11[%multiple_of3A, %dma_wait3A_36] : memref<10240x128xf32, #tpu.memory_space<vmem_shared>> -> memref<640x128xf32, #tpu.memory_space<vmem_shared>>
        tpu.wait_dma2 semaphore(%run_scoped3A_30 : memref<!tpu.dma_semaphore, #tpu.memory_space<semaphore_mem>>) src(%dma_wait3A_37 : memref<640x128xf32, #tpu.memory_space<vmem_shared>>) dst(%dma_wait3A_35 : memref<640x128xf32, #tpu.memory_space<hbm>>)
        tpu.yield
      }) : () -> ()
    } else {
    }
    %eq3A_25 = arith.constant 1 : i32
    %eq3A_26 = arith.cmpi eq, %arg0, %eq3A_25 : i32
    %convert_element_type3A_27 = arith.extui %eq3A_26 : i1 to i32
    %cond3A_28 = arith.constant 0 : i32
    %cond3A_29 = arith.cmpi ne, %convert_element_type3A_27, %cond3A_28 : i32
    scf.if %cond3A_29 {
      "tpu.region"() ({
        %run_scoped3A_30 = tpu.sem_alloc : memref<!tpu.dma_semaphore, #tpu.memory_space<semaphore_mem>>
        %dma_start3A_31 = arith.constant 0 : i32
        %dma_start3A_32 = tpu.memref_slice %arg7[%multiple_of3A, %dma_start3A_31] : memref<10240x128xf32, #tpu.memory_space<hbm>> -> memref<640x128xf32, #tpu.memory_space<hbm>>
        %dma_start3A_33 = arith.constant 0 : i32
        %dma_start3A_34 = tpu.memref_slice %arg11[%multiple_of3A, %dma_start3A_33] : memref<10240x128xf32, #tpu.memory_space<vmem_shared>> -> memref<640x128xf32, #tpu.memory_space<vmem_shared>>
        tpu.enqueue_dma source(%dma_start3A_34 : memref<640x128xf32, #tpu.memory_space<vmem_shared>>) target(%dma_start3A_32 : memref<640x128xf32, #tpu.memory_space<hbm>>) target_semaphore(%run_scoped3A_30 : memref<!tpu.dma_semaphore, #tpu.memory_space<semaphore_mem>>)
        %dma_wait3A = arith.constant 0 : i32
        %dma_wait3A_35 = tpu.memref_slice %arg7[%multiple_of3A, %dma_wait3A] : memref<10240x128xf32, #tpu.memory_space<hbm>> -> memref<640x128xf32, #tpu.memory_space<hbm>>
        %dma_wait3A_36 = arith.constant 0 : i32
        %dma_wait3A_37 = tpu.memref_slice %arg11[%multiple_of3A, %dma_wait3A_36] : memref<10240x128xf32, #tpu.memory_space<vmem_shared>> -> memref<640x128xf32, #tpu.memory_space<vmem_shared>>
        tpu.wait_dma2 semaphore(%run_scoped3A_30 : memref<!tpu.dma_semaphore, #tpu.memory_space<semaphore_mem>>) src(%dma_wait3A_37 : memref<640x128xf32, #tpu.memory_space<vmem_shared>>) dst(%dma_wait3A_35 : memref<640x128xf32, #tpu.memory_space<hbm>>)
        tpu.yield
      }) : () -> ()
    } else {
    }
    return
  }
}

module attributes {stable_mosaic.version = 14 : i64} {
  func.func @dense_body(%arg0: i32, %arg1: memref<512x128xf32, #tpu.memory_space<vmem>>, %arg2: memref<512x128xf32, #tpu.memory_space<vmem>>, %arg3: memref<512x128xf32, #tpu.memory_space<vmem>>, %arg4: memref<128x128xf32, #tpu.memory_space<vmem>>, %arg5: memref<1x128xf32, #tpu.memory_space<vmem>>, %arg6: memref<128x128xf32, #tpu.memory_space<vmem>>, %arg7: memref<1x128xf32, #tpu.memory_space<vmem>>, %arg8: memref<128x128xf32, #tpu.memory_space<vmem>>, %arg9: memref<1x1xf32, #tpu.memory_space<vmem>>, %arg10: memref<512x1xf32, #tpu.memory_space<vmem>>, %arg11: memref<512x128xf32, #tpu.memory_space<vmem>>, %arg12: memref<512x1xf32, #tpu.memory_space<vmem>>, %arg13: memref<512x1xi32, #tpu.memory_space<vmem>>) attributes {dimension_semantics = [#tpu.dimension_semantics<arbitrary>], iteration_bounds = array<i64: 20>, scalar_prefetch = 0 : i64, scratch_operands = 0 : i64, tpu.core_type = #tpu.core_type<tc>, window_params = [{transform_indices = @transform_0, window_bounds = array<i64: 512, 128>}, {transform_indices = @transform_1, window_bounds = array<i64: 512, 128>}, {transform_indices = @transform_2, window_bounds = array<i64: 512, 128>}, {pipeline_mode = #tpu.pipeline_mode<synchronous>, transform_indices = @transform_3, window_bounds = array<i64: 128, 128>}, {pipeline_mode = #tpu.pipeline_mode<synchronous>, transform_indices = @transform_4, window_bounds = array<i64: 1, 128>}, {pipeline_mode = #tpu.pipeline_mode<synchronous>, transform_indices = @transform_5, window_bounds = array<i64: 128, 128>}, {pipeline_mode = #tpu.pipeline_mode<synchronous>, transform_indices = @transform_6, window_bounds = array<i64: 1, 128>}, {pipeline_mode = #tpu.pipeline_mode<synchronous>, transform_indices = @transform_7, window_bounds = array<i64: 128, 128>}, {pipeline_mode = #tpu.pipeline_mode<synchronous>, transform_indices = @transform_8, window_bounds = array<i64: 1, 1>}, {transform_indices = @transform_9, window_bounds = array<i64: 512, 1>}, {transform_indices = @transform_10, window_bounds = array<i64: 512, 128>}, {transform_indices = @transform_11, window_bounds = array<i64: 512, 1>}, {transform_indices = @transform_12, window_bounds = array<i64: 512, 1>}]} {
    %get3A = arith.constant 0 : index
    %get3A_0 = arith.constant 0 : index
    %get3A_1 = vector.load %arg1[%get3A, %get3A_0] : memref<512x128xf32, #tpu.memory_space<vmem>>, vector<512x128xf32>
    %get3A_2 = arith.constant 0 : index
    %get3A_3 = arith.constant 0 : index
    %get3A_4 = vector.load %arg2[%get3A_2, %get3A_3] : memref<512x128xf32, #tpu.memory_space<vmem>>, vector<512x128xf32>
    %add3A = arith.addf %get3A_1, %get3A_4 : vector<512x128xf32>
    %get3A_5 = arith.constant 0 : index
    %get3A_6 = arith.constant 0 : index
    %get3A_7 = vector.load %arg3[%get3A_5, %get3A_6] : memref<512x128xf32, #tpu.memory_space<vmem>>, vector<512x128xf32>
    %add3A_8 = arith.addf %add3A, %get3A_7 : vector<512x128xf32>
    %get3A_9 = arith.constant 0 : index
    %get3A_10 = arith.constant 0 : index
    %get3A_11 = vector.load %arg4[%get3A_9, %get3A_10] : memref<128x128xf32, #tpu.memory_space<vmem>>, vector<128x128xf32>
    %dot_general3A = arith.constant dense<0.000000e+00> : vector<512x128xf32>
    %dot_general3A_12 = tpu.matmul %add3A_8, %get3A_11, %dot_general3A {dimension_numbers = #tpu.dot_dimension_numbers<[1], [0], [0], [1], [0, 0, 1, 1], [], []>, transpose_lhs_hint = false} : vector<512x128xf32>, vector<128x128xf32>, vector<512x128xf32> -> vector<512x128xf32>
    %get3A_13 = arith.constant 0 : index
    %get3A_14 = arith.constant 0 : index
    %get3A_15 = vector.load %arg5[%get3A_13, %get3A_14] : memref<1x128xf32, #tpu.memory_space<vmem>>, vector<1x128xf32>
    %add3A_16 = vector.broadcast %get3A_15 : vector<1x128xf32> to vector<512x128xf32>
    %add3A_17 = arith.addf %dot_general3A_12, %add3A_16 : vector<512x128xf32>
    %max3A = arith.constant 0.000000e+00 : f32
    %max3A_18 = vector.broadcast %max3A : f32 to vector<512x128xf32>
    %max3A_19 = arith.maximumf %add3A_17, %max3A_18 : vector<512x128xf32>
    %get3A_20 = arith.constant 0 : index
    %get3A_21 = arith.constant 0 : index
    %get3A_22 = vector.load %arg6[%get3A_20, %get3A_21] : memref<128x128xf32, #tpu.memory_space<vmem>>, vector<128x128xf32>
    %dot_general3A_23 = arith.constant dense<0.000000e+00> : vector<512x128xf32>
    %dot_general3A_24 = tpu.matmul %max3A_19, %get3A_22, %dot_general3A_23 {dimension_numbers = #tpu.dot_dimension_numbers<[1], [0], [0], [1], [0, 0, 1, 1], [], []>, transpose_lhs_hint = false} : vector<512x128xf32>, vector<128x128xf32>, vector<512x128xf32> -> vector<512x128xf32>
    %get3A_25 = arith.constant 0 : index
    %get3A_26 = arith.constant 0 : index
    %get3A_27 = vector.load %arg7[%get3A_25, %get3A_26] : memref<1x128xf32, #tpu.memory_space<vmem>>, vector<1x128xf32>
    %add3A_28 = vector.broadcast %get3A_27 : vector<1x128xf32> to vector<512x128xf32>
    %add3A_29 = arith.addf %dot_general3A_24, %add3A_28 : vector<512x128xf32>
    %max3A_30 = arith.constant 0.000000e+00 : f32
    %max3A_31 = vector.broadcast %max3A_30 : f32 to vector<512x128xf32>
    %max3A_32 = arith.maximumf %add3A_29, %max3A_31 : vector<512x128xf32>
    %swap3A = arith.constant 0 : index
    %swap3A_33 = arith.constant 0 : index
    %swap3A_34 = vector.load %arg11[%swap3A, %swap3A_33] : memref<512x128xf32, #tpu.memory_space<vmem>>, vector<512x128xf32>
    tpu.vector_store %arg11[%swap3A, %swap3A_33], %max3A_32 {strides = array<i32>} : memref<512x128xf32, #tpu.memory_space<vmem>>, vector<512x128xf32>,
    %get3A_35 = arith.constant 0 : index
    %get3A_36 = arith.constant 0 : index
    %get3A_37 = vector.load %arg8[%get3A_35, %get3A_36] : memref<128x128xf32, #tpu.memory_space<vmem>>, vector<128x128xf32>
    %dot_general3A_38 = arith.constant dense<0.000000e+00> : vector<512x128xf32>
    %dot_general3A_39 = tpu.matmul %max3A_32, %get3A_37, %dot_general3A_38 {dimension_numbers = #tpu.dot_dimension_numbers<[1], [0], [0], [1], [0, 0, 1, 1], [], []>, transpose_lhs_hint = false} : vector<512x128xf32>, vector<128x128xf32>, vector<512x128xf32> -> vector<512x128xf32>
    %slice3A = vector.extract_strided_slice %dot_general3A_39 {offsets = [0, 0], sizes = [512, 1], strides = [1, 1]} : vector<512x128xf32> to vector<512x1xf32>
    %get3A_40 = arith.constant 0 : index
    %get3A_41 = arith.constant 0 : index
    %get3A_42 = vector.load %arg9[%get3A_40, %get3A_41] : memref<1x1xf32, #tpu.memory_space<vmem>>, vector<1x1xf32>
    %get3A_43 = vector.extract %get3A_42[0, 0] : f32 from vector<1x1xf32>
    %div3A = vector.broadcast %get3A_43 : f32 to vector<512x1xf32>
    %div3A_44 = arith.divf %slice3A, %div3A : vector<512x1xf32>
    %tanh3A = math.tanh %div3A_44 : vector<512x1xf32>
    %swap3A_45 = arith.constant 0 : index
    %swap3A_46 = arith.constant 0 : index
    %swap3A_47 = vector.load %arg12[%swap3A_45, %swap3A_46] : memref<512x1xf32, #tpu.memory_space<vmem>>, vector<512x1xf32>
    tpu.vector_store %arg12[%swap3A_45, %swap3A_46], %tanh3A {strides = array<i32>} : memref<512x1xf32, #tpu.memory_space<vmem>>, vector<512x1xf32>,
    %bitcast_convert_type3A = tpu.bitcast %tanh3A : vector<512x1xf32> -> vector<512x1xi32>
    %ge3A = arith.constant 0 : i32
    %ge3A_48 = vector.broadcast %ge3A : i32 to vector<512x1xi32>
    %ge3A_49 = arith.cmpi sge, %bitcast_convert_type3A, %ge3A_48 : vector<512x1xi32>
    %sub3A = arith.constant -2147483648 : i32
    %sub3A_50 = vector.broadcast %sub3A : i32 to vector<512x1xi32>
    %sub3A_51 = arith.subi %sub3A_50, %bitcast_convert_type3A : vector<512x1xi32>
    %select_n3A = arith.select %ge3A_49, %bitcast_convert_type3A, %sub3A_51 : vector<512x1xi1>, vector<512x1xi32>
    %get3A_52 = arith.constant 0 : index
    %get3A_53 = arith.constant 0 : index
    %get3A_54 = vector.load %arg10[%get3A_52, %get3A_53] : memref<512x1xf32, #tpu.memory_space<vmem>>, vector<512x1xf32>
    %gt3A = arith.constant 0.000000e+00 : f32
    %gt3A_55 = vector.broadcast %gt3A : f32 to vector<512x1xf32>
    %gt3A_56 = arith.cmpf ogt, %get3A_54, %gt3A_55 : vector<512x1xf32>
    %jit3A = arith.constant -2147483648 : i32
    %broadcast_in_dim3A = vector.broadcast %jit3A : i32 to vector<512x1xi32>
    %select_n3A_57 = arith.select %gt3A_56, %select_n3A, %broadcast_in_dim3A : vector<512x1xi1>, vector<512x1xi32>
    %swap3A_58 = arith.constant 0 : index
    %swap3A_59 = arith.constant 0 : index
    %swap3A_60 = vector.load %arg13[%swap3A_58, %swap3A_59] : memref<512x1xi32, #tpu.memory_space<vmem>>, vector<512x1xi32>
    tpu.vector_store %arg13[%swap3A_58, %swap3A_59], %select_n3A_57 {strides = array<i32>} : memref<512x1xi32, #tpu.memory_space<vmem>>, vector<512x1xi32>,
    return
  }
  func.func @transform_0(%arg0: i32) -> (i32, i32) {
    %c0_i32 = arith.constant 0 : i32
    %c0_i32_0 = arith.constant 0 : i32
    return %arg0, %c0_i32 : i32, i32
  }
  func.func @transform_1(%arg0: i32) -> (i32, i32) {
    %c0_i32 = arith.constant 0 : i32
    %c0_i32_0 = arith.constant 0 : i32
    return %arg0, %c0_i32 : i32, i32
  }
  func.func @transform_2(%arg0: i32) -> (i32, i32) {
    %c0_i32 = arith.constant 0 : i32
    %c0_i32_0 = arith.constant 0 : i32
    return %arg0, %c0_i32 : i32, i32
  }
  func.func @transform_3(%arg0: i32) -> (i32, i32) {
    %c0_i32 = arith.constant 0 : i32
    %c0_i32_0 = arith.constant 0 : i32
    %c0_i32_1 = arith.constant 0 : i32
    return %c0_i32, %c0_i32_0 : i32, i32
  }
  func.func @transform_4(%arg0: i32) -> (i32, i32) {
    %c0_i32 = arith.constant 0 : i32
    %c0_i32_0 = arith.constant 0 : i32
    %c0_i32_1 = arith.constant 0 : i32
    return %c0_i32, %c0_i32_0 : i32, i32
  }
  func.func @transform_5(%arg0: i32) -> (i32, i32) {
    %c0_i32 = arith.constant 0 : i32
    %c0_i32_0 = arith.constant 0 : i32
    %c0_i32_1 = arith.constant 0 : i32
    return %c0_i32, %c0_i32_0 : i32, i32
  }
  func.func @transform_6(%arg0: i32) -> (i32, i32) {
    %c0_i32 = arith.constant 0 : i32
    %c0_i32_0 = arith.constant 0 : i32
    %c0_i32_1 = arith.constant 0 : i32
    return %c0_i32, %c0_i32_0 : i32, i32
  }
  func.func @transform_7(%arg0: i32) -> (i32, i32) {
    %c0_i32 = arith.constant 0 : i32
    %c0_i32_0 = arith.constant 0 : i32
    %c0_i32_1 = arith.constant 0 : i32
    return %c0_i32, %c0_i32_0 : i32, i32
  }
  func.func @transform_8(%arg0: i32) -> (i32, i32) {
    %c0_i32 = arith.constant 0 : i32
    %c0_i32_0 = arith.constant 0 : i32
    %c0_i32_1 = arith.constant 0 : i32
    return %c0_i32, %c0_i32_0 : i32, i32
  }
  func.func @transform_9(%arg0: i32) -> (i32, i32) {
    %c0_i32 = arith.constant 0 : i32
    %c0_i32_0 = arith.constant 0 : i32
    return %arg0, %c0_i32 : i32, i32
  }
  func.func @transform_10(%arg0: i32) -> (i32, i32) {
    %c0_i32 = arith.constant 0 : i32
    %c0_i32_0 = arith.constant 0 : i32
    return %arg0, %c0_i32 : i32, i32
  }
  func.func @transform_11(%arg0: i32) -> (i32, i32) {
    %c0_i32 = arith.constant 0 : i32
    %c0_i32_0 = arith.constant 0 : i32
    return %arg0, %c0_i32 : i32, i32
  }
  func.func @transform_12(%arg0: i32) -> (i32, i32) {
    %c0_i32 = arith.constant 0 : i32
    %c0_i32_0 = arith.constant 0 : i32
    return %arg0, %c0_i32 : i32, i32
  }
}

module attributes {stable_mosaic.version = 14 : i64} {
  func.func @select_body(%arg0: memref<80x128xi32, #tpu.memory_space<vmem>>, %arg1: memref<80x128xf32, #tpu.memory_space<vmem>>) attributes {dimension_semantics = [], scalar_prefetch = 0 : i64, scratch_operands = 0 : i64, tpu.core_type = #tpu.core_type<tc>} {
    %get3A = arith.constant 0 : index
    %get3A_0 = arith.constant 0 : index
    %get3A_1 = vector.load %arg0[%get3A, %get3A_0] : memref<80x128xi32, #tpu.memory_space<vmem>>, vector<80x128xi32>
    %gt3A = arith.constant -2147483648 : i32
    %gt3A_2 = vector.broadcast %gt3A : i32 to vector<80x128xi32>
    %gt3A_3 = arith.cmpi sgt, %get3A_1, %gt3A_2 : vector<80x128xi32>
    %ge3A = arith.constant 0 : i32
    %ge3A_4 = vector.broadcast %ge3A : i32 to vector<80x128xi32>
    %ge3A_5 = arith.cmpi sge, %get3A_1, %ge3A_4 : vector<80x128xi32>
    %and3A = arith.andi %gt3A_3, %ge3A_5 : vector<80x128xi1>
    %convert_element_type3A = arith.extui %and3A : vector<80x128xi1> to vector<80x128xi32>
    %reduce_sum3A = vector.shape_cast %convert_element_type3A : vector<80x128xi32> to vector<1x80x128xi32>
    %reduce_sum3A_6 = arith.constant dense<0> : vector<1xi32>
    %reduce_sum3A_7 = vector.multi_reduction <add>, %reduce_sum3A, %reduce_sum3A_6 [1, 2] : vector<1x80x128xi32> to vector<1xi32>
    %reduce_sum3A_8 = vector.shape_cast %reduce_sum3A_7 : vector<1xi32> to vector<1x1x1xi32>
    %reduce_sum3A_9 = vector.extract %reduce_sum3A_8[0, 0, 0] : i32 from vector<1x1x1xi32>
    %ge3A_10 = arith.constant 7500 : i32
    %ge3A_11 = arith.cmpi sge, %reduce_sum3A_9, %ge3A_10 : i32
    %jit3A = arith.constant 0 : i32
    %jit3A_12 = arith.constant -2147483646 : i32
    %select_n3A = arith.select %ge3A_11, %jit3A, %jit3A_12 : i32
    %jit3A_13 = arith.constant 2147483646 : i32
    %jit3A_14 = arith.constant -1 : i32
    %select_n3A_15 = arith.select %ge3A_11, %jit3A_13, %jit3A_14 : i32
    %scan3A = arith.constant 0 : i32
    %scan3A_16 = arith.constant 31 : i32
    %scan3A_17 = arith.addi %scan3A, %scan3A_16 : i32
    %scan3A_18 = arith.constant 1 : i32
    %scan3A_19:2 = scf.for %scan3A_46 = %scan3A to %scan3A_17 step %scan3A_18 iter_args(%scan3A_47 = %select_n3A, %scan3A_48 = %select_n3A_15) -> (i32, i32)  : i32 {
      %sub3A_49 = arith.subi %scan3A_48, %scan3A_47 : i32
      %add3A_50 = arith.constant 1 : i32
      %add3A_51 = arith.addi %sub3A_49, %add3A_50 : i32
      %shift_right_arithmetic3A = arith.constant 1 : i32
      %shift_right_arithmetic3A_52 = arith.shrsi %add3A_51, %shift_right_arithmetic3A : i32
      %add3A_53 = arith.addi %scan3A_47, %shift_right_arithmetic3A_52 : i32
      %ge3A_54 = vector.broadcast %add3A_53 : i32 to vector<80x128xi32>
      %ge3A_55 = arith.cmpi sge, %get3A_1, %ge3A_54 : vector<80x128xi32>
      %and3A_56 = arith.andi %gt3A_3, %ge3A_55 : vector<80x128xi1>
      %convert_element_type3A_57 = arith.extui %and3A_56 : vector<80x128xi1> to vector<80x128xi32>
      %reduce_sum3A_58 = vector.shape_cast %convert_element_type3A_57 : vector<80x128xi32> to vector<1x80x128xi32>
      %reduce_sum3A_59 = arith.constant dense<0> : vector<1xi32>
      %reduce_sum3A_60 = vector.multi_reduction <add>, %reduce_sum3A_58, %reduce_sum3A_59 [1, 2] : vector<1x80x128xi32> to vector<1xi32>
      %reduce_sum3A_61 = vector.shape_cast %reduce_sum3A_60 : vector<1xi32> to vector<1x1x1xi32>
      %reduce_sum3A_62 = vector.extract %reduce_sum3A_61[0, 0, 0] : i32 from vector<1x1x1xi32>
      %ge3A_63 = arith.constant 7500 : i32
      %ge3A_64 = arith.cmpi sge, %reduce_sum3A_62, %ge3A_63 : i32
      %select_n3A_65 = arith.select %ge3A_64, %add3A_53, %scan3A_47 : i32
      %sub3A_66 = arith.constant 1 : i32
      %sub3A_67 = arith.subi %add3A_53, %sub3A_66 : i32
      %select_n3A_68 = arith.select %ge3A_64, %scan3A_48, %sub3A_67 : i32
      scf.yield %select_n3A_65, %select_n3A_68 : i32, i32
    }
    %gt3A_20 = vector.broadcast %scan3A_19#0 : i32 to vector<80x128xi32>
    %gt3A_21 = arith.cmpi sgt, %get3A_1, %gt3A_20 : vector<80x128xi32>
    %eq3A = vector.broadcast %scan3A_19#0 : i32 to vector<80x128xi32>
    %eq3A_22 = arith.cmpi eq, %get3A_1, %eq3A : vector<80x128xi32>
    %convert_element_type3A_23 = arith.extui %gt3A_21 : vector<80x128xi1> to vector<80x128xi32>
    %reduce_sum3A_24 = vector.shape_cast %convert_element_type3A_23 : vector<80x128xi32> to vector<1x80x128xi32>
    %reduce_sum3A_25 = arith.constant dense<0> : vector<1xi32>
    %reduce_sum3A_26 = vector.multi_reduction <add>, %reduce_sum3A_24, %reduce_sum3A_25 [1, 2] : vector<1x80x128xi32> to vector<1xi32>
    %reduce_sum3A_27 = vector.shape_cast %reduce_sum3A_26 : vector<1xi32> to vector<1x1x1xi32>
    %reduce_sum3A_28 = vector.extract %reduce_sum3A_27[0, 0, 0] : i32 from vector<1x1x1xi32>
    %sub3A = arith.constant 7500 : i32
    %sub3A_29 = arith.subi %sub3A, %reduce_sum3A_28 : i32
    %iota3A = tpu.iota {dimensions = array<i32: 0>} : vector<80x128xi32>
    %mul3A = arith.constant 128 : i32
    %mul3A_30 = vector.broadcast %mul3A : i32 to vector<80x128xi32>
    %mul3A_31 = arith.muli %iota3A, %mul3A_30 : vector<80x128xi32>
    %iota3A_32 = tpu.iota {dimensions = array<i32: 1>} : vector<80x128xi32>
    %add3A = arith.addi %mul3A_31, %iota3A_32 : vector<80x128xi32>
    %scan3A_33 = arith.constant 0 : i32
    %scan3A_34 = arith.constant 10239 : i32
    %scan3A_35 = arith.constant 0 : i32
    %scan3A_36 = arith.constant 14 : i32
    %scan3A_37 = arith.addi %scan3A_35, %scan3A_36 : i32
    %scan3A_38 = arith.constant 1 : i32
    %scan3A_39:2 = scf.for %scan3A_46 = %scan3A_35 to %scan3A_37 step %scan3A_38 iter_args(%scan3A_47 = %scan3A_33, %scan3A_48 = %scan3A_34) -> (i32, i32)  : i32 {
      %add3A_49 = arith.addi %scan3A_47, %scan3A_48 : i32
      %shift_right_arithmetic3A = arith.constant 1 : i32
      %shift_right_arithmetic3A_50 = arith.shrsi %add3A_49, %shift_right_arithmetic3A : i32
      %le3A_51 = vector.broadcast %shift_right_arithmetic3A_50 : i32 to vector<80x128xi32>
      %le3A_52 = arith.cmpi sle, %add3A, %le3A_51 : vector<80x128xi32>
      %and3A_53 = arith.andi %eq3A_22, %le3A_52 : vector<80x128xi1>
      %convert_element_type3A_54 = arith.extui %and3A_53 : vector<80x128xi1> to vector<80x128xi32>
      %reduce_sum3A_55 = vector.shape_cast %convert_element_type3A_54 : vector<80x128xi32> to vector<1x80x128xi32>
      %reduce_sum3A_56 = arith.constant dense<0> : vector<1xi32>
      %reduce_sum3A_57 = vector.multi_reduction <add>, %reduce_sum3A_55, %reduce_sum3A_56 [1, 2] : vector<1x80x128xi32> to vector<1xi32>
      %reduce_sum3A_58 = vector.shape_cast %reduce_sum3A_57 : vector<1xi32> to vector<1x1x1xi32>
      %reduce_sum3A_59 = vector.extract %reduce_sum3A_58[0, 0, 0] : i32 from vector<1x1x1xi32>
      %ge3A_60 = arith.cmpi sge, %reduce_sum3A_59, %sub3A_29 : i32
      %add3A_61 = arith.constant 1 : i32
      %add3A_62 = arith.addi %shift_right_arithmetic3A_50, %add3A_61 : i32
      %select_n3A_63 = arith.select %ge3A_60, %scan3A_47, %add3A_62 : i32
      %select_n3A_64 = arith.select %ge3A_60, %shift_right_arithmetic3A_50, %scan3A_48 : i32
      scf.yield %select_n3A_63, %select_n3A_64 : i32, i32
    }
    %le3A = vector.broadcast %scan3A_39#0 : i32 to vector<80x128xi32>
    %le3A_40 = arith.cmpi sle, %add3A, %le3A : vector<80x128xi32>
    %and3A_41 = arith.andi %eq3A_22, %le3A_40 : vector<80x128xi1>
    %or3A = arith.ori %gt3A_21, %and3A_41 : vector<80x128xi1>
    %convert_element_type3A_42 = arith.extui %or3A : vector<80x128xi1> to vector<80x128xi32>
    %convert_element_type3A_43 = arith.sitofp %convert_element_type3A_42 : vector<80x128xi32> to vector<80x128xf32>
    %swap3A = arith.constant 0 : index
    %swap3A_44 = arith.constant 0 : index
    %swap3A_45 = vector.load %arg1[%swap3A, %swap3A_44] : memref<80x128xf32, #tpu.memory_space<vmem>>, vector<80x128xf32>
    tpu.vector_store %arg1[%swap3A, %swap3A_44], %convert_element_type3A_43 {strides = array<i32>} : memref<80x128xf32, #tpu.memory_space<vmem>>, vector<80x128xf32>,
    return
  }
}

module attributes {stable_mosaic.version = 14 : i64} {
  func.func @pool_body(%arg0: i32, %arg1: memref<512x128xf32, #tpu.memory_space<vmem>>, %arg2: memref<512x1xf32, #tpu.memory_space<vmem>>, %arg3: memref<512x1xf32, #tpu.memory_space<vmem>>, %arg4: memref<1x256xf32, #tpu.memory_space<vmem>>, %arg5: memref<512x128xf32, #tpu.memory_space<vmem>>, %arg6: memref<1x256xf32, #tpu.memory_space<vmem>>) attributes {dimension_semantics = [#tpu.dimension_semantics<arbitrary>], iteration_bounds = array<i64: 20>, scalar_prefetch = 0 : i64, scratch_operands = 0 : i64, tpu.core_type = #tpu.core_type<tc>, window_params = [{transform_indices = @transform_0, window_bounds = array<i64: 512, 128>}, {transform_indices = @transform_1, window_bounds = array<i64: 512, 1>}, {transform_indices = @transform_2, window_bounds = array<i64: 512, 1>}, {pipeline_mode = #tpu.pipeline_mode<synchronous>, transform_indices = @transform_3, window_bounds = array<i64: 1, 256>}, {transform_indices = @transform_4, window_bounds = array<i64: 512, 128>}, {pipeline_mode = #tpu.pipeline_mode<synchronous>, transform_indices = @transform_5, window_bounds = array<i64: 1, 256>}]} {
    %get3A = arith.constant 0 : index
    %get3A_0 = arith.constant 0 : index
    %get3A_1 = vector.load %arg3[%get3A, %get3A_0] : memref<512x1xf32, #tpu.memory_space<vmem>>, vector<512x1xf32>
    %get3A_2 = arith.constant 0 : index
    %get3A_3 = arith.constant 0 : index
    %get3A_4 = vector.load %arg1[%get3A_2, %get3A_3] : memref<512x128xf32, #tpu.memory_space<vmem>>, vector<512x128xf32>
    %get3A_5 = arith.constant 0 : index
    %get3A_6 = arith.constant 0 : index
    %get3A_7 = vector.load %arg2[%get3A_5, %get3A_6] : memref<512x1xf32, #tpu.memory_space<vmem>>, vector<512x1xf32>
    %mul3A = arith.mulf %get3A_7, %get3A_1 : vector<512x1xf32>
    %mul3A_8 = vector.broadcast %mul3A : vector<512x1xf32> to vector<512x128xf32>
    %mul3A_9 = arith.mulf %get3A_4, %mul3A_8 : vector<512x128xf32>
    %swap3A = arith.constant 0 : index
    %swap3A_10 = arith.constant 0 : index
    %swap3A_11 = vector.load %arg5[%swap3A, %swap3A_10] : memref<512x128xf32, #tpu.memory_space<vmem>>, vector<512x128xf32>
    tpu.vector_store %arg5[%swap3A, %swap3A_10], %mul3A_9 {strides = array<i32>} : memref<512x128xf32, #tpu.memory_space<vmem>>, vector<512x128xf32>,
    %gt3A = arith.constant 0.000000e+00 : f32
    %gt3A_12 = vector.broadcast %gt3A : f32 to vector<512x1xf32>
    %gt3A_13 = arith.cmpf ogt, %get3A_1, %gt3A_12 : vector<512x1xf32>
    %jit3A = arith.constant 0xFF800000 : f32
    %broadcast_in_dim3A = vector.shape_cast %gt3A_13 : vector<512x1xi1> to vector<512x1xi1>
    %broadcast_in_dim3A_14 = vector.broadcast %broadcast_in_dim3A : vector<512x1xi1> to vector<512x128xi1>
    %broadcast_in_dim3A_15 = vector.broadcast %jit3A : f32 to vector<512x128xf32>
    %select_n3A = arith.select %broadcast_in_dim3A_14, %mul3A_9, %broadcast_in_dim3A_15 : vector<512x128xi1>, vector<512x128xf32>
    %reduce_max3A = arith.constant dense<0xFF800000> : vector<128xf32>
    %reduce_max3A_16 = vector.multi_reduction <maximumf>, %select_n3A, %reduce_max3A [0] : vector<512x128xf32> to vector<128xf32>
    %reduce_sum3A = arith.constant dense<0.000000e+00> : vector<128xf32>
    %reduce_sum3A_17 = vector.multi_reduction <add>, %mul3A_9, %reduce_sum3A [0] : vector<512x128xf32> to vector<128xf32>
    %eq3A = arith.constant 0 : i32
    %eq3A_18 = arith.cmpi eq, %arg0, %eq3A : i32
    %convert_element_type3A = arith.extui %eq3A_18 : i1 to i32
    %cond3A = arith.constant 0 : i32
    %cond3A_19 = arith.cmpi ne, %convert_element_type3A, %cond3A : i32
    scf.if %cond3A_19 {
      %concatenate3A = tpu.concatenate %reduce_max3A_16, %reduce_sum3A_17 in 0 : vector<128xf32>, vector<128xf32> -> vector<256xf32>
      %broadcast_in_dim3A_30 = vector.shape_cast %concatenate3A : vector<256xf32> to vector<1x256xf32>
      %swap3A_31 = arith.constant 0 : index
      %swap3A_32 = arith.constant 0 : index
      %swap3A_33 = vector.load %arg6[%swap3A_31, %swap3A_32] : memref<1x256xf32, #tpu.memory_space<vmem>>, vector<1x256xf32>
      tpu.vector_store %arg6[%swap3A_31, %swap3A_32], %broadcast_in_dim3A_30 {strides = array<i32>} : memref<1x256xf32, #tpu.memory_space<vmem>>, vector<1x256xf32>,
    } else {
    }
    %gt3A_20 = arith.constant 0 : i32
    %gt3A_21 = arith.cmpi sgt, %arg0, %gt3A_20 : i32
    %convert_element_type3A_22 = arith.extui %gt3A_21 : i1 to i32
    %cond3A_23 = arith.constant 0 : i32
    %cond3A_24 = arith.cmpi ne, %convert_element_type3A_22, %cond3A_23 : i32
    scf.if %cond3A_24 {
      %get3A_30 = arith.constant 0 : index
      %get3A_31 = arith.constant 0 : index
      %get3A_32 = vector.load %arg6[%get3A_30, %get3A_31] : memref<1x256xf32, #tpu.memory_space<vmem>>, vector<1x256xf32>
      %slice3A = vector.extract_strided_slice %get3A_32 {offsets = [0, 0], sizes = [1, 128], strides = [1, 1]} : vector<1x256xf32> to vector<1x128xf32>
      %broadcast_in_dim3A_33 = vector.shape_cast %reduce_max3A_16 : vector<128xf32> to vector<1x128xf32>
      %max3A = arith.maximumf %slice3A, %broadcast_in_dim3A_33 : vector<1x128xf32>
      %slice3A_34 = vector.extract_strided_slice %get3A_32 {offsets = [0, 128], sizes = [1, 128], strides = [1, 1]} : vector<1x256xf32> to vector<1x128xf32>
      %broadcast_in_dim3A_35 = vector.shape_cast %reduce_sum3A_17 : vector<128xf32> to vector<1x128xf32>
      %add3A = arith.addf %slice3A_34, %broadcast_in_dim3A_35 : vector<1x128xf32>
      %concatenate3A = tpu.concatenate %max3A, %add3A in 1 : vector<1x128xf32>, vector<1x128xf32> -> vector<1x256xf32>
      %swap3A_36 = arith.constant 0 : index
      %swap3A_37 = arith.constant 0 : index
      %swap3A_38 = vector.load %arg6[%swap3A_36, %swap3A_37] : memref<1x256xf32, #tpu.memory_space<vmem>>, vector<1x256xf32>
      tpu.vector_store %arg6[%swap3A_36, %swap3A_37], %concatenate3A {strides = array<i32>} : memref<1x256xf32, #tpu.memory_space<vmem>>, vector<1x256xf32>,
    } else {
    }
    %eq3A_25 = arith.constant 19 : i32
    %eq3A_26 = arith.cmpi eq, %arg0, %eq3A_25 : i32
    %convert_element_type3A_27 = arith.extui %eq3A_26 : i1 to i32
    %cond3A_28 = arith.constant 0 : i32
    %cond3A_29 = arith.cmpi ne, %convert_element_type3A_27, %cond3A_28 : i32
    scf.if %cond3A_29 {
      %get3A_30 = arith.constant 0 : index
      %get3A_31 = arith.constant 0 : index
      %get3A_32 = vector.load %arg6[%get3A_30, %get3A_31] : memref<1x256xf32, #tpu.memory_space<vmem>>, vector<1x256xf32>
      %get3A_33 = arith.constant 0 : index
      %get3A_34 = arith.constant 0 : index
      %get3A_35 = vector.load %arg4[%get3A_33, %get3A_34] : memref<1x256xf32, #tpu.memory_space<vmem>>, vector<1x256xf32>
      %slice3A = vector.extract_strided_slice %get3A_32 {offsets = [0, 0], sizes = [1, 128], strides = [1, 1]} : vector<1x256xf32> to vector<1x128xf32>
      %slice3A_36 = vector.extract_strided_slice %get3A_32 {offsets = [0, 128], sizes = [1, 128], strides = [1, 1]} : vector<1x256xf32> to vector<1x128xf32>
      %div3A = arith.constant 7.500000e+03 : f32
      %div3A_37 = vector.broadcast %div3A : f32 to vector<1x128xf32>
      %div3A_38 = arith.divf %slice3A_36, %div3A_37 : vector<1x128xf32>
      %concatenate3A = tpu.concatenate %slice3A, %div3A_38 in 1 : vector<1x128xf32>, vector<1x128xf32> -> vector<1x256xf32>
      %add3A = arith.addf %get3A_35, %concatenate3A : vector<1x256xf32>
      %swap3A_39 = arith.constant 0 : index
      %swap3A_40 = arith.constant 0 : index
      %swap3A_41 = vector.load %arg6[%swap3A_39, %swap3A_40] : memref<1x256xf32, #tpu.memory_space<vmem>>, vector<1x256xf32>
      tpu.vector_store %arg6[%swap3A_39, %swap3A_40], %add3A {strides = array<i32>} : memref<1x256xf32, #tpu.memory_space<vmem>>, vector<1x256xf32>,
    } else {
    }
    return
  }
  func.func @transform_0(%arg0: i32) -> (i32, i32) {
    %c0_i32 = arith.constant 0 : i32
    %c0_i32_0 = arith.constant 0 : i32
    return %arg0, %c0_i32 : i32, i32
  }
  func.func @transform_1(%arg0: i32) -> (i32, i32) {
    %c0_i32 = arith.constant 0 : i32
    %c0_i32_0 = arith.constant 0 : i32
    return %arg0, %c0_i32 : i32, i32
  }
  func.func @transform_2(%arg0: i32) -> (i32, i32) {
    %c0_i32 = arith.constant 0 : i32
    %c0_i32_0 = arith.constant 0 : i32
    return %arg0, %c0_i32 : i32, i32
  }
  func.func @transform_3(%arg0: i32) -> (i32, i32) {
    %c0_i32 = arith.constant 0 : i32
    %c0_i32_0 = arith.constant 0 : i32
    %c0_i32_1 = arith.constant 0 : i32
    return %c0_i32, %c0_i32_0 : i32, i32
  }
  func.func @transform_4(%arg0: i32) -> (i32, i32) {
    %c0_i32 = arith.constant 0 : i32
    %c0_i32_0 = arith.constant 0 : i32
    return %arg0, %c0_i32 : i32, i32
  }
  func.func @transform_5(%arg0: i32) -> (i32, i32) {
    %c0_i32 = arith.constant 0 : i32
    %c0_i32_0 = arith.constant 0 : i32
    %c0_i32_1 = arith.constant 0 : i32
    return %c0_i32, %c0_i32_0 : i32, i32
  }
}

module attributes {stable_mosaic.version = 14 : i64} {
  func.func @select_body(%arg0: memref<80x128xi32, #tpu.memory_space<vmem>>, %arg1: memref<80x128xi32, #tpu.memory_space<vmem>>, %arg2: memref<80x128xf32, #tpu.memory_space<vmem>>) attributes {dimension_semantics = [], scalar_prefetch = 0 : i64, scratch_operands = 0 : i64, tpu.core_type = #tpu.core_type<tc>} {
    %get3A = arith.constant 0 : index
    %get3A_0 = arith.constant 0 : index
    %get3A_1 = vector.load %arg0[%get3A, %get3A_0] : memref<80x128xi32, #tpu.memory_space<vmem>>, vector<80x128xi32>
    %gt3A = arith.constant -2147483648 : i32
    %gt3A_2 = vector.broadcast %gt3A : i32 to vector<80x128xi32>
    %gt3A_3 = arith.cmpi sgt, %get3A_1, %gt3A_2 : vector<80x128xi32>
    %ge3A = arith.constant 0 : i32
    %ge3A_4 = vector.broadcast %ge3A : i32 to vector<80x128xi32>
    %ge3A_5 = arith.cmpi sge, %get3A_1, %ge3A_4 : vector<80x128xi32>
    %and3A = arith.andi %gt3A_3, %ge3A_5 : vector<80x128xi1>
    %convert_element_type3A = arith.extui %and3A : vector<80x128xi1> to vector<80x128xi32>
    %reduce_sum3A = vector.shape_cast %convert_element_type3A : vector<80x128xi32> to vector<1x80x128xi32>
    %reduce_sum3A_6 = arith.constant dense<0> : vector<1xi32>
    %reduce_sum3A_7 = vector.multi_reduction <add>, %reduce_sum3A, %reduce_sum3A_6 [1, 2] : vector<1x80x128xi32> to vector<1xi32>
    %reduce_sum3A_8 = vector.shape_cast %reduce_sum3A_7 : vector<1xi32> to vector<1x1x1xi32>
    %reduce_sum3A_9 = vector.extract %reduce_sum3A_8[0, 0, 0] : i32 from vector<1x1x1xi32>
    %ge3A_10 = arith.constant 5625 : i32
    %ge3A_11 = arith.cmpi sge, %reduce_sum3A_9, %ge3A_10 : i32
    %jit3A = arith.constant 0 : i32
    %jit3A_12 = arith.constant -2147483646 : i32
    %select_n3A = arith.select %ge3A_11, %jit3A, %jit3A_12 : i32
    %jit3A_13 = arith.constant 2147483646 : i32
    %jit3A_14 = arith.constant -1 : i32
    %select_n3A_15 = arith.select %ge3A_11, %jit3A_13, %jit3A_14 : i32
    %scan3A = arith.constant 0 : i32
    %scan3A_16 = arith.constant 31 : i32
    %scan3A_17 = arith.addi %scan3A, %scan3A_16 : i32
    %scan3A_18 = arith.constant 1 : i32
    %scan3A_19:2 = scf.for %scan3A_85 = %scan3A to %scan3A_17 step %scan3A_18 iter_args(%scan3A_86 = %select_n3A, %scan3A_87 = %select_n3A_15) -> (i32, i32)  : i32 {
      %sub3A_88 = arith.subi %scan3A_87, %scan3A_86 : i32
      %add3A_89 = arith.constant 1 : i32
      %add3A_90 = arith.addi %sub3A_88, %add3A_89 : i32
      %shift_right_arithmetic3A = arith.constant 1 : i32
      %shift_right_arithmetic3A_91 = arith.shrsi %add3A_90, %shift_right_arithmetic3A : i32
      %add3A_92 = arith.addi %scan3A_86, %shift_right_arithmetic3A_91 : i32
      %ge3A_93 = vector.broadcast %add3A_92 : i32 to vector<80x128xi32>
      %ge3A_94 = arith.cmpi sge, %get3A_1, %ge3A_93 : vector<80x128xi32>
      %and3A_95 = arith.andi %gt3A_3, %ge3A_94 : vector<80x128xi1>
      %convert_element_type3A_96 = arith.extui %and3A_95 : vector<80x128xi1> to vector<80x128xi32>
      %reduce_sum3A_97 = vector.shape_cast %convert_element_type3A_96 : vector<80x128xi32> to vector<1x80x128xi32>
      %reduce_sum3A_98 = arith.constant dense<0> : vector<1xi32>
      %reduce_sum3A_99 = vector.multi_reduction <add>, %reduce_sum3A_97, %reduce_sum3A_98 [1, 2] : vector<1x80x128xi32> to vector<1xi32>
      %reduce_sum3A_100 = vector.shape_cast %reduce_sum3A_99 : vector<1xi32> to vector<1x1x1xi32>
      %reduce_sum3A_101 = vector.extract %reduce_sum3A_100[0, 0, 0] : i32 from vector<1x1x1xi32>
      %ge3A_102 = arith.constant 5625 : i32
      %ge3A_103 = arith.cmpi sge, %reduce_sum3A_101, %ge3A_102 : i32
      %select_n3A_104 = arith.select %ge3A_103, %add3A_92, %scan3A_86 : i32
      %sub3A_105 = arith.constant 1 : i32
      %sub3A_106 = arith.subi %add3A_92, %sub3A_105 : i32
      %select_n3A_107 = arith.select %ge3A_103, %scan3A_87, %sub3A_106 : i32
      scf.yield %select_n3A_104, %select_n3A_107 : i32, i32
    }
    %gt3A_20 = vector.broadcast %scan3A_19#0 : i32 to vector<80x128xi32>
    %gt3A_21 = arith.cmpi sgt, %get3A_1, %gt3A_20 : vector<80x128xi32>
    %eq3A = vector.broadcast %scan3A_19#0 : i32 to vector<80x128xi32>
    %eq3A_22 = arith.cmpi eq, %get3A_1, %eq3A : vector<80x128xi32>
    %convert_element_type3A_23 = arith.extui %gt3A_21 : vector<80x128xi1> to vector<80x128xi32>
    %reduce_sum3A_24 = vector.shape_cast %convert_element_type3A_23 : vector<80x128xi32> to vector<1x80x128xi32>
    %reduce_sum3A_25 = arith.constant dense<0> : vector<1xi32>
    %reduce_sum3A_26 = vector.multi_reduction <add>, %reduce_sum3A_24, %reduce_sum3A_25 [1, 2] : vector<1x80x128xi32> to vector<1xi32>
    %reduce_sum3A_27 = vector.shape_cast %reduce_sum3A_26 : vector<1xi32> to vector<1x1x1xi32>
    %reduce_sum3A_28 = vector.extract %reduce_sum3A_27[0, 0, 0] : i32 from vector<1x1x1xi32>
    %sub3A = arith.constant 5625 : i32
    %sub3A_29 = arith.subi %sub3A, %reduce_sum3A_28 : i32
    %get3A_30 = arith.constant 0 : index
    %get3A_31 = arith.constant 0 : index
    %get3A_32 = vector.load %arg1[%get3A_30, %get3A_31] : memref<80x128xi32, #tpu.memory_space<vmem>>, vector<80x128xi32>
    %ge3A_33 = arith.constant 0 : i32
    %ge3A_34 = vector.broadcast %ge3A_33 : i32 to vector<80x128xi32>
    %ge3A_35 = arith.cmpi sge, %get3A_32, %ge3A_34 : vector<80x128xi32>
    %and3A_36 = arith.andi %eq3A_22, %ge3A_35 : vector<80x128xi1>
    %convert_element_type3A_37 = arith.extui %and3A_36 : vector<80x128xi1> to vector<80x128xi32>
    %reduce_sum3A_38 = vector.shape_cast %convert_element_type3A_37 : vector<80x128xi32> to vector<1x80x128xi32>
    %reduce_sum3A_39 = arith.constant dense<0> : vector<1xi32>
    %reduce_sum3A_40 = vector.multi_reduction <add>, %reduce_sum3A_38, %reduce_sum3A_39 [1, 2] : vector<1x80x128xi32> to vector<1xi32>
    %reduce_sum3A_41 = vector.shape_cast %reduce_sum3A_40 : vector<1xi32> to vector<1x1x1xi32>
    %reduce_sum3A_42 = vector.extract %reduce_sum3A_41[0, 0, 0] : i32 from vector<1x1x1xi32>
    %ge3A_43 = arith.cmpi sge, %reduce_sum3A_42, %sub3A_29 : i32
    %jit3A_44 = arith.constant 0 : i32
    %jit3A_45 = arith.constant -2147483646 : i32
    %select_n3A_46 = arith.select %ge3A_43, %jit3A_44, %jit3A_45 : i32
    %jit3A_47 = arith.constant 2147483646 : i32
    %jit3A_48 = arith.constant -1 : i32
    %select_n3A_49 = arith.select %ge3A_43, %jit3A_47, %jit3A_48 : i32
    %scan3A_50 = arith.constant 0 : i32
    %scan3A_51 = arith.constant 31 : i32
    %scan3A_52 = arith.addi %scan3A_50, %scan3A_51 : i32
    %scan3A_53 = arith.constant 1 : i32
    %scan3A_54:2 = scf.for %scan3A_85 = %scan3A_50 to %scan3A_52 step %scan3A_53 iter_args(%scan3A_86 = %select_n3A_46, %scan3A_87 = %select_n3A_49) -> (i32, i32)  : i32 {
      %sub3A_88 = arith.subi %scan3A_87, %scan3A_86 : i32
      %add3A_89 = arith.constant 1 : i32
      %add3A_90 = arith.addi %sub3A_88, %add3A_89 : i32
      %shift_right_arithmetic3A = arith.constant 1 : i32
      %shift_right_arithmetic3A_91 = arith.shrsi %add3A_90, %shift_right_arithmetic3A : i32
      %add3A_92 = arith.addi %scan3A_86, %shift_right_arithmetic3A_91 : i32
      %ge3A_93 = vector.broadcast %add3A_92 : i32 to vector<80x128xi32>
      %ge3A_94 = arith.cmpi sge, %get3A_32, %ge3A_93 : vector<80x128xi32>
      %and3A_95 = arith.andi %eq3A_22, %ge3A_94 : vector<80x128xi1>
      %convert_element_type3A_96 = arith.extui %and3A_95 : vector<80x128xi1> to vector<80x128xi32>
      %reduce_sum3A_97 = vector.shape_cast %convert_element_type3A_96 : vector<80x128xi32> to vector<1x80x128xi32>
      %reduce_sum3A_98 = arith.constant dense<0> : vector<1xi32>
      %reduce_sum3A_99 = vector.multi_reduction <add>, %reduce_sum3A_97, %reduce_sum3A_98 [1, 2] : vector<1x80x128xi32> to vector<1xi32>
      %reduce_sum3A_100 = vector.shape_cast %reduce_sum3A_99 : vector<1xi32> to vector<1x1x1xi32>
      %reduce_sum3A_101 = vector.extract %reduce_sum3A_100[0, 0, 0] : i32 from vector<1x1x1xi32>
      %ge3A_102 = arith.cmpi sge, %reduce_sum3A_101, %sub3A_29 : i32
      %select_n3A_103 = arith.select %ge3A_102, %add3A_92, %scan3A_86 : i32
      %sub3A_104 = arith.constant 1 : i32
      %sub3A_105 = arith.subi %add3A_92, %sub3A_104 : i32
      %select_n3A_106 = arith.select %ge3A_102, %scan3A_87, %sub3A_105 : i32
      scf.yield %select_n3A_103, %select_n3A_106 : i32, i32
    }
    %gt3A_55 = vector.broadcast %scan3A_54#0 : i32 to vector<80x128xi32>
    %gt3A_56 = arith.cmpi sgt, %get3A_32, %gt3A_55 : vector<80x128xi32>
    %and3A_57 = arith.andi %eq3A_22, %gt3A_56 : vector<80x128xi1>
    %or3A = arith.ori %gt3A_21, %and3A_57 : vector<80x128xi1>
    %convert_element_type3A_58 = arith.extui %and3A_57 : vector<80x128xi1> to vector<80x128xi32>
    %reduce_sum3A_59 = vector.shape_cast %convert_element_type3A_58 : vector<80x128xi32> to vector<1x80x128xi32>
    %reduce_sum3A_60 = arith.constant dense<0> : vector<1xi32>
    %reduce_sum3A_61 = vector.multi_reduction <add>, %reduce_sum3A_59, %reduce_sum3A_60 [1, 2] : vector<1x80x128xi32> to vector<1xi32>
    %reduce_sum3A_62 = vector.shape_cast %reduce_sum3A_61 : vector<1xi32> to vector<1x1x1xi32>
    %reduce_sum3A_63 = vector.extract %reduce_sum3A_62[0, 0, 0] : i32 from vector<1x1x1xi32>
    %sub3A_64 = arith.subi %sub3A_29, %reduce_sum3A_63 : i32
    %eq3A_65 = vector.broadcast %scan3A_54#0 : i32 to vector<80x128xi32>
    %eq3A_66 = arith.cmpi eq, %get3A_32, %eq3A_65 : vector<80x128xi32>
    %and3A_67 = arith.andi %eq3A_22, %eq3A_66 : vector<80x128xi1>
    %iota3A = tpu.iota {dimensions = array<i32: 0>} : vector<80x128xi32>
    %mul3A = arith.constant 128 : i32
    %mul3A_68 = vector.broadcast %mul3A : i32 to vector<80x128xi32>
    %mul3A_69 = arith.muli %iota3A, %mul3A_68 : vector<80x128xi32>
    %iota3A_70 = tpu.iota {dimensions = array<i32: 1>} : vector<80x128xi32>
    %add3A = arith.addi %mul3A_69, %iota3A_70 : vector<80x128xi32>
    %scan3A_71 = arith.constant 0 : i32
    %scan3A_72 = arith.constant 10239 : i32
    %scan3A_73 = arith.constant 0 : i32
    %scan3A_74 = arith.constant 14 : i32
    %scan3A_75 = arith.addi %scan3A_73, %scan3A_74 : i32
    %scan3A_76 = arith.constant 1 : i32
    %scan3A_77:2 = scf.for %scan3A_85 = %scan3A_73 to %scan3A_75 step %scan3A_76 iter_args(%scan3A_86 = %scan3A_71, %scan3A_87 = %scan3A_72) -> (i32, i32)  : i32 {
      %add3A_88 = arith.addi %scan3A_86, %scan3A_87 : i32
      %shift_right_arithmetic3A = arith.constant 1 : i32
      %shift_right_arithmetic3A_89 = arith.shrsi %add3A_88, %shift_right_arithmetic3A : i32
      %le3A_90 = vector.broadcast %shift_right_arithmetic3A_89 : i32 to vector<80x128xi32>
      %le3A_91 = arith.cmpi sle, %add3A, %le3A_90 : vector<80x128xi32>
      %and3A_92 = arith.andi %and3A_67, %le3A_91 : vector<80x128xi1>
      %convert_element_type3A_93 = arith.extui %and3A_92 : vector<80x128xi1> to vector<80x128xi32>
      %reduce_sum3A_94 = vector.shape_cast %convert_element_type3A_93 : vector<80x128xi32> to vector<1x80x128xi32>
      %reduce_sum3A_95 = arith.constant dense<0> : vector<1xi32>
      %reduce_sum3A_96 = vector.multi_reduction <add>, %reduce_sum3A_94, %reduce_sum3A_95 [1, 2] : vector<1x80x128xi32> to vector<1xi32>
      %reduce_sum3A_97 = vector.shape_cast %reduce_sum3A_96 : vector<1xi32> to vector<1x1x1xi32>
      %reduce_sum3A_98 = vector.extract %reduce_sum3A_97[0, 0, 0] : i32 from vector<1x1x1xi32>
      %ge3A_99 = arith.cmpi sge, %reduce_sum3A_98, %sub3A_64 : i32
      %add3A_100 = arith.constant 1 : i32
      %add3A_101 = arith.addi %shift_right_arithmetic3A_89, %add3A_100 : i32
      %select_n3A_102 = arith.select %ge3A_99, %scan3A_86, %add3A_101 : i32
      %select_n3A_103 = arith.select %ge3A_99, %shift_right_arithmetic3A_89, %scan3A_87 : i32
      scf.yield %select_n3A_102, %select_n3A_103 : i32, i32
    }
    %le3A = vector.broadcast %scan3A_77#0 : i32 to vector<80x128xi32>
    %le3A_78 = arith.cmpi sle, %add3A, %le3A : vector<80x128xi32>
    %and3A_79 = arith.andi %and3A_67, %le3A_78 : vector<80x128xi1>
    %or3A_80 = arith.ori %or3A, %and3A_79 : vector<80x128xi1>
    %convert_element_type3A_81 = arith.extui %or3A_80 : vector<80x128xi1> to vector<80x128xi32>
    %convert_element_type3A_82 = arith.sitofp %convert_element_type3A_81 : vector<80x128xi32> to vector<80x128xf32>
    %swap3A = arith.constant 0 : index
    %swap3A_83 = arith.constant 0 : index
    %swap3A_84 = vector.load %arg2[%swap3A, %swap3A_83] : memref<80x128xf32, #tpu.memory_space<vmem>>, vector<80x128xf32>
    tpu.vector_store %arg2[%swap3A, %swap3A_83], %convert_element_type3A_82 {strides = array<i32>} : memref<80x128xf32, #tpu.memory_space<vmem>>, vector<80x128xf32>,
    return
  }
}

module attributes {stable_mosaic.version = 14 : i64} {
  func.func @pool_body(%arg0: i32, %arg1: memref<512x128xf32, #tpu.memory_space<vmem>>, %arg2: memref<512x1xf32, #tpu.memory_space<vmem>>, %arg3: memref<512x1xf32, #tpu.memory_space<vmem>>, %arg4: memref<1x256xf32, #tpu.memory_space<vmem>>, %arg5: memref<512x128xf32, #tpu.memory_space<vmem>>, %arg6: memref<1x256xf32, #tpu.memory_space<vmem>>) attributes {dimension_semantics = [#tpu.dimension_semantics<arbitrary>], iteration_bounds = array<i64: 20>, scalar_prefetch = 0 : i64, scratch_operands = 0 : i64, tpu.core_type = #tpu.core_type<tc>, window_params = [{transform_indices = @transform_0, window_bounds = array<i64: 512, 128>}, {transform_indices = @transform_1, window_bounds = array<i64: 512, 1>}, {transform_indices = @transform_2, window_bounds = array<i64: 512, 1>}, {pipeline_mode = #tpu.pipeline_mode<synchronous>, transform_indices = @transform_3, window_bounds = array<i64: 1, 256>}, {transform_indices = @transform_4, window_bounds = array<i64: 512, 128>}, {pipeline_mode = #tpu.pipeline_mode<synchronous>, transform_indices = @transform_5, window_bounds = array<i64: 1, 256>}]} {
    %get3A = arith.constant 0 : index
    %get3A_0 = arith.constant 0 : index
    %get3A_1 = vector.load %arg3[%get3A, %get3A_0] : memref<512x1xf32, #tpu.memory_space<vmem>>, vector<512x1xf32>
    %get3A_2 = arith.constant 0 : index
    %get3A_3 = arith.constant 0 : index
    %get3A_4 = vector.load %arg1[%get3A_2, %get3A_3] : memref<512x128xf32, #tpu.memory_space<vmem>>, vector<512x128xf32>
    %get3A_5 = arith.constant 0 : index
    %get3A_6 = arith.constant 0 : index
    %get3A_7 = vector.load %arg2[%get3A_5, %get3A_6] : memref<512x1xf32, #tpu.memory_space<vmem>>, vector<512x1xf32>
    %mul3A = arith.mulf %get3A_7, %get3A_1 : vector<512x1xf32>
    %mul3A_8 = vector.broadcast %mul3A : vector<512x1xf32> to vector<512x128xf32>
    %mul3A_9 = arith.mulf %get3A_4, %mul3A_8 : vector<512x128xf32>
    %swap3A = arith.constant 0 : index
    %swap3A_10 = arith.constant 0 : index
    %swap3A_11 = vector.load %arg5[%swap3A, %swap3A_10] : memref<512x128xf32, #tpu.memory_space<vmem>>, vector<512x128xf32>
    tpu.vector_store %arg5[%swap3A, %swap3A_10], %mul3A_9 {strides = array<i32>} : memref<512x128xf32, #tpu.memory_space<vmem>>, vector<512x128xf32>,
    %gt3A = arith.constant 0.000000e+00 : f32
    %gt3A_12 = vector.broadcast %gt3A : f32 to vector<512x1xf32>
    %gt3A_13 = arith.cmpf ogt, %get3A_1, %gt3A_12 : vector<512x1xf32>
    %jit3A = arith.constant 0xFF800000 : f32
    %broadcast_in_dim3A = vector.shape_cast %gt3A_13 : vector<512x1xi1> to vector<512x1xi1>
    %broadcast_in_dim3A_14 = vector.broadcast %broadcast_in_dim3A : vector<512x1xi1> to vector<512x128xi1>
    %broadcast_in_dim3A_15 = vector.broadcast %jit3A : f32 to vector<512x128xf32>
    %select_n3A = arith.select %broadcast_in_dim3A_14, %mul3A_9, %broadcast_in_dim3A_15 : vector<512x128xi1>, vector<512x128xf32>
    %reduce_max3A = arith.constant dense<0xFF800000> : vector<128xf32>
    %reduce_max3A_16 = vector.multi_reduction <maximumf>, %select_n3A, %reduce_max3A [0] : vector<512x128xf32> to vector<128xf32>
    %reduce_sum3A = arith.constant dense<0.000000e+00> : vector<128xf32>
    %reduce_sum3A_17 = vector.multi_reduction <add>, %mul3A_9, %reduce_sum3A [0] : vector<512x128xf32> to vector<128xf32>
    %eq3A = arith.constant 0 : i32
    %eq3A_18 = arith.cmpi eq, %arg0, %eq3A : i32
    %convert_element_type3A = arith.extui %eq3A_18 : i1 to i32
    %cond3A = arith.constant 0 : i32
    %cond3A_19 = arith.cmpi ne, %convert_element_type3A, %cond3A : i32
    scf.if %cond3A_19 {
      %concatenate3A = tpu.concatenate %reduce_max3A_16, %reduce_sum3A_17 in 0 : vector<128xf32>, vector<128xf32> -> vector<256xf32>
      %broadcast_in_dim3A_30 = vector.shape_cast %concatenate3A : vector<256xf32> to vector<1x256xf32>
      %swap3A_31 = arith.constant 0 : index
      %swap3A_32 = arith.constant 0 : index
      %swap3A_33 = vector.load %arg6[%swap3A_31, %swap3A_32] : memref<1x256xf32, #tpu.memory_space<vmem>>, vector<1x256xf32>
      tpu.vector_store %arg6[%swap3A_31, %swap3A_32], %broadcast_in_dim3A_30 {strides = array<i32>} : memref<1x256xf32, #tpu.memory_space<vmem>>, vector<1x256xf32>,
    } else {
    }
    %gt3A_20 = arith.constant 0 : i32
    %gt3A_21 = arith.cmpi sgt, %arg0, %gt3A_20 : i32
    %convert_element_type3A_22 = arith.extui %gt3A_21 : i1 to i32
    %cond3A_23 = arith.constant 0 : i32
    %cond3A_24 = arith.cmpi ne, %convert_element_type3A_22, %cond3A_23 : i32
    scf.if %cond3A_24 {
      %get3A_30 = arith.constant 0 : index
      %get3A_31 = arith.constant 0 : index
      %get3A_32 = vector.load %arg6[%get3A_30, %get3A_31] : memref<1x256xf32, #tpu.memory_space<vmem>>, vector<1x256xf32>
      %slice3A = vector.extract_strided_slice %get3A_32 {offsets = [0, 0], sizes = [1, 128], strides = [1, 1]} : vector<1x256xf32> to vector<1x128xf32>
      %broadcast_in_dim3A_33 = vector.shape_cast %reduce_max3A_16 : vector<128xf32> to vector<1x128xf32>
      %max3A = arith.maximumf %slice3A, %broadcast_in_dim3A_33 : vector<1x128xf32>
      %slice3A_34 = vector.extract_strided_slice %get3A_32 {offsets = [0, 128], sizes = [1, 128], strides = [1, 1]} : vector<1x256xf32> to vector<1x128xf32>
      %broadcast_in_dim3A_35 = vector.shape_cast %reduce_sum3A_17 : vector<128xf32> to vector<1x128xf32>
      %add3A = arith.addf %slice3A_34, %broadcast_in_dim3A_35 : vector<1x128xf32>
      %concatenate3A = tpu.concatenate %max3A, %add3A in 1 : vector<1x128xf32>, vector<1x128xf32> -> vector<1x256xf32>
      %swap3A_36 = arith.constant 0 : index
      %swap3A_37 = arith.constant 0 : index
      %swap3A_38 = vector.load %arg6[%swap3A_36, %swap3A_37] : memref<1x256xf32, #tpu.memory_space<vmem>>, vector<1x256xf32>
      tpu.vector_store %arg6[%swap3A_36, %swap3A_37], %concatenate3A {strides = array<i32>} : memref<1x256xf32, #tpu.memory_space<vmem>>, vector<1x256xf32>,
    } else {
    }
    %eq3A_25 = arith.constant 19 : i32
    %eq3A_26 = arith.cmpi eq, %arg0, %eq3A_25 : i32
    %convert_element_type3A_27 = arith.extui %eq3A_26 : i1 to i32
    %cond3A_28 = arith.constant 0 : i32
    %cond3A_29 = arith.cmpi ne, %convert_element_type3A_27, %cond3A_28 : i32
    scf.if %cond3A_29 {
      %get3A_30 = arith.constant 0 : index
      %get3A_31 = arith.constant 0 : index
      %get3A_32 = vector.load %arg6[%get3A_30, %get3A_31] : memref<1x256xf32, #tpu.memory_space<vmem>>, vector<1x256xf32>
      %get3A_33 = arith.constant 0 : index
      %get3A_34 = arith.constant 0 : index
      %get3A_35 = vector.load %arg4[%get3A_33, %get3A_34] : memref<1x256xf32, #tpu.memory_space<vmem>>, vector<1x256xf32>
      %slice3A = vector.extract_strided_slice %get3A_32 {offsets = [0, 0], sizes = [1, 128], strides = [1, 1]} : vector<1x256xf32> to vector<1x128xf32>
      %slice3A_36 = vector.extract_strided_slice %get3A_32 {offsets = [0, 128], sizes = [1, 128], strides = [1, 1]} : vector<1x256xf32> to vector<1x128xf32>
      %div3A = arith.constant 5.625000e+03 : f32
      %div3A_37 = vector.broadcast %div3A : f32 to vector<1x128xf32>
      %div3A_38 = arith.divf %slice3A_36, %div3A_37 : vector<1x128xf32>
      %concatenate3A = tpu.concatenate %slice3A, %div3A_38 in 1 : vector<1x128xf32>, vector<1x128xf32> -> vector<1x256xf32>
      %add3A = arith.addf %get3A_35, %concatenate3A : vector<1x256xf32>
      %swap3A_39 = arith.constant 0 : index
      %swap3A_40 = arith.constant 0 : index
      %swap3A_41 = vector.load %arg6[%swap3A_39, %swap3A_40] : memref<1x256xf32, #tpu.memory_space<vmem>>, vector<1x256xf32>
      tpu.vector_store %arg6[%swap3A_39, %swap3A_40], %add3A {strides = array<i32>} : memref<1x256xf32, #tpu.memory_space<vmem>>, vector<1x256xf32>,
    } else {
    }
    return
  }
  func.func @transform_0(%arg0: i32) -> (i32, i32) {
    %c0_i32 = arith.constant 0 : i32
    %c0_i32_0 = arith.constant 0 : i32
    return %arg0, %c0_i32 : i32, i32
  }
  func.func @transform_1(%arg0: i32) -> (i32, i32) {
    %c0_i32 = arith.constant 0 : i32
    %c0_i32_0 = arith.constant 0 : i32
    return %arg0, %c0_i32 : i32, i32
  }
  func.func @transform_2(%arg0: i32) -> (i32, i32) {
    %c0_i32 = arith.constant 0 : i32
    %c0_i32_0 = arith.constant 0 : i32
    return %arg0, %c0_i32 : i32, i32
  }
  func.func @transform_3(%arg0: i32) -> (i32, i32) {
    %c0_i32 = arith.constant 0 : i32
    %c0_i32_0 = arith.constant 0 : i32
    %c0_i32_1 = arith.constant 0 : i32
    return %c0_i32, %c0_i32_0 : i32, i32
  }
  func.func @transform_4(%arg0: i32) -> (i32, i32) {
    %c0_i32 = arith.constant 0 : i32
    %c0_i32_0 = arith.constant 0 : i32
    return %arg0, %c0_i32 : i32, i32
  }
  func.func @transform_5(%arg0: i32) -> (i32, i32) {
    %c0_i32 = arith.constant 0 : i32
    %c0_i32_0 = arith.constant 0 : i32
    %c0_i32_1 = arith.constant 0 : i32
    return %c0_i32, %c0_i32_0 : i32, i32
  }
}

module attributes {stable_mosaic.version = 14 : i64} {
  func.func @select_body(%arg0: memref<80x128xi32, #tpu.memory_space<vmem>>, %arg1: memref<80x128xi32, #tpu.memory_space<vmem>>, %arg2: memref<80x128xi32, #tpu.memory_space<vmem>>, %arg3: memref<80x128xf32, #tpu.memory_space<vmem>>) attributes {dimension_semantics = [], scalar_prefetch = 0 : i64, scratch_operands = 0 : i64, tpu.core_type = #tpu.core_type<tc>} {
    %get3A = arith.constant 0 : index
    %get3A_0 = arith.constant 0 : index
    %get3A_1 = vector.load %arg0[%get3A, %get3A_0] : memref<80x128xi32, #tpu.memory_space<vmem>>, vector<80x128xi32>
    %gt3A = arith.constant -2147483648 : i32
    %gt3A_2 = vector.broadcast %gt3A : i32 to vector<80x128xi32>
    %gt3A_3 = arith.cmpi sgt, %get3A_1, %gt3A_2 : vector<80x128xi32>
    %ge3A = arith.constant 0 : i32
    %ge3A_4 = vector.broadcast %ge3A : i32 to vector<80x128xi32>
    %ge3A_5 = arith.cmpi sge, %get3A_1, %ge3A_4 : vector<80x128xi32>
    %and3A = arith.andi %gt3A_3, %ge3A_5 : vector<80x128xi1>
    %convert_element_type3A = arith.extui %and3A : vector<80x128xi1> to vector<80x128xi32>
    %reduce_sum3A = vector.shape_cast %convert_element_type3A : vector<80x128xi32> to vector<1x80x128xi32>
    %reduce_sum3A_6 = arith.constant dense<0> : vector<1xi32>
    %reduce_sum3A_7 = vector.multi_reduction <add>, %reduce_sum3A, %reduce_sum3A_6 [1, 2] : vector<1x80x128xi32> to vector<1xi32>
    %reduce_sum3A_8 = vector.shape_cast %reduce_sum3A_7 : vector<1xi32> to vector<1x1x1xi32>
    %reduce_sum3A_9 = vector.extract %reduce_sum3A_8[0, 0, 0] : i32 from vector<1x1x1xi32>
    %ge3A_10 = arith.constant 4219 : i32
    %ge3A_11 = arith.cmpi sge, %reduce_sum3A_9, %ge3A_10 : i32
    %jit3A = arith.constant 0 : i32
    %jit3A_12 = arith.constant -2147483646 : i32
    %select_n3A = arith.select %ge3A_11, %jit3A, %jit3A_12 : i32
    %jit3A_13 = arith.constant 2147483646 : i32
    %jit3A_14 = arith.constant -1 : i32
    %select_n3A_15 = arith.select %ge3A_11, %jit3A_13, %jit3A_14 : i32
    %scan3A = arith.constant 0 : i32
    %scan3A_16 = arith.constant 31 : i32
    %scan3A_17 = arith.addi %scan3A, %scan3A_16 : i32
    %scan3A_18 = arith.constant 1 : i32
    %scan3A_19:2 = scf.for %scan3A_124 = %scan3A to %scan3A_17 step %scan3A_18 iter_args(%scan3A_125 = %select_n3A, %scan3A_126 = %select_n3A_15) -> (i32, i32)  : i32 {
      %sub3A_127 = arith.subi %scan3A_126, %scan3A_125 : i32
      %add3A_128 = arith.constant 1 : i32
      %add3A_129 = arith.addi %sub3A_127, %add3A_128 : i32
      %shift_right_arithmetic3A = arith.constant 1 : i32
      %shift_right_arithmetic3A_130 = arith.shrsi %add3A_129, %shift_right_arithmetic3A : i32
      %add3A_131 = arith.addi %scan3A_125, %shift_right_arithmetic3A_130 : i32
      %ge3A_132 = vector.broadcast %add3A_131 : i32 to vector<80x128xi32>
      %ge3A_133 = arith.cmpi sge, %get3A_1, %ge3A_132 : vector<80x128xi32>
      %and3A_134 = arith.andi %gt3A_3, %ge3A_133 : vector<80x128xi1>
      %convert_element_type3A_135 = arith.extui %and3A_134 : vector<80x128xi1> to vector<80x128xi32>
      %reduce_sum3A_136 = vector.shape_cast %convert_element_type3A_135 : vector<80x128xi32> to vector<1x80x128xi32>
      %reduce_sum3A_137 = arith.constant dense<0> : vector<1xi32>
      %reduce_sum3A_138 = vector.multi_reduction <add>, %reduce_sum3A_136, %reduce_sum3A_137 [1, 2] : vector<1x80x128xi32> to vector<1xi32>
      %reduce_sum3A_139 = vector.shape_cast %reduce_sum3A_138 : vector<1xi32> to vector<1x1x1xi32>
      %reduce_sum3A_140 = vector.extract %reduce_sum3A_139[0, 0, 0] : i32 from vector<1x1x1xi32>
      %ge3A_141 = arith.constant 4219 : i32
      %ge3A_142 = arith.cmpi sge, %reduce_sum3A_140, %ge3A_141 : i32
      %select_n3A_143 = arith.select %ge3A_142, %add3A_131, %scan3A_125 : i32
      %sub3A_144 = arith.constant 1 : i32
      %sub3A_145 = arith.subi %add3A_131, %sub3A_144 : i32
      %select_n3A_146 = arith.select %ge3A_142, %scan3A_126, %sub3A_145 : i32
      scf.yield %select_n3A_143, %select_n3A_146 : i32, i32
    }
    %gt3A_20 = vector.broadcast %scan3A_19#0 : i32 to vector<80x128xi32>
    %gt3A_21 = arith.cmpi sgt, %get3A_1, %gt3A_20 : vector<80x128xi32>
    %eq3A = vector.broadcast %scan3A_19#0 : i32 to vector<80x128xi32>
    %eq3A_22 = arith.cmpi eq, %get3A_1, %eq3A : vector<80x128xi32>
    %convert_element_type3A_23 = arith.extui %gt3A_21 : vector<80x128xi1> to vector<80x128xi32>
    %reduce_sum3A_24 = vector.shape_cast %convert_element_type3A_23 : vector<80x128xi32> to vector<1x80x128xi32>
    %reduce_sum3A_25 = arith.constant dense<0> : vector<1xi32>
    %reduce_sum3A_26 = vector.multi_reduction <add>, %reduce_sum3A_24, %reduce_sum3A_25 [1, 2] : vector<1x80x128xi32> to vector<1xi32>
    %reduce_sum3A_27 = vector.shape_cast %reduce_sum3A_26 : vector<1xi32> to vector<1x1x1xi32>
    %reduce_sum3A_28 = vector.extract %reduce_sum3A_27[0, 0, 0] : i32 from vector<1x1x1xi32>
    %sub3A = arith.constant 4219 : i32
    %sub3A_29 = arith.subi %sub3A, %reduce_sum3A_28 : i32
    %get3A_30 = arith.constant 0 : index
    %get3A_31 = arith.constant 0 : index
    %get3A_32 = vector.load %arg1[%get3A_30, %get3A_31] : memref<80x128xi32, #tpu.memory_space<vmem>>, vector<80x128xi32>
    %ge3A_33 = arith.constant 0 : i32
    %ge3A_34 = vector.broadcast %ge3A_33 : i32 to vector<80x128xi32>
    %ge3A_35 = arith.cmpi sge, %get3A_32, %ge3A_34 : vector<80x128xi32>
    %and3A_36 = arith.andi %eq3A_22, %ge3A_35 : vector<80x128xi1>
    %convert_element_type3A_37 = arith.extui %and3A_36 : vector<80x128xi1> to vector<80x128xi32>
    %reduce_sum3A_38 = vector.shape_cast %convert_element_type3A_37 : vector<80x128xi32> to vector<1x80x128xi32>
    %reduce_sum3A_39 = arith.constant dense<0> : vector<1xi32>
    %reduce_sum3A_40 = vector.multi_reduction <add>, %reduce_sum3A_38, %reduce_sum3A_39 [1, 2] : vector<1x80x128xi32> to vector<1xi32>
    %reduce_sum3A_41 = vector.shape_cast %reduce_sum3A_40 : vector<1xi32> to vector<1x1x1xi32>
    %reduce_sum3A_42 = vector.extract %reduce_sum3A_41[0, 0, 0] : i32 from vector<1x1x1xi32>
    %ge3A_43 = arith.cmpi sge, %reduce_sum3A_42, %sub3A_29 : i32
    %jit3A_44 = arith.constant 0 : i32
    %jit3A_45 = arith.constant -2147483646 : i32
    %select_n3A_46 = arith.select %ge3A_43, %jit3A_44, %jit3A_45 : i32
    %jit3A_47 = arith.constant 2147483646 : i32
    %jit3A_48 = arith.constant -1 : i32
    %select_n3A_49 = arith.select %ge3A_43, %jit3A_47, %jit3A_48 : i32
    %scan3A_50 = arith.constant 0 : i32
    %scan3A_51 = arith.constant 31 : i32
    %scan3A_52 = arith.addi %scan3A_50, %scan3A_51 : i32
    %scan3A_53 = arith.constant 1 : i32
    %scan3A_54:2 = scf.for %scan3A_124 = %scan3A_50 to %scan3A_52 step %scan3A_53 iter_args(%scan3A_125 = %select_n3A_46, %scan3A_126 = %select_n3A_49) -> (i32, i32)  : i32 {
      %sub3A_127 = arith.subi %scan3A_126, %scan3A_125 : i32
      %add3A_128 = arith.constant 1 : i32
      %add3A_129 = arith.addi %sub3A_127, %add3A_128 : i32
      %shift_right_arithmetic3A = arith.constant 1 : i32
      %shift_right_arithmetic3A_130 = arith.shrsi %add3A_129, %shift_right_arithmetic3A : i32
      %add3A_131 = arith.addi %scan3A_125, %shift_right_arithmetic3A_130 : i32
      %ge3A_132 = vector.broadcast %add3A_131 : i32 to vector<80x128xi32>
      %ge3A_133 = arith.cmpi sge, %get3A_32, %ge3A_132 : vector<80x128xi32>
      %and3A_134 = arith.andi %eq3A_22, %ge3A_133 : vector<80x128xi1>
      %convert_element_type3A_135 = arith.extui %and3A_134 : vector<80x128xi1> to vector<80x128xi32>
      %reduce_sum3A_136 = vector.shape_cast %convert_element_type3A_135 : vector<80x128xi32> to vector<1x80x128xi32>
      %reduce_sum3A_137 = arith.constant dense<0> : vector<1xi32>
      %reduce_sum3A_138 = vector.multi_reduction <add>, %reduce_sum3A_136, %reduce_sum3A_137 [1, 2] : vector<1x80x128xi32> to vector<1xi32>
      %reduce_sum3A_139 = vector.shape_cast %reduce_sum3A_138 : vector<1xi32> to vector<1x1x1xi32>
      %reduce_sum3A_140 = vector.extract %reduce_sum3A_139[0, 0, 0] : i32 from vector<1x1x1xi32>
      %ge3A_141 = arith.cmpi sge, %reduce_sum3A_140, %sub3A_29 : i32
      %select_n3A_142 = arith.select %ge3A_141, %add3A_131, %scan3A_125 : i32
      %sub3A_143 = arith.constant 1 : i32
      %sub3A_144 = arith.subi %add3A_131, %sub3A_143 : i32
      %select_n3A_145 = arith.select %ge3A_141, %scan3A_126, %sub3A_144 : i32
      scf.yield %select_n3A_142, %select_n3A_145 : i32, i32
    }
    %gt3A_55 = vector.broadcast %scan3A_54#0 : i32 to vector<80x128xi32>
    %gt3A_56 = arith.cmpi sgt, %get3A_32, %gt3A_55 : vector<80x128xi32>
    %and3A_57 = arith.andi %eq3A_22, %gt3A_56 : vector<80x128xi1>
    %or3A = arith.ori %gt3A_21, %and3A_57 : vector<80x128xi1>
    %convert_element_type3A_58 = arith.extui %and3A_57 : vector<80x128xi1> to vector<80x128xi32>
    %reduce_sum3A_59 = vector.shape_cast %convert_element_type3A_58 : vector<80x128xi32> to vector<1x80x128xi32>
    %reduce_sum3A_60 = arith.constant dense<0> : vector<1xi32>
    %reduce_sum3A_61 = vector.multi_reduction <add>, %reduce_sum3A_59, %reduce_sum3A_60 [1, 2] : vector<1x80x128xi32> to vector<1xi32>
    %reduce_sum3A_62 = vector.shape_cast %reduce_sum3A_61 : vector<1xi32> to vector<1x1x1xi32>
    %reduce_sum3A_63 = vector.extract %reduce_sum3A_62[0, 0, 0] : i32 from vector<1x1x1xi32>
    %sub3A_64 = arith.subi %sub3A_29, %reduce_sum3A_63 : i32
    %eq3A_65 = vector.broadcast %scan3A_54#0 : i32 to vector<80x128xi32>
    %eq3A_66 = arith.cmpi eq, %get3A_32, %eq3A_65 : vector<80x128xi32>
    %and3A_67 = arith.andi %eq3A_22, %eq3A_66 : vector<80x128xi1>
    %get3A_68 = arith.constant 0 : index
    %get3A_69 = arith.constant 0 : index
    %get3A_70 = vector.load %arg2[%get3A_68, %get3A_69] : memref<80x128xi32, #tpu.memory_space<vmem>>, vector<80x128xi32>
    %ge3A_71 = arith.constant 0 : i32
    %ge3A_72 = vector.broadcast %ge3A_71 : i32 to vector<80x128xi32>
    %ge3A_73 = arith.cmpi sge, %get3A_70, %ge3A_72 : vector<80x128xi32>
    %and3A_74 = arith.andi %and3A_67, %ge3A_73 : vector<80x128xi1>
    %convert_element_type3A_75 = arith.extui %and3A_74 : vector<80x128xi1> to vector<80x128xi32>
    %reduce_sum3A_76 = vector.shape_cast %convert_element_type3A_75 : vector<80x128xi32> to vector<1x80x128xi32>
    %reduce_sum3A_77 = arith.constant dense<0> : vector<1xi32>
    %reduce_sum3A_78 = vector.multi_reduction <add>, %reduce_sum3A_76, %reduce_sum3A_77 [1, 2] : vector<1x80x128xi32> to vector<1xi32>
    %reduce_sum3A_79 = vector.shape_cast %reduce_sum3A_78 : vector<1xi32> to vector<1x1x1xi32>
    %reduce_sum3A_80 = vector.extract %reduce_sum3A_79[0, 0, 0] : i32 from vector<1x1x1xi32>
    %ge3A_81 = arith.cmpi sge, %reduce_sum3A_80, %sub3A_64 : i32
    %jit3A_82 = arith.constant 0 : i32
    %jit3A_83 = arith.constant -2147483646 : i32
    %select_n3A_84 = arith.select %ge3A_81, %jit3A_82, %jit3A_83 : i32
    %jit3A_85 = arith.constant 2147483646 : i32
    %jit3A_86 = arith.constant -1 : i32
    %select_n3A_87 = arith.select %ge3A_81, %jit3A_85, %jit3A_86 : i32
    %scan3A_88 = arith.constant 0 : i32
    %scan3A_89 = arith.constant 31 : i32
    %scan3A_90 = arith.addi %scan3A_88, %scan3A_89 : i32
    %scan3A_91 = arith.constant 1 : i32
    %scan3A_92:2 = scf.for %scan3A_124 = %scan3A_88 to %scan3A_90 step %scan3A_91 iter_args(%scan3A_125 = %select_n3A_84, %scan3A_126 = %select_n3A_87) -> (i32, i32)  : i32 {
      %sub3A_127 = arith.subi %scan3A_126, %scan3A_125 : i32
      %add3A_128 = arith.constant 1 : i32
      %add3A_129 = arith.addi %sub3A_127, %add3A_128 : i32
      %shift_right_arithmetic3A = arith.constant 1 : i32
      %shift_right_arithmetic3A_130 = arith.shrsi %add3A_129, %shift_right_arithmetic3A : i32
      %add3A_131 = arith.addi %scan3A_125, %shift_right_arithmetic3A_130 : i32
      %ge3A_132 = vector.broadcast %add3A_131 : i32 to vector<80x128xi32>
      %ge3A_133 = arith.cmpi sge, %get3A_70, %ge3A_132 : vector<80x128xi32>
      %and3A_134 = arith.andi %and3A_67, %ge3A_133 : vector<80x128xi1>
      %convert_element_type3A_135 = arith.extui %and3A_134 : vector<80x128xi1> to vector<80x128xi32>
      %reduce_sum3A_136 = vector.shape_cast %convert_element_type3A_135 : vector<80x128xi32> to vector<1x80x128xi32>
      %reduce_sum3A_137 = arith.constant dense<0> : vector<1xi32>
      %reduce_sum3A_138 = vector.multi_reduction <add>, %reduce_sum3A_136, %reduce_sum3A_137 [1, 2] : vector<1x80x128xi32> to vector<1xi32>
      %reduce_sum3A_139 = vector.shape_cast %reduce_sum3A_138 : vector<1xi32> to vector<1x1x1xi32>
      %reduce_sum3A_140 = vector.extract %reduce_sum3A_139[0, 0, 0] : i32 from vector<1x1x1xi32>
      %ge3A_141 = arith.cmpi sge, %reduce_sum3A_140, %sub3A_64 : i32
      %select_n3A_142 = arith.select %ge3A_141, %add3A_131, %scan3A_125 : i32
      %sub3A_143 = arith.constant 1 : i32
      %sub3A_144 = arith.subi %add3A_131, %sub3A_143 : i32
      %select_n3A_145 = arith.select %ge3A_141, %scan3A_126, %sub3A_144 : i32
      scf.yield %select_n3A_142, %select_n3A_145 : i32, i32
    }
    %gt3A_93 = vector.broadcast %scan3A_92#0 : i32 to vector<80x128xi32>
    %gt3A_94 = arith.cmpi sgt, %get3A_70, %gt3A_93 : vector<80x128xi32>
    %and3A_95 = arith.andi %and3A_67, %gt3A_94 : vector<80x128xi1>
    %or3A_96 = arith.ori %or3A, %and3A_95 : vector<80x128xi1>
    %convert_element_type3A_97 = arith.extui %and3A_95 : vector<80x128xi1> to vector<80x128xi32>
    %reduce_sum3A_98 = vector.shape_cast %convert_element_type3A_97 : vector<80x128xi32> to vector<1x80x128xi32>
    %reduce_sum3A_99 = arith.constant dense<0> : vector<1xi32>
    %reduce_sum3A_100 = vector.multi_reduction <add>, %reduce_sum3A_98, %reduce_sum3A_99 [1, 2] : vector<1x80x128xi32> to vector<1xi32>
    %reduce_sum3A_101 = vector.shape_cast %reduce_sum3A_100 : vector<1xi32> to vector<1x1x1xi32>
    %reduce_sum3A_102 = vector.extract %reduce_sum3A_101[0, 0, 0] : i32 from vector<1x1x1xi32>
    %sub3A_103 = arith.subi %sub3A_64, %reduce_sum3A_102 : i32
    %eq3A_104 = vector.broadcast %scan3A_92#0 : i32 to vector<80x128xi32>
    %eq3A_105 = arith.cmpi eq, %get3A_70, %eq3A_104 : vector<80x128xi32>
    %and3A_106 = arith.andi %and3A_67, %eq3A_105 : vector<80x128xi1>
    %iota3A = tpu.iota {dimensions = array<i32: 0>} : vector<80x128xi32>
    %mul3A = arith.constant 128 : i32
    %mul3A_107 = vector.broadcast %mul3A : i32 to vector<80x128xi32>
    %mul3A_108 = arith.muli %iota3A, %mul3A_107 : vector<80x128xi32>
    %iota3A_109 = tpu.iota {dimensions = array<i32: 1>} : vector<80x128xi32>
    %add3A = arith.addi %mul3A_108, %iota3A_109 : vector<80x128xi32>
    %scan3A_110 = arith.constant 0 : i32
    %scan3A_111 = arith.constant 10239 : i32
    %scan3A_112 = arith.constant 0 : i32
    %scan3A_113 = arith.constant 14 : i32
    %scan3A_114 = arith.addi %scan3A_112, %scan3A_113 : i32
    %scan3A_115 = arith.constant 1 : i32
    %scan3A_116:2 = scf.for %scan3A_124 = %scan3A_112 to %scan3A_114 step %scan3A_115 iter_args(%scan3A_125 = %scan3A_110, %scan3A_126 = %scan3A_111) -> (i32, i32)  : i32 {
      %add3A_127 = arith.addi %scan3A_125, %scan3A_126 : i32
      %shift_right_arithmetic3A = arith.constant 1 : i32
      %shift_right_arithmetic3A_128 = arith.shrsi %add3A_127, %shift_right_arithmetic3A : i32
      %le3A_129 = vector.broadcast %shift_right_arithmetic3A_128 : i32 to vector<80x128xi32>
      %le3A_130 = arith.cmpi sle, %add3A, %le3A_129 : vector<80x128xi32>
      %and3A_131 = arith.andi %and3A_106, %le3A_130 : vector<80x128xi1>
      %convert_element_type3A_132 = arith.extui %and3A_131 : vector<80x128xi1> to vector<80x128xi32>
      %reduce_sum3A_133 = vector.shape_cast %convert_element_type3A_132 : vector<80x128xi32> to vector<1x80x128xi32>
      %reduce_sum3A_134 = arith.constant dense<0> : vector<1xi32>
      %reduce_sum3A_135 = vector.multi_reduction <add>, %reduce_sum3A_133, %reduce_sum3A_134 [1, 2] : vector<1x80x128xi32> to vector<1xi32>
      %reduce_sum3A_136 = vector.shape_cast %reduce_sum3A_135 : vector<1xi32> to vector<1x1x1xi32>
      %reduce_sum3A_137 = vector.extract %reduce_sum3A_136[0, 0, 0] : i32 from vector<1x1x1xi32>
      %ge3A_138 = arith.cmpi sge, %reduce_sum3A_137, %sub3A_103 : i32
      %add3A_139 = arith.constant 1 : i32
      %add3A_140 = arith.addi %shift_right_arithmetic3A_128, %add3A_139 : i32
      %select_n3A_141 = arith.select %ge3A_138, %scan3A_125, %add3A_140 : i32
      %select_n3A_142 = arith.select %ge3A_138, %shift_right_arithmetic3A_128, %scan3A_126 : i32
      scf.yield %select_n3A_141, %select_n3A_142 : i32, i32
    }
    %le3A = vector.broadcast %scan3A_116#0 : i32 to vector<80x128xi32>
    %le3A_117 = arith.cmpi sle, %add3A, %le3A : vector<80x128xi32>
    %and3A_118 = arith.andi %and3A_106, %le3A_117 : vector<80x128xi1>
    %or3A_119 = arith.ori %or3A_96, %and3A_118 : vector<80x128xi1>
    %convert_element_type3A_120 = arith.extui %or3A_119 : vector<80x128xi1> to vector<80x128xi32>
    %convert_element_type3A_121 = arith.sitofp %convert_element_type3A_120 : vector<80x128xi32> to vector<80x128xf32>
    %swap3A = arith.constant 0 : index
    %swap3A_122 = arith.constant 0 : index
    %swap3A_123 = vector.load %arg3[%swap3A, %swap3A_122] : memref<80x128xf32, #tpu.memory_space<vmem>>, vector<80x128xf32>
    tpu.vector_store %arg3[%swap3A, %swap3A_122], %convert_element_type3A_121 {strides = array<i32>} : memref<80x128xf32, #tpu.memory_space<vmem>>, vector<80x128xf32>,
    return
  }
}

module attributes {stable_mosaic.version = 14 : i64} {
  func.func @pool_body(%arg0: i32, %arg1: memref<512x128xf32, #tpu.memory_space<vmem>>, %arg2: memref<512x1xf32, #tpu.memory_space<vmem>>, %arg3: memref<512x1xf32, #tpu.memory_space<vmem>>, %arg4: memref<1x256xf32, #tpu.memory_space<vmem>>, %arg5: memref<512x128xf32, #tpu.memory_space<vmem>>, %arg6: memref<1x256xf32, #tpu.memory_space<vmem>>) attributes {dimension_semantics = [#tpu.dimension_semantics<arbitrary>], iteration_bounds = array<i64: 20>, scalar_prefetch = 0 : i64, scratch_operands = 0 : i64, tpu.core_type = #tpu.core_type<tc>, window_params = [{transform_indices = @transform_0, window_bounds = array<i64: 512, 128>}, {transform_indices = @transform_1, window_bounds = array<i64: 512, 1>}, {transform_indices = @transform_2, window_bounds = array<i64: 512, 1>}, {pipeline_mode = #tpu.pipeline_mode<synchronous>, transform_indices = @transform_3, window_bounds = array<i64: 1, 256>}, {transform_indices = @transform_4, window_bounds = array<i64: 512, 128>}, {pipeline_mode = #tpu.pipeline_mode<synchronous>, transform_indices = @transform_5, window_bounds = array<i64: 1, 256>}]} {
    %get3A = arith.constant 0 : index
    %get3A_0 = arith.constant 0 : index
    %get3A_1 = vector.load %arg3[%get3A, %get3A_0] : memref<512x1xf32, #tpu.memory_space<vmem>>, vector<512x1xf32>
    %get3A_2 = arith.constant 0 : index
    %get3A_3 = arith.constant 0 : index
    %get3A_4 = vector.load %arg1[%get3A_2, %get3A_3] : memref<512x128xf32, #tpu.memory_space<vmem>>, vector<512x128xf32>
    %get3A_5 = arith.constant 0 : index
    %get3A_6 = arith.constant 0 : index
    %get3A_7 = vector.load %arg2[%get3A_5, %get3A_6] : memref<512x1xf32, #tpu.memory_space<vmem>>, vector<512x1xf32>
    %mul3A = arith.mulf %get3A_7, %get3A_1 : vector<512x1xf32>
    %mul3A_8 = vector.broadcast %mul3A : vector<512x1xf32> to vector<512x128xf32>
    %mul3A_9 = arith.mulf %get3A_4, %mul3A_8 : vector<512x128xf32>
    %swap3A = arith.constant 0 : index
    %swap3A_10 = arith.constant 0 : index
    %swap3A_11 = vector.load %arg5[%swap3A, %swap3A_10] : memref<512x128xf32, #tpu.memory_space<vmem>>, vector<512x128xf32>
    tpu.vector_store %arg5[%swap3A, %swap3A_10], %mul3A_9 {strides = array<i32>} : memref<512x128xf32, #tpu.memory_space<vmem>>, vector<512x128xf32>,
    %gt3A = arith.constant 0.000000e+00 : f32
    %gt3A_12 = vector.broadcast %gt3A : f32 to vector<512x1xf32>
    %gt3A_13 = arith.cmpf ogt, %get3A_1, %gt3A_12 : vector<512x1xf32>
    %jit3A = arith.constant 0xFF800000 : f32
    %broadcast_in_dim3A = vector.shape_cast %gt3A_13 : vector<512x1xi1> to vector<512x1xi1>
    %broadcast_in_dim3A_14 = vector.broadcast %broadcast_in_dim3A : vector<512x1xi1> to vector<512x128xi1>
    %broadcast_in_dim3A_15 = vector.broadcast %jit3A : f32 to vector<512x128xf32>
    %select_n3A = arith.select %broadcast_in_dim3A_14, %mul3A_9, %broadcast_in_dim3A_15 : vector<512x128xi1>, vector<512x128xf32>
    %reduce_max3A = arith.constant dense<0xFF800000> : vector<128xf32>
    %reduce_max3A_16 = vector.multi_reduction <maximumf>, %select_n3A, %reduce_max3A [0] : vector<512x128xf32> to vector<128xf32>
    %reduce_sum3A = arith.constant dense<0.000000e+00> : vector<128xf32>
    %reduce_sum3A_17 = vector.multi_reduction <add>, %mul3A_9, %reduce_sum3A [0] : vector<512x128xf32> to vector<128xf32>
    %eq3A = arith.constant 0 : i32
    %eq3A_18 = arith.cmpi eq, %arg0, %eq3A : i32
    %convert_element_type3A = arith.extui %eq3A_18 : i1 to i32
    %cond3A = arith.constant 0 : i32
    %cond3A_19 = arith.cmpi ne, %convert_element_type3A, %cond3A : i32
    scf.if %cond3A_19 {
      %concatenate3A = tpu.concatenate %reduce_max3A_16, %reduce_sum3A_17 in 0 : vector<128xf32>, vector<128xf32> -> vector<256xf32>
      %broadcast_in_dim3A_30 = vector.shape_cast %concatenate3A : vector<256xf32> to vector<1x256xf32>
      %swap3A_31 = arith.constant 0 : index
      %swap3A_32 = arith.constant 0 : index
      %swap3A_33 = vector.load %arg6[%swap3A_31, %swap3A_32] : memref<1x256xf32, #tpu.memory_space<vmem>>, vector<1x256xf32>
      tpu.vector_store %arg6[%swap3A_31, %swap3A_32], %broadcast_in_dim3A_30 {strides = array<i32>} : memref<1x256xf32, #tpu.memory_space<vmem>>, vector<1x256xf32>,
    } else {
    }
    %gt3A_20 = arith.constant 0 : i32
    %gt3A_21 = arith.cmpi sgt, %arg0, %gt3A_20 : i32
    %convert_element_type3A_22 = arith.extui %gt3A_21 : i1 to i32
    %cond3A_23 = arith.constant 0 : i32
    %cond3A_24 = arith.cmpi ne, %convert_element_type3A_22, %cond3A_23 : i32
    scf.if %cond3A_24 {
      %get3A_30 = arith.constant 0 : index
      %get3A_31 = arith.constant 0 : index
      %get3A_32 = vector.load %arg6[%get3A_30, %get3A_31] : memref<1x256xf32, #tpu.memory_space<vmem>>, vector<1x256xf32>
      %slice3A = vector.extract_strided_slice %get3A_32 {offsets = [0, 0], sizes = [1, 128], strides = [1, 1]} : vector<1x256xf32> to vector<1x128xf32>
      %broadcast_in_dim3A_33 = vector.shape_cast %reduce_max3A_16 : vector<128xf32> to vector<1x128xf32>
      %max3A = arith.maximumf %slice3A, %broadcast_in_dim3A_33 : vector<1x128xf32>
      %slice3A_34 = vector.extract_strided_slice %get3A_32 {offsets = [0, 128], sizes = [1, 128], strides = [1, 1]} : vector<1x256xf32> to vector<1x128xf32>
      %broadcast_in_dim3A_35 = vector.shape_cast %reduce_sum3A_17 : vector<128xf32> to vector<1x128xf32>
      %add3A = arith.addf %slice3A_34, %broadcast_in_dim3A_35 : vector<1x128xf32>
      %concatenate3A = tpu.concatenate %max3A, %add3A in 1 : vector<1x128xf32>, vector<1x128xf32> -> vector<1x256xf32>
      %swap3A_36 = arith.constant 0 : index
      %swap3A_37 = arith.constant 0 : index
      %swap3A_38 = vector.load %arg6[%swap3A_36, %swap3A_37] : memref<1x256xf32, #tpu.memory_space<vmem>>, vector<1x256xf32>
      tpu.vector_store %arg6[%swap3A_36, %swap3A_37], %concatenate3A {strides = array<i32>} : memref<1x256xf32, #tpu.memory_space<vmem>>, vector<1x256xf32>,
    } else {
    }
    %eq3A_25 = arith.constant 19 : i32
    %eq3A_26 = arith.cmpi eq, %arg0, %eq3A_25 : i32
    %convert_element_type3A_27 = arith.extui %eq3A_26 : i1 to i32
    %cond3A_28 = arith.constant 0 : i32
    %cond3A_29 = arith.cmpi ne, %convert_element_type3A_27, %cond3A_28 : i32
    scf.if %cond3A_29 {
      %get3A_30 = arith.constant 0 : index
      %get3A_31 = arith.constant 0 : index
      %get3A_32 = vector.load %arg6[%get3A_30, %get3A_31] : memref<1x256xf32, #tpu.memory_space<vmem>>, vector<1x256xf32>
      %get3A_33 = arith.constant 0 : index
      %get3A_34 = arith.constant 0 : index
      %get3A_35 = vector.load %arg4[%get3A_33, %get3A_34] : memref<1x256xf32, #tpu.memory_space<vmem>>, vector<1x256xf32>
      %slice3A = vector.extract_strided_slice %get3A_32 {offsets = [0, 0], sizes = [1, 128], strides = [1, 1]} : vector<1x256xf32> to vector<1x128xf32>
      %slice3A_36 = vector.extract_strided_slice %get3A_32 {offsets = [0, 128], sizes = [1, 128], strides = [1, 1]} : vector<1x256xf32> to vector<1x128xf32>
      %div3A = arith.constant 4.219000e+03 : f32
      %div3A_37 = vector.broadcast %div3A : f32 to vector<1x128xf32>
      %div3A_38 = arith.divf %slice3A_36, %div3A_37 : vector<1x128xf32>
      %concatenate3A = tpu.concatenate %slice3A, %div3A_38 in 1 : vector<1x128xf32>, vector<1x128xf32> -> vector<1x256xf32>
      %add3A = arith.addf %get3A_35, %concatenate3A : vector<1x256xf32>
      %swap3A_39 = arith.constant 0 : index
      %swap3A_40 = arith.constant 0 : index
      %swap3A_41 = vector.load %arg6[%swap3A_39, %swap3A_40] : memref<1x256xf32, #tpu.memory_space<vmem>>, vector<1x256xf32>
      tpu.vector_store %arg6[%swap3A_39, %swap3A_40], %add3A {strides = array<i32>} : memref<1x256xf32, #tpu.memory_space<vmem>>, vector<1x256xf32>,
    } else {
    }
    return
  }
  func.func @transform_0(%arg0: i32) -> (i32, i32) {
    %c0_i32 = arith.constant 0 : i32
    %c0_i32_0 = arith.constant 0 : i32
    return %arg0, %c0_i32 : i32, i32
  }
  func.func @transform_1(%arg0: i32) -> (i32, i32) {
    %c0_i32 = arith.constant 0 : i32
    %c0_i32_0 = arith.constant 0 : i32
    return %arg0, %c0_i32 : i32, i32
  }
  func.func @transform_2(%arg0: i32) -> (i32, i32) {
    %c0_i32 = arith.constant 0 : i32
    %c0_i32_0 = arith.constant 0 : i32
    return %arg0, %c0_i32 : i32, i32
  }
  func.func @transform_3(%arg0: i32) -> (i32, i32) {
    %c0_i32 = arith.constant 0 : i32
    %c0_i32_0 = arith.constant 0 : i32
    %c0_i32_1 = arith.constant 0 : i32
    return %c0_i32, %c0_i32_0 : i32, i32
  }
  func.func @transform_4(%arg0: i32) -> (i32, i32) {
    %c0_i32 = arith.constant 0 : i32
    %c0_i32_0 = arith.constant 0 : i32
    return %arg0, %c0_i32 : i32, i32
  }
  func.func @transform_5(%arg0: i32) -> (i32, i32) {
    %c0_i32 = arith.constant 0 : i32
    %c0_i32_0 = arith.constant 0 : i32
    %c0_i32_1 = arith.constant 0 : i32
    return %c0_i32, %c0_i32_0 : i32, i32
  }
}

module attributes {stable_mosaic.version = 14 : i64} {
  func.func @select_body(%arg0: memref<80x128xi32, #tpu.memory_space<vmem>>, %arg1: memref<80x128xi32, #tpu.memory_space<vmem>>, %arg2: memref<80x128xi32, #tpu.memory_space<vmem>>, %arg3: memref<80x128xi32, #tpu.memory_space<vmem>>, %arg4: memref<80x128xf32, #tpu.memory_space<vmem>>) attributes {dimension_semantics = [], scalar_prefetch = 0 : i64, scratch_operands = 0 : i64, tpu.core_type = #tpu.core_type<tc>} {
    %get3A = arith.constant 0 : index
    %get3A_0 = arith.constant 0 : index
    %get3A_1 = vector.load %arg0[%get3A, %get3A_0] : memref<80x128xi32, #tpu.memory_space<vmem>>, vector<80x128xi32>
    %gt3A = arith.constant -2147483648 : i32
    %gt3A_2 = vector.broadcast %gt3A : i32 to vector<80x128xi32>
    %gt3A_3 = arith.cmpi sgt, %get3A_1, %gt3A_2 : vector<80x128xi32>
    %ge3A = arith.constant 0 : i32
    %ge3A_4 = vector.broadcast %ge3A : i32 to vector<80x128xi32>
    %ge3A_5 = arith.cmpi sge, %get3A_1, %ge3A_4 : vector<80x128xi32>
    %and3A = arith.andi %gt3A_3, %ge3A_5 : vector<80x128xi1>
    %convert_element_type3A = arith.extui %and3A : vector<80x128xi1> to vector<80x128xi32>
    %reduce_sum3A = vector.shape_cast %convert_element_type3A : vector<80x128xi32> to vector<1x80x128xi32>
    %reduce_sum3A_6 = arith.constant dense<0> : vector<1xi32>
    %reduce_sum3A_7 = vector.multi_reduction <add>, %reduce_sum3A, %reduce_sum3A_6 [1, 2] : vector<1x80x128xi32> to vector<1xi32>
    %reduce_sum3A_8 = vector.shape_cast %reduce_sum3A_7 : vector<1xi32> to vector<1x1x1xi32>
    %reduce_sum3A_9 = vector.extract %reduce_sum3A_8[0, 0, 0] : i32 from vector<1x1x1xi32>
    %ge3A_10 = arith.constant 3165 : i32
    %ge3A_11 = arith.cmpi sge, %reduce_sum3A_9, %ge3A_10 : i32
    %jit3A = arith.constant 0 : i32
    %jit3A_12 = arith.constant -2147483646 : i32
    %select_n3A = arith.select %ge3A_11, %jit3A, %jit3A_12 : i32
    %jit3A_13 = arith.constant 2147483646 : i32
    %jit3A_14 = arith.constant -1 : i32
    %select_n3A_15 = arith.select %ge3A_11, %jit3A_13, %jit3A_14 : i32
    %scan3A = arith.constant 0 : i32
    %scan3A_16 = arith.constant 31 : i32
    %scan3A_17 = arith.addi %scan3A, %scan3A_16 : i32
    %scan3A_18 = arith.constant 1 : i32
    %scan3A_19:2 = scf.for %scan3A_163 = %scan3A to %scan3A_17 step %scan3A_18 iter_args(%scan3A_164 = %select_n3A, %scan3A_165 = %select_n3A_15) -> (i32, i32)  : i32 {
      %sub3A_166 = arith.subi %scan3A_165, %scan3A_164 : i32
      %add3A_167 = arith.constant 1 : i32
      %add3A_168 = arith.addi %sub3A_166, %add3A_167 : i32
      %shift_right_arithmetic3A = arith.constant 1 : i32
      %shift_right_arithmetic3A_169 = arith.shrsi %add3A_168, %shift_right_arithmetic3A : i32
      %add3A_170 = arith.addi %scan3A_164, %shift_right_arithmetic3A_169 : i32
      %ge3A_171 = vector.broadcast %add3A_170 : i32 to vector<80x128xi32>
      %ge3A_172 = arith.cmpi sge, %get3A_1, %ge3A_171 : vector<80x128xi32>
      %and3A_173 = arith.andi %gt3A_3, %ge3A_172 : vector<80x128xi1>
      %convert_element_type3A_174 = arith.extui %and3A_173 : vector<80x128xi1> to vector<80x128xi32>
      %reduce_sum3A_175 = vector.shape_cast %convert_element_type3A_174 : vector<80x128xi32> to vector<1x80x128xi32>
      %reduce_sum3A_176 = arith.constant dense<0> : vector<1xi32>
      %reduce_sum3A_177 = vector.multi_reduction <add>, %reduce_sum3A_175, %reduce_sum3A_176 [1, 2] : vector<1x80x128xi32> to vector<1xi32>
      %reduce_sum3A_178 = vector.shape_cast %reduce_sum3A_177 : vector<1xi32> to vector<1x1x1xi32>
      %reduce_sum3A_179 = vector.extract %reduce_sum3A_178[0, 0, 0] : i32 from vector<1x1x1xi32>
      %ge3A_180 = arith.constant 3165 : i32
      %ge3A_181 = arith.cmpi sge, %reduce_sum3A_179, %ge3A_180 : i32
      %select_n3A_182 = arith.select %ge3A_181, %add3A_170, %scan3A_164 : i32
      %sub3A_183 = arith.constant 1 : i32
      %sub3A_184 = arith.subi %add3A_170, %sub3A_183 : i32
      %select_n3A_185 = arith.select %ge3A_181, %scan3A_165, %sub3A_184 : i32
      scf.yield %select_n3A_182, %select_n3A_185 : i32, i32
    }
    %gt3A_20 = vector.broadcast %scan3A_19#0 : i32 to vector<80x128xi32>
    %gt3A_21 = arith.cmpi sgt, %get3A_1, %gt3A_20 : vector<80x128xi32>
    %eq3A = vector.broadcast %scan3A_19#0 : i32 to vector<80x128xi32>
    %eq3A_22 = arith.cmpi eq, %get3A_1, %eq3A : vector<80x128xi32>
    %convert_element_type3A_23 = arith.extui %gt3A_21 : vector<80x128xi1> to vector<80x128xi32>
    %reduce_sum3A_24 = vector.shape_cast %convert_element_type3A_23 : vector<80x128xi32> to vector<1x80x128xi32>
    %reduce_sum3A_25 = arith.constant dense<0> : vector<1xi32>
    %reduce_sum3A_26 = vector.multi_reduction <add>, %reduce_sum3A_24, %reduce_sum3A_25 [1, 2] : vector<1x80x128xi32> to vector<1xi32>
    %reduce_sum3A_27 = vector.shape_cast %reduce_sum3A_26 : vector<1xi32> to vector<1x1x1xi32>
    %reduce_sum3A_28 = vector.extract %reduce_sum3A_27[0, 0, 0] : i32 from vector<1x1x1xi32>
    %sub3A = arith.constant 3165 : i32
    %sub3A_29 = arith.subi %sub3A, %reduce_sum3A_28 : i32
    %get3A_30 = arith.constant 0 : index
    %get3A_31 = arith.constant 0 : index
    %get3A_32 = vector.load %arg1[%get3A_30, %get3A_31] : memref<80x128xi32, #tpu.memory_space<vmem>>, vector<80x128xi32>
    %ge3A_33 = arith.constant 0 : i32
    %ge3A_34 = vector.broadcast %ge3A_33 : i32 to vector<80x128xi32>
    %ge3A_35 = arith.cmpi sge, %get3A_32, %ge3A_34 : vector<80x128xi32>
    %and3A_36 = arith.andi %eq3A_22, %ge3A_35 : vector<80x128xi1>
    %convert_element_type3A_37 = arith.extui %and3A_36 : vector<80x128xi1> to vector<80x128xi32>
    %reduce_sum3A_38 = vector.shape_cast %convert_element_type3A_37 : vector<80x128xi32> to vector<1x80x128xi32>
    %reduce_sum3A_39 = arith.constant dense<0> : vector<1xi32>
    %reduce_sum3A_40 = vector.multi_reduction <add>, %reduce_sum3A_38, %reduce_sum3A_39 [1, 2] : vector<1x80x128xi32> to vector<1xi32>
    %reduce_sum3A_41 = vector.shape_cast %reduce_sum3A_40 : vector<1xi32> to vector<1x1x1xi32>
    %reduce_sum3A_42 = vector.extract %reduce_sum3A_41[0, 0, 0] : i32 from vector<1x1x1xi32>
    %ge3A_43 = arith.cmpi sge, %reduce_sum3A_42, %sub3A_29 : i32
    %jit3A_44 = arith.constant 0 : i32
    %jit3A_45 = arith.constant -2147483646 : i32
    %select_n3A_46 = arith.select %ge3A_43, %jit3A_44, %jit3A_45 : i32
    %jit3A_47 = arith.constant 2147483646 : i32
    %jit3A_48 = arith.constant -1 : i32
    %select_n3A_49 = arith.select %ge3A_43, %jit3A_47, %jit3A_48 : i32
    %scan3A_50 = arith.constant 0 : i32
    %scan3A_51 = arith.constant 31 : i32
    %scan3A_52 = arith.addi %scan3A_50, %scan3A_51 : i32
    %scan3A_53 = arith.constant 1 : i32
    %scan3A_54:2 = scf.for %scan3A_163 = %scan3A_50 to %scan3A_52 step %scan3A_53 iter_args(%scan3A_164 = %select_n3A_46, %scan3A_165 = %select_n3A_49) -> (i32, i32)  : i32 {
      %sub3A_166 = arith.subi %scan3A_165, %scan3A_164 : i32
      %add3A_167 = arith.constant 1 : i32
      %add3A_168 = arith.addi %sub3A_166, %add3A_167 : i32
      %shift_right_arithmetic3A = arith.constant 1 : i32
      %shift_right_arithmetic3A_169 = arith.shrsi %add3A_168, %shift_right_arithmetic3A : i32
      %add3A_170 = arith.addi %scan3A_164, %shift_right_arithmetic3A_169 : i32
      %ge3A_171 = vector.broadcast %add3A_170 : i32 to vector<80x128xi32>
      %ge3A_172 = arith.cmpi sge, %get3A_32, %ge3A_171 : vector<80x128xi32>
      %and3A_173 = arith.andi %eq3A_22, %ge3A_172 : vector<80x128xi1>
      %convert_element_type3A_174 = arith.extui %and3A_173 : vector<80x128xi1> to vector<80x128xi32>
      %reduce_sum3A_175 = vector.shape_cast %convert_element_type3A_174 : vector<80x128xi32> to vector<1x80x128xi32>
      %reduce_sum3A_176 = arith.constant dense<0> : vector<1xi32>
      %reduce_sum3A_177 = vector.multi_reduction <add>, %reduce_sum3A_175, %reduce_sum3A_176 [1, 2] : vector<1x80x128xi32> to vector<1xi32>
      %reduce_sum3A_178 = vector.shape_cast %reduce_sum3A_177 : vector<1xi32> to vector<1x1x1xi32>
      %reduce_sum3A_179 = vector.extract %reduce_sum3A_178[0, 0, 0] : i32 from vector<1x1x1xi32>
      %ge3A_180 = arith.cmpi sge, %reduce_sum3A_179, %sub3A_29 : i32
      %select_n3A_181 = arith.select %ge3A_180, %add3A_170, %scan3A_164 : i32
      %sub3A_182 = arith.constant 1 : i32
      %sub3A_183 = arith.subi %add3A_170, %sub3A_182 : i32
      %select_n3A_184 = arith.select %ge3A_180, %scan3A_165, %sub3A_183 : i32
      scf.yield %select_n3A_181, %select_n3A_184 : i32, i32
    }
    %gt3A_55 = vector.broadcast %scan3A_54#0 : i32 to vector<80x128xi32>
    %gt3A_56 = arith.cmpi sgt, %get3A_32, %gt3A_55 : vector<80x128xi32>
    %and3A_57 = arith.andi %eq3A_22, %gt3A_56 : vector<80x128xi1>
    %or3A = arith.ori %gt3A_21, %and3A_57 : vector<80x128xi1>
    %convert_element_type3A_58 = arith.extui %and3A_57 : vector<80x128xi1> to vector<80x128xi32>
    %reduce_sum3A_59 = vector.shape_cast %convert_element_type3A_58 : vector<80x128xi32> to vector<1x80x128xi32>
    %reduce_sum3A_60 = arith.constant dense<0> : vector<1xi32>
    %reduce_sum3A_61 = vector.multi_reduction <add>, %reduce_sum3A_59, %reduce_sum3A_60 [1, 2] : vector<1x80x128xi32> to vector<1xi32>
    %reduce_sum3A_62 = vector.shape_cast %reduce_sum3A_61 : vector<1xi32> to vector<1x1x1xi32>
    %reduce_sum3A_63 = vector.extract %reduce_sum3A_62[0, 0, 0] : i32 from vector<1x1x1xi32>
    %sub3A_64 = arith.subi %sub3A_29, %reduce_sum3A_63 : i32
    %eq3A_65 = vector.broadcast %scan3A_54#0 : i32 to vector<80x128xi32>
    %eq3A_66 = arith.cmpi eq, %get3A_32, %eq3A_65 : vector<80x128xi32>
    %and3A_67 = arith.andi %eq3A_22, %eq3A_66 : vector<80x128xi1>
    %get3A_68 = arith.constant 0 : index
    %get3A_69 = arith.constant 0 : index
    %get3A_70 = vector.load %arg2[%get3A_68, %get3A_69] : memref<80x128xi32, #tpu.memory_space<vmem>>, vector<80x128xi32>
    %ge3A_71 = arith.constant 0 : i32
    %ge3A_72 = vector.broadcast %ge3A_71 : i32 to vector<80x128xi32>
    %ge3A_73 = arith.cmpi sge, %get3A_70, %ge3A_72 : vector<80x128xi32>
    %and3A_74 = arith.andi %and3A_67, %ge3A_73 : vector<80x128xi1>
    %convert_element_type3A_75 = arith.extui %and3A_74 : vector<80x128xi1> to vector<80x128xi32>
    %reduce_sum3A_76 = vector.shape_cast %convert_element_type3A_75 : vector<80x128xi32> to vector<1x80x128xi32>
    %reduce_sum3A_77 = arith.constant dense<0> : vector<1xi32>
    %reduce_sum3A_78 = vector.multi_reduction <add>, %reduce_sum3A_76, %reduce_sum3A_77 [1, 2] : vector<1x80x128xi32> to vector<1xi32>
    %reduce_sum3A_79 = vector.shape_cast %reduce_sum3A_78 : vector<1xi32> to vector<1x1x1xi32>
    %reduce_sum3A_80 = vector.extract %reduce_sum3A_79[0, 0, 0] : i32 from vector<1x1x1xi32>
    %ge3A_81 = arith.cmpi sge, %reduce_sum3A_80, %sub3A_64 : i32
    %jit3A_82 = arith.constant 0 : i32
    %jit3A_83 = arith.constant -2147483646 : i32
    %select_n3A_84 = arith.select %ge3A_81, %jit3A_82, %jit3A_83 : i32
    %jit3A_85 = arith.constant 2147483646 : i32
    %jit3A_86 = arith.constant -1 : i32
    %select_n3A_87 = arith.select %ge3A_81, %jit3A_85, %jit3A_86 : i32
    %scan3A_88 = arith.constant 0 : i32
    %scan3A_89 = arith.constant 31 : i32
    %scan3A_90 = arith.addi %scan3A_88, %scan3A_89 : i32
    %scan3A_91 = arith.constant 1 : i32
    %scan3A_92:2 = scf.for %scan3A_163 = %scan3A_88 to %scan3A_90 step %scan3A_91 iter_args(%scan3A_164 = %select_n3A_84, %scan3A_165 = %select_n3A_87) -> (i32, i32)  : i32 {
      %sub3A_166 = arith.subi %scan3A_165, %scan3A_164 : i32
      %add3A_167 = arith.constant 1 : i32
      %add3A_168 = arith.addi %sub3A_166, %add3A_167 : i32
      %shift_right_arithmetic3A = arith.constant 1 : i32
      %shift_right_arithmetic3A_169 = arith.shrsi %add3A_168, %shift_right_arithmetic3A : i32
      %add3A_170 = arith.addi %scan3A_164, %shift_right_arithmetic3A_169 : i32
      %ge3A_171 = vector.broadcast %add3A_170 : i32 to vector<80x128xi32>
      %ge3A_172 = arith.cmpi sge, %get3A_70, %ge3A_171 : vector<80x128xi32>
      %and3A_173 = arith.andi %and3A_67, %ge3A_172 : vector<80x128xi1>
      %convert_element_type3A_174 = arith.extui %and3A_173 : vector<80x128xi1> to vector<80x128xi32>
      %reduce_sum3A_175 = vector.shape_cast %convert_element_type3A_174 : vector<80x128xi32> to vector<1x80x128xi32>
      %reduce_sum3A_176 = arith.constant dense<0> : vector<1xi32>
      %reduce_sum3A_177 = vector.multi_reduction <add>, %reduce_sum3A_175, %reduce_sum3A_176 [1, 2] : vector<1x80x128xi32> to vector<1xi32>
      %reduce_sum3A_178 = vector.shape_cast %reduce_sum3A_177 : vector<1xi32> to vector<1x1x1xi32>
      %reduce_sum3A_179 = vector.extract %reduce_sum3A_178[0, 0, 0] : i32 from vector<1x1x1xi32>
      %ge3A_180 = arith.cmpi sge, %reduce_sum3A_179, %sub3A_64 : i32
      %select_n3A_181 = arith.select %ge3A_180, %add3A_170, %scan3A_164 : i32
      %sub3A_182 = arith.constant 1 : i32
      %sub3A_183 = arith.subi %add3A_170, %sub3A_182 : i32
      %select_n3A_184 = arith.select %ge3A_180, %scan3A_165, %sub3A_183 : i32
      scf.yield %select_n3A_181, %select_n3A_184 : i32, i32
    }
    %gt3A_93 = vector.broadcast %scan3A_92#0 : i32 to vector<80x128xi32>
    %gt3A_94 = arith.cmpi sgt, %get3A_70, %gt3A_93 : vector<80x128xi32>
    %and3A_95 = arith.andi %and3A_67, %gt3A_94 : vector<80x128xi1>
    %or3A_96 = arith.ori %or3A, %and3A_95 : vector<80x128xi1>
    %convert_element_type3A_97 = arith.extui %and3A_95 : vector<80x128xi1> to vector<80x128xi32>
    %reduce_sum3A_98 = vector.shape_cast %convert_element_type3A_97 : vector<80x128xi32> to vector<1x80x128xi32>
    %reduce_sum3A_99 = arith.constant dense<0> : vector<1xi32>
    %reduce_sum3A_100 = vector.multi_reduction <add>, %reduce_sum3A_98, %reduce_sum3A_99 [1, 2] : vector<1x80x128xi32> to vector<1xi32>
    %reduce_sum3A_101 = vector.shape_cast %reduce_sum3A_100 : vector<1xi32> to vector<1x1x1xi32>
    %reduce_sum3A_102 = vector.extract %reduce_sum3A_101[0, 0, 0] : i32 from vector<1x1x1xi32>
    %sub3A_103 = arith.subi %sub3A_64, %reduce_sum3A_102 : i32
    %eq3A_104 = vector.broadcast %scan3A_92#0 : i32 to vector<80x128xi32>
    %eq3A_105 = arith.cmpi eq, %get3A_70, %eq3A_104 : vector<80x128xi32>
    %and3A_106 = arith.andi %and3A_67, %eq3A_105 : vector<80x128xi1>
    %get3A_107 = arith.constant 0 : index
    %get3A_108 = arith.constant 0 : index
    %get3A_109 = vector.load %arg3[%get3A_107, %get3A_108] : memref<80x128xi32, #tpu.memory_space<vmem>>, vector<80x128xi32>
    %ge3A_110 = arith.constant 0 : i32
    %ge3A_111 = vector.broadcast %ge3A_110 : i32 to vector<80x128xi32>
    %ge3A_112 = arith.cmpi sge, %get3A_109, %ge3A_111 : vector<80x128xi32>
    %and3A_113 = arith.andi %and3A_106, %ge3A_112 : vector<80x128xi1>
    %convert_element_type3A_114 = arith.extui %and3A_113 : vector<80x128xi1> to vector<80x128xi32>
    %reduce_sum3A_115 = vector.shape_cast %convert_element_type3A_114 : vector<80x128xi32> to vector<1x80x128xi32>
    %reduce_sum3A_116 = arith.constant dense<0> : vector<1xi32>
    %reduce_sum3A_117 = vector.multi_reduction <add>, %reduce_sum3A_115, %reduce_sum3A_116 [1, 2] : vector<1x80x128xi32> to vector<1xi32>
    %reduce_sum3A_118 = vector.shape_cast %reduce_sum3A_117 : vector<1xi32> to vector<1x1x1xi32>
    %reduce_sum3A_119 = vector.extract %reduce_sum3A_118[0, 0, 0] : i32 from vector<1x1x1xi32>
    %ge3A_120 = arith.cmpi sge, %reduce_sum3A_119, %sub3A_103 : i32
    %jit3A_121 = arith.constant 0 : i32
    %jit3A_122 = arith.constant -2147483646 : i32
    %select_n3A_123 = arith.select %ge3A_120, %jit3A_121, %jit3A_122 : i32
    %jit3A_124 = arith.constant 2147483646 : i32
    %jit3A_125 = arith.constant -1 : i32
    %select_n3A_126 = arith.select %ge3A_120, %jit3A_124, %jit3A_125 : i32
    %scan3A_127 = arith.constant 0 : i32
    %scan3A_128 = arith.constant 31 : i32
    %scan3A_129 = arith.addi %scan3A_127, %scan3A_128 : i32
    %scan3A_130 = arith.constant 1 : i32
    %scan3A_131:2 = scf.for %scan3A_163 = %scan3A_127 to %scan3A_129 step %scan3A_130 iter_args(%scan3A_164 = %select_n3A_123, %scan3A_165 = %select_n3A_126) -> (i32, i32)  : i32 {
      %sub3A_166 = arith.subi %scan3A_165, %scan3A_164 : i32
      %add3A_167 = arith.constant 1 : i32
      %add3A_168 = arith.addi %sub3A_166, %add3A_167 : i32
      %shift_right_arithmetic3A = arith.constant 1 : i32
      %shift_right_arithmetic3A_169 = arith.shrsi %add3A_168, %shift_right_arithmetic3A : i32
      %add3A_170 = arith.addi %scan3A_164, %shift_right_arithmetic3A_169 : i32
      %ge3A_171 = vector.broadcast %add3A_170 : i32 to vector<80x128xi32>
      %ge3A_172 = arith.cmpi sge, %get3A_109, %ge3A_171 : vector<80x128xi32>
      %and3A_173 = arith.andi %and3A_106, %ge3A_172 : vector<80x128xi1>
      %convert_element_type3A_174 = arith.extui %and3A_173 : vector<80x128xi1> to vector<80x128xi32>
      %reduce_sum3A_175 = vector.shape_cast %convert_element_type3A_174 : vector<80x128xi32> to vector<1x80x128xi32>
      %reduce_sum3A_176 = arith.constant dense<0> : vector<1xi32>
      %reduce_sum3A_177 = vector.multi_reduction <add>, %reduce_sum3A_175, %reduce_sum3A_176 [1, 2] : vector<1x80x128xi32> to vector<1xi32>
      %reduce_sum3A_178 = vector.shape_cast %reduce_sum3A_177 : vector<1xi32> to vector<1x1x1xi32>
      %reduce_sum3A_179 = vector.extract %reduce_sum3A_178[0, 0, 0] : i32 from vector<1x1x1xi32>
      %ge3A_180 = arith.cmpi sge, %reduce_sum3A_179, %sub3A_103 : i32
      %select_n3A_181 = arith.select %ge3A_180, %add3A_170, %scan3A_164 : i32
      %sub3A_182 = arith.constant 1 : i32
      %sub3A_183 = arith.subi %add3A_170, %sub3A_182 : i32
      %select_n3A_184 = arith.select %ge3A_180, %scan3A_165, %sub3A_183 : i32
      scf.yield %select_n3A_181, %select_n3A_184 : i32, i32
    }
    %gt3A_132 = vector.broadcast %scan3A_131#0 : i32 to vector<80x128xi32>
    %gt3A_133 = arith.cmpi sgt, %get3A_109, %gt3A_132 : vector<80x128xi32>
    %and3A_134 = arith.andi %and3A_106, %gt3A_133 : vector<80x128xi1>
    %or3A_135 = arith.ori %or3A_96, %and3A_134 : vector<80x128xi1>
    %convert_element_type3A_136 = arith.extui %and3A_134 : vector<80x128xi1> to vector<80x128xi32>
    %reduce_sum3A_137 = vector.shape_cast %convert_element_type3A_136 : vector<80x128xi32> to vector<1x80x128xi32>
    %reduce_sum3A_138 = arith.constant dense<0> : vector<1xi32>
    %reduce_sum3A_139 = vector.multi_reduction <add>, %reduce_sum3A_137, %reduce_sum3A_138 [1, 2] : vector<1x80x128xi32> to vector<1xi32>
    %reduce_sum3A_140 = vector.shape_cast %reduce_sum3A_139 : vector<1xi32> to vector<1x1x1xi32>
    %reduce_sum3A_141 = vector.extract %reduce_sum3A_140[0, 0, 0] : i32 from vector<1x1x1xi32>
    %sub3A_142 = arith.subi %sub3A_103, %reduce_sum3A_141 : i32
    %eq3A_143 = vector.broadcast %scan3A_131#0 : i32 to vector<80x128xi32>
    %eq3A_144 = arith.cmpi eq, %get3A_109, %eq3A_143 : vector<80x128xi32>
    %and3A_145 = arith.andi %and3A_106, %eq3A_144 : vector<80x128xi1>
    %iota3A = tpu.iota {dimensions = array<i32: 0>} : vector<80x128xi32>
    %mul3A = arith.constant 128 : i32
    %mul3A_146 = vector.broadcast %mul3A : i32 to vector<80x128xi32>
    %mul3A_147 = arith.muli %iota3A, %mul3A_146 : vector<80x128xi32>
    %iota3A_148 = tpu.iota {dimensions = array<i32: 1>} : vector<80x128xi32>
    %add3A = arith.addi %mul3A_147, %iota3A_148 : vector<80x128xi32>
    %scan3A_149 = arith.constant 0 : i32
    %scan3A_150 = arith.constant 10239 : i32
    %scan3A_151 = arith.constant 0 : i32
    %scan3A_152 = arith.constant 14 : i32
    %scan3A_153 = arith.addi %scan3A_151, %scan3A_152 : i32
    %scan3A_154 = arith.constant 1 : i32
    %scan3A_155:2 = scf.for %scan3A_163 = %scan3A_151 to %scan3A_153 step %scan3A_154 iter_args(%scan3A_164 = %scan3A_149, %scan3A_165 = %scan3A_150) -> (i32, i32)  : i32 {
      %add3A_166 = arith.addi %scan3A_164, %scan3A_165 : i32
      %shift_right_arithmetic3A = arith.constant 1 : i32
      %shift_right_arithmetic3A_167 = arith.shrsi %add3A_166, %shift_right_arithmetic3A : i32
      %le3A_168 = vector.broadcast %shift_right_arithmetic3A_167 : i32 to vector<80x128xi32>
      %le3A_169 = arith.cmpi sle, %add3A, %le3A_168 : vector<80x128xi32>
      %and3A_170 = arith.andi %and3A_145, %le3A_169 : vector<80x128xi1>
      %convert_element_type3A_171 = arith.extui %and3A_170 : vector<80x128xi1> to vector<80x128xi32>
      %reduce_sum3A_172 = vector.shape_cast %convert_element_type3A_171 : vector<80x128xi32> to vector<1x80x128xi32>
      %reduce_sum3A_173 = arith.constant dense<0> : vector<1xi32>
      %reduce_sum3A_174 = vector.multi_reduction <add>, %reduce_sum3A_172, %reduce_sum3A_173 [1, 2] : vector<1x80x128xi32> to vector<1xi32>
      %reduce_sum3A_175 = vector.shape_cast %reduce_sum3A_174 : vector<1xi32> to vector<1x1x1xi32>
      %reduce_sum3A_176 = vector.extract %reduce_sum3A_175[0, 0, 0] : i32 from vector<1x1x1xi32>
      %ge3A_177 = arith.cmpi sge, %reduce_sum3A_176, %sub3A_142 : i32
      %add3A_178 = arith.constant 1 : i32
      %add3A_179 = arith.addi %shift_right_arithmetic3A_167, %add3A_178 : i32
      %select_n3A_180 = arith.select %ge3A_177, %scan3A_164, %add3A_179 : i32
      %select_n3A_181 = arith.select %ge3A_177, %shift_right_arithmetic3A_167, %scan3A_165 : i32
      scf.yield %select_n3A_180, %select_n3A_181 : i32, i32
    }
    %le3A = vector.broadcast %scan3A_155#0 : i32 to vector<80x128xi32>
    %le3A_156 = arith.cmpi sle, %add3A, %le3A : vector<80x128xi32>
    %and3A_157 = arith.andi %and3A_145, %le3A_156 : vector<80x128xi1>
    %or3A_158 = arith.ori %or3A_135, %and3A_157 : vector<80x128xi1>
    %convert_element_type3A_159 = arith.extui %or3A_158 : vector<80x128xi1> to vector<80x128xi32>
    %convert_element_type3A_160 = arith.sitofp %convert_element_type3A_159 : vector<80x128xi32> to vector<80x128xf32>
    %swap3A = arith.constant 0 : index
    %swap3A_161 = arith.constant 0 : index
    %swap3A_162 = vector.load %arg4[%swap3A, %swap3A_161] : memref<80x128xf32, #tpu.memory_space<vmem>>, vector<80x128xf32>
    tpu.vector_store %arg4[%swap3A, %swap3A_161], %convert_element_type3A_160 {strides = array<i32>} : memref<80x128xf32, #tpu.memory_space<vmem>>, vector<80x128xf32>,
    return
  }
}

module attributes {stable_mosaic.version = 14 : i64} {
  func.func @pool_body(%arg0: i32, %arg1: memref<512x128xf32, #tpu.memory_space<vmem>>, %arg2: memref<512x1xf32, #tpu.memory_space<vmem>>, %arg3: memref<512x1xf32, #tpu.memory_space<vmem>>, %arg4: memref<1x256xf32, #tpu.memory_space<vmem>>, %arg5: memref<512x128xf32, #tpu.memory_space<vmem>>, %arg6: memref<1x256xf32, #tpu.memory_space<vmem>>) attributes {dimension_semantics = [#tpu.dimension_semantics<arbitrary>], iteration_bounds = array<i64: 20>, scalar_prefetch = 0 : i64, scratch_operands = 0 : i64, tpu.core_type = #tpu.core_type<tc>, window_params = [{transform_indices = @transform_0, window_bounds = array<i64: 512, 128>}, {transform_indices = @transform_1, window_bounds = array<i64: 512, 1>}, {transform_indices = @transform_2, window_bounds = array<i64: 512, 1>}, {pipeline_mode = #tpu.pipeline_mode<synchronous>, transform_indices = @transform_3, window_bounds = array<i64: 1, 256>}, {transform_indices = @transform_4, window_bounds = array<i64: 512, 128>}, {pipeline_mode = #tpu.pipeline_mode<synchronous>, transform_indices = @transform_5, window_bounds = array<i64: 1, 256>}]} {
    %get3A = arith.constant 0 : index
    %get3A_0 = arith.constant 0 : index
    %get3A_1 = vector.load %arg3[%get3A, %get3A_0] : memref<512x1xf32, #tpu.memory_space<vmem>>, vector<512x1xf32>
    %get3A_2 = arith.constant 0 : index
    %get3A_3 = arith.constant 0 : index
    %get3A_4 = vector.load %arg1[%get3A_2, %get3A_3] : memref<512x128xf32, #tpu.memory_space<vmem>>, vector<512x128xf32>
    %get3A_5 = arith.constant 0 : index
    %get3A_6 = arith.constant 0 : index
    %get3A_7 = vector.load %arg2[%get3A_5, %get3A_6] : memref<512x1xf32, #tpu.memory_space<vmem>>, vector<512x1xf32>
    %mul3A = arith.mulf %get3A_7, %get3A_1 : vector<512x1xf32>
    %mul3A_8 = vector.broadcast %mul3A : vector<512x1xf32> to vector<512x128xf32>
    %mul3A_9 = arith.mulf %get3A_4, %mul3A_8 : vector<512x128xf32>
    %swap3A = arith.constant 0 : index
    %swap3A_10 = arith.constant 0 : index
    %swap3A_11 = vector.load %arg5[%swap3A, %swap3A_10] : memref<512x128xf32, #tpu.memory_space<vmem>>, vector<512x128xf32>
    tpu.vector_store %arg5[%swap3A, %swap3A_10], %mul3A_9 {strides = array<i32>} : memref<512x128xf32, #tpu.memory_space<vmem>>, vector<512x128xf32>,
    %gt3A = arith.constant 0.000000e+00 : f32
    %gt3A_12 = vector.broadcast %gt3A : f32 to vector<512x1xf32>
    %gt3A_13 = arith.cmpf ogt, %get3A_1, %gt3A_12 : vector<512x1xf32>
    %jit3A = arith.constant 0xFF800000 : f32
    %broadcast_in_dim3A = vector.shape_cast %gt3A_13 : vector<512x1xi1> to vector<512x1xi1>
    %broadcast_in_dim3A_14 = vector.broadcast %broadcast_in_dim3A : vector<512x1xi1> to vector<512x128xi1>
    %broadcast_in_dim3A_15 = vector.broadcast %jit3A : f32 to vector<512x128xf32>
    %select_n3A = arith.select %broadcast_in_dim3A_14, %mul3A_9, %broadcast_in_dim3A_15 : vector<512x128xi1>, vector<512x128xf32>
    %reduce_max3A = arith.constant dense<0xFF800000> : vector<128xf32>
    %reduce_max3A_16 = vector.multi_reduction <maximumf>, %select_n3A, %reduce_max3A [0] : vector<512x128xf32> to vector<128xf32>
    %reduce_sum3A = arith.constant dense<0.000000e+00> : vector<128xf32>
    %reduce_sum3A_17 = vector.multi_reduction <add>, %mul3A_9, %reduce_sum3A [0] : vector<512x128xf32> to vector<128xf32>
    %eq3A = arith.constant 0 : i32
    %eq3A_18 = arith.cmpi eq, %arg0, %eq3A : i32
    %convert_element_type3A = arith.extui %eq3A_18 : i1 to i32
    %cond3A = arith.constant 0 : i32
    %cond3A_19 = arith.cmpi ne, %convert_element_type3A, %cond3A : i32
    scf.if %cond3A_19 {
      %concatenate3A = tpu.concatenate %reduce_max3A_16, %reduce_sum3A_17 in 0 : vector<128xf32>, vector<128xf32> -> vector<256xf32>
      %broadcast_in_dim3A_30 = vector.shape_cast %concatenate3A : vector<256xf32> to vector<1x256xf32>
      %swap3A_31 = arith.constant 0 : index
      %swap3A_32 = arith.constant 0 : index
      %swap3A_33 = vector.load %arg6[%swap3A_31, %swap3A_32] : memref<1x256xf32, #tpu.memory_space<vmem>>, vector<1x256xf32>
      tpu.vector_store %arg6[%swap3A_31, %swap3A_32], %broadcast_in_dim3A_30 {strides = array<i32>} : memref<1x256xf32, #tpu.memory_space<vmem>>, vector<1x256xf32>,
    } else {
    }
    %gt3A_20 = arith.constant 0 : i32
    %gt3A_21 = arith.cmpi sgt, %arg0, %gt3A_20 : i32
    %convert_element_type3A_22 = arith.extui %gt3A_21 : i1 to i32
    %cond3A_23 = arith.constant 0 : i32
    %cond3A_24 = arith.cmpi ne, %convert_element_type3A_22, %cond3A_23 : i32
    scf.if %cond3A_24 {
      %get3A_30 = arith.constant 0 : index
      %get3A_31 = arith.constant 0 : index
      %get3A_32 = vector.load %arg6[%get3A_30, %get3A_31] : memref<1x256xf32, #tpu.memory_space<vmem>>, vector<1x256xf32>
      %slice3A = vector.extract_strided_slice %get3A_32 {offsets = [0, 0], sizes = [1, 128], strides = [1, 1]} : vector<1x256xf32> to vector<1x128xf32>
      %broadcast_in_dim3A_33 = vector.shape_cast %reduce_max3A_16 : vector<128xf32> to vector<1x128xf32>
      %max3A = arith.maximumf %slice3A, %broadcast_in_dim3A_33 : vector<1x128xf32>
      %slice3A_34 = vector.extract_strided_slice %get3A_32 {offsets = [0, 128], sizes = [1, 128], strides = [1, 1]} : vector<1x256xf32> to vector<1x128xf32>
      %broadcast_in_dim3A_35 = vector.shape_cast %reduce_sum3A_17 : vector<128xf32> to vector<1x128xf32>
      %add3A = arith.addf %slice3A_34, %broadcast_in_dim3A_35 : vector<1x128xf32>
      %concatenate3A = tpu.concatenate %max3A, %add3A in 1 : vector<1x128xf32>, vector<1x128xf32> -> vector<1x256xf32>
      %swap3A_36 = arith.constant 0 : index
      %swap3A_37 = arith.constant 0 : index
      %swap3A_38 = vector.load %arg6[%swap3A_36, %swap3A_37] : memref<1x256xf32, #tpu.memory_space<vmem>>, vector<1x256xf32>
      tpu.vector_store %arg6[%swap3A_36, %swap3A_37], %concatenate3A {strides = array<i32>} : memref<1x256xf32, #tpu.memory_space<vmem>>, vector<1x256xf32>,
    } else {
    }
    %eq3A_25 = arith.constant 19 : i32
    %eq3A_26 = arith.cmpi eq, %arg0, %eq3A_25 : i32
    %convert_element_type3A_27 = arith.extui %eq3A_26 : i1 to i32
    %cond3A_28 = arith.constant 0 : i32
    %cond3A_29 = arith.cmpi ne, %convert_element_type3A_27, %cond3A_28 : i32
    scf.if %cond3A_29 {
      %get3A_30 = arith.constant 0 : index
      %get3A_31 = arith.constant 0 : index
      %get3A_32 = vector.load %arg6[%get3A_30, %get3A_31] : memref<1x256xf32, #tpu.memory_space<vmem>>, vector<1x256xf32>
      %get3A_33 = arith.constant 0 : index
      %get3A_34 = arith.constant 0 : index
      %get3A_35 = vector.load %arg4[%get3A_33, %get3A_34] : memref<1x256xf32, #tpu.memory_space<vmem>>, vector<1x256xf32>
      %slice3A = vector.extract_strided_slice %get3A_32 {offsets = [0, 0], sizes = [1, 128], strides = [1, 1]} : vector<1x256xf32> to vector<1x128xf32>
      %slice3A_36 = vector.extract_strided_slice %get3A_32 {offsets = [0, 128], sizes = [1, 128], strides = [1, 1]} : vector<1x256xf32> to vector<1x128xf32>
      %div3A = arith.constant 3.165000e+03 : f32
      %div3A_37 = vector.broadcast %div3A : f32 to vector<1x128xf32>
      %div3A_38 = arith.divf %slice3A_36, %div3A_37 : vector<1x128xf32>
      %concatenate3A = tpu.concatenate %slice3A, %div3A_38 in 1 : vector<1x128xf32>, vector<1x128xf32> -> vector<1x256xf32>
      %add3A = arith.addf %get3A_35, %concatenate3A : vector<1x256xf32>
      %swap3A_39 = arith.constant 0 : index
      %swap3A_40 = arith.constant 0 : index
      %swap3A_41 = vector.load %arg6[%swap3A_39, %swap3A_40] : memref<1x256xf32, #tpu.memory_space<vmem>>, vector<1x256xf32>
      tpu.vector_store %arg6[%swap3A_39, %swap3A_40], %add3A {strides = array<i32>} : memref<1x256xf32, #tpu.memory_space<vmem>>, vector<1x256xf32>,
    } else {
    }
    return
  }
  func.func @transform_0(%arg0: i32) -> (i32, i32) {
    %c0_i32 = arith.constant 0 : i32
    %c0_i32_0 = arith.constant 0 : i32
    return %arg0, %c0_i32 : i32, i32
  }
  func.func @transform_1(%arg0: i32) -> (i32, i32) {
    %c0_i32 = arith.constant 0 : i32
    %c0_i32_0 = arith.constant 0 : i32
    return %arg0, %c0_i32 : i32, i32
  }
  func.func @transform_2(%arg0: i32) -> (i32, i32) {
    %c0_i32 = arith.constant 0 : i32
    %c0_i32_0 = arith.constant 0 : i32
    return %arg0, %c0_i32 : i32, i32
  }
  func.func @transform_3(%arg0: i32) -> (i32, i32) {
    %c0_i32 = arith.constant 0 : i32
    %c0_i32_0 = arith.constant 0 : i32
    %c0_i32_1 = arith.constant 0 : i32
    return %c0_i32, %c0_i32_0 : i32, i32
  }
  func.func @transform_4(%arg0: i32) -> (i32, i32) {
    %c0_i32 = arith.constant 0 : i32
    %c0_i32_0 = arith.constant 0 : i32
    return %arg0, %c0_i32 : i32, i32
  }
  func.func @transform_5(%arg0: i32) -> (i32, i32) {
    %c0_i32 = arith.constant 0 : i32
    %c0_i32_0 = arith.constant 0 : i32
    %c0_i32_1 = arith.constant 0 : i32
    return %c0_i32, %c0_i32_0 : i32, i32
  }
}

module attributes {stable_mosaic.version = 14 : i64} {
  func.func @head_body(%arg0: memref<1x256xf32, #tpu.memory_space<vmem>>, %arg1: memref<256x128xf32, #tpu.memory_space<vmem>>, %arg2: memref<1x128xf32, #tpu.memory_space<vmem>>, %arg3: memref<128x64xf32, #tpu.memory_space<vmem>>, %arg4: memref<1x64xf32, #tpu.memory_space<vmem>>, %arg5: memref<64x10xf32, #tpu.memory_space<vmem>>, %arg6: memref<1x10xf32, #tpu.memory_space<vmem>>, %arg7: memref<1x10xf32, #tpu.memory_space<vmem>>, %arg8: memref<1x10xf32, #tpu.memory_space<vmem>>) attributes {dimension_semantics = [], scalar_prefetch = 0 : i64, scratch_operands = 0 : i64, tpu.core_type = #tpu.core_type<tc>} {
    %get3A = arith.constant 0 : index
    %get3A_0 = arith.constant 0 : index
    %get3A_1 = vector.load %arg0[%get3A, %get3A_0] : memref<1x256xf32, #tpu.memory_space<vmem>>, vector<1x256xf32>
    %get3A_2 = arith.constant 0 : index
    %get3A_3 = arith.constant 0 : index
    %get3A_4 = vector.load %arg1[%get3A_2, %get3A_3] : memref<256x128xf32, #tpu.memory_space<vmem>>, vector<256x128xf32>
    %dot_general3A = arith.constant dense<0.000000e+00> : vector<1x128xf32>
    %dot_general3A_5 = tpu.matmul %get3A_1, %get3A_4, %dot_general3A {dimension_numbers = #tpu.dot_dimension_numbers<[1], [0], [0], [1], [0, 0, 1, 1], [], []>, transpose_lhs_hint = false} : vector<1x256xf32>, vector<256x128xf32>, vector<1x128xf32> -> vector<1x128xf32>
    %get3A_6 = arith.constant 0 : index
    %get3A_7 = arith.constant 0 : index
    %get3A_8 = vector.load %arg2[%get3A_6, %get3A_7] : memref<1x128xf32, #tpu.memory_space<vmem>>, vector<1x128xf32>
    %add3A = arith.addf %dot_general3A_5, %get3A_8 : vector<1x128xf32>
    %max3A = arith.constant 0.000000e+00 : f32
    %max3A_9 = vector.broadcast %max3A : f32 to vector<1x128xf32>
    %max3A_10 = arith.maximumf %add3A, %max3A_9 : vector<1x128xf32>
    %get3A_11 = arith.constant 0 : index
    %get3A_12 = arith.constant 0 : index
    %get3A_13 = vector.load %arg3[%get3A_11, %get3A_12] : memref<128x64xf32, #tpu.memory_space<vmem>>, vector<128x64xf32>
    %dot_general3A_14 = arith.constant dense<0.000000e+00> : vector<1x64xf32>
    %dot_general3A_15 = tpu.matmul %max3A_10, %get3A_13, %dot_general3A_14 {dimension_numbers = #tpu.dot_dimension_numbers<[1], [0], [0], [1], [0, 0, 1, 1], [], []>, transpose_lhs_hint = false} : vector<1x128xf32>, vector<128x64xf32>, vector<1x64xf32> -> vector<1x64xf32>
    %get3A_16 = arith.constant 0 : index
    %get3A_17 = arith.constant 0 : index
    %get3A_18 = vector.load %arg4[%get3A_16, %get3A_17] : memref<1x64xf32, #tpu.memory_space<vmem>>, vector<1x64xf32>
    %add3A_19 = arith.addf %dot_general3A_15, %get3A_18 : vector<1x64xf32>
    %max3A_20 = arith.constant 0.000000e+00 : f32
    %max3A_21 = vector.broadcast %max3A_20 : f32 to vector<1x64xf32>
    %max3A_22 = arith.maximumf %add3A_19, %max3A_21 : vector<1x64xf32>
    %get3A_23 = arith.constant 0 : index
    %get3A_24 = arith.constant 0 : index
    %get3A_25 = vector.load %arg5[%get3A_23, %get3A_24] : memref<64x10xf32, #tpu.memory_space<vmem>>, vector<64x10xf32>
    %dot_general3A_26 = arith.constant dense<0.000000e+00> : vector<1x10xf32>
    %dot_general3A_27 = tpu.matmul %max3A_22, %get3A_25, %dot_general3A_26 {dimension_numbers = #tpu.dot_dimension_numbers<[1], [0], [0], [1], [0, 0, 1, 1], [], []>, transpose_lhs_hint = false} : vector<1x64xf32>, vector<64x10xf32>, vector<1x10xf32> -> vector<1x10xf32>
    %get3A_28 = arith.constant 0 : index
    %get3A_29 = arith.constant 0 : index
    %get3A_30 = vector.load %arg6[%get3A_28, %get3A_29] : memref<1x10xf32, #tpu.memory_space<vmem>>, vector<1x10xf32>
    %add3A_31 = arith.addf %dot_general3A_27, %get3A_30 : vector<1x10xf32>
    %reduce_max3A = arith.constant dense<0xFF800000> : vector<1xf32>
    %reduce_max3A_32 = vector.multi_reduction <maximumf>, %add3A_31, %reduce_max3A [1] : vector<1x10xf32> to vector<1xf32>
    %broadcast_in_dim3A = vector.shape_cast %reduce_max3A_32 : vector<1xf32> to vector<1x1xf32>
    %sub3A = vector.broadcast %broadcast_in_dim3A : vector<1x1xf32> to vector<1x10xf32>
    %sub3A_33 = arith.subf %add3A_31, %sub3A : vector<1x10xf32>
    %exp3A = math.exp %sub3A_33 : vector<1x10xf32>
    %reduce_sum3A = arith.constant dense<0.000000e+00> : vector<1xf32>
    %reduce_sum3A_34 = vector.multi_reduction <add>, %exp3A, %reduce_sum3A [1] : vector<1x10xf32> to vector<1xf32>
    %broadcast_in_dim3A_35 = vector.shape_cast %reduce_sum3A_34 : vector<1xf32> to vector<1x1xf32>
    %log3A = math.log %broadcast_in_dim3A_35 : vector<1x1xf32>
    %add3A_36 = arith.addf %log3A, %broadcast_in_dim3A : vector<1x1xf32>
    %sub3A_37 = vector.broadcast %add3A_36 : vector<1x1xf32> to vector<1x10xf32>
    %sub3A_38 = arith.subf %add3A_31, %sub3A_37 : vector<1x10xf32>
    %swap3A = arith.constant 0 : index
    %swap3A_39 = arith.constant 0 : index
    %swap3A_40 = vector.load %arg7[%swap3A, %swap3A_39] : memref<1x10xf32, #tpu.memory_space<vmem>>, vector<1x10xf32>
    tpu.vector_store %arg7[%swap3A, %swap3A_39], %sub3A_38 {strides = array<i32>} : memref<1x10xf32, #tpu.memory_space<vmem>>, vector<1x10xf32>,
    %neg3A = arith.constant 0.000000e+00 : f32
    %neg3A_41 = vector.broadcast %neg3A : f32 to vector<1x10xf32>
    %neg3A_42 = arith.subf %neg3A_41, %add3A_31 : vector<1x10xf32>
    %exp3A_43 = math.exp %neg3A_42 : vector<1x10xf32>
    %add3A_44 = arith.constant 1.000000e+00 : f32
    %add3A_45 = vector.broadcast %add3A_44 : f32 to vector<1x10xf32>
    %add3A_46 = arith.addf %add3A_45, %exp3A_43 : vector<1x10xf32>
    %div3A = arith.constant 1.000000e+00 : f32
    %div3A_47 = vector.broadcast %div3A : f32 to vector<1x10xf32>
    %div3A_48 = arith.divf %div3A_47, %add3A_46 : vector<1x10xf32>
    %swap3A_49 = arith.constant 0 : index
    %swap3A_50 = arith.constant 0 : index
    %swap3A_51 = vector.load %arg8[%swap3A_49, %swap3A_50] : memref<1x10xf32, #tpu.memory_space<vmem>>, vector<1x10xf32>
    tpu.vector_store %arg8[%swap3A_49, %swap3A_50], %div3A_48 {strides = array<i32>} : memref<1x10xf32, #tpu.memory_space<vmem>>, vector<1x10xf32>,
    return
  }
}

</mosaic_0001>

<sc_bundles>
// kernel: gather_offload_async_start.1
scs
__scs_entry_jumppad:
0x0: {  	(pc) =	sbr.rel $0x88, $3  }
0x1: {  	(tag) =	ssettag $0x0;
	lr =	simm.s32 $0x1  }
0x2: {  	[smem:$0x3F85] =	sst lr;
	_ =	strace $0xD0000000  }
0x3: {  	_ = 	snop  }
0x4: {  	_ = 	snop  }
0x5: {  	_ = 	snop  }
0x6: {  	_ = 	snop  }
0x7: {  	_ = 	snop  }
__scs_overlays_trampoline_lowered:
0x8: {  	[smem:$0x3F94] =	sst s0  }
0x9: {  	[smem:$0x3F95] =	sst s1  }
0xa: {  	[smem:$0x3F96] =	sst s2  }
0xb: {  	[smem:$0x3F97] =	sst s3  }
0xc: {  	[smem:$0x3F98] =	sst s4  }
0xd: {  	[smem:$0x3F99] =	sst s5  }
0xe: {  	[smem:$0x3F9A] =	sst s6  }
0xf: {  	[smem:$0x3F9B] =	sst s7  }
0x10: {  	[smem:$0x3F9C] =	sst s8  }
0x11: {  	[smem:$0x3F9D] =	sst s9;
	s0 =	simm.s32 @!p0 $0x0  }
0x12: {  	s1 =	sld [smem:$0x3F83];
	s0 =	simm.s32 @p0 $0x1  }
0x13: {  	[smem:$0x3F9E] =	sst s0;
	s0 =	simm.s32 @!p1 $0x0  }
0x14: {  	s2 =	sld [smem:$0x3F82];
	s0 =	simm.s32 @p1 $0x1  }
0x15: {  	[smem:$0x3F9F] =	sst s0;
	s0 =	simm.s32 @!p2 $0x0  }
0x16: {  	s3 =	sld [smem:$0x3FDB];
	s0 =	simm.s32 @p2 $0x1  }
0x17: {  	s4 =	simm.s32 $0x1BF5;
	[smem:$0x3FA1] =	sst s0  }
0x18: {  	s0 =	sld [smem:$0x3F84];
	_ =	swait.ge [sflag:s4], $0x0  }
0x19: {  	s7 =	sld [smem:$0x3F85]  }
0x1a: {  	s8 =	sadd.s32 $0xFFFFE003, lr  }
0x1b: {  	s9 =	sadd.s32 $0xFFFFFEF7, lr;
	s5 =	simm.s32 $0xFFFFFFFF;
	p2 =	slt.u32 s8, $0xFFFFF086  }
0x1c: {  	p1 =	slt.u32 s9, $0xF7A;
	s5 =	simm.s32 @!p2 $0x0  }
0x1d: {  	s5 =	simm.s32 @p1 $0x1;
	p0 =	seq.s32 s7, s2  }
0x1e: {  	s7 =	smul.u32 @!p0 $0xF7A, s2;
	p2 =	seq.s32 @!p0 s5, $0x0  }
0x1f: {  	s9 =	smul.u32 $0xF7A, s1;
	s8 =	simm.s32 @!p0 $0x1BF5;
	p2 =	por !p2, p0  }
0x20: {  	[sflag:s8] =	ssyncset.s32 @!p0 $0xFFFFF086;
	s6 =	sadd.s32 @!p0 s3, s7;
	s7 =	simm.s32 @!p0 $0x108  }
0x21: {  	s3 =	sadd.s32 s3, s9;
	s6 =	sadd.s32 @!p0 $0x88, s6;
	s7 =	simm.s32 @p2 $0x1082  }
0x22: {  	[simem:s7], [sflag:s8] =	dma.local @!p0 [hbm:s6], $0xF7A  }
0x23: {  	s9 =	sor.u32 $0xD0000000, s2;
	s6 =	simm.s32 $0x108;
	_ =	swait.ge @!p0 [sflag:s8], $0x0  }
0x24: {  	s3 =	sadd.s32 $0x88, s3;
	s6 =	simm.s32 @!p1 $0x1082;
	[sflag:s4] =	ssyncset.s32 $0xFFFFF086  }
0x25: {  	[simem:s6], [sflag:s4] =	dma.local [hbm:s3], $0xF7A  }
0x26: {  	[smem:$0x3F85] =	sst s1;
	(tag) =	ssettag s2;
	_ =	strace s9  }
0x27: {  	s1 =	sld [smem:$0x3F95]  }
0x28: {  	s2 =	sld [smem:$0x3F96]  }
0x29: {  	s4 =	sld [smem:$0x3F98]  }
0x2a: {  	p0 =	seq.s32 s5, $0x0;
	s5 =	sld [smem:$0x3F99]  }
0x2b: {  	s6 =	sld [smem:$0x3F9A]  }
0x2c: {  	s7 =	sld [smem:$0x3F9B]  }
0x2d: {  	s3 =	simm.s32 $0x108;
	s8 =	sld [smem:$0x3F9C]  }
0x2e: {  	s3 =	simm.s32 @!p0 $0x1082;
	s9 =	sld [smem:$0x3F9D]  }
0x2f: {  	lr =	sadd.s32 s0, s3;
	s0 =	sld [smem:$0x3F94]  }
0x30: {  	s3 =	sld [smem:$0x3F97]  }
0x31: {  	[smem:$0x3FA0] =	sst s10  }
0x32: {  	s10 =	sld [smem:$0x3F9E];
	_ =	sdelay $0x3  }
0x33: {  	p0 =	seq.s32 s10, $0x1;
	s10 =	sld [smem:$0x3FA0];
	_ =	sdelay $0x3  }
0x34: {  	[smem:$0x3FA0] =	sst s10  }
0x35: {  	s10 =	sld [smem:$0x3F9F];
	_ =	sdelay $0x3  }
0x36: {  	p1 =	seq.s32 s10, $0x1;
	s10 =	sld [smem:$0x3FA0];
	_ =	sdelay $0x3  }
0x37: {  	[smem:$0x3FA0] =	sst s10  }
0x38: {  	s10 =	sld [smem:$0x3FA1]  }
0x39: {  	_ = 	snop;
	(pc) =	sbr.ind lr, $3  }
0x3a: {  	_ = 	snop  }
0x3b: {  	_ = 	snop  }
0x3c: {  	p2 =	seq.s32 s10, $0x1;
	s10 =	sld [smem:$0x3FA0]  }
0x3d: {  	_ =	shalt  }
0x3e: {  	_ =	shalt  }
0x3f: {  	_ =	shalt  }
0x40: {  	_ =	shalt  }
0x41: {  	_ =	shalt  }
0x42: {  	_ =	shalt  }
0x43: {  	_ =	shalt  }
0x44: {  	_ =	shalt  }
0x45: {  	_ =	shalt  }
0x46: {  	_ =	shalt  }
0x47: {  	_ =	shalt  }
0x48: {  	_ =	shalt  }
0x49: {  	_ =	shalt  }
0x4a: {  	_ =	shalt  }
0x4b: {  	_ =	shalt  }
0x4c: {  	_ =	shalt  }
0x4d: {  	_ =	shalt  }
0x4e: {  	_ =	shalt  }
0x4f: {  	_ =	shalt  }
0x50: {  	_ =	shalt  }
0x51: {  	_ =	shalt  }
0x52: {  	_ =	shalt  }
0x53: {  	_ =	shalt  }
0x54: {  	_ =	shalt  }
0x55: {  	_ =	shalt  }
0x56: {  	_ =	shalt  }
0x57: {  	_ =	shalt  }
0x58: {  	_ =	shalt  }
0x59: {  	_ =	shalt  }
0x5a: {  	_ =	shalt  }
0x5b: {  	_ =	shalt  }
0x5c: {  	_ =	shalt  }
0x5d: {  	_ =	shalt  }
0x5e: {  	_ =	shalt  }
0x5f: {  	_ =	shalt  }
0x60: {  	_ =	shalt  }
0x61: {  	_ =	shalt  }
0x62: {  	_ =	shalt  }
0x63: {  	_ =	shalt  }
0x64: {  	_ =	shalt  }
0x65: {  	_ =	shalt  }
0x66: {  	_ =	shalt  }
0x67: {  	_ =	shalt  }
0x68: {  	_ =	shalt  }
0x69: {  	_ =	shalt  }
0x6a: {  	_ =	shalt  }
0x6b: {  	_ =	shalt  }
0x6c: {  	_ =	shalt  }
0x6d: {  	_ =	shalt  }
0x6e: {  	_ =	shalt  }
0x6f: {  	_ =	shalt  }
0x70: {  	_ =	shalt  }
0x71: {  	_ =	shalt  }
0x72: {  	_ =	shalt  }
0x73: {  	_ =	shalt  }
0x74: {  	_ =	shalt  }
0x75: {  	_ =	shalt  }
0x76: {  	_ =	shalt  }
0x77: {  	_ =	shalt  }
0x78: {  	_ =	shalt  }
0x79: {  	_ =	shalt  }
0x7a: {  	_ =	shalt  }
0x7b: {  	_ =	shalt  }
0x7c: {  	_ =	shalt  }
0x7d: {  	_ =	shalt  }
0x7e: {  	_ =	shalt  }
0x7f: {  	_ =	shalt  }
0x80: {  	_ =	shalt  }
0x81: {  	_ =	shalt  }
0x82: {  	_ =	shalt  }
0x83: {  	_ =	shalt  }
0x84: {  	_ =	shalt  }
0x85: {  	_ =	shalt  }
0x86: {  	_ =	shalt  }
0x87: {  	_ =	shalt  }
.Lfunc_end0:
.L_simem_size_0:
called_computation.1_lowered:
.L_overlay_start_0:
0x88: {  	s2 =	sld [smem:$0x3FD9]  }
0x89: {  	s3 =	sld [smem:$0x3FFE];
	_ =	sdelay $0x1  }
0x8a: {  	s1 =	srdreg.scid  }
0x8b: {  	s0 =	sand.u32 $0x1, s1  }
0x8c: {  	s16 =	sshll.u32 s0, $0xA;
	s2 =	sadd.s32 s3, s2  }
0x8d: {  	s2 =	sadd.s32 s2, s16  }
0x8e: {  	[smem:$0x3FAC] =	sst s2  }
0x8f: {  	_ = 	snop  }
0x90: {  	(tm) =	ssettm $0x1  }
0x91: {  	s17 =	sld [smem:$0x3FFB];
	_ =	sdelay $0x3  }
0x92: {  	_ =	strace s17  }
0x93: {  	s2 =	sld [smem:$0x3FFC];
	_ =	sdelay $0x3  }
0x94: {  	_ =	strace s2  }
0x95: {  	s2 =	sld [smem:$0x3FFD];
	_ =	sdelay $0x3  }
0x96: {  	_ =	strace s2  }
0x97: {  	_ =	strace $0x8FFFFFFF  }
0x98: {  	s18 =	sld [smem:$0x3FDB];
	_ =	sdelay $0x1  }
0x99: {  	s19 =	simm.s32 $_scs_section_size  }
0x9a: {  	s4 =	simm.s32 $_size__tile_overlayer_lowered;
	s5 =	simm.s32 $_tile_overlayer_lowered  }
0x9b: {  	s22 =	simm.s32 $0x1BFF;
	s21 =	sshll.u32 s5, $0x1;
	s2 =	sadd.s32 s19, s18  }
0x9c: {  	s6 =	simm.s32 $0x0;
	s20 =	sshll.u32 s4, $0x1;
	s4 =	sadd.s32 s21, s2  }
0x9d: {  	[timem:s6], [sflag:s22] =	dma.local [hbm:s4], s20  }
0x9e: {  	_ =	swait.ge [sflag:s22], s20  }
0x9f: {  	s3 =	ssub.s32 $0x0, s20;
	[sflag:s22] =	ssyncset.done $0x0  }
0xa0: {  	[sflag:s22] =	ssyncadd.s32 s3;
	_ =	sdelay $0x1  }
0xa1: {  	s23 =	simm.s32 $0x1B8B  }
0xa2: {  	_ =	swait.ge [sflag:s23], $0x1  }
0xa3: {  	[sflag:s23] =	ssyncset.done $0x0  }
0xa4: {  	s25 =	simm.s32 $0x1B8E;
	s24 =	sld [smem:$0x3FFE];
	[sflag:s23] =	ssyncadd.s32 $0xFFFFFFFF  }
0xa5: {  	s26 =	simm.s32 $execute0_lowered;
	[smem:$0x3FD2] =	sst s25  }
0xa6: {  	s4 =	sshll.u32 s26, $0x1;
	_ =	strace $0x80000046;
	[dreg:$0x1] =	wrdreg $0xFFFFFFFF  }
0xa7: {  	s28 =	simm.s32 $_size_execute0_lowered;
	s2 =	sadd.s32 s2, s4;
	[dreg:$0x0] =	wrdreg $0x0  }
0xa8: {  	s4 =	sshll.u32 s28, $0x1;
	[dreg:$0x2] =	wrdreg s2  }
0xa9: {  	[dreg:$0x3] =	wrdreg s4  }
0xaa: {  	[dreg:$0x4] =	wrdreg $0xC0  }
0xab: {  	_ =	task [dreg:s6], $0x5FFFF  }
0xac: {  	[dreg:$0x1] =	wrdreg $0xFFFFFFFF  }
0xad: {  	[dreg:$0x0] =	wrdreg $0x60  }
0xae: {  	[dreg:$0x2] =	wrdreg s24  }
0xaf: {  	[dreg:$0x3] =	wrdreg $0xA  }
0xb0: {  	_ =	task.clear_ibuf [dreg:s6], $0x4FFFF;
	_ =	strace $0x90000046  }
0xb1: {  	s29 =	simm.s32 $0xA;
	_ =	strace $0x80000048  }
0xb2: {  	_ =	swait.ge [sflag:s29], $0x1  }
0xb3: {  	[sflag:s29] =	ssyncadd.s32 $0xFFFFFFFF  }
0xb4: {  	_ =	strace $0x90000048  }
0xb5: {  	_ =	sfence  }
0xb6: {  	s30 =	sld [smem:$0x0];
	_ =	sdelay $0x2  }
0xb7: {  	s31 =	sshll.u32 s1, $0xD;
	s1 =	sshrl.u32 s1, $0x2  }
0xb8: {  	s3 =	sand.u32 $0x4000, s31;
	s1 =	sadd.s32 s1, s30  }
0xb9: {  	s0 =	sor.u32 s3, s0;
	s1 =	sshll.u32 s1, $0x11  }
0xba: {  	s0 =	sor.u32 s1, s0  }
0xbb: {  	s0 =	sadd.s32 $0x8F2B, s0  }
0xbc: {  	[sflag:s0] =	ssyncadd.remote.s32 $0x1  }
0xbd: {  	_ =	sfence.sel $0xFFFF  }
0xbe: {  	[dreg:$0x0] =	wrdreg $0xFFFFFFFF;
	(pc) =	sbr.abs _section_cstart, $3  }
0xbf: {  	[dreg:$0x1] =	wrdreg $0xFFFFFFFF  }
0xc0: {  	_ =	task.clear_ibuf [dreg:s6], $0x2FFFF;
	_ =	strace $0x9FFFFFFF  }
0xc1: {  	(tm) =	ssettm $0x7FFFFFFF  }
tec
execute0_lowered:
.L_overlay_start_1:
0x0: {  	(tag) =	ssettag $0x1  }
0x1: {  	s8 =	rddreg [dreg:$0x0]  }
0x2: {  	s0 =	rddreg [dreg:$0x1];
	_ =	strace $0x80000047;
	s1 =	stileid.u32  }
0x3: {  	s3 =	srdreg.scid;
	s4 =	simm.s32 $0x1;
	s7 =	simm.s32 $0x1  }
0x4: {  	s9 =	simm.s32 $0x1;
	s10 =	simm.s32 $0x3;
	s13 =	simm.s32 $0x0  }
0x5: {  	s12 =	simm.s32 $0x0;
	s5 =	sand.u32 $0x1, s3;
	s6 =	sshll.u32 s1, $0x1  }
0x6: {  	s2 =	sadd.s32 $0xF800, s8;
	s3 =	sadd.s32 $0x19600, s8;
	s5 =	sor.u32 s6, s5  }
.Ltmp0:
0x7: {  	[sflag:s4] =	ssyncpa.u1 $0x0;
	p0 =	slt.u32 s5, $0x9;
	(pc) =	sbr.rel .LBB2_1-.Ltmp0, $4  }
0x8: {  	s6 =	simm.s32 $0x2;
	s7 =	simm.s32 @!p0 $0x0;
	p0 =	sne.s32 s5, $0x8  }
0x9: {  	[sflag:s6] =	ssyncpa.u1 $0x0;
	s5 =	smul.u32 $0x1F40, s5;
	s9 =	simm.s32 @!p0 $0x0  }
0xa: {  	s8 =	sadd.s32 $0x4B400, s8;
	[sflag:s10] =	ssyncpa.u1 $0x0;
	s7 =	sadd.s32 s9, s7  }
0xb: {  	vm0 =	vmmov $0xffff;
	s10 =	simm.s32 $0x0;
	s11 =	smov.u32 s5;
	s9 =	sadd.s32 $0x1, s7  }
.LBB2_4:
0xc: {  	v2 =	vnsel vm1, $0x0, v2  }
0xd: {  	vm1 =	vgt.s32 v0, $0x0;
	v2 =	vmin.u32 v2, $0x4E1FF  }
0xe: {  	v0 =	vnsel vm1, $0x0, v0  }
0xf: {  	v0 =	vmin.u32 v0, $0x4E1FF  }
0x10: {  	[tilespmem:s18], [sflag:$0x1] =	stream.indirect_vreg.gather [hbm4b:s2+s10], $0x1, v1, vm0, $0x4038;
	[tilespmem:$0x7D00] =	vst v63  }
0x11: {  	(ifvalue) =	ssetifvalue $0x7FFFFFFF  }
0x12: {  	[tilespmem:s15], [sflag:$0x1] =	stream.indirect_vreg.gather [hbm4b:s2+s10], $0x1, v2, vm0, $0x4038;
	[tilespmem:$0x7D00] =	vst v63  }
0x13: {  	s29 =	sadd.s32 $0x10, s15;
	(ifvalue) =	ssetifvalue $0x7FFFFFFF  }
0x14: {  	[tilespmem:s29], [sflag:$0x1] =	stream.indirect_vreg.gather [hbm4b:s2+s10], $0x1, v0, vm0, $0x4038;
	[tilespmem:$0x7D00] =	vst v63  }
0x15: {  	_ =	swait.ge [sflag:s4], $0x1F40  }
0x16: {  	s30 =	sshrl.u32 s13, $0x3;
	[sflag:s4] =	ssyncset.done $0x0  }
0x17: {  	s31 =	sand.u32 $0x7, s13;
	s15 =	sadd.s32 s8, s30;
	[sflag:s4] =	ssyncadd.s32 $0xFFFFE0C0  }
0x18: {  	[hbm4b:s15+s31] =	stream.linear.scatter [tilespmem:s14], [sflag:$0x3], $0x1F40, $0x38;
	[tilespmem:$0x7D00] =	vst v63  }
.LBB2_5:
0x19: {  	s15 =	sadd.s32 $0x3E800, s11  }
0x1a: {  	p1 =	sgt.s32 s15, $0x4E1FF  }
0x1b: {  	s15 =	smov.u32 @p1 s5;
	p1 =	sne.s32 s12, s9  }
.Ltmp1:
0x1c: {  	p0 =	slt.u32 s12, $0x2;
	(pc) =	sbr.rel @!p1 .LBB2_6-.Ltmp1, $4  }
0x1d: {  	s14 =	simm.s32 @!p0 $0x3  }
0x1e: {  	_ =	swait.ge @!p0 [sflag:s14], $0x1F40  }
0x1f: {  	s16 =	sadd.s32 $0x1, s12;
	s13 =	smov.u32 s11;
	[sflag:s14] =	ssyncset.done @!p0 $0x0  }
0x20: {  	s12 =	smov.u32 s16;
	s11 =	smov.u32 s15;
	[sflag:s14] =	ssyncadd.s32 @!p0 $0xFFFFE0C0  }
.LBB2_1:
0x21: {  	p0 =	sge.u32 s12, s7  }
0x22: {  	s14 =	sxor.u32 @!p0 $0x1, s12  }
0x23: {  	s14 =	smul.u32 @!p0 $0x7D00, s14  }
0x24: {  	s31 =	sadd.s32 $0xFFFFFFFF, s12;
	s15 =	sshrl.u32 @!p0 s11, $0x3  }
0x25: {  	s16 =	sand.u32 @!p0 $0x7, s11;
	s15 =	sadd.s32 @!p0 s3, s15;
	s14 =	sshra.s32 @!p0 s14, $0x2  }
0x26: {  	[tilespmem:s14], [sflag:$0x2] =	stream.linear.gather @!p0 [hbm4b:s15+s16], $0x1F40, $0x38;
	[tilespmem:$0x7D00] =	vst v63  }
0x27: {  	p0 =	sge.u32 s31, s7  }
.Ltmp2:
0x28: {  	_ = 	snop;
	(pc) =	sbr.rel @p0 .LBB2_5-.Ltmp2, $1  }
0x29: {  	_ =	sdelay $0x3  }
0x2a: {  	s14 =	sand.u32 $0x1, s12  }
0x2b: {  	_ =	swait.ge [sflag:s6], $0x1F40;
	p0 =	seq.s32 s14, $0x1;
	s14 =	simm.s32 $0x1F40  }
0x2c: {  	[sflag:s6] =	ssyncset.done $0x0;
	s14 =	simm.s32 @!p0 $0x0  }
0x2d: {  	[sflag:s6] =	ssyncadd.s32 $0xFFFFE0C0;
	(ifvalue) =	ssetifvalue $0x7FFFFFFF;
	v0 =	vld.msk [tilespmem:s14+$0x0 ss:$0x1], $0xffff;
	_ =	sdelay $0x4  }
0x2e: {  	s15 =	sadd.s32 $0x10, s14;
	vm1 =	vgt.s32 v0, $0x0  }
0x2f: {  	v2 =	vld.msk [tilespmem:s15+$0x0 ss:$0x1], $0xffff;
	v1 =	vnsel vm1, $0x0, v0  }
0x30: {  	v1 =	vmin.u32 v1, $0x4E1FF;
	_ =	sdelay $0x2  }
0x31: {  	s17 =	simm.s32 $0x20;
	s14 =	sadd.s32 $0x3E80, s14;
	s16 =	sadd.s32 $0x10, s15  }
0x32: {  	s15 =	sadd.s32 $0x10, s14;
	s18 =	smov.u32 s14;
	v0 =	vld.msk [tilespmem:s16+$0x0 ss:$0x1], $0xffff;
	vm1 =	vgt.s32 v2, $0x0;
	(ifvalue) =	ssetifvalue $0x7FFFFFFF  }
.LBB2_3:
0x33: {  	[tilespmem:s18], [sflag:$0x1] =	stream.indirect_vreg.gather [hbm4b:s2+s10], $0x1, v1, vm0, $0x4038;
	[tilespmem:$0x7D00] =	vst v63  }
0x34: {  	s17 =	sadd.s32 $0x10, s17  }
0x35: {  	v2 =	vnsel vm1, $0x0, v2;
	p0 =	slt.u32 s17, $0x1F30  }
.Ltmp3:
0x36: {  	s18 =	smov.u32 s15;
	v1 =	vmin.u32 v2, $0x4E1FF;
	(pc) =	sbr.rel @p0 .LBB2_3-.Ltmp3, $3  }
0x37: {  	_ =	sdelay $0x1  }
0x38: {  	s16 =	sadd.s32 $0x10, s16  }
0x39: {  	vm1 =	vgt.s32 v0, $0x0;
	s15 =	sadd.s32 $0x10, s15;
	v2 =	vmov v0;
	(ifvalue) =	ssetifvalue $0x7FFFFFFF;
	v0 =	vld.msk [tilespmem:s16+$0x0 ss:$0x1], $0xffff  }
.Ltmp4:
0x3a: {  	_ = 	snop;
	(pc) =	sbr.rel .LBB2_4-.Ltmp4, $1  }
0x3b: {  	_ =	sdelay $0x3  }
.LBB2_6:
0x3c: {  	_ =	sfence.sel $0x180000  }
0x3d: {  	s2 =	simm.s32 $0x2;
	[bflag:$0x0] =	sbarrier.arrive $0xFFFF  }
0x3e: {  	s30 =	simm.s32 $0x3;
	[sflag:s2] =	ssyncpa.u1 $0x1  }
0x3f: {  	s31 =	simm.s32 $0x1;
	[sflag:s30] =	ssyncpa.u1 $0x1  }
0x40: {  	[sflag:s31] =	ssyncpa.u1 $0x1  }
0x41: {  	p0 =	sne.s32 s1, $0x0;
	_ =	strace $0x90000047  }
0x42: {  	s0 =	sadd.s32 @!p0 $0x100000, s0;
	[bflag:$0x2] =	sbarrier.arrive $0xFFFF  }
0x43: {  	[sflag:s0] =	ssyncadd.tile.s32 @!p0 $0x1;
	_ =	shalt  }
.Lfunc_end2:
_tile_overlayer_lowered:
.L_overlay_start_2:
0x44: {  	(tag) =	ssettag $0x2  }
0x45: {  	s0 =	rddreg [dreg:$0x0];
	s2 =	stileid.u32  }
0x46: {  	s1 =	rddreg [dreg:$0x1];
	p0 =	sne.s32 s2, $0x0  }
0x47: {  	s3 =	rddreg [dreg:$0x2];
	[bflag:$0x3] =	sbarrier.arrive $0xFFFF;
	s2 =	simm.s32 @!p0 $0x1C01  }
0x48: {  	[timem:s3], [sflag:s2] =	dma.local @!p0 [hbm:s0], s1  }
0x49: {  	s0 =	simm.s32 @!p0 $0x1  }
0x4a: {  	_ =	swait.ge @!p0 [sflag:s0], s1  }
0x4b: {  	s1 =	ssub.s32 @!p0 $0x0, s1;
	[sflag:s0] =	ssyncset.done @!p0 $0x0  }
0x4c: {  	[sflag:s0] =	ssyncadd.s32 @!p0 s1  }
0x4d: {  	[bflag:$0x3] =	sbarrier.arrive $0xFFFF  }
0x4e: {  	_ =	shalt  }

// kernel: gather_offload_async_start
scs
__scs_entry_jumppad:
0x0: {  	(pc) =	sbr.rel $0x88, $3  }
0x1: {  	(tag) =	ssettag $0x0;
	lr =	simm.s32 $0x1  }
0x2: {  	[smem:$0x3F85] =	sst lr;
	_ =	strace $0xD0000000  }
0x3: {  	_ = 	snop  }
0x4: {  	_ = 	snop  }
0x5: {  	_ = 	snop  }
0x6: {  	_ = 	snop  }
0x7: {  	_ = 	snop  }
__scs_overlays_trampoline_lowered:
0x8: {  	[smem:$0x3F94] =	sst s0  }
0x9: {  	[smem:$0x3F95] =	sst s1  }
0xa: {  	[smem:$0x3F96] =	sst s2  }
0xb: {  	[smem:$0x3F97] =	sst s3  }
0xc: {  	[smem:$0x3F98] =	sst s4  }
0xd: {  	[smem:$0x3F99] =	sst s5  }
0xe: {  	[smem:$0x3F9A] =	sst s6  }
0xf: {  	[smem:$0x3F9B] =	sst s7  }
0x10: {  	[smem:$0x3F9C] =	sst s8  }
0x11: {  	[smem:$0x3F9D] =	sst s9;
	s0 =	simm.s32 @!p0 $0x0  }
0x12: {  	s1 =	sld [smem:$0x3F83];
	s0 =	simm.s32 @p0 $0x1  }
0x13: {  	[smem:$0x3F9E] =	sst s0;
	s0 =	simm.s32 @!p1 $0x0  }
0x14: {  	s2 =	sld [smem:$0x3F82];
	s0 =	simm.s32 @p1 $0x1  }
0x15: {  	[smem:$0x3F9F] =	sst s0;
	s0 =	simm.s32 @!p2 $0x0  }
0x16: {  	s3 =	sld [smem:$0x3FDB];
	s0 =	simm.s32 @p2 $0x1  }
0x17: {  	s4 =	simm.s32 $0x1BF5;
	[smem:$0x3FA1] =	sst s0  }
0x18: {  	s0 =	sld [smem:$0x3F84];
	_ =	swait.ge [sflag:s4], $0x0  }
0x19: {  	s7 =	sld [smem:$0x3F85]  }
0x1a: {  	s8 =	sadd.s32 $0xFFFFE003, lr  }
0x1b: {  	s9 =	sadd.s32 $0xFFFFFEF7, lr;
	s5 =	simm.s32 $0xFFFFFFFF;
	p2 =	slt.u32 s8, $0xFFFFF086  }
0x1c: {  	p1 =	slt.u32 s9, $0xF7A;
	s5 =	simm.s32 @!p2 $0x0  }
0x1d: {  	s5 =	simm.s32 @p1 $0x1;
	p0 =	seq.s32 s7, s2  }
0x1e: {  	s7 =	smul.u32 @!p0 $0xF7A, s2;
	p2 =	seq.s32 @!p0 s5, $0x0  }
0x1f: {  	s9 =	smul.u32 $0xF7A, s1;
	s8 =	simm.s32 @!p0 $0x1BF5;
	p2 =	por !p2, p0  }
0x20: {  	[sflag:s8] =	ssyncset.s32 @!p0 $0xFFFFF086;
	s6 =	sadd.s32 @!p0 s3, s7;
	s7 =	simm.s32 @!p0 $0x108  }
0x21: {  	s3 =	sadd.s32 s3, s9;
	s6 =	sadd.s32 @!p0 $0x88, s6;
	s7 =	simm.s32 @p2 $0x1082  }
0x22: {  	[simem:s7], [sflag:s8] =	dma.local @!p0 [hbm:s6], $0xF7A  }
0x23: {  	s9 =	sor.u32 $0xD0000000, s2;
	s6 =	simm.s32 $0x108;
	_ =	swait.ge @!p0 [sflag:s8], $0x0  }
0x24: {  	s3 =	sadd.s32 $0x88, s3;
	s6 =	simm.s32 @!p1 $0x1082;
	[sflag:s4] =	ssyncset.s32 $0xFFFFF086  }
0x25: {  	[simem:s6], [sflag:s4] =	dma.local [hbm:s3], $0xF7A  }
0x26: {  	[smem:$0x3F85] =	sst s1;
	(tag) =	ssettag s2;
	_ =	strace s9  }
0x27: {  	s1 =	sld [smem:$0x3F95]  }
0x28: {  	s2 =	sld [smem:$0x3F96]  }
0x29: {  	s4 =	sld [smem:$0x3F98]  }
0x2a: {  	p0 =	seq.s32 s5, $0x0;
	s5 =	sld [smem:$0x3F99]  }
0x2b: {  	s6 =	sld [smem:$0x3F9A]  }
0x2c: {  	s7 =	sld [smem:$0x3F9B]  }
0x2d: {  	s3 =	simm.s32 $0x108;
	s8 =	sld [smem:$0x3F9C]  }
0x2e: {  	s3 =	simm.s32 @!p0 $0x1082;
	s9 =	sld [smem:$0x3F9D]  }
0x2f: {  	lr =	sadd.s32 s0, s3;
	s0 =	sld [smem:$0x3F94]  }
0x30: {  	s3 =	sld [smem:$0x3F97]  }
0x31: {  	[smem:$0x3FA0] =	sst s10  }
0x32: {  	s10 =	sld [smem:$0x3F9E];
	_ =	sdelay $0x3  }
0x33: {  	p0 =	seq.s32 s10, $0x1;
	s10 =	sld [smem:$0x3FA0];
	_ =	sdelay $0x3  }
0x34: {  	[smem:$0x3FA0] =	sst s10  }
0x35: {  	s10 =	sld [smem:$0x3F9F];
	_ =	sdelay $0x3  }
0x36: {  	p1 =	seq.s32 s10, $0x1;
	s10 =	sld [smem:$0x3FA0];
	_ =	sdelay $0x3  }
0x37: {  	[smem:$0x3FA0] =	sst s10  }
0x38: {  	s10 =	sld [smem:$0x3FA1]  }
0x39: {  	_ = 	snop;
	(pc) =	sbr.ind lr, $3  }
0x3a: {  	_ = 	snop  }
0x3b: {  	_ = 	snop  }
0x3c: {  	p2 =	seq.s32 s10, $0x1;
	s10 =	sld [smem:$0x3FA0]  }
0x3d: {  	_ =	shalt  }
0x3e: {  	_ =	shalt  }
0x3f: {  	_ =	shalt  }
0x40: {  	_ =	shalt  }
0x41: {  	_ =	shalt  }
0x42: {  	_ =	shalt  }
0x43: {  	_ =	shalt  }
0x44: {  	_ =	shalt  }
0x45: {  	_ =	shalt  }
0x46: {  	_ =	shalt  }
0x47: {  	_ =	shalt  }
0x48: {  	_ =	shalt  }
0x49: {  	_ =	shalt  }
0x4a: {  	_ =	shalt  }
0x4b: {  	_ =	shalt  }
0x4c: {  	_ =	shalt  }
0x4d: {  	_ =	shalt  }
0x4e: {  	_ =	shalt  }
0x4f: {  	_ =	shalt  }
0x50: {  	_ =	shalt  }
0x51: {  	_ =	shalt  }
0x52: {  	_ =	shalt  }
0x53: {  	_ =	shalt  }
0x54: {  	_ =	shalt  }
0x55: {  	_ =	shalt  }
0x56: {  	_ =	shalt  }
0x57: {  	_ =	shalt  }
0x58: {  	_ =	shalt  }
0x59: {  	_ =	shalt  }
0x5a: {  	_ =	shalt  }
0x5b: {  	_ =	shalt  }
0x5c: {  	_ =	shalt  }
0x5d: {  	_ =	shalt  }
0x5e: {  	_ =	shalt  }
0x5f: {  	_ =	shalt  }
0x60: {  	_ =	shalt  }
0x61: {  	_ =	shalt  }
0x62: {  	_ =	shalt  }
0x63: {  	_ =	shalt  }
0x64: {  	_ =	shalt  }
0x65: {  	_ =	shalt  }
0x66: {  	_ =	shalt  }
0x67: {  	_ =	shalt  }
0x68: {  	_ =	shalt  }
0x69: {  	_ =	shalt  }
0x6a: {  	_ =	shalt  }
0x6b: {  	_ =	shalt  }
0x6c: {  	_ =	shalt  }
0x6d: {  	_ =	shalt  }
0x6e: {  	_ =	shalt  }
0x6f: {  	_ =	shalt  }
0x70: {  	_ =	shalt  }
0x71: {  	_ =	shalt  }
0x72: {  	_ =	shalt  }
0x73: {  	_ =	shalt  }
0x74: {  	_ =	shalt  }
0x75: {  	_ =	shalt  }
0x76: {  	_ =	shalt  }
0x77: {  	_ =	shalt  }
0x78: {  	_ =	shalt  }
0x79: {  	_ =	shalt  }
0x7a: {  	_ =	shalt  }
0x7b: {  	_ =	shalt  }
0x7c: {  	_ =	shalt  }
0x7d: {  	_ =	shalt  }
0x7e: {  	_ =	shalt  }
0x7f: {  	_ =	shalt  }
0x80: {  	_ =	shalt  }
0x81: {  	_ =	shalt  }
0x82: {  	_ =	shalt  }
0x83: {  	_ =	shalt  }
0x84: {  	_ =	shalt  }
0x85: {  	_ =	shalt  }
0x86: {  	_ =	shalt  }
0x87: {  	_ =	shalt  }
.Lfunc_end0:
.L_simem_size_0:
called_computation_lowered:
.L_overlay_start_0:
0x88: {  	s2 =	sld [smem:$0x3FD9]  }
0x89: {  	s3 =	sld [smem:$0x3FFE];
	_ =	sdelay $0x1  }
0x8a: {  	s1 =	srdreg.scid  }
0x8b: {  	s0 =	sand.u32 $0x1, s1  }
0x8c: {  	s17 =	sshll.u32 s0, $0xA;
	s2 =	sadd.s32 s3, s2  }
0x8d: {  	s2 =	sadd.s32 s2, s17  }
0x8e: {  	[smem:$0x3FAC] =	sst s2  }
0x8f: {  	_ = 	snop  }
0x90: {  	(tm) =	ssettm $0x1  }
0x91: {  	s18 =	sld [smem:$0x3FFB];
	_ =	sdelay $0x3  }
0x92: {  	_ =	strace s18  }
0x93: {  	s2 =	sld [smem:$0x3FFC];
	_ =	sdelay $0x3  }
0x94: {  	_ =	strace s2  }
0x95: {  	s2 =	sld [smem:$0x3FFD];
	_ =	sdelay $0x3  }
0x96: {  	_ =	strace s2  }
0x97: {  	_ =	strace $0x8FFFFFFF  }
0x98: {  	s19 =	sld [smem:$0x3FDB];
	_ =	sdelay $0x1  }
0x99: {  	s20 =	simm.s32 $_scs_section_size  }
0x9a: {  	s4 =	simm.s32 $_size__tile_overlayer_lowered;
	s5 =	simm.s32 $_tile_overlayer_lowered  }
0x9b: {  	s6 =	simm.s32 $0x1BFF;
	s21 =	sshll.u32 s5, $0x1;
	s3 =	sadd.s32 s20, s19  }
0x9c: {  	s22 =	simm.s32 $0x0;
	s4 =	sshll.u32 s4, $0x1;
	s5 =	sadd.s32 s21, s3  }
0x9d: {  	[timem:s22], [sflag:s6] =	dma.local [hbm:s5], s4  }
0x9e: {  	_ =	swait.ge [sflag:s6], s4  }
0x9f: {  	s4 =	ssub.s32 $0x0, s4;
	[sflag:s6] =	ssyncset.done $0x0  }
0xa0: {  	[sflag:s6] =	ssyncadd.s32 s4;
	_ =	sdelay $0x1  }
0xa1: {  	s23 =	simm.s32 $0x1B8B  }
0xa2: {  	_ =	swait.ge [sflag:s23], $0x1  }
0xa3: {  	[sflag:s23] =	ssyncset.done $0x0  }
0xa4: {  	[sflag:s23] =	ssyncadd.s32 $0xFFFFFFFF  }
0xa5: {  	s4 =	sld [smem:$0x0]  }
0xa6: {  	s5 =	sand.u32 $0xFFFFFFFE, s1  }
0xa7: {  	p0 =	sne.s32 s1, s5  }
0xa8: {  	s5 =	sshll.u32 @p0 s5, $0xE  }
0xa9: {  	s5 =	sadd.s32 @p0 $0x11B8D, s5;
	s6 =	sshll.u32 @p0 s4, $0x11  }
0xaa: {  	s5 =	sor.u32 @p0 s6, s5  }
0xab: {  	[sflag:s5] =	ssyncadd.remote.s32 @p0 $0x1;
	_ =	sdelay $0x1  }
0xac: {  	s5 =	simm.s32 @p0 $0x1B8D  }
0xad: {  	_ =	swait.eq @p0 [sflag:s5], $0x1  }
0xae: {  	[sflag:s5] =	ssyncadd.s32 @p0 $0xFFFFFFFF  }
0xaf: {  	s6 =	sshll.u32 @!p0 s1, $0xE  }
0xb0: {  	s6 =	sor.u32 @!p0 $0x4000, s6;
	s5 =	simm.s32 @!p0 $0x1B8D  }
0xb1: {  	s4 =	sshll.u32 @!p0 s4, $0x11;
	s6 =	sadd.s32 @!p0 $0x11B8D, s6;
	_ =	swait.eq @!p0 [sflag:s5], $0x1  }
0xb2: {  	s4 =	sor.u32 @!p0 s4, s6;
	[sflag:s5] =	ssyncadd.s32 @!p0 $0xFFFFFFFF  }
0xb3: {  	s25 =	simm.s32 $0x1B8E;
	s24 =	sld [smem:$0x3FFE];
	[sflag:s4] =	ssyncadd.remote.s32 @!p0 $0x1  }
0xb4: {  	s26 =	simm.s32 $execute0_lowered;
	[smem:$0x3FD2] =	sst s25  }
0xb5: {  	s5 =	sshll.u32 s26, $0x1;
	_ =	strace $0x80000049;
	[dreg:$0x1] =	wrdreg $0xFFFFFFFF  }
0xb6: {  	s28 =	simm.s32 $_size_execute0_lowered;
	s3 =	sadd.s32 s3, s5;
	[dreg:$0x0] =	wrdreg $0x0  }
0xb7: {  	s5 =	sshll.u32 s28, $0x1;
	[dreg:$0x2] =	wrdreg s3  }
0xb8: {  	[dreg:$0x3] =	wrdreg s5  }
0xb9: {  	[dreg:$0x4] =	wrdreg $0xC0  }
0xba: {  	_ =	task [dreg:s22], $0x5FFFF  }
0xbb: {  	[dreg:$0x1] =	wrdreg $0xFFFFFFFF  }
0xbc: {  	[dreg:$0x0] =	wrdreg $0x60  }
0xbd: {  	[dreg:$0x2] =	wrdreg s24  }
0xbe: {  	[dreg:$0x3] =	wrdreg $0x9  }
0xbf: {  	_ =	task.clear_ibuf [dreg:s22], $0x4FFFF;
	_ =	strace $0x90000049  }
0xc0: {  	s29 =	simm.s32 $0x9;
	_ =	strace $0x8000004B  }
0xc1: {  	_ =	swait.ge [sflag:s29], $0x1  }
0xc2: {  	[sflag:s29] =	ssyncadd.s32 $0xFFFFFFFF  }
0xc3: {  	_ =	strace $0x9000004B  }
0xc4: {  	_ =	sfence  }
0xc5: {  	s30 =	sld [smem:$0x0];
	_ =	sdelay $0x2  }
0xc6: {  	s31 =	sshll.u32 s1, $0xD;
	s1 =	sshrl.u32 s1, $0x2  }
0xc7: {  	s4 =	sand.u32 $0x4000, s31;
	s1 =	sadd.s32 s1, s30  }
0xc8: {  	s0 =	sor.u32 s4, s0;
	s1 =	sshll.u32 s1, $0x11  }
0xc9: {  	s0 =	sor.u32 s1, s0  }
0xca: {  	s0 =	sadd.s32 $0x8F2B, s0  }
0xcb: {  	[sflag:s0] =	ssyncadd.remote.s32 $0x1  }
0xcc: {  	_ =	sfence.sel $0xFFFF  }
0xcd: {  	[dreg:$0x0] =	wrdreg $0xFFFFFFFF;
	(pc) =	sbr.abs _section_cstart, $3  }
0xce: {  	[dreg:$0x1] =	wrdreg $0xFFFFFFFF  }
0xcf: {  	_ =	task.clear_ibuf [dreg:s22], $0x2FFFF;
	_ =	strace $0x9FFFFFFF  }
0xd0: {  	(tm) =	ssettm $0x7FFFFFFF  }
0xd1: {  	_ =	shalt  }
tec
execute0_lowered:
.L_overlay_start_1:
0x0: {  	(tag) =	ssettag $0x1  }
0x1: {  	s8 =	rddreg [dreg:$0x0]  }
0x2: {  	s0 =	rddreg [dreg:$0x1];
	_ =	strace $0x8000004A;
	s1 =	stileid.u32  }
0x3: {  	s3 =	srdreg.scid;
	s4 =	simm.s32 $0x1;
	s7 =	simm.s32 $0x1  }
0x4: {  	s9 =	simm.s32 $0x1;
	s10 =	simm.s32 $0x3;
	s13 =	simm.s32 $0x0  }
0x5: {  	s12 =	simm.s32 $0x0;
	s5 =	sand.u32 $0x1, s3;
	s6 =	sshll.u32 s1, $0x1  }
0x6: {  	s2 =	sadd.s32 $0x5A00, s8;
	s3 =	sadd.s32 $0x19600, s8;
	s5 =	sor.u32 s6, s5  }
.Ltmp0:
0x7: {  	[sflag:s4] =	ssyncpa.u1 $0x0;
	p0 =	slt.u32 s5, $0x9;
	(pc) =	sbr.rel .LBB2_1-.Ltmp0, $4  }
0x8: {  	s6 =	simm.s32 $0x2;
	s7 =	simm.s32 @!p0 $0x0;
	p0 =	sne.s32 s5, $0x8  }
0x9: {  	[sflag:s6] =	ssyncpa.u1 $0x0;
	s5 =	smul.u32 $0x1F40, s5;
	s9 =	simm.s32 @!p0 $0x0  }
0xa: {  	s8 =	sadd.s32 $0x55200, s8;
	[sflag:s10] =	ssyncpa.u1 $0x0;
	s7 =	sadd.s32 s9, s7  }
0xb: {  	vm0 =	vmmov $0xffff;
	s10 =	simm.s32 $0x0;
	s11 =	smov.u32 s5;
	s9 =	sadd.s32 $0x1, s7  }
.LBB2_4:
0xc: {  	v2 =	vnsel vm1, $0x0, v2  }
0xd: {  	vm1 =	vgt.s32 v0, $0x0;
	v2 =	vmin.u32 v2, $0x4E1FF  }
0xe: {  	v0 =	vnsel vm1, $0x0, v0  }
0xf: {  	v0 =	vmin.u32 v0, $0x4E1FF  }
0x10: {  	[tilespmem:s18], [sflag:$0x1] =	stream.indirect_vreg.gather [hbm4b:s2+s10], $0x1, v1, vm0, $0x4038;
	[tilespmem:$0x7D00] =	vst v63  }
0x11: {  	(ifvalue) =	ssetifvalue $0x7FFFFFFF  }
0x12: {  	[tilespmem:s15], [sflag:$0x1] =	stream.indirect_vreg.gather [hbm4b:s2+s10], $0x1, v2, vm0, $0x4038;
	[tilespmem:$0x7D00] =	vst v63  }
0x13: {  	s29 =	sadd.s32 $0x10, s15;
	(ifvalue) =	ssetifvalue $0x7FFFFFFF  }
0x14: {  	[tilespmem:s29], [sflag:$0x1] =	stream.indirect_vreg.gather [hbm4b:s2+s10], $0x1, v0, vm0, $0x4038;
	[tilespmem:$0x7D00] =	vst v63  }
0x15: {  	_ =	swait.ge [sflag:s4], $0x1F40  }
0x16: {  	s30 =	sshrl.u32 s13, $0x3;
	[sflag:s4] =	ssyncset.done $0x0  }
0x17: {  	s31 =	sand.u32 $0x7, s13;
	s15 =	sadd.s32 s8, s30;
	[sflag:s4] =	ssyncadd.s32 $0xFFFFE0C0  }
0x18: {  	[hbm4b:s15+s31] =	stream.linear.scatter [tilespmem:s14], [sflag:$0x3], $0x1F40, $0x38;
	[tilespmem:$0x7D00] =	vst v63  }
.LBB2_5:
0x19: {  	s15 =	sadd.s32 $0x3E800, s11  }
0x1a: {  	p1 =	sgt.s32 s15, $0x4E1FF  }
0x1b: {  	s15 =	smov.u32 @p1 s5;
	p1 =	sne.s32 s12, s9  }
.Ltmp1:
0x1c: {  	p0 =	slt.u32 s12, $0x2;
	(pc) =	sbr.rel @!p1 .LBB2_6-.Ltmp1, $4  }
0x1d: {  	s14 =	simm.s32 @!p0 $0x3  }
0x1e: {  	_ =	swait.ge @!p0 [sflag:s14], $0x1F40  }
0x1f: {  	s16 =	sadd.s32 $0x1, s12;
	s13 =	smov.u32 s11;
	[sflag:s14] =	ssyncset.done @!p0 $0x0  }
0x20: {  	s12 =	smov.u32 s16;
	s11 =	smov.u32 s15;
	[sflag:s14] =	ssyncadd.s32 @!p0 $0xFFFFE0C0  }
.LBB2_1:
0x21: {  	p0 =	sge.u32 s12, s7  }
0x22: {  	s14 =	sxor.u32 @!p0 $0x1, s12  }
0x23: {  	s14 =	smul.u32 @!p0 $0x7D00, s14  }
0x24: {  	s31 =	sadd.s32 $0xFFFFFFFF, s12;
	s15 =	sshrl.u32 @!p0 s11, $0x3  }
0x25: {  	s16 =	sand.u32 @!p0 $0x7, s11;
	s15 =	sadd.s32 @!p0 s3, s15;
	s14 =	sshra.s32 @!p0 s14, $0x2  }
0x26: {  	[tilespmem:s14], [sflag:$0x2] =	stream.linear.gather @!p0 [hbm4b:s15+s16], $0x1F40, $0x38;
	[tilespmem:$0x7D00] =	vst v63  }
0x27: {  	p0 =	sge.u32 s31, s7  }
.Ltmp2:
0x28: {  	_ = 	snop;
	(pc) =	sbr.rel @p0 .LBB2_5-.Ltmp2, $1  }
0x29: {  	_ =	sdelay $0x3  }
0x2a: {  	s14 =	sand.u32 $0x1, s12  }
0x2b: {  	_ =	swait.ge [sflag:s6], $0x1F40;
	p0 =	seq.s32 s14, $0x1;
	s14 =	simm.s32 $0x1F40  }
0x2c: {  	[sflag:s6] =	ssyncset.done $0x0;
	s14 =	simm.s32 @!p0 $0x0  }
0x2d: {  	[sflag:s6] =	ssyncadd.s32 $0xFFFFE0C0;
	(ifvalue) =	ssetifvalue $0x7FFFFFFF;
	v0 =	vld.msk [tilespmem:s14+$0x0 ss:$0x1], $0xffff;
	_ =	sdelay $0x4  }
0x2e: {  	s15 =	sadd.s32 $0x10, s14;
	vm1 =	vgt.s32 v0, $0x0  }
0x2f: {  	v2 =	vld.msk [tilespmem:s15+$0x0 ss:$0x1], $0xffff;
	v1 =	vnsel vm1, $0x0, v0  }
0x30: {  	v1 =	vmin.u32 v1, $0x4E1FF;
	_ =	sdelay $0x2  }
0x31: {  	s17 =	simm.s32 $0x20;
	s14 =	sadd.s32 $0x3E80, s14;
	s16 =	sadd.s32 $0x10, s15  }
0x32: {  	s15 =	sadd.s32 $0x10, s14;
	s18 =	smov.u32 s14;
	v0 =	vld.msk [tilespmem:s16+$0x0 ss:$0x1], $0xffff;
	vm1 =	vgt.s32 v2, $0x0;
	(ifvalue) =	ssetifvalue $0x7FFFFFFF  }
.LBB2_3:
0x33: {  	[tilespmem:s18], [sflag:$0x1] =	stream.indirect_vreg.gather [hbm4b:s2+s10], $0x1, v1, vm0, $0x4038;
	[tilespmem:$0x7D00] =	vst v63  }
0x34: {  	s17 =	sadd.s32 $0x10, s17  }
0x35: {  	v2 =	vnsel vm1, $0x0, v2;
	p0 =	slt.u32 s17, $0x1F30  }
.Ltmp3:
0x36: {  	s18 =	smov.u32 s15;
	v1 =	vmin.u32 v2, $0x4E1FF;
	(pc) =	sbr.rel @p0 .LBB2_3-.Ltmp3, $3  }
0x37: {  	_ =	sdelay $0x1  }
0x38: {  	s16 =	sadd.s32 $0x10, s16  }
0x39: {  	vm1 =	vgt.s32 v0, $0x0;
	s15 =	sadd.s32 $0x10, s15;
	v2 =	vmov v0;
	(ifvalue) =	ssetifvalue $0x7FFFFFFF;
	v0 =	vld.msk [tilespmem:s16+$0x0 ss:$0x1], $0xffff  }
.Ltmp4:
0x3a: {  	_ = 	snop;
	(pc) =	sbr.rel .LBB2_4-.Ltmp4, $1  }
0x3b: {  	_ =	sdelay $0x3  }
.LBB2_6:
0x3c: {  	_ =	sfence.sel $0x180000  }
0x3d: {  	s2 =	simm.s32 $0x2;
	[bflag:$0x0] =	sbarrier.arrive $0xFFFF  }
0x3e: {  	s30 =	simm.s32 $0x3;
	[sflag:s2] =	ssyncpa.u1 $0x1  }
0x3f: {  	s31 =	simm.s32 $0x1;
	[sflag:s30] =	ssyncpa.u1 $0x1  }
0x40: {  	[sflag:s31] =	ssyncpa.u1 $0x1  }
0x41: {  	p0 =	sne.s32 s1, $0x0;
	_ =	strace $0x9000004A  }
0x42: {  	s0 =	sadd.s32 @!p0 $0x100000, s0;
	[bflag:$0x2] =	sbarrier.arrive $0xFFFF  }
0x43: {  	[sflag:s0] =	ssyncadd.tile.s32 @!p0 $0x1;
	_ =	shalt  }
.Lfunc_end2:
_tile_overlayer_lowered:
.L_overlay_start_2:
0x44: {  	(tag) =	ssettag $0x2  }
0x45: {  	s0 =	rddreg [dreg:$0x0];
	s2 =	stileid.u32  }
0x46: {  	s1 =	rddreg [dreg:$0x1];
	p0 =	sne.s32 s2, $0x0  }
0x47: {  	s3 =	rddreg [dreg:$0x2];
	[bflag:$0x3] =	sbarrier.arrive $0xFFFF;
	s2 =	simm.s32 @!p0 $0x1C01  }
0x48: {  	[timem:s3], [sflag:s2] =	dma.local @!p0 [hbm:s0], s1  }
0x49: {  	s0 =	simm.s32 @!p0 $0x1  }
0x4a: {  	_ =	swait.ge @!p0 [sflag:s0], s1  }
0x4b: {  	s1 =	ssub.s32 @!p0 $0x0, s1;
	[sflag:s0] =	ssyncset.done @!p0 $0x0  }
0x4c: {  	[sflag:s0] =	ssyncadd.s32 @!p0 s1  }
0x4d: {  	[bflag:$0x3] =	sbarrier.arrive $0xFFFF  }
0x4e: {  	_ =	shalt  }

// kernel: kernel.19.cloned.1.call-start
scs
__scs_entry_jumppad:
0x0: {  	(pc) =	sbr.rel $0x88, $3  }
0x1: {  	(tag) =	ssettag $0x0;
	lr =	simm.s32 $0x1  }
0x2: {  	[smem:$0x3F85] =	sst lr;
	_ =	strace $0xD0000000  }
0x3: {  	_ = 	snop  }
0x4: {  	_ = 	snop  }
0x5: {  	_ = 	snop  }
0x6: {  	_ = 	snop  }
0x7: {  	_ = 	snop  }
__scs_overlays_trampoline_lowered:
0x8: {  	[smem:$0x3F94] =	sst s0  }
0x9: {  	[smem:$0x3F95] =	sst s1  }
0xa: {  	[smem:$0x3F96] =	sst s2  }
0xb: {  	[smem:$0x3F97] =	sst s3  }
0xc: {  	[smem:$0x3F98] =	sst s4  }
0xd: {  	[smem:$0x3F99] =	sst s5  }
0xe: {  	[smem:$0x3F9A] =	sst s6  }
0xf: {  	[smem:$0x3F9B] =	sst s7  }
0x10: {  	[smem:$0x3F9C] =	sst s8  }
0x11: {  	[smem:$0x3F9D] =	sst s9;
	s0 =	simm.s32 @!p0 $0x0  }
0x12: {  	s1 =	sld [smem:$0x3F83];
	s0 =	simm.s32 @p0 $0x1  }
0x13: {  	[smem:$0x3F9E] =	sst s0;
	s0 =	simm.s32 @!p1 $0x0  }
0x14: {  	s2 =	sld [smem:$0x3F82];
	s0 =	simm.s32 @p1 $0x1  }
0x15: {  	[smem:$0x3F9F] =	sst s0;
	s0 =	simm.s32 @!p2 $0x0  }
0x16: {  	s3 =	sld [smem:$0x3FDB];
	s0 =	simm.s32 @p2 $0x1  }
0x17: {  	s4 =	simm.s32 $0x1BF5;
	[smem:$0x3FA1] =	sst s0  }
0x18: {  	s0 =	sld [smem:$0x3F84];
	_ =	swait.ge [sflag:s4], $0x0  }
0x19: {  	s7 =	sld [smem:$0x3F85]  }
0x1a: {  	s8 =	sadd.s32 $0xFFFFE003, lr  }
0x1b: {  	s9 =	sadd.s32 $0xFFFFFEF7, lr;
	s5 =	simm.s32 $0xFFFFFFFF;
	p2 =	slt.u32 s8, $0xFFFFF086  }
0x1c: {  	p1 =	slt.u32 s9, $0xF7A;
	s5 =	simm.s32 @!p2 $0x0  }
0x1d: {  	s5 =	simm.s32 @p1 $0x1;
	p0 =	seq.s32 s7, s2  }
0x1e: {  	s7 =	smul.u32 @!p0 $0xF7A, s2;
	p2 =	seq.s32 @!p0 s5, $0x0  }
0x1f: {  	s9 =	smul.u32 $0xF7A, s1;
	s8 =	simm.s32 @!p0 $0x1BF5;
	p2 =	por !p2, p0  }
0x20: {  	[sflag:s8] =	ssyncset.s32 @!p0 $0xFFFFF086;
	s6 =	sadd.s32 @!p0 s3, s7;
	s7 =	simm.s32 @!p0 $0x108  }
0x21: {  	s3 =	sadd.s32 s3, s9;
	s6 =	sadd.s32 @!p0 $0x88, s6;
	s7 =	simm.s32 @p2 $0x1082  }
0x22: {  	[simem:s7], [sflag:s8] =	dma.local @!p0 [hbm:s6], $0xF7A  }
0x23: {  	s9 =	sor.u32 $0xD0000000, s2;
	s6 =	simm.s32 $0x108;
	_ =	swait.ge @!p0 [sflag:s8], $0x0  }
0x24: {  	s3 =	sadd.s32 $0x88, s3;
	s6 =	simm.s32 @!p1 $0x1082;
	[sflag:s4] =	ssyncset.s32 $0xFFFFF086  }
0x25: {  	[simem:s6], [sflag:s4] =	dma.local [hbm:s3], $0xF7A  }
0x26: {  	[smem:$0x3F85] =	sst s1;
	(tag) =	ssettag s2;
	_ =	strace s9  }
0x27: {  	s1 =	sld [smem:$0x3F95]  }
0x28: {  	s2 =	sld [smem:$0x3F96]  }
0x29: {  	s4 =	sld [smem:$0x3F98]  }
0x2a: {  	p0 =	seq.s32 s5, $0x0;
	s5 =	sld [smem:$0x3F99]  }
0x2b: {  	s6 =	sld [smem:$0x3F9A]  }
0x2c: {  	s7 =	sld [smem:$0x3F9B]  }
0x2d: {  	s3 =	simm.s32 $0x108;
	s8 =	sld [smem:$0x3F9C]  }
0x2e: {  	s3 =	simm.s32 @!p0 $0x1082;
	s9 =	sld [smem:$0x3F9D]  }
0x2f: {  	lr =	sadd.s32 s0, s3;
	s0 =	sld [smem:$0x3F94]  }
0x30: {  	s3 =	sld [smem:$0x3F97]  }
0x31: {  	[smem:$0x3FA0] =	sst s10  }
0x32: {  	s10 =	sld [smem:$0x3F9E];
	_ =	sdelay $0x3  }
0x33: {  	p0 =	seq.s32 s10, $0x1;
	s10 =	sld [smem:$0x3FA0];
	_ =	sdelay $0x3  }
0x34: {  	[smem:$0x3FA0] =	sst s10  }
0x35: {  	s10 =	sld [smem:$0x3F9F];
	_ =	sdelay $0x3  }
0x36: {  	p1 =	seq.s32 s10, $0x1;
	s10 =	sld [smem:$0x3FA0];
	_ =	sdelay $0x3  }
0x37: {  	[smem:$0x3FA0] =	sst s10  }
0x38: {  	s10 =	sld [smem:$0x3FA1]  }
0x39: {  	_ = 	snop;
	(pc) =	sbr.ind lr, $3  }
0x3a: {  	_ = 	snop  }
0x3b: {  	_ = 	snop  }
0x3c: {  	p2 =	seq.s32 s10, $0x1;
	s10 =	sld [smem:$0x3FA0]  }
0x3d: {  	_ =	shalt  }
0x3e: {  	_ =	shalt  }
0x3f: {  	_ =	shalt  }
0x40: {  	_ =	shalt  }
0x41: {  	_ =	shalt  }
0x42: {  	_ =	shalt  }
0x43: {  	_ =	shalt  }
0x44: {  	_ =	shalt  }
0x45: {  	_ =	shalt  }
0x46: {  	_ =	shalt  }
0x47: {  	_ =	shalt  }
0x48: {  	_ =	shalt  }
0x49: {  	_ =	shalt  }
0x4a: {  	_ =	shalt  }
0x4b: {  	_ =	shalt  }
0x4c: {  	_ =	shalt  }
0x4d: {  	_ =	shalt  }
0x4e: {  	_ =	shalt  }
0x4f: {  	_ =	shalt  }
0x50: {  	_ =	shalt  }
0x51: {  	_ =	shalt  }
0x52: {  	_ =	shalt  }
0x53: {  	_ =	shalt  }
0x54: {  	_ =	shalt  }
0x55: {  	_ =	shalt  }
0x56: {  	_ =	shalt  }
0x57: {  	_ =	shalt  }
0x58: {  	_ =	shalt  }
0x59: {  	_ =	shalt  }
0x5a: {  	_ =	shalt  }
0x5b: {  	_ =	shalt  }
0x5c: {  	_ =	shalt  }
0x5d: {  	_ =	shalt  }
0x5e: {  	_ =	shalt  }
0x5f: {  	_ =	shalt  }
0x60: {  	_ =	shalt  }
0x61: {  	_ =	shalt  }
0x62: {  	_ =	shalt  }
0x63: {  	_ =	shalt  }
0x64: {  	_ =	shalt  }
0x65: {  	_ =	shalt  }
0x66: {  	_ =	shalt  }
0x67: {  	_ =	shalt  }
0x68: {  	_ =	shalt  }
0x69: {  	_ =	shalt  }
0x6a: {  	_ =	shalt  }
0x6b: {  	_ =	shalt  }
0x6c: {  	_ =	shalt  }
0x6d: {  	_ =	shalt  }
0x6e: {  	_ =	shalt  }
0x6f: {  	_ =	shalt  }
0x70: {  	_ =	shalt  }
0x71: {  	_ =	shalt  }
0x72: {  	_ =	shalt  }
0x73: {  	_ =	shalt  }
0x74: {  	_ =	shalt  }
0x75: {  	_ =	shalt  }
0x76: {  	_ =	shalt  }
0x77: {  	_ =	shalt  }
0x78: {  	_ =	shalt  }
0x79: {  	_ =	shalt  }
0x7a: {  	_ =	shalt  }
0x7b: {  	_ =	shalt  }
0x7c: {  	_ =	shalt  }
0x7d: {  	_ =	shalt  }
0x7e: {  	_ =	shalt  }
0x7f: {  	_ =	shalt  }
0x80: {  	_ =	shalt  }
0x81: {  	_ =	shalt  }
0x82: {  	_ =	shalt  }
0x83: {  	_ =	shalt  }
0x84: {  	_ =	shalt  }
0x85: {  	_ =	shalt  }
0x86: {  	_ =	shalt  }
0x87: {  	_ =	shalt  }
.Lfunc_end0:
.L_simem_size_0:
called_computation.2_lowered:
.L_overlay_start_0:
0x88: {  	s2 =	sld [smem:$0x3FD9]  }
0x89: {  	s3 =	sld [smem:$0x3FFE];
	_ =	sdelay $0x1  }
0x8a: {  	s1 =	srdreg.scid  }
0x8b: {  	s0 =	sand.u32 $0x1, s1  }
0x8c: {  	s16 =	sshll.u32 s0, $0xA;
	s2 =	sadd.s32 s3, s2  }
0x8d: {  	s2 =	sadd.s32 s2, s16  }
0x8e: {  	[smem:$0x3FAC] =	sst s2  }
0x8f: {  	_ = 	snop  }
0x90: {  	(tm) =	ssettm $0x1  }
0x91: {  	s17 =	sld [smem:$0x3FFB];
	_ =	sdelay $0x3  }
0x92: {  	_ =	strace s17  }
0x93: {  	s2 =	sld [smem:$0x3FFC];
	_ =	sdelay $0x3  }
0x94: {  	_ =	strace s2  }
0x95: {  	s2 =	sld [smem:$0x3FFD];
	_ =	sdelay $0x3  }
0x96: {  	_ =	strace s2  }
0x97: {  	_ =	strace $0x8FFFFFFF  }
0x98: {  	s18 =	sld [smem:$0x3FDB];
	_ =	sdelay $0x1  }
0x99: {  	s19 =	simm.s32 $_scs_section_size  }
0x9a: {  	s4 =	simm.s32 $_size__tile_overlayer_lowered;
	s5 =	simm.s32 $_tile_overlayer_lowered  }
0x9b: {  	s22 =	simm.s32 $0x1BFF;
	s21 =	sshll.u32 s5, $0x1;
	s2 =	sadd.s32 s19, s18  }
0x9c: {  	s6 =	simm.s32 $0x0;
	s20 =	sshll.u32 s4, $0x1;
	s4 =	sadd.s32 s21, s2  }
0x9d: {  	[timem:s6], [sflag:s22] =	dma.local [hbm:s4], s20  }
0x9e: {  	_ =	swait.ge [sflag:s22], s20  }
0x9f: {  	s3 =	ssub.s32 $0x0, s20;
	[sflag:s22] =	ssyncset.done $0x0  }
0xa0: {  	[sflag:s22] =	ssyncadd.s32 s3;
	_ =	sdelay $0x1  }
0xa1: {  	s23 =	simm.s32 $0x1B8B  }
0xa2: {  	_ =	swait.ge [sflag:s23], $0x1  }
0xa3: {  	[sflag:s23] =	ssyncset.done $0x0  }
0xa4: {  	s25 =	simm.s32 $0x1B8E;
	s24 =	sld [smem:$0x3FFE];
	[sflag:s23] =	ssyncadd.s32 $0xFFFFFFFF  }
0xa5: {  	s26 =	simm.s32 $execute0_lowered;
	[smem:$0x3FD2] =	sst s25  }
0xa6: {  	s4 =	sshll.u32 s26, $0x1;
	_ =	strace $0x8000004C;
	[dreg:$0x1] =	wrdreg $0xFFFFFFFF  }
0xa7: {  	s28 =	simm.s32 $_size_execute0_lowered;
	s2 =	sadd.s32 s2, s4;
	[dreg:$0x0] =	wrdreg $0x0  }
0xa8: {  	s4 =	sshll.u32 s28, $0x1;
	[dreg:$0x2] =	wrdreg s2  }
0xa9: {  	[dreg:$0x3] =	wrdreg s4  }
0xaa: {  	[dreg:$0x4] =	wrdreg $0xC0  }
0xab: {  	_ =	task [dreg:s6], $0x5FFFF  }
0xac: {  	[dreg:$0x1] =	wrdreg $0xFFFFFFFF  }
0xad: {  	[dreg:$0x0] =	wrdreg $0x60  }
0xae: {  	[dreg:$0x2] =	wrdreg s24  }
0xaf: {  	[dreg:$0x3] =	wrdreg $0x82000  }
0xb0: {  	[dreg:$0x4] =	wrdreg $0x9  }
0xb1: {  	_ =	task.clear_ibuf [dreg:s6], $0x5FFFF;
	_ =	strace $0x9000004C  }
0xb2: {  	s29 =	simm.s32 $0x9;
	_ =	strace $0x8000004E  }
0xb3: {  	_ =	swait.ge [sflag:s29], $0x1  }
0xb4: {  	[sflag:s29] =	ssyncadd.s32 $0xFFFFFFFF  }
0xb5: {  	_ =	strace $0x9000004E  }
0xb6: {  	_ =	sfence  }
0xb7: {  	s30 =	sld [smem:$0x0];
	_ =	sdelay $0x2  }
0xb8: {  	s31 =	sshll.u32 s1, $0xD;
	s1 =	sshrl.u32 s1, $0x2  }
0xb9: {  	s3 =	sand.u32 $0x4000, s31;
	s1 =	sadd.s32 s1, s30  }
0xba: {  	s0 =	sor.u32 s3, s0;
	s1 =	sshll.u32 s1, $0x11  }
0xbb: {  	s0 =	sor.u32 s1, s0  }
0xbc: {  	s0 =	sadd.s32 $0x8F2B, s0  }
0xbd: {  	[sflag:s0] =	ssyncadd.remote.s32 $0x1  }
0xbe: {  	_ =	sfence.sel $0xFFFF  }
0xbf: {  	[dreg:$0x0] =	wrdreg $0xFFFFFFFF;
	(pc) =	sbr.abs _section_cstart, $3  }
0xc0: {  	[dreg:$0x1] =	wrdreg $0xFFFFFFFF  }
0xc1: {  	_ =	task.clear_ibuf [dreg:s6], $0x2FFFF;
	_ =	strace $0x9FFFFFFF  }
0xc2: {  	(tm) =	ssettm $0x7FFFFFFF  }
0xc3: {  	_ =	shalt  }
tec
execute0_lowered:
.L_overlay_start_1:
0x0: {  	(tag) =	ssettag $0x1  }
0x1: {  	s7 =	rddreg [dreg:$0x0]  }
0x2: {  	s1 =	rddreg [dreg:$0x1]  }
0x3: {  	s0 =	rddreg [dreg:$0x2];
	s2 =	simm.s32 $0x0  }
0x4: {  	s3 =	stileid.u32;
	s8 =	srdreg.scid;
	s17 =	simm.s32 $0x9B400  }
0x5: {  	s18 =	simm.s32 $0x100;
	s19 =	simm.s32 $0x80;
	s20 =	simm.s32 $0x200  }
0x6: {  	s21 =	simm.s32 $0x180;
	s22 =	simm.s32 $0x4200;
	s23 =	simm.s32 $0x1  }
0x7: {  	s24 =	simm.s32 $0x2;
	s25 =	simm.s32 $0x0;
	[smem:$0x7FF] =	sst s2  }
0x8: {  	s4 =	sadd.s32 $0x23400, s7;
	s5 =	sadd.s32 $0xFA00, s7;
	s9 =	smul.u32 $0x2800, s3  }
0x9: {  	s6 =	sadd.s32 $0x5A00, s7;
	s12 =	sand.u32 $0x1, s8;
	s11 =	smul.u32 $0x50000, s3  }
0xa: {  	s31 =	sshll.u32 s3, $0x6;
	_ =	strace $0x8000004D;
	s8 =	ssub.s32 $0x2, s12  }
0xb: {  	s10 =	sshll.u32 s12, $0x4;
	p0 =	seq.s32 s12, $0x1;
	s15 =	sadd.s32 s9, s7  }
0xc: {  	s28 =	sshrl.u32 s8, $0x1;
	s29 =	sor.u32 s3, s10;
	s30 =	sshrl.u32 s11, $0x2  }
0xd: {  	s9 =	sor.u32 $0x1C03, s31;
	s17 =	simm.s32 @!p0 $0x73400;
	s13 =	ssub.s32 s8, s28  }
0xe: {  	s7 =	smul.u32 $0x500, s29;
	s16 =	sadd.s32 s30, s1;
	s8 =	sadd.s32 $0x4B400, s15  }
0xf: {  	s15 =	sadd.s32 s17, s15;
	s17 =	simm.s32 $0x3;
	s12 =	smax.u32 s13, $0x1  }
0x10: {  	s16 =	sshrl.u32 s16, $0x3;
	s10 =	sadd.s32 s5, s7;
	s14 =	sadd.s32 $0x4F0, s7  }
0x11: {  	s11 =	sadd.s32 s6, s7;
	s13 =	sadd.s32 s5, s14;
	s14 =	sadd.s32 s6, s14  }
.LBB2_1:
0x12: {  	[spmem:s16], [sflag:s9] =	dma.local [hbm:s8], $0x2800  }
0x13: {  	_ =	swait.ge [sflag:s17], $0x2800  }
0x14: {  	[sflag:s17] =	ssyncset.done $0x0  }
0x15: {  	[sflag:s17] =	ssyncadd.s32 $0xFFFFD800  }
0x16: {  	[bflag:$0x0] =	sbarrier.arrive $0xFFFF  }
0x17: {  	[tilespmem:s2], [sflag:$0x3] =	stream.linear.gather [hbm4b:s10+s2], $0x80, $0x38;
	[tilespmem:$0x1C200] =	vst v63  }
0x18: {  	_ =	swait.ge [sflag:s17], $0x80  }
0x19: {  	[sflag:s17] =	ssyncset.done $0x0  }
0x1a: {  	s26 =	simm.s32 $0x0;
	s28 =	sadd.s32 $0x0, s7;
	[sflag:s17] =	ssyncadd.s32 $0xFFFFFF80  }
0x1b: {  	[tilespmem:s18], [sflag:$0x3] =	stream.linear.gather [hbm4b:s11+s2], $0x80, $0x38;
	[tilespmem:$0x1C200] =	vst v63  }
0x1c: {  	s29 =	sand.u32 $0xFFFFF80, s28;
	s26 =	sand.u32 $0x60, s26;
	_ =	swait.ge [sflag:s17], $0x80  }
0x1d: {  	s26 =	sor.u32 s29, s26;
	[sflag:s17] =	ssyncset.done $0x0  }
0x1e: {  	s26 =	sor.u32 $0x10, s26;
	[sflag:s17] =	ssyncadd.s32 $0xFFFFFF80  }
0x1f: {  	[tilespmem:s20], [sflag:$0x1] =	stream.indirect.gather [hbm4b:s4+s19], $0x80, s2, s19, $0xb8;
	[tilespmem:$0x1C200] =	vst v63  }
0x20: {  	s29 =	sadd.s32 s5, s26  }
0x21: {  	[tilespmem:s19], [sflag:$0x3] =	stream.linear.gather [hbm4b:s29+s2], $0x80, $0x38;
	[tilespmem:$0x1C200] =	vst v63  }
0x22: {  	_ =	swait.ge [sflag:s17], $0x80  }
0x23: {  	[sflag:s17] =	ssyncset.done $0x0  }
0x24: {  	s26 =	sadd.s32 s6, s26;
	[sflag:s17] =	ssyncadd.s32 $0xFFFFFF80  }
0x25: {  	[tilespmem:s21], [sflag:$0x3] =	stream.linear.gather [hbm4b:s26+s2], $0x80, $0x38;
	[tilespmem:$0x1C200] =	vst v63  }
0x26: {  	_ =	swait.ge [sflag:s17], $0x80  }
0x27: {  	[sflag:s17] =	ssyncset.done $0x0  }
0x28: {  	[sflag:s17] =	ssyncadd.s32 $0xFFFFFF80  }
0x29: {  	[tilespmem:s22], [sflag:$0x2] =	stream.indirect.gather [hbm4b:s4+s19], $0x80, s19, s19, $0xb8;
	[tilespmem:$0x1C200] =	vst v63  }
0x2a: {  	_ =	swait.ge [sflag:s23], $0x4000  }
0x2b: {  	[sflag:s23] =	ssyncset.done $0x0  }
0x2c: {  	[sflag:s23] =	ssyncadd.s32 $0xFFFFC000  }
0x2d: {  	[spmem:s1] =	stream.indirect.scatter.add.f32 [tilespmem:s20], [sflag:$0x3], $0x80, s18, s19, $0xb8;
	[tilespmem:$0x1C200] =	vst v63  }
0x2e: {  	_ =	swait.ge [sflag:s17], $0x4000  }
0x2f: {  	s31 =	sadd.s32 $0x20, s28;
	[sflag:s17] =	ssyncset.done $0x0  }
0x30: {  	s28 =	sadd.s32 s5, s31;
	[sflag:s17] =	ssyncadd.s32 $0xFFFFC000  }
0x31: {  	[tilespmem:s2], [sflag:$0x3] =	stream.linear.gather [hbm4b:s28+s2], $0x80, $0x38;
	[tilespmem:$0x1C200] =	vst v63  }
0x32: {  	_ =	swait.ge [sflag:s17], $0x80  }
0x33: {  	[sflag:s17] =	ssyncset.done $0x0  }
0x34: {  	s26 =	sadd.s32 s6, s31;
	[sflag:s17] =	ssyncadd.s32 $0xFFFFFF80  }
0x35: {  	[tilespmem:s18], [sflag:$0x3] =	stream.linear.gather [hbm4b:s26+s2], $0x80, $0x38;
	[tilespmem:$0x1C200] =	vst v63  }
0x36: {  	_ =	swait.ge [sflag:s17], $0x80  }
0x37: {  	[sflag:s17] =	ssyncset.done $0x0  }
0x38: {  	s30 =	sadd.s32 $0x20, s7;
	s28 =	simm.s32 $0x20;
	[sflag:s17] =	ssyncadd.s32 $0xFFFFFF80  }
0x39: {  	[tilespmem:s20], [sflag:$0x1] =	stream.indirect.gather [hbm4b:s4+s19], $0x80, s2, s19, $0xb8;
	[tilespmem:$0x1C200] =	vst v63  }
0x3a: {  	s29 =	sand.u32 $0xFFFFF80, s30;
	s28 =	sand.u32 $0x60, s28;
	_ =	swait.ge [sflag:s24], $0x4000  }
0x3b: {  	s29 =	sor.u32 s29, s28;
	[sflag:s24] =	ssyncset.done $0x0  }
0x3c: {  	s28 =	sadd.s32 $0x20, s30;
	s26 =	simm.s32 $0x2;
	[sflag:s24] =	ssyncadd.s32 $0xFFFFC000  }
.LBB2_2:
0x3d: {  	p0 =	sne.s32 s26, $0x26  }
0x3e: {  	s29 =	sor.u32 $0x10, s29;
	s30 =	smov.u32 s26;
	s26 =	sadd.s32 $0x1, s26  }
0x3f: {  	[spmem:s1] =	stream.indirect.scatter.add.f32 [tilespmem:s22], [sflag:$0x3], $0x80, s21, s19, $0xb8;
	[tilespmem:$0x1C200] =	vst v63  }
0x40: {  	_ =	swait.ge [sflag:s17], $0x4000  }
0x41: {  	[sflag:s17] =	ssyncset.done $0x0  }
0x42: {  	s31 =	sadd.s32 s5, s29;
	[sflag:s17] =	ssyncadd.s32 $0xFFFFC000  }
0x43: {  	[tilespmem:s19], [sflag:$0x3] =	stream.linear.gather [hbm4b:s31+s2], $0x80, $0x38;
	[tilespmem:$0x1C200] =	vst v63  }
0x44: {  	_ =	swait.ge [sflag:s17], $0x80  }
0x45: {  	[sflag:s17] =	ssyncset.done $0x0  }
0x46: {  	s29 =	sadd.s32 s6, s29;
	[sflag:s17] =	ssyncadd.s32 $0xFFFFFF80  }
0x47: {  	[tilespmem:s21], [sflag:$0x3] =	stream.linear.gather [hbm4b:s29+s2], $0x80, $0x38;
	[tilespmem:$0x1C200] =	vst v63  }
0x48: {  	_ =	swait.ge [sflag:s17], $0x80  }
0x49: {  	[sflag:s17] =	ssyncset.done $0x0  }
0x4a: {  	[sflag:s17] =	ssyncadd.s32 $0xFFFFFF80  }
0x4b: {  	[tilespmem:s22], [sflag:$0x2] =	stream.indirect.gather [hbm4b:s4+s19], $0x80, s19, s19, $0xb8;
	[tilespmem:$0x1C200] =	vst v63  }
0x4c: {  	_ =	swait.ge [sflag:s23], $0x4000  }
0x4d: {  	[sflag:s23] =	ssyncset.done $0x0  }
0x4e: {  	[sflag:s23] =	ssyncadd.s32 $0xFFFFC000  }
0x4f: {  	[spmem:s1] =	stream.indirect.scatter.add.f32 [tilespmem:s20], [sflag:$0x3], $0x80, s18, s19, $0xb8;
	[tilespmem:$0x1C200] =	vst v63  }
0x50: {  	_ =	swait.ge [sflag:s17], $0x4000  }
0x51: {  	[sflag:s17] =	ssyncset.done $0x0  }
0x52: {  	s29 =	sadd.s32 s5, s28;
	[sflag:s17] =	ssyncadd.s32 $0xFFFFC000  }
0x53: {  	[tilespmem:s2], [sflag:$0x3] =	stream.linear.gather [hbm4b:s29+s2], $0x80, $0x38;
	[tilespmem:$0x1C200] =	vst v63  }
0x54: {  	_ =	swait.ge [sflag:s17], $0x80  }
0x55: {  	[sflag:s17] =	ssyncset.done $0x0  }
0x56: {  	s28 =	sadd.s32 s6, s28;
	[sflag:s17] =	ssyncadd.s32 $0xFFFFFF80  }
0x57: {  	[tilespmem:s18], [sflag:$0x3] =	stream.linear.gather [hbm4b:s28+s2], $0x80, $0x38;
	[tilespmem:$0x1C200] =	vst v63  }
0x58: {  	_ =	swait.ge [sflag:s17], $0x80  }
0x59: {  	[sflag:s17] =	ssyncset.done $0x0  }
.Ltmp0:
0x5a: {  	s28 =	sshll.u32 s30, $0x5;
	[sflag:s17] =	ssyncadd.s32 $0xFFFFFF80;
	(pc) =	sbr.rel @p0 .LBB2_2-.Ltmp0, $4  }
0x5b: {  	[tilespmem:s20], [sflag:$0x1] =	stream.indirect.gather [hbm4b:s4+s19], $0x80, s2, s19, $0xb8;
	[tilespmem:$0x1C200] =	vst v63  }
0x5c: {  	s30 =	sadd.s32 s7, s28;
	_ =	swait.ge [sflag:s24], $0x4000  }
0x5d: {  	s28 =	sand.u32 $0x60, s28;
	s29 =	sand.u32 $0xFFFFF80, s30;
	[sflag:s24] =	ssyncset.done $0x0  }
0x5e: {  	s29 =	sor.u32 s29, s28;
	s28 =	sadd.s32 $0x20, s30;
	[sflag:s24] =	ssyncadd.s32 $0xFFFFC000  }
0x5f: {  	[spmem:s1] =	stream.indirect.scatter.add.f32 [tilespmem:s22], [sflag:$0x3], $0x80, s21, s19, $0xb8;
	[tilespmem:$0x1C200] =	vst v63  }
0x60: {  	_ =	swait.ge [sflag:s17], $0x4000  }
0x61: {  	s26 =	sor.u32 $0x10, s29;
	[sflag:s17] =	ssyncset.done $0x0  }
0x62: {  	s29 =	sadd.s32 s5, s26;
	[sflag:s17] =	ssyncadd.s32 $0xFFFFC000  }
0x63: {  	[tilespmem:s19], [sflag:$0x3] =	stream.linear.gather [hbm4b:s29+s2], $0x80, $0x38;
	[tilespmem:$0x1C200] =	vst v63  }
0x64: {  	_ =	swait.ge [sflag:s17], $0x80  }
0x65: {  	[sflag:s17] =	ssyncset.done $0x0  }
0x66: {  	s26 =	sadd.s32 s6, s26;
	[sflag:s17] =	ssyncadd.s32 $0xFFFFFF80  }
0x67: {  	[tilespmem:s21], [sflag:$0x3] =	stream.linear.gather [hbm4b:s26+s2], $0x80, $0x38;
	[tilespmem:$0x1C200] =	vst v63  }
0x68: {  	_ =	swait.ge [sflag:s17], $0x80  }
0x69: {  	[sflag:s17] =	ssyncset.done $0x0  }
0x6a: {  	[sflag:s17] =	ssyncadd.s32 $0xFFFFFF80  }
0x6b: {  	[tilespmem:s22], [sflag:$0x2] =	stream.indirect.gather [hbm4b:s4+s19], $0x80, s19, s19, $0xb8;
	[tilespmem:$0x1C200] =	vst v63  }
0x6c: {  	_ =	swait.ge [sflag:s23], $0x4000  }
0x6d: {  	[sflag:s23] =	ssyncset.done $0x0  }
0x6e: {  	[sflag:s23] =	ssyncadd.s32 $0xFFFFC000  }
0x6f: {  	[spmem:s1] =	stream.indirect.scatter.add.f32 [tilespmem:s20], [sflag:$0x3], $0x80, s18, s19, $0xb8;
	[tilespmem:$0x1C200] =	vst v63  }
0x70: {  	_ =	swait.ge [sflag:s17], $0x4000  }
0x71: {  	[sflag:s17] =	ssyncset.done $0x0  }
0x72: {  	s30 =	sadd.s32 s5, s28;
	[sflag:s17] =	ssyncadd.s32 $0xFFFFC000  }
0x73: {  	[tilespmem:s2], [sflag:$0x3] =	stream.linear.gather [hbm4b:s30+s2], $0x80, $0x38;
	[tilespmem:$0x1C200] =	vst v63  }
0x74: {  	_ =	swait.ge [sflag:s17], $0x80  }
0x75: {  	[sflag:s17] =	ssyncset.done $0x0  }
0x76: {  	s31 =	sadd.s32 s6, s28;
	[sflag:s17] =	ssyncadd.s32 $0xFFFFFF80  }
0x77: {  	[tilespmem:s18], [sflag:$0x3] =	stream.linear.gather [hbm4b:s31+s2], $0x80, $0x38;
	[tilespmem:$0x1C200] =	vst v63  }
0x78: {  	_ =	swait.ge [sflag:s17], $0x80  }
0x79: {  	[sflag:s17] =	ssyncset.done $0x0  }
0x7a: {  	[sflag:s17] =	ssyncadd.s32 $0xFFFFFF80  }
0x7b: {  	[tilespmem:s20], [sflag:$0x1] =	stream.indirect.gather [hbm4b:s4+s19], $0x80, s2, s19, $0xb8;
	[tilespmem:$0x1C200] =	vst v63  }
0x7c: {  	_ =	swait.ge [sflag:s24], $0x4000  }
0x7d: {  	[sflag:s24] =	ssyncset.done $0x0  }
0x7e: {  	[sflag:s24] =	ssyncadd.s32 $0xFFFFC000  }
0x7f: {  	[spmem:s1] =	stream.indirect.scatter.add.f32 [tilespmem:s22], [sflag:$0x3], $0x80, s21, s19, $0xb8;
	[tilespmem:$0x1C200] =	vst v63  }
0x80: {  	_ =	swait.ge [sflag:s17], $0x4000  }
0x81: {  	[sflag:s17] =	ssyncset.done $0x0  }
0x82: {  	[sflag:s17] =	ssyncadd.s32 $0xFFFFC000  }
0x83: {  	[tilespmem:s19], [sflag:$0x3] =	stream.linear.gather [hbm4b:s13+s2], $0x80, $0x38;
	[tilespmem:$0x1C200] =	vst v63  }
0x84: {  	_ =	swait.ge [sflag:s17], $0x80  }
0x85: {  	[sflag:s17] =	ssyncset.done $0x0  }
0x86: {  	[sflag:s17] =	ssyncadd.s32 $0xFFFFFF80  }
0x87: {  	[tilespmem:s21], [sflag:$0x3] =	stream.linear.gather [hbm4b:s14+s2], $0x80, $0x38;
	[tilespmem:$0x1C200] =	vst v63  }
0x88: {  	_ =	swait.ge [sflag:s17], $0x80  }
0x89: {  	[sflag:s17] =	ssyncset.done $0x0  }
0x8a: {  	[sflag:s17] =	ssyncadd.s32 $0xFFFFFF80  }
0x8b: {  	[tilespmem:s22], [sflag:$0x2] =	stream.indirect.gather [hbm4b:s4+s19], $0x80, s19, s19, $0xb8;
	[tilespmem:$0x1C200] =	vst v63  }
0x8c: {  	_ =	swait.ge [sflag:s23], $0x4000  }
0x8d: {  	[sflag:s23] =	ssyncset.done $0x0  }
0x8e: {  	[sflag:s23] =	ssyncadd.s32 $0xFFFFC000  }
0x8f: {  	[spmem:s1] =	stream.indirect.scatter.add.f32 [tilespmem:s20], [sflag:$0x3], $0x80, s18, s19, $0xb8;
	[tilespmem:$0x1C200] =	vst v63  }
0x90: {  	_ =	swait.ge [sflag:s17], $0x4000  }
0x91: {  	[sflag:s17] =	ssyncset.done $0x0  }
0x92: {  	[sflag:s17] =	ssyncadd.s32 $0xFFFFC000  }
0x93: {  	_ =	swait.ge [sflag:s24], $0x4000  }
0x94: {  	[sflag:s24] =	ssyncset.done $0x0  }
0x95: {  	[sflag:s24] =	ssyncadd.s32 $0xFFFFC000  }
0x96: {  	[spmem:s1] =	stream.indirect.scatter.add.f32 [tilespmem:s22], [sflag:$0x3], $0x80, s21, s19, $0xb8;
	[tilespmem:$0x1C200] =	vst v63  }
0x97: {  	_ =	swait.ge [sflag:s17], $0x4000  }
0x98: {  	s25 =	sadd.s32 $0x1, s25;
	[sflag:s17] =	ssyncset.done $0x0  }
0x99: {  	p0 =	sne.s32 s25, s12;
	[sflag:s17] =	ssyncadd.s32 $0xFFFFC000  }
.Ltmp1:
0x9a: {  	[bflag:$0x0] =	sbarrier.arrive $0xFFFF;
	(pc) =	sbr.rel @p0 .LBB2_1-.Ltmp1, $4  }
0x9b: {  	[hbm:s15], [sflag:s9] =	dma.local [spmem:s16], $0x2800  }
0x9c: {  	_ =	swait.ge [sflag:s17], $0x2800  }
0x9d: {  	[sflag:s17] =	ssyncset.done $0x0  }
0x9e: {  	[sflag:s17] =	ssyncadd.s32 $0xFFFFD800  }
0x9f: {  	_ =	sfence.sel $0x180000  }
0xa0: {  	[bflag:$0x0] =	sbarrier.arrive $0xFFFF  }
0xa1: {  	p0 =	sne.s32 s3, $0x0;
	_ =	strace $0x9000004D  }
0xa2: {  	s0 =	sadd.s32 @!p0 $0x100000, s0;
	[bflag:$0x2] =	sbarrier.arrive $0xFFFF  }
0xa3: {  	[sflag:s0] =	ssyncadd.tile.s32 @!p0 $0x1;
	_ =	shalt  }
.Lfunc_end2:
_tile_overlayer_lowered:
.L_overlay_start_2:
0xa4: {  	(tag) =	ssettag $0x2  }
0xa5: {  	s0 =	rddreg [dreg:$0x0];
	s2 =	stileid.u32  }
0xa6: {  	s1 =	rddreg [dreg:$0x1];
	p0 =	sne.s32 s2, $0x0  }
0xa7: {  	s3 =	rddreg [dreg:$0x2];
	[bflag:$0x3] =	sbarrier.arrive $0xFFFF;
	s2 =	simm.s32 @!p0 $0x1C03  }
0xa8: {  	[timem:s3], [sflag:s2] =	dma.local @!p0 [hbm:s0], s1  }
0xa9: {  	s0 =	simm.s32 @!p0 $0x3  }
0xaa: {  	_ =	swait.ge @!p0 [sflag:s0], s1  }
0xab: {  	s1 =	ssub.s32 @!p0 $0x0, s1;
	[sflag:s0] =	ssyncset.done @!p0 $0x0  }
0xac: {  	[sflag:s0] =	ssyncadd.s32 @!p0 s1  }
0xad: {  	[bflag:$0x3] =	sbarrier.arrive $0xFFFF  }
0xae: {  	_ =	shalt  }

// kernel: kernel.22.cloned.1.call-start
scs
__scs_entry_jumppad:
0x0: {  	(pc) =	sbr.rel $0x88, $3  }
0x1: {  	(tag) =	ssettag $0x0;
	lr =	simm.s32 $0x1  }
0x2: {  	[smem:$0x3F85] =	sst lr;
	_ =	strace $0xD0000000  }
0x3: {  	_ = 	snop  }
0x4: {  	_ = 	snop  }
0x5: {  	_ = 	snop  }
0x6: {  	_ = 	snop  }
0x7: {  	_ = 	snop  }
__scs_overlays_trampoline_lowered:
0x8: {  	[smem:$0x3F94] =	sst s0  }
0x9: {  	[smem:$0x3F95] =	sst s1  }
0xa: {  	[smem:$0x3F96] =	sst s2  }
0xb: {  	[smem:$0x3F97] =	sst s3  }
0xc: {  	[smem:$0x3F98] =	sst s4  }
0xd: {  	[smem:$0x3F99] =	sst s5  }
0xe: {  	[smem:$0x3F9A] =	sst s6  }
0xf: {  	[smem:$0x3F9B] =	sst s7  }
0x10: {  	[smem:$0x3F9C] =	sst s8  }
0x11: {  	[smem:$0x3F9D] =	sst s9;
	s0 =	simm.s32 @!p0 $0x0  }
0x12: {  	s1 =	sld [smem:$0x3F83];
	s0 =	simm.s32 @p0 $0x1  }
0x13: {  	[smem:$0x3F9E] =	sst s0;
	s0 =	simm.s32 @!p1 $0x0  }
0x14: {  	s2 =	sld [smem:$0x3F82];
	s0 =	simm.s32 @p1 $0x1  }
0x15: {  	[smem:$0x3F9F] =	sst s0;
	s0 =	simm.s32 @!p2 $0x0  }
0x16: {  	s3 =	sld [smem:$0x3FDB];
	s0 =	simm.s32 @p2 $0x1  }
0x17: {  	s4 =	simm.s32 $0x1BF5;
	[smem:$0x3FA1] =	sst s0  }
0x18: {  	s0 =	sld [smem:$0x3F84];
	_ =	swait.ge [sflag:s4], $0x0  }
0x19: {  	s7 =	sld [smem:$0x3F85]  }
0x1a: {  	s8 =	sadd.s32 $0xFFFFE003, lr  }
0x1b: {  	s9 =	sadd.s32 $0xFFFFFEF7, lr;
	s5 =	simm.s32 $0xFFFFFFFF;
	p2 =	slt.u32 s8, $0xFFFFF086  }
0x1c: {  	p1 =	slt.u32 s9, $0xF7A;
	s5 =	simm.s32 @!p2 $0x0  }
0x1d: {  	s5 =	simm.s32 @p1 $0x1;
	p0 =	seq.s32 s7, s2  }
0x1e: {  	s7 =	smul.u32 @!p0 $0xF7A, s2;
	p2 =	seq.s32 @!p0 s5, $0x0  }
0x1f: {  	s9 =	smul.u32 $0xF7A, s1;
	s8 =	simm.s32 @!p0 $0x1BF5;
	p2 =	por !p2, p0  }
0x20: {  	[sflag:s8] =	ssyncset.s32 @!p0 $0xFFFFF086;
	s6 =	sadd.s32 @!p0 s3, s7;
	s7 =	simm.s32 @!p0 $0x108  }
0x21: {  	s3 =	sadd.s32 s3, s9;
	s6 =	sadd.s32 @!p0 $0x88, s6;
	s7 =	simm.s32 @p2 $0x1082  }
0x22: {  	[simem:s7], [sflag:s8] =	dma.local @!p0 [hbm:s6], $0xF7A  }
0x23: {  	s9 =	sor.u32 $0xD0000000, s2;
	s6 =	simm.s32 $0x108;
	_ =	swait.ge @!p0 [sflag:s8], $0x0  }
0x24: {  	s3 =	sadd.s32 $0x88, s3;
	s6 =	simm.s32 @!p1 $0x1082;
	[sflag:s4] =	ssyncset.s32 $0xFFFFF086  }
0x25: {  	[simem:s6], [sflag:s4] =	dma.local [hbm:s3], $0xF7A  }
0x26: {  	[smem:$0x3F85] =	sst s1;
	(tag) =	ssettag s2;
	_ =	strace s9  }
0x27: {  	s1 =	sld [smem:$0x3F95]  }
0x28: {  	s2 =	sld [smem:$0x3F96]  }
0x29: {  	s4 =	sld [smem:$0x3F98]  }
0x2a: {  	p0 =	seq.s32 s5, $0x0;
	s5 =	sld [smem:$0x3F99]  }
0x2b: {  	s6 =	sld [smem:$0x3F9A]  }
0x2c: {  	s7 =	sld [smem:$0x3F9B]  }
0x2d: {  	s3 =	simm.s32 $0x108;
	s8 =	sld [smem:$0x3F9C]  }
0x2e: {  	s3 =	simm.s32 @!p0 $0x1082;
	s9 =	sld [smem:$0x3F9D]  }
0x2f: {  	lr =	sadd.s32 s0, s3;
	s0 =	sld [smem:$0x3F94]  }
0x30: {  	s3 =	sld [smem:$0x3F97]  }
0x31: {  	[smem:$0x3FA0] =	sst s10  }
0x32: {  	s10 =	sld [smem:$0x3F9E];
	_ =	sdelay $0x3  }
0x33: {  	p0 =	seq.s32 s10, $0x1;
	s10 =	sld [smem:$0x3FA0];
	_ =	sdelay $0x3  }
0x34: {  	[smem:$0x3FA0] =	sst s10  }
0x35: {  	s10 =	sld [smem:$0x3F9F];
	_ =	sdelay $0x3  }
0x36: {  	p1 =	seq.s32 s10, $0x1;
	s10 =	sld [smem:$0x3FA0];
	_ =	sdelay $0x3  }
0x37: {  	[smem:$0x3FA0] =	sst s10  }
0x38: {  	s10 =	sld [smem:$0x3FA1]  }
0x39: {  	_ = 	snop;
	(pc) =	sbr.ind lr, $3  }
0x3a: {  	_ = 	snop  }
0x3b: {  	_ = 	snop  }
0x3c: {  	p2 =	seq.s32 s10, $0x1;
	s10 =	sld [smem:$0x3FA0]  }
0x3d: {  	_ =	shalt  }
0x3e: {  	_ =	shalt  }
0x3f: {  	_ =	shalt  }
0x40: {  	_ =	shalt  }
0x41: {  	_ =	shalt  }
0x42: {  	_ =	shalt  }
0x43: {  	_ =	shalt  }
0x44: {  	_ =	shalt  }
0x45: {  	_ =	shalt  }
0x46: {  	_ =	shalt  }
0x47: {  	_ =	shalt  }
0x48: {  	_ =	shalt  }
0x49: {  	_ =	shalt  }
0x4a: {  	_ =	shalt  }
0x4b: {  	_ =	shalt  }
0x4c: {  	_ =	shalt  }
0x4d: {  	_ =	shalt  }
0x4e: {  	_ =	shalt  }
0x4f: {  	_ =	shalt  }
0x50: {  	_ =	shalt  }
0x51: {  	_ =	shalt  }
0x52: {  	_ =	shalt  }
0x53: {  	_ =	shalt  }
0x54: {  	_ =	shalt  }
0x55: {  	_ =	shalt  }
0x56: {  	_ =	shalt  }
0x57: {  	_ =	shalt  }
0x58: {  	_ =	shalt  }
0x59: {  	_ =	shalt  }
0x5a: {  	_ =	shalt  }
0x5b: {  	_ =	shalt  }
0x5c: {  	_ =	shalt  }
0x5d: {  	_ =	shalt  }
0x5e: {  	_ =	shalt  }
0x5f: {  	_ =	shalt  }
0x60: {  	_ =	shalt  }
0x61: {  	_ =	shalt  }
0x62: {  	_ =	shalt  }
0x63: {  	_ =	shalt  }
0x64: {  	_ =	shalt  }
0x65: {  	_ =	shalt  }
0x66: {  	_ =	shalt  }
0x67: {  	_ =	shalt  }
0x68: {  	_ =	shalt  }
0x69: {  	_ =	shalt  }
0x6a: {  	_ =	shalt  }
0x6b: {  	_ =	shalt  }
0x6c: {  	_ =	shalt  }
0x6d: {  	_ =	shalt  }
0x6e: {  	_ =	shalt  }
0x6f: {  	_ =	shalt  }
0x70: {  	_ =	shalt  }
0x71: {  	_ =	shalt  }
0x72: {  	_ =	shalt  }
0x73: {  	_ =	shalt  }
0x74: {  	_ =	shalt  }
0x75: {  	_ =	shalt  }
0x76: {  	_ =	shalt  }
0x77: {  	_ =	shalt  }
0x78: {  	_ =	shalt  }
0x79: {  	_ =	shalt  }
0x7a: {  	_ =	shalt  }
0x7b: {  	_ =	shalt  }
0x7c: {  	_ =	shalt  }
0x7d: {  	_ =	shalt  }
0x7e: {  	_ =	shalt  }
0x7f: {  	_ =	shalt  }
0x80: {  	_ =	shalt  }
0x81: {  	_ =	shalt  }
0x82: {  	_ =	shalt  }
0x83: {  	_ =	shalt  }
0x84: {  	_ =	shalt  }
0x85: {  	_ =	shalt  }
0x86: {  	_ =	shalt  }
0x87: {  	_ =	shalt  }
.Lfunc_end0:
.L_simem_size_0:
called_computation.3_lowered:
.L_overlay_start_0:
0x88: {  	s2 =	sld [smem:$0x3FD9]  }
0x89: {  	s3 =	sld [smem:$0x3FFE];
	_ =	sdelay $0x1  }
0x8a: {  	s1 =	srdreg.scid  }
0x8b: {  	s0 =	sand.u32 $0x1, s1  }
0x8c: {  	s16 =	sshll.u32 s0, $0xA;
	s2 =	sadd.s32 s3, s2  }
0x8d: {  	s2 =	sadd.s32 s2, s16  }
0x8e: {  	[smem:$0x3FAC] =	sst s2  }
0x8f: {  	_ = 	snop  }
0x90: {  	(tm) =	ssettm $0x1  }
0x91: {  	s17 =	sld [smem:$0x3FFB];
	_ =	sdelay $0x3  }
0x92: {  	_ =	strace s17  }
0x93: {  	s2 =	sld [smem:$0x3FFC];
	_ =	sdelay $0x3  }
0x94: {  	_ =	strace s2  }
0x95: {  	s2 =	sld [smem:$0x3FFD];
	_ =	sdelay $0x3  }
0x96: {  	_ =	strace s2  }
0x97: {  	_ =	strace $0x8FFFFFFF  }
0x98: {  	s18 =	sld [smem:$0x3FDB];
	_ =	sdelay $0x1  }
0x99: {  	s19 =	simm.s32 $_scs_section_size  }
0x9a: {  	s4 =	simm.s32 $_size__tile_overlayer_lowered;
	s5 =	simm.s32 $_tile_overlayer_lowered  }
0x9b: {  	s22 =	simm.s32 $0x1BFF;
	s21 =	sshll.u32 s5, $0x1;
	s2 =	sadd.s32 s19, s18  }
0x9c: {  	s6 =	simm.s32 $0x0;
	s20 =	sshll.u32 s4, $0x1;
	s4 =	sadd.s32 s21, s2  }
0x9d: {  	[timem:s6], [sflag:s22] =	dma.local [hbm:s4], s20  }
0x9e: {  	_ =	swait.ge [sflag:s22], s20  }
0x9f: {  	s3 =	ssub.s32 $0x0, s20;
	[sflag:s22] =	ssyncset.done $0x0  }
0xa0: {  	[sflag:s22] =	ssyncadd.s32 s3;
	_ =	sdelay $0x1  }
0xa1: {  	s23 =	simm.s32 $0x1B8B  }
0xa2: {  	_ =	swait.ge [sflag:s23], $0x1  }
0xa3: {  	[sflag:s23] =	ssyncset.done $0x0  }
0xa4: {  	s25 =	simm.s32 $0x1B8E;
	s24 =	sld [smem:$0x3FFE];
	[sflag:s23] =	ssyncadd.s32 $0xFFFFFFFF  }
0xa5: {  	s26 =	simm.s32 $execute0_lowered;
	[smem:$0x3FD2] =	sst s25  }
0xa6: {  	s4 =	sshll.u32 s26, $0x1;
	_ =	strace $0x8000004F;
	[dreg:$0x1] =	wrdreg $0xFFFFFFFF  }
0xa7: {  	s28 =	simm.s32 $_size_execute0_lowered;
	s2 =	sadd.s32 s2, s4;
	[dreg:$0x0] =	wrdreg $0x0  }
0xa8: {  	s4 =	sshll.u32 s28, $0x1;
	[dreg:$0x2] =	wrdreg s2  }
0xa9: {  	[dreg:$0x3] =	wrdreg s4  }
0xaa: {  	[dreg:$0x4] =	wrdreg $0xC0  }
0xab: {  	_ =	task [dreg:s6], $0x5FFFF  }
0xac: {  	[dreg:$0x1] =	wrdreg $0xFFFFFFFF  }
0xad: {  	[dreg:$0x0] =	wrdreg $0x60  }
0xae: {  	[dreg:$0x2] =	wrdreg s24  }
0xaf: {  	[dreg:$0x3] =	wrdreg $0x82000  }
0xb0: {  	[dreg:$0x4] =	wrdreg $0x9  }
0xb1: {  	_ =	task.clear_ibuf [dreg:s6], $0x5FFFF;
	_ =	strace $0x9000004F  }
0xb2: {  	s29 =	simm.s32 $0x9;
	_ =	strace $0x80000051  }
0xb3: {  	_ =	swait.ge [sflag:s29], $0x1  }
0xb4: {  	[sflag:s29] =	ssyncadd.s32 $0xFFFFFFFF  }
0xb5: {  	_ =	strace $0x90000051  }
0xb6: {  	_ =	sfence  }
0xb7: {  	s30 =	sld [smem:$0x0];
	_ =	sdelay $0x2  }
0xb8: {  	s31 =	sshll.u32 s1, $0xD;
	s1 =	sshrl.u32 s1, $0x2  }
0xb9: {  	s3 =	sand.u32 $0x4000, s31;
	s1 =	sadd.s32 s1, s30  }
0xba: {  	s0 =	sor.u32 s3, s0;
	s1 =	sshll.u32 s1, $0x11  }
0xbb: {  	s0 =	sor.u32 s1, s0  }
0xbc: {  	s0 =	sadd.s32 $0x8F2B, s0  }
0xbd: {  	[sflag:s0] =	ssyncadd.remote.s32 $0x1  }
0xbe: {  	_ =	sfence.sel $0xFFFF  }
0xbf: {  	[dreg:$0x0] =	wrdreg $0xFFFFFFFF;
	(pc) =	sbr.abs _section_cstart, $3  }
0xc0: {  	[dreg:$0x1] =	wrdreg $0xFFFFFFFF  }
0xc1: {  	_ =	task.clear_ibuf [dreg:s6], $0x2FFFF;
	_ =	strace $0x9FFFFFFF  }
0xc2: {  	(tm) =	ssettm $0x7FFFFFFF  }
0xc3: {  	_ =	shalt  }
tec
execute0_lowered:
.L_overlay_start_1:
0x0: {  	(tag) =	ssettag $0x1  }
0x1: {  	s7 =	rddreg [dreg:$0x0]  }
0x2: {  	s1 =	rddreg [dreg:$0x1]  }
0x3: {  	s0 =	rddreg [dreg:$0x2];
	s2 =	simm.s32 $0x0  }
0x4: {  	s3 =	stileid.u32;
	s8 =	srdreg.scid;
	s17 =	simm.s32 $0xC3400  }
0x5: {  	s18 =	simm.s32 $0x100;
	s19 =	simm.s32 $0x80;
	s20 =	simm.s32 $0x200  }
0x6: {  	s21 =	simm.s32 $0x180;
	s22 =	simm.s32 $0x4200;
	s23 =	simm.s32 $0x1  }
0x7: {  	s24 =	simm.s32 $0x2;
	s25 =	simm.s32 $0x0;
	[smem:$0x7FF] =	sst s2  }
0x8: {  	s4 =	sadd.s32 $0x73400, s7;
	s5 =	sadd.s32 $0xFA00, s7;
	s9 =	smul.u32 $0x2800, s3  }
0x9: {  	s6 =	sadd.s32 $0x5A00, s7;
	s12 =	sand.u32 $0x1, s8;
	s11 =	smul.u32 $0x50000, s3  }
0xa: {  	s31 =	sshll.u32 s3, $0x6;
	_ =	strace $0x80000050;
	s8 =	ssub.s32 $0x2, s12  }
0xb: {  	s10 =	sshll.u32 s12, $0x4;
	p0 =	seq.s32 s12, $0x1;
	s15 =	sadd.s32 s9, s7  }
0xc: {  	s28 =	sshrl.u32 s8, $0x1;
	s29 =	sor.u32 s3, s10;
	s30 =	sshrl.u32 s11, $0x2  }
0xd: {  	s9 =	sor.u32 $0x1C03, s31;
	s17 =	simm.s32 @!p0 $0x9B400;
	s13 =	ssub.s32 s8, s28  }
0xe: {  	s7 =	smul.u32 $0x500, s29;
	s16 =	sadd.s32 s30, s1;
	s8 =	sadd.s32 $0x4B400, s15  }
0xf: {  	s15 =	sadd.s32 s17, s15;
	s17 =	simm.s32 $0x3;
	s12 =	smax.u32 s13, $0x1  }
0x10: {  	s16 =	sshrl.u32 s16, $0x3;
	s10 =	sadd.s32 s5, s7;
	s14 =	sadd.s32 $0x4F0, s7  }
0x11: {  	s11 =	sadd.s32 s6, s7;
	s13 =	sadd.s32 s5, s14;
	s14 =	sadd.s32 s6, s14  }
.LBB2_1:
0x12: {  	[spmem:s16], [sflag:s9] =	dma.local [hbm:s8], $0x2800  }
0x13: {  	_ =	swait.ge [sflag:s17], $0x2800  }
0x14: {  	[sflag:s17] =	ssyncset.done $0x0  }
0x15: {  	[sflag:s17] =	ssyncadd.s32 $0xFFFFD800  }
0x16: {  	[bflag:$0x0] =	sbarrier.arrive $0xFFFF  }
0x17: {  	[tilespmem:s2], [sflag:$0x3] =	stream.linear.gather [hbm4b:s10+s2], $0x80, $0x38;
	[tilespmem:$0x1C200] =	vst v63  }
0x18: {  	_ =	swait.ge [sflag:s17], $0x80  }
0x19: {  	[sflag:s17] =	ssyncset.done $0x0  }
0x1a: {  	s26 =	simm.s32 $0x0;
	s28 =	sadd.s32 $0x0, s7;
	[sflag:s17] =	ssyncadd.s32 $0xFFFFFF80  }
0x1b: {  	[tilespmem:s18], [sflag:$0x3] =	stream.linear.gather [hbm4b:s11+s2], $0x80, $0x38;
	[tilespmem:$0x1C200] =	vst v63  }
0x1c: {  	s29 =	sand.u32 $0xFFFFF80, s28;
	s26 =	sand.u32 $0x60, s26;
	_ =	swait.ge [sflag:s17], $0x80  }
0x1d: {  	s26 =	sor.u32 s29, s26;
	[sflag:s17] =	ssyncset.done $0x0  }
0x1e: {  	s26 =	sor.u32 $0x10, s26;
	[sflag:s17] =	ssyncadd.s32 $0xFFFFFF80  }
0x1f: {  	[tilespmem:s20], [sflag:$0x1] =	stream.indirect.gather [hbm4b:s4+s19], $0x80, s2, s19, $0xb8;
	[tilespmem:$0x1C200] =	vst v63  }
0x20: {  	s29 =	sadd.s32 s5, s26  }
0x21: {  	[tilespmem:s19], [sflag:$0x3] =	stream.linear.gather [hbm4b:s29+s2], $0x80, $0x38;
	[tilespmem:$0x1C200] =	vst v63  }
0x22: {  	_ =	swait.ge [sflag:s17], $0x80  }
0x23: {  	[sflag:s17] =	ssyncset.done $0x0  }
0x24: {  	s26 =	sadd.s32 s6, s26;
	[sflag:s17] =	ssyncadd.s32 $0xFFFFFF80  }
0x25: {  	[tilespmem:s21], [sflag:$0x3] =	stream.linear.gather [hbm4b:s26+s2], $0x80, $0x38;
	[tilespmem:$0x1C200] =	vst v63  }
0x26: {  	_ =	swait.ge [sflag:s17], $0x80  }
0x27: {  	[sflag:s17] =	ssyncset.done $0x0  }
0x28: {  	[sflag:s17] =	ssyncadd.s32 $0xFFFFFF80  }
0x29: {  	[tilespmem:s22], [sflag:$0x2] =	stream.indirect.gather [hbm4b:s4+s19], $0x80, s19, s19, $0xb8;
	[tilespmem:$0x1C200] =	vst v63  }
0x2a: {  	_ =	swait.ge [sflag:s23], $0x4000  }
0x2b: {  	[sflag:s23] =	ssyncset.done $0x0  }
0x2c: {  	[sflag:s23] =	ssyncadd.s32 $0xFFFFC000  }
0x2d: {  	[spmem:s1] =	stream.indirect.scatter.add.f32 [tilespmem:s20], [sflag:$0x3], $0x80, s18, s19, $0xb8;
	[tilespmem:$0x1C200] =	vst v63  }
0x2e: {  	_ =	swait.ge [sflag:s17], $0x4000  }
0x2f: {  	s31 =	sadd.s32 $0x20, s28;
	[sflag:s17] =	ssyncset.done $0x0  }
0x30: {  	s28 =	sadd.s32 s5, s31;
	[sflag:s17] =	ssyncadd.s32 $0xFFFFC000  }
0x31: {  	[tilespmem:s2], [sflag:$0x3] =	stream.linear.gather [hbm4b:s28+s2], $0x80, $0x38;
	[tilespmem:$0x1C200] =	vst v63  }
0x32: {  	_ =	swait.ge [sflag:s17], $0x80  }
0x33: {  	[sflag:s17] =	ssyncset.done $0x0  }
0x34: {  	s26 =	sadd.s32 s6, s31;
	[sflag:s17] =	ssyncadd.s32 $0xFFFFFF80  }
0x35: {  	[tilespmem:s18], [sflag:$0x3] =	stream.linear.gather [hbm4b:s26+s2], $0x80, $0x38;
	[tilespmem:$0x1C200] =	vst v63  }
0x36: {  	_ =	swait.ge [sflag:s17], $0x80  }
0x37: {  	[sflag:s17] =	ssyncset.done $0x0  }
0x38: {  	s30 =	sadd.s32 $0x20, s7;
	s28 =	simm.s32 $0x20;
	[sflag:s17] =	ssyncadd.s32 $0xFFFFFF80  }
0x39: {  	[tilespmem:s20], [sflag:$0x1] =	stream.indirect.gather [hbm4b:s4+s19], $0x80, s2, s19, $0xb8;
	[tilespmem:$0x1C200] =	vst v63  }
0x3a: {  	s29 =	sand.u32 $0xFFFFF80, s30;
	s28 =	sand.u32 $0x60, s28;
	_ =	swait.ge [sflag:s24], $0x4000  }
0x3b: {  	s29 =	sor.u32 s29, s28;
	[sflag:s24] =	ssyncset.done $0x0  }
0x3c: {  	s28 =	sadd.s32 $0x20, s30;
	s26 =	simm.s32 $0x2;
	[sflag:s24] =	ssyncadd.s32 $0xFFFFC000  }
.LBB2_2:
0x3d: {  	p0 =	sne.s32 s26, $0x26  }
0x3e: {  	s29 =	sor.u32 $0x10, s29;
	s30 =	smov.u32 s26;
	s26 =	sadd.s32 $0x1, s26  }
0x3f: {  	[spmem:s1] =	stream.indirect.scatter.add.f32 [tilespmem:s22], [sflag:$0x3], $0x80, s21, s19, $0xb8;
	[tilespmem:$0x1C200] =	vst v63  }
0x40: {  	_ =	swait.ge [sflag:s17], $0x4000  }
0x41: {  	[sflag:s17] =	ssyncset.done $0x0  }
0x42: {  	s31 =	sadd.s32 s5, s29;
	[sflag:s17] =	ssyncadd.s32 $0xFFFFC000  }
0x43: {  	[tilespmem:s19], [sflag:$0x3] =	stream.linear.gather [hbm4b:s31+s2], $0x80, $0x38;
	[tilespmem:$0x1C200] =	vst v63  }
0x44: {  	_ =	swait.ge [sflag:s17], $0x80  }
0x45: {  	[sflag:s17] =	ssyncset.done $0x0  }
0x46: {  	s29 =	sadd.s32 s6, s29;
	[sflag:s17] =	ssyncadd.s32 $0xFFFFFF80  }
0x47: {  	[tilespmem:s21], [sflag:$0x3] =	stream.linear.gather [hbm4b:s29+s2], $0x80, $0x38;
	[tilespmem:$0x1C200] =	vst v63  }
0x48: {  	_ =	swait.ge [sflag:s17], $0x80  }
0x49: {  	[sflag:s17] =	ssyncset.done $0x0  }
0x4a: {  	[sflag:s17] =	ssyncadd.s32 $0xFFFFFF80  }
0x4b: {  	[tilespmem:s22], [sflag:$0x2] =	stream.indirect.gather [hbm4b:s4+s19], $0x80, s19, s19, $0xb8;
	[tilespmem:$0x1C200] =	vst v63  }
0x4c: {  	_ =	swait.ge [sflag:s23], $0x4000  }
0x4d: {  	[sflag:s23] =	ssyncset.done $0x0  }
0x4e: {  	[sflag:s23] =	ssyncadd.s32 $0xFFFFC000  }
0x4f: {  	[spmem:s1] =	stream.indirect.scatter.add.f32 [tilespmem:s20], [sflag:$0x3], $0x80, s18, s19, $0xb8;
	[tilespmem:$0x1C200] =	vst v63  }
0x50: {  	_ =	swait.ge [sflag:s17], $0x4000  }
0x51: {  	[sflag:s17] =	ssyncset.done $0x0  }
0x52: {  	s29 =	sadd.s32 s5, s28;
	[sflag:s17] =	ssyncadd.s32 $0xFFFFC000  }
0x53: {  	[tilespmem:s2], [sflag:$0x3] =	stream.linear.gather [hbm4b:s29+s2], $0x80, $0x38;
	[tilespmem:$0x1C200] =	vst v63  }
0x54: {  	_ =	swait.ge [sflag:s17], $0x80  }
0x55: {  	[sflag:s17] =	ssyncset.done $0x0  }
0x56: {  	s28 =	sadd.s32 s6, s28;
	[sflag:s17] =	ssyncadd.s32 $0xFFFFFF80  }
0x57: {  	[tilespmem:s18], [sflag:$0x3] =	stream.linear.gather [hbm4b:s28+s2], $0x80, $0x38;
	[tilespmem:$0x1C200] =	vst v63  }
0x58: {  	_ =	swait.ge [sflag:s17], $0x80  }
0x59: {  	[sflag:s17] =	ssyncset.done $0x0  }
.Ltmp0:
0x5a: {  	s28 =	sshll.u32 s30, $0x5;
	[sflag:s17] =	ssyncadd.s32 $0xFFFFFF80;
	(pc) =	sbr.rel @p0 .LBB2_2-.Ltmp0, $4  }
0x5b: {  	[tilespmem:s20], [sflag:$0x1] =	stream.indirect.gather [hbm4b:s4+s19], $0x80, s2, s19, $0xb8;
	[tilespmem:$0x1C200] =	vst v63  }
0x5c: {  	s30 =	sadd.s32 s7, s28;
	_ =	swait.ge [sflag:s24], $0x4000  }
0x5d: {  	s28 =	sand.u32 $0x60, s28;
	s29 =	sand.u32 $0xFFFFF80, s30;
	[sflag:s24] =	ssyncset.done $0x0  }
0x5e: {  	s29 =	sor.u32 s29, s28;
	s28 =	sadd.s32 $0x20, s30;
	[sflag:s24] =	ssyncadd.s32 $0xFFFFC000  }
0x5f: {  	[spmem:s1] =	stream.indirect.scatter.add.f32 [tilespmem:s22], [sflag:$0x3], $0x80, s21, s19, $0xb8;
	[tilespmem:$0x1C200] =	vst v63  }
0x60: {  	_ =	swait.ge [sflag:s17], $0x4000  }
0x61: {  	s26 =	sor.u32 $0x10, s29;
	[sflag:s17] =	ssyncset.done $0x0  }
0x62: {  	s29 =	sadd.s32 s5, s26;
	[sflag:s17] =	ssyncadd.s32 $0xFFFFC000  }
0x63: {  	[tilespmem:s19], [sflag:$0x3] =	stream.linear.gather [hbm4b:s29+s2], $0x80, $0x38;
	[tilespmem:$0x1C200] =	vst v63  }
0x64: {  	_ =	swait.ge [sflag:s17], $0x80  }
0x65: {  	[sflag:s17] =	ssyncset.done $0x0  }
0x66: {  	s26 =	sadd.s32 s6, s26;
	[sflag:s17] =	ssyncadd.s32 $0xFFFFFF80  }
0x67: {  	[tilespmem:s21], [sflag:$0x3] =	stream.linear.gather [hbm4b:s26+s2], $0x80, $0x38;
	[tilespmem:$0x1C200] =	vst v63  }
0x68: {  	_ =	swait.ge [sflag:s17], $0x80  }
0x69: {  	[sflag:s17] =	ssyncset.done $0x0  }
0x6a: {  	[sflag:s17] =	ssyncadd.s32 $0xFFFFFF80  }
0x6b: {  	[tilespmem:s22], [sflag:$0x2] =	stream.indirect.gather [hbm4b:s4+s19], $0x80, s19, s19, $0xb8;
	[tilespmem:$0x1C200] =	vst v63  }
0x6c: {  	_ =	swait.ge [sflag:s23], $0x4000  }
0x6d: {  	[sflag:s23] =	ssyncset.done $0x0  }
0x6e: {  	[sflag:s23] =	ssyncadd.s32 $0xFFFFC000  }
0x6f: {  	[spmem:s1] =	stream.indirect.scatter.add.f32 [tilespmem:s20], [sflag:$0x3], $0x80, s18, s19, $0xb8;
	[tilespmem:$0x1C200] =	vst v63  }
0x70: {  	_ =	swait.ge [sflag:s17], $0x4000  }
0x71: {  	[sflag:s17] =	ssyncset.done $0x0  }
0x72: {  	s30 =	sadd.s32 s5, s28;
	[sflag:s17] =	ssyncadd.s32 $0xFFFFC000  }
0x73: {  	[tilespmem:s2], [sflag:$0x3] =	stream.linear.gather [hbm4b:s30+s2], $0x80, $0x38;
	[tilespmem:$0x1C200] =	vst v63  }
0x74: {  	_ =	swait.ge [sflag:s17], $0x80  }
0x75: {  	[sflag:s17] =	ssyncset.done $0x0  }
0x76: {  	s31 =	sadd.s32 s6, s28;
	[sflag:s17] =	ssyncadd.s32 $0xFFFFFF80  }
0x77: {  	[tilespmem:s18], [sflag:$0x3] =	stream.linear.gather [hbm4b:s31+s2], $0x80, $0x38;
	[tilespmem:$0x1C200] =	vst v63  }
0x78: {  	_ =	swait.ge [sflag:s17], $0x80  }
0x79: {  	[sflag:s17] =	ssyncset.done $0x0  }
0x7a: {  	[sflag:s17] =	ssyncadd.s32 $0xFFFFFF80  }
0x7b: {  	[tilespmem:s20], [sflag:$0x1] =	stream.indirect.gather [hbm4b:s4+s19], $0x80, s2, s19, $0xb8;
	[tilespmem:$0x1C200] =	vst v63  }
0x7c: {  	_ =	swait.ge [sflag:s24], $0x4000  }
0x7d: {  	[sflag:s24] =	ssyncset.done $0x0  }
0x7e: {  	[sflag:s24] =	ssyncadd.s32 $0xFFFFC000  }
0x7f: {  	[spmem:s1] =	stream.indirect.scatter.add.f32 [tilespmem:s22], [sflag:$0x3], $0x80, s21, s19, $0xb8;
	[tilespmem:$0x1C200] =	vst v63  }
0x80: {  	_ =	swait.ge [sflag:s17], $0x4000  }
0x81: {  	[sflag:s17] =	ssyncset.done $0x0  }
0x82: {  	[sflag:s17] =	ssyncadd.s32 $0xFFFFC000  }
0x83: {  	[tilespmem:s19], [sflag:$0x3] =	stream.linear.gather [hbm4b:s13+s2], $0x80, $0x38;
	[tilespmem:$0x1C200] =	vst v63  }
0x84: {  	_ =	swait.ge [sflag:s17], $0x80  }
0x85: {  	[sflag:s17] =	ssyncset.done $0x0  }
0x86: {  	[sflag:s17] =	ssyncadd.s32 $0xFFFFFF80  }
0x87: {  	[tilespmem:s21], [sflag:$0x3] =	stream.linear.gather [hbm4b:s14+s2], $0x80, $0x38;
	[tilespmem:$0x1C200] =	vst v63  }
0x88: {  	_ =	swait.ge [sflag:s17], $0x80  }
0x89: {  	[sflag:s17] =	ssyncset.done $0x0  }
0x8a: {  	[sflag:s17] =	ssyncadd.s32 $0xFFFFFF80  }
0x8b: {  	[tilespmem:s22], [sflag:$0x2] =	stream.indirect.gather [hbm4b:s4+s19], $0x80, s19, s19, $0xb8;
	[tilespmem:$0x1C200] =	vst v63  }
0x8c: {  	_ =	swait.ge [sflag:s23], $0x4000  }
0x8d: {  	[sflag:s23] =	ssyncset.done $0x0  }
0x8e: {  	[sflag:s23] =	ssyncadd.s32 $0xFFFFC000  }
0x8f: {  	[spmem:s1] =	stream.indirect.scatter.add.f32 [tilespmem:s20], [sflag:$0x3], $0x80, s18, s19, $0xb8;
	[tilespmem:$0x1C200] =	vst v63  }
0x90: {  	_ =	swait.ge [sflag:s17], $0x4000  }
0x91: {  	[sflag:s17] =	ssyncset.done $0x0  }
0x92: {  	[sflag:s17] =	ssyncadd.s32 $0xFFFFC000  }
0x93: {  	_ =	swait.ge [sflag:s24], $0x4000  }
0x94: {  	[sflag:s24] =	ssyncset.done $0x0  }
0x95: {  	[sflag:s24] =	ssyncadd.s32 $0xFFFFC000  }
0x96: {  	[spmem:s1] =	stream.indirect.scatter.add.f32 [tilespmem:s22], [sflag:$0x3], $0x80, s21, s19, $0xb8;
	[tilespmem:$0x1C200] =	vst v63  }
0x97: {  	_ =	swait.ge [sflag:s17], $0x4000  }
0x98: {  	s25 =	sadd.s32 $0x1, s25;
	[sflag:s17] =	ssyncset.done $0x0  }
0x99: {  	p0 =	sne.s32 s25, s12;
	[sflag:s17] =	ssyncadd.s32 $0xFFFFC000  }
.Ltmp1:
0x9a: {  	[bflag:$0x0] =	sbarrier.arrive $0xFFFF;
	(pc) =	sbr.rel @p0 .LBB2_1-.Ltmp1, $4  }
0x9b: {  	[hbm:s15], [sflag:s9] =	dma.local [spmem:s16], $0x2800  }
0x9c: {  	_ =	swait.ge [sflag:s17], $0x2800  }
0x9d: {  	[sflag:s17] =	ssyncset.done $0x0  }
0x9e: {  	[sflag:s17] =	ssyncadd.s32 $0xFFFFD800  }
0x9f: {  	_ =	sfence.sel $0x180000  }
0xa0: {  	[bflag:$0x0] =	sbarrier.arrive $0xFFFF  }
0xa1: {  	p0 =	sne.s32 s3, $0x0;
	_ =	strace $0x90000050  }
0xa2: {  	s0 =	sadd.s32 @!p0 $0x100000, s0;
	[bflag:$0x2] =	sbarrier.arrive $0xFFFF  }
0xa3: {  	[sflag:s0] =	ssyncadd.tile.s32 @!p0 $0x1;
	_ =	shalt  }
.Lfunc_end2:
_tile_overlayer_lowered:
.L_overlay_start_2:
0xa4: {  	(tag) =	ssettag $0x2  }
0xa5: {  	s0 =	rddreg [dreg:$0x0];
	s2 =	stileid.u32  }
0xa6: {  	s1 =	rddreg [dreg:$0x1];
	p0 =	sne.s32 s2, $0x0  }
0xa7: {  	s3 =	rddreg [dreg:$0x2];
	[bflag:$0x3] =	sbarrier.arrive $0xFFFF;
	s2 =	simm.s32 @!p0 $0x1C03  }
0xa8: {  	[timem:s3], [sflag:s2] =	dma.local @!p0 [hbm:s0], s1  }
0xa9: {  	s0 =	simm.s32 @!p0 $0x3  }
0xaa: {  	_ =	swait.ge @!p0 [sflag:s0], s1  }
0xab: {  	s1 =	ssub.s32 @!p0 $0x0, s1;
	[sflag:s0] =	ssyncset.done @!p0 $0x0  }
0xac: {  	[sflag:s0] =	ssyncadd.s32 @!p0 s1  }
0xad: {  	[bflag:$0x3] =	sbarrier.arrive $0xFFFF  }
0xae: {  	_ =	shalt  }

// kernel: kernel.25.cloned.1.call-start
scs
__scs_entry_jumppad:
0x0: {  	(pc) =	sbr.rel $0x88, $3  }
0x1: {  	(tag) =	ssettag $0x0;
	lr =	simm.s32 $0x1  }
0x2: {  	[smem:$0x3F85] =	sst lr;
	_ =	strace $0xD0000000  }
0x3: {  	_ = 	snop  }
0x4: {  	_ = 	snop  }
0x5: {  	_ = 	snop  }
0x6: {  	_ = 	snop  }
0x7: {  	_ = 	snop  }
__scs_overlays_trampoline_lowered:
0x8: {  	[smem:$0x3F94] =	sst s0  }
0x9: {  	[smem:$0x3F95] =	sst s1  }
0xa: {  	[smem:$0x3F96] =	sst s2  }
0xb: {  	[smem:$0x3F97] =	sst s3  }
0xc: {  	[smem:$0x3F98] =	sst s4  }
0xd: {  	[smem:$0x3F99] =	sst s5  }
0xe: {  	[smem:$0x3F9A] =	sst s6  }
0xf: {  	[smem:$0x3F9B] =	sst s7  }
0x10: {  	[smem:$0x3F9C] =	sst s8  }
0x11: {  	[smem:$0x3F9D] =	sst s9;
	s0 =	simm.s32 @!p0 $0x0  }
0x12: {  	s1 =	sld [smem:$0x3F83];
	s0 =	simm.s32 @p0 $0x1  }
0x13: {  	[smem:$0x3F9E] =	sst s0;
	s0 =	simm.s32 @!p1 $0x0  }
0x14: {  	s2 =	sld [smem:$0x3F82];
	s0 =	simm.s32 @p1 $0x1  }
0x15: {  	[smem:$0x3F9F] =	sst s0;
	s0 =	simm.s32 @!p2 $0x0  }
0x16: {  	s3 =	sld [smem:$0x3FDB];
	s0 =	simm.s32 @p2 $0x1  }
0x17: {  	s4 =	simm.s32 $0x1BF5;
	[smem:$0x3FA1] =	sst s0  }
0x18: {  	s0 =	sld [smem:$0x3F84];
	_ =	swait.ge [sflag:s4], $0x0  }
0x19: {  	s7 =	sld [smem:$0x3F85]  }
0x1a: {  	s8 =	sadd.s32 $0xFFFFE003, lr  }
0x1b: {  	s9 =	sadd.s32 $0xFFFFFEF7, lr;
	s5 =	simm.s32 $0xFFFFFFFF;
	p2 =	slt.u32 s8, $0xFFFFF086  }
0x1c: {  	p1 =	slt.u32 s9, $0xF7A;
	s5 =	simm.s32 @!p2 $0x0  }
0x1d: {  	s5 =	simm.s32 @p1 $0x1;
	p0 =	seq.s32 s7, s2  }
0x1e: {  	s7 =	smul.u32 @!p0 $0xF7A, s2;
	p2 =	seq.s32 @!p0 s5, $0x0  }
0x1f: {  	s9 =	smul.u32 $0xF7A, s1;
	s8 =	simm.s32 @!p0 $0x1BF5;
	p2 =	por !p2, p0  }
0x20: {  	[sflag:s8] =	ssyncset.s32 @!p0 $0xFFFFF086;
	s6 =	sadd.s32 @!p0 s3, s7;
	s7 =	simm.s32 @!p0 $0x108  }
0x21: {  	s3 =	sadd.s32 s3, s9;
	s6 =	sadd.s32 @!p0 $0x88, s6;
	s7 =	simm.s32 @p2 $0x1082  }
0x22: {  	[simem:s7], [sflag:s8] =	dma.local @!p0 [hbm:s6], $0xF7A  }
0x23: {  	s9 =	sor.u32 $0xD0000000, s2;
	s6 =	simm.s32 $0x108;
	_ =	swait.ge @!p0 [sflag:s8], $0x0  }
0x24: {  	s3 =	sadd.s32 $0x88, s3;
	s6 =	simm.s32 @!p1 $0x1082;
	[sflag:s4] =	ssyncset.s32 $0xFFFFF086  }
0x25: {  	[simem:s6], [sflag:s4] =	dma.local [hbm:s3], $0xF7A  }
0x26: {  	[smem:$0x3F85] =	sst s1;
	(tag) =	ssettag s2;
	_ =	strace s9  }
0x27: {  	s1 =	sld [smem:$0x3F95]  }
0x28: {  	s2 =	sld [smem:$0x3F96]  }
0x29: {  	s4 =	sld [smem:$0x3F98]  }
0x2a: {  	p0 =	seq.s32 s5, $0x0;
	s5 =	sld [smem:$0x3F99]  }
0x2b: {  	s6 =	sld [smem:$0x3F9A]  }
0x2c: {  	s7 =	sld [smem:$0x3F9B]  }
0x2d: {  	s3 =	simm.s32 $0x108;
	s8 =	sld [smem:$0x3F9C]  }
0x2e: {  	s3 =	simm.s32 @!p0 $0x1082;
	s9 =	sld [smem:$0x3F9D]  }
0x2f: {  	lr =	sadd.s32 s0, s3;
	s0 =	sld [smem:$0x3F94]  }
0x30: {  	s3 =	sld [smem:$0x3F97]  }
0x31: {  	[smem:$0x3FA0] =	sst s10  }
0x32: {  	s10 =	sld [smem:$0x3F9E];
	_ =	sdelay $0x3  }
0x33: {  	p0 =	seq.s32 s10, $0x1;
	s10 =	sld [smem:$0x3FA0];
	_ =	sdelay $0x3  }
0x34: {  	[smem:$0x3FA0] =	sst s10  }
0x35: {  	s10 =	sld [smem:$0x3F9F];
	_ =	sdelay $0x3  }
0x36: {  	p1 =	seq.s32 s10, $0x1;
	s10 =	sld [smem:$0x3FA0];
	_ =	sdelay $0x3  }
0x37: {  	[smem:$0x3FA0] =	sst s10  }
0x38: {  	s10 =	sld [smem:$0x3FA1]  }
0x39: {  	_ = 	snop;
	(pc) =	sbr.ind lr, $3  }
0x3a: {  	_ = 	snop  }
0x3b: {  	_ = 	snop  }
0x3c: {  	p2 =	seq.s32 s10, $0x1;
	s10 =	sld [smem:$0x3FA0]  }
0x3d: {  	_ =	shalt  }
0x3e: {  	_ =	shalt  }
0x3f: {  	_ =	shalt  }
0x40: {  	_ =	shalt  }
0x41: {  	_ =	shalt  }
0x42: {  	_ =	shalt  }
0x43: {  	_ =	shalt  }
0x44: {  	_ =	shalt  }
0x45: {  	_ =	shalt  }
0x46: {  	_ =	shalt  }
0x47: {  	_ =	shalt  }
0x48: {  	_ =	shalt  }
0x49: {  	_ =	shalt  }
0x4a: {  	_ =	shalt  }
0x4b: {  	_ =	shalt  }
0x4c: {  	_ =	shalt  }
0x4d: {  	_ =	shalt  }
0x4e: {  	_ =	shalt  }
0x4f: {  	_ =	shalt  }
0x50: {  	_ =	shalt  }
0x51: {  	_ =	shalt  }
0x52: {  	_ =	shalt  }
0x53: {  	_ =	shalt  }
0x54: {  	_ =	shalt  }
0x55: {  	_ =	shalt  }
0x56: {  	_ =	shalt  }
0x57: {  	_ =	shalt  }
0x58: {  	_ =	shalt  }
0x59: {  	_ =	shalt  }
0x5a: {  	_ =	shalt  }
0x5b: {  	_ =	shalt  }
0x5c: {  	_ =	shalt  }
0x5d: {  	_ =	shalt  }
0x5e: {  	_ =	shalt  }
0x5f: {  	_ =	shalt  }
0x60: {  	_ =	shalt  }
0x61: {  	_ =	shalt  }
0x62: {  	_ =	shalt  }
0x63: {  	_ =	shalt  }
0x64: {  	_ =	shalt  }
0x65: {  	_ =	shalt  }
0x66: {  	_ =	shalt  }
0x67: {  	_ =	shalt  }
0x68: {  	_ =	shalt  }
0x69: {  	_ =	shalt  }
0x6a: {  	_ =	shalt  }
0x6b: {  	_ =	shalt  }
0x6c: {  	_ =	shalt  }
0x6d: {  	_ =	shalt  }
0x6e: {  	_ =	shalt  }
0x6f: {  	_ =	shalt  }
0x70: {  	_ =	shalt  }
0x71: {  	_ =	shalt  }
0x72: {  	_ =	shalt  }
0x73: {  	_ =	shalt  }
0x74: {  	_ =	shalt  }
0x75: {  	_ =	shalt  }
0x76: {  	_ =	shalt  }
0x77: {  	_ =	shalt  }
0x78: {  	_ =	shalt  }
0x79: {  	_ =	shalt  }
0x7a: {  	_ =	shalt  }
0x7b: {  	_ =	shalt  }
0x7c: {  	_ =	shalt  }
0x7d: {  	_ =	shalt  }
0x7e: {  	_ =	shalt  }
0x7f: {  	_ =	shalt  }
0x80: {  	_ =	shalt  }
0x81: {  	_ =	shalt  }
0x82: {  	_ =	shalt  }
0x83: {  	_ =	shalt  }
0x84: {  	_ =	shalt  }
0x85: {  	_ =	shalt  }
0x86: {  	_ =	shalt  }
0x87: {  	_ =	shalt  }
.Lfunc_end0:
.L_simem_size_0:
called_computation.4_lowered:
.L_overlay_start_0:
0x88: {  	s2 =	sld [smem:$0x3FD9]  }
0x89: {  	s3 =	sld [smem:$0x3FFE];
	_ =	sdelay $0x1  }
0x8a: {  	s1 =	srdreg.scid  }
0x8b: {  	s0 =	sand.u32 $0x1, s1  }
0x8c: {  	s16 =	sshll.u32 s0, $0xA;
	s2 =	sadd.s32 s3, s2  }
0x8d: {  	s2 =	sadd.s32 s2, s16  }
0x8e: {  	[smem:$0x3FAC] =	sst s2  }
0x8f: {  	_ = 	snop  }
0x90: {  	(tm) =	ssettm $0x1  }
0x91: {  	s17 =	sld [smem:$0x3FFB];
	_ =	sdelay $0x3  }
0x92: {  	_ =	strace s17  }
0x93: {  	s2 =	sld [smem:$0x3FFC];
	_ =	sdelay $0x3  }
0x94: {  	_ =	strace s2  }
0x95: {  	s2 =	sld [smem:$0x3FFD];
	_ =	sdelay $0x3  }
0x96: {  	_ =	strace s2  }
0x97: {  	_ =	strace $0x8FFFFFFF  }
0x98: {  	s18 =	sld [smem:$0x3FDB];
	_ =	sdelay $0x1  }
0x99: {  	s19 =	simm.s32 $_scs_section_size  }
0x9a: {  	s4 =	simm.s32 $_size__tile_overlayer_lowered;
	s5 =	simm.s32 $_tile_overlayer_lowered  }
0x9b: {  	s22 =	simm.s32 $0x1BFF;
	s21 =	sshll.u32 s5, $0x1;
	s2 =	sadd.s32 s19, s18  }
0x9c: {  	s6 =	simm.s32 $0x0;
	s20 =	sshll.u32 s4, $0x1;
	s4 =	sadd.s32 s21, s2  }
0x9d: {  	[timem:s6], [sflag:s22] =	dma.local [hbm:s4], s20  }
0x9e: {  	_ =	swait.ge [sflag:s22], s20  }
0x9f: {  	s3 =	ssub.s32 $0x0, s20;
	[sflag:s22] =	ssyncset.done $0x0  }
0xa0: {  	[sflag:s22] =	ssyncadd.s32 s3;
	_ =	sdelay $0x1  }
0xa1: {  	s23 =	simm.s32 $0x1B8B  }
0xa2: {  	_ =	swait.ge [sflag:s23], $0x1  }
0xa3: {  	[sflag:s23] =	ssyncset.done $0x0  }
0xa4: {  	s25 =	simm.s32 $0x1B8E;
	s24 =	sld [smem:$0x3FFE];
	[sflag:s23] =	ssyncadd.s32 $0xFFFFFFFF  }
0xa5: {  	s26 =	simm.s32 $execute0_lowered;
	[smem:$0x3FD2] =	sst s25  }
0xa6: {  	s4 =	sshll.u32 s26, $0x1;
	_ =	strace $0x80000052;
	[dreg:$0x1] =	wrdreg $0xFFFFFFFF  }
0xa7: {  	s28 =	simm.s32 $_size_execute0_lowered;
	s2 =	sadd.s32 s2, s4;
	[dreg:$0x0] =	wrdreg $0x0  }
0xa8: {  	s4 =	sshll.u32 s28, $0x1;
	[dreg:$0x2] =	wrdreg s2  }
0xa9: {  	[dreg:$0x3] =	wrdreg s4  }
0xaa: {  	[dreg:$0x4] =	wrdreg $0xC0  }
0xab: {  	_ =	task [dreg:s6], $0x5FFFF  }
0xac: {  	[dreg:$0x1] =	wrdreg $0xFFFFFFFF  }
0xad: {  	[dreg:$0x0] =	wrdreg $0x60  }
0xae: {  	[dreg:$0x2] =	wrdreg s24  }
0xaf: {  	[dreg:$0x3] =	wrdreg $0x82000  }
0xb0: {  	[dreg:$0x4] =	wrdreg $0x9  }
0xb1: {  	_ =	task.clear_ibuf [dreg:s6], $0x5FFFF;
	_ =	strace $0x90000052  }
0xb2: {  	s29 =	simm.s32 $0x9;
	_ =	strace $0x80000054  }
0xb3: {  	_ =	swait.ge [sflag:s29], $0x1  }
0xb4: {  	[sflag:s29] =	ssyncadd.s32 $0xFFFFFFFF  }
0xb5: {  	_ =	strace $0x90000054  }
0xb6: {  	_ =	sfence  }
0xb7: {  	s30 =	sld [smem:$0x0];
	_ =	sdelay $0x2  }
0xb8: {  	s31 =	sshll.u32 s1, $0xD;
	s1 =	sshrl.u32 s1, $0x2  }
0xb9: {  	s3 =	sand.u32 $0x4000, s31;
	s1 =	sadd.s32 s1, s30  }
0xba: {  	s0 =	sor.u32 s3, s0;
	s1 =	sshll.u32 s1, $0x11  }
0xbb: {  	s0 =	sor.u32 s1, s0  }
0xbc: {  	s0 =	sadd.s32 $0x8F2B, s0  }
0xbd: {  	[sflag:s0] =	ssyncadd.remote.s32 $0x1  }
0xbe: {  	_ =	sfence.sel $0xFFFF  }
0xbf: {  	[dreg:$0x0] =	wrdreg $0xFFFFFFFF;
	(pc) =	sbr.abs _section_cstart, $3  }
0xc0: {  	[dreg:$0x1] =	wrdreg $0xFFFFFFFF  }
0xc1: {  	_ =	task.clear_ibuf [dreg:s6], $0x2FFFF;
	_ =	strace $0x9FFFFFFF  }
0xc2: {  	(tm) =	ssettm $0x7FFFFFFF  }
0xc3: {  	_ =	shalt  }
tec
execute0_lowered:
.L_overlay_start_1:
0x0: {  	(tag) =	ssettag $0x1  }
0x1: {  	s7 =	rddreg [dreg:$0x0]  }
0x2: {  	s1 =	rddreg [dreg:$0x1]  }
0x3: {  	s0 =	rddreg [dreg:$0x2];
	s2 =	simm.s32 $0x0  }
0x4: {  	s3 =	stileid.u32;
	s8 =	srdreg.scid;
	s17 =	simm.s32 $0xC3400  }
0x5: {  	s18 =	simm.s32 $0x100;
	s19 =	simm.s32 $0x80;
	s20 =	simm.s32 $0x200  }
0x6: {  	s21 =	simm.s32 $0x180;
	s22 =	simm.s32 $0x4200;
	s23 =	simm.s32 $0x1  }
0x7: {  	s24 =	simm.s32 $0x2;
	s25 =	simm.s32 $0x0;
	[smem:$0x7FF] =	sst s2  }
0x8: {  	s4 =	sadd.s32 $0x73400, s7;
	s5 =	sadd.s32 $0xFA00, s7;
	s9 =	smul.u32 $0x2800, s3  }
0x9: {  	s6 =	sadd.s32 $0x5A00, s7;
	s12 =	sand.u32 $0x1, s8;
	s11 =	smul.u32 $0x50000, s3  }
0xa: {  	s31 =	sshll.u32 s3, $0x6;
	_ =	strace $0x80000053;
	s8 =	ssub.s32 $0x2, s12  }
0xb: {  	s10 =	sshll.u32 s12, $0x4;
	p0 =	seq.s32 s12, $0x1;
	s15 =	sadd.s32 s9, s7  }
0xc: {  	s28 =	sshrl.u32 s8, $0x1;
	s29 =	sor.u32 s3, s10;
	s30 =	sshrl.u32 s11, $0x2  }
0xd: {  	s9 =	sor.u32 $0x1C03, s31;
	s17 =	simm.s32 @!p0 $0x9B400;
	s13 =	ssub.s32 s8, s28  }
0xe: {  	s7 =	smul.u32 $0x500, s29;
	s16 =	sadd.s32 s30, s1;
	s8 =	sadd.s32 $0x4B400, s15  }
0xf: {  	s15 =	sadd.s32 s17, s15;
	s17 =	simm.s32 $0x3;
	s12 =	smax.u32 s13, $0x1  }
0x10: {  	s16 =	sshrl.u32 s16, $0x3;
	s10 =	sadd.s32 s5, s7;
	s14 =	sadd.s32 $0x4F0, s7  }
0x11: {  	s11 =	sadd.s32 s6, s7;
	s13 =	sadd.s32 s5, s14;
	s14 =	sadd.s32 s6, s14  }
.LBB2_1:
0x12: {  	[spmem:s16], [sflag:s9] =	dma.local [hbm:s8], $0x2800  }
0x13: {  	_ =	swait.ge [sflag:s17], $0x2800  }
0x14: {  	[sflag:s17] =	ssyncset.done $0x0  }
0x15: {  	[sflag:s17] =	ssyncadd.s32 $0xFFFFD800  }
0x16: {  	[bflag:$0x0] =	sbarrier.arrive $0xFFFF  }
0x17: {  	[tilespmem:s2], [sflag:$0x3] =	stream.linear.gather [hbm4b:s10+s2], $0x80, $0x38;
	[tilespmem:$0x1C200] =	vst v63  }
0x18: {  	_ =	swait.ge [sflag:s17], $0x80  }
0x19: {  	[sflag:s17] =	ssyncset.done $0x0  }
0x1a: {  	s26 =	simm.s32 $0x0;
	s28 =	sadd.s32 $0x0, s7;
	[sflag:s17] =	ssyncadd.s32 $0xFFFFFF80  }
0x1b: {  	[tilespmem:s18], [sflag:$0x3] =	stream.linear.gather [hbm4b:s11+s2], $0x80, $0x38;
	[tilespmem:$0x1C200] =	vst v63  }
0x1c: {  	s29 =	sand.u32 $0xFFFFF80, s28;
	s26 =	sand.u32 $0x60, s26;
	_ =	swait.ge [sflag:s17], $0x80  }
0x1d: {  	s26 =	sor.u32 s29, s26;
	[sflag:s17] =	ssyncset.done $0x0  }
0x1e: {  	s26 =	sor.u32 $0x10, s26;
	[sflag:s17] =	ssyncadd.s32 $0xFFFFFF80  }
0x1f: {  	[tilespmem:s20], [sflag:$0x1] =	stream.indirect.gather [hbm4b:s4+s19], $0x80, s2, s19, $0xb8;
	[tilespmem:$0x1C200] =	vst v63  }
0x20: {  	s29 =	sadd.s32 s5, s26  }
0x21: {  	[tilespmem:s19], [sflag:$0x3] =	stream.linear.gather [hbm4b:s29+s2], $0x80, $0x38;
	[tilespmem:$0x1C200] =	vst v63  }
0x22: {  	_ =	swait.ge [sflag:s17], $0x80  }
0x23: {  	[sflag:s17] =	ssyncset.done $0x0  }
0x24: {  	s26 =	sadd.s32 s6, s26;
	[sflag:s17] =	ssyncadd.s32 $0xFFFFFF80  }
0x25: {  	[tilespmem:s21], [sflag:$0x3] =	stream.linear.gather [hbm4b:s26+s2], $0x80, $0x38;
	[tilespmem:$0x1C200] =	vst v63  }
0x26: {  	_ =	swait.ge [sflag:s17], $0x80  }
0x27: {  	[sflag:s17] =	ssyncset.done $0x0  }
0x28: {  	[sflag:s17] =	ssyncadd.s32 $0xFFFFFF80  }
0x29: {  	[tilespmem:s22], [sflag:$0x2] =	stream.indirect.gather [hbm4b:s4+s19], $0x80, s19, s19, $0xb8;
	[tilespmem:$0x1C200] =	vst v63  }
0x2a: {  	_ =	swait.ge [sflag:s23], $0x4000  }
0x2b: {  	[sflag:s23] =	ssyncset.done $0x0  }
0x2c: {  	[sflag:s23] =	ssyncadd.s32 $0xFFFFC000  }
0x2d: {  	[spmem:s1] =	stream.indirect.scatter.add.f32 [tilespmem:s20], [sflag:$0x3], $0x80, s18, s19, $0xb8;
	[tilespmem:$0x1C200] =	vst v63  }
0x2e: {  	_ =	swait.ge [sflag:s17], $0x4000  }
0x2f: {  	s31 =	sadd.s32 $0x20, s28;
	[sflag:s17] =	ssyncset.done $0x0  }
0x30: {  	s28 =	sadd.s32 s5, s31;
	[sflag:s17] =	ssyncadd.s32 $0xFFFFC000  }
0x31: {  	[tilespmem:s2], [sflag:$0x3] =	stream.linear.gather [hbm4b:s28+s2], $0x80, $0x38;
	[tilespmem:$0x1C200] =	vst v63  }
0x32: {  	_ =	swait.ge [sflag:s17], $0x80  }
0x33: {  	[sflag:s17] =	ssyncset.done $0x0  }
0x34: {  	s26 =	sadd.s32 s6, s31;
	[sflag:s17] =	ssyncadd.s32 $0xFFFFFF80  }
0x35: {  	[tilespmem:s18], [sflag:$0x3] =	stream.linear.gather [hbm4b:s26+s2], $0x80, $0x38;
	[tilespmem:$0x1C200] =	vst v63  }
0x36: {  	_ =	swait.ge [sflag:s17], $0x80  }
0x37: {  	[sflag:s17] =	ssyncset.done $0x0  }
0x38: {  	s30 =	sadd.s32 $0x20, s7;
	s28 =	simm.s32 $0x20;
	[sflag:s17] =	ssyncadd.s32 $0xFFFFFF80  }
0x39: {  	[tilespmem:s20], [sflag:$0x1] =	stream.indirect.gather [hbm4b:s4+s19], $0x80, s2, s19, $0xb8;
	[tilespmem:$0x1C200] =	vst v63  }
0x3a: {  	s29 =	sand.u32 $0xFFFFF80, s30;
	s28 =	sand.u32 $0x60, s28;
	_ =	swait.ge [sflag:s24], $0x4000  }
0x3b: {  	s29 =	sor.u32 s29, s28;
	[sflag:s24] =	ssyncset.done $0x0  }
0x3c: {  	s28 =	sadd.s32 $0x20, s30;
	s26 =	simm.s32 $0x2;
	[sflag:s24] =	ssyncadd.s32 $0xFFFFC000  }
.LBB2_2:
0x3d: {  	p0 =	sne.s32 s26, $0x26  }
0x3e: {  	s29 =	sor.u32 $0x10, s29;
	s30 =	smov.u32 s26;
	s26 =	sadd.s32 $0x1, s26  }
0x3f: {  	[spmem:s1] =	stream.indirect.scatter.add.f32 [tilespmem:s22], [sflag:$0x3], $0x80, s21, s19, $0xb8;
	[tilespmem:$0x1C200] =	vst v63  }
0x40: {  	_ =	swait.ge [sflag:s17], $0x4000  }
0x41: {  	[sflag:s17] =	ssyncset.done $0x0  }
0x42: {  	s31 =	sadd.s32 s5, s29;
	[sflag:s17] =	ssyncadd.s32 $0xFFFFC000  }
0x43: {  	[tilespmem:s19], [sflag:$0x3] =	stream.linear.gather [hbm4b:s31+s2], $0x80, $0x38;
	[tilespmem:$0x1C200] =	vst v63  }
0x44: {  	_ =	swait.ge [sflag:s17], $0x80  }
0x45: {  	[sflag:s17] =	ssyncset.done $0x0  }
0x46: {  	s29 =	sadd.s32 s6, s29;
	[sflag:s17] =	ssyncadd.s32 $0xFFFFFF80  }
0x47: {  	[tilespmem:s21], [sflag:$0x3] =	stream.linear.gather [hbm4b:s29+s2], $0x80, $0x38;
	[tilespmem:$0x1C200] =	vst v63  }
0x48: {  	_ =	swait.ge [sflag:s17], $0x80  }
0x49: {  	[sflag:s17] =	ssyncset.done $0x0  }
0x4a: {  	[sflag:s17] =	ssyncadd.s32 $0xFFFFFF80  }
0x4b: {  	[tilespmem:s22], [sflag:$0x2] =	stream.indirect.gather [hbm4b:s4+s19], $0x80, s19, s19, $0xb8;
	[tilespmem:$0x1C200] =	vst v63  }
0x4c: {  	_ =	swait.ge [sflag:s23], $0x4000  }
0x4d: {  	[sflag:s23] =	ssyncset.done $0x0  }
0x4e: {  	[sflag:s23] =	ssyncadd.s32 $0xFFFFC000  }
0x4f: {  	[spmem:s1] =	stream.indirect.scatter.add.f32 [tilespmem:s20], [sflag:$0x3], $0x80, s18, s19, $0xb8;
	[tilespmem:$0x1C200] =	vst v63  }
0x50: {  	_ =	swait.ge [sflag:s17], $0x4000  }
0x51: {  	[sflag:s17] =	ssyncset.done $0x0  }
0x52: {  	s29 =	sadd.s32 s5, s28;
	[sflag:s17] =	ssyncadd.s32 $0xFFFFC000  }
0x53: {  	[tilespmem:s2], [sflag:$0x3] =	stream.linear.gather [hbm4b:s29+s2], $0x80, $0x38;
	[tilespmem:$0x1C200] =	vst v63  }
0x54: {  	_ =	swait.ge [sflag:s17], $0x80  }
0x55: {  	[sflag:s17] =	ssyncset.done $0x0  }
0x56: {  	s28 =	sadd.s32 s6, s28;
	[sflag:s17] =	ssyncadd.s32 $0xFFFFFF80  }
0x57: {  	[tilespmem:s18], [sflag:$0x3] =	stream.linear.gather [hbm4b:s28+s2], $0x80, $0x38;
	[tilespmem:$0x1C200] =	vst v63  }
0x58: {  	_ =	swait.ge [sflag:s17], $0x80  }
0x59: {  	[sflag:s17] =	ssyncset.done $0x0  }
.Ltmp0:
0x5a: {  	s28 =	sshll.u32 s30, $0x5;
	[sflag:s17] =	ssyncadd.s32 $0xFFFFFF80;
	(pc) =	sbr.rel @p0 .LBB2_2-.Ltmp0, $4  }
0x5b: {  	[tilespmem:s20], [sflag:$0x1] =	stream.indirect.gather [hbm4b:s4+s19], $0x80, s2, s19, $0xb8;
	[tilespmem:$0x1C200] =	vst v63  }
0x5c: {  	s30 =	sadd.s32 s7, s28;
	_ =	swait.ge [sflag:s24], $0x4000  }
0x5d: {  	s28 =	sand.u32 $0x60, s28;
	s29 =	sand.u32 $0xFFFFF80, s30;
	[sflag:s24] =	ssyncset.done $0x0  }
0x5e: {  	s29 =	sor.u32 s29, s28;
	s28 =	sadd.s32 $0x20, s30;
	[sflag:s24] =	ssyncadd.s32 $0xFFFFC000  }
0x5f: {  	[spmem:s1] =	stream.indirect.scatter.add.f32 [tilespmem:s22], [sflag:$0x3], $0x80, s21, s19, $0xb8;
	[tilespmem:$0x1C200] =	vst v63  }
0x60: {  	_ =	swait.ge [sflag:s17], $0x4000  }
0x61: {  	s26 =	sor.u32 $0x10, s29;
	[sflag:s17] =	ssyncset.done $0x0  }
0x62: {  	s29 =	sadd.s32 s5, s26;
	[sflag:s17] =	ssyncadd.s32 $0xFFFFC000  }
0x63: {  	[tilespmem:s19], [sflag:$0x3] =	stream.linear.gather [hbm4b:s29+s2], $0x80, $0x38;
	[tilespmem:$0x1C200] =	vst v63  }
0x64: {  	_ =	swait.ge [sflag:s17], $0x80  }
0x65: {  	[sflag:s17] =	ssyncset.done $0x0  }
0x66: {  	s26 =	sadd.s32 s6, s26;
	[sflag:s17] =	ssyncadd.s32 $0xFFFFFF80  }
0x67: {  	[tilespmem:s21], [sflag:$0x3] =	stream.linear.gather [hbm4b:s26+s2], $0x80, $0x38;
	[tilespmem:$0x1C200] =	vst v63  }
0x68: {  	_ =	swait.ge [sflag:s17], $0x80  }
0x69: {  	[sflag:s17] =	ssyncset.done $0x0  }
0x6a: {  	[sflag:s17] =	ssyncadd.s32 $0xFFFFFF80  }
0x6b: {  	[tilespmem:s22], [sflag:$0x2] =	stream.indirect.gather [hbm4b:s4+s19], $0x80, s19, s19, $0xb8;
	[tilespmem:$0x1C200] =	vst v63  }
0x6c: {  	_ =	swait.ge [sflag:s23], $0x4000  }
0x6d: {  	[sflag:s23] =	ssyncset.done $0x0  }
0x6e: {  	[sflag:s23] =	ssyncadd.s32 $0xFFFFC000  }
0x6f: {  	[spmem:s1] =	stream.indirect.scatter.add.f32 [tilespmem:s20], [sflag:$0x3], $0x80, s18, s19, $0xb8;
	[tilespmem:$0x1C200] =	vst v63  }
0x70: {  	_ =	swait.ge [sflag:s17], $0x4000  }
0x71: {  	[sflag:s17] =	ssyncset.done $0x0  }
0x72: {  	s30 =	sadd.s32 s5, s28;
	[sflag:s17] =	ssyncadd.s32 $0xFFFFC000  }
0x73: {  	[tilespmem:s2], [sflag:$0x3] =	stream.linear.gather [hbm4b:s30+s2], $0x80, $0x38;
	[tilespmem:$0x1C200] =	vst v63  }
0x74: {  	_ =	swait.ge [sflag:s17], $0x80  }
0x75: {  	[sflag:s17] =	ssyncset.done $0x0  }
0x76: {  	s31 =	sadd.s32 s6, s28;
	[sflag:s17] =	ssyncadd.s32 $0xFFFFFF80  }
0x77: {  	[tilespmem:s18], [sflag:$0x3] =	stream.linear.gather [hbm4b:s31+s2], $0x80, $0x38;
	[tilespmem:$0x1C200] =	vst v63  }
0x78: {  	_ =	swait.ge [sflag:s17], $0x80  }
0x79: {  	[sflag:s17] =	ssyncset.done $0x0  }
0x7a: {  	[sflag:s17] =	ssyncadd.s32 $0xFFFFFF80  }
0x7b: {  	[tilespmem:s20], [sflag:$0x1] =	stream.indirect.gather [hbm4b:s4+s19], $0x80, s2, s19, $0xb8;
	[tilespmem:$0x1C200] =	vst v63  }
0x7c: {  	_ =	swait.ge [sflag:s24], $0x4000  }
0x7d: {  	[sflag:s24] =	ssyncset.done $0x0  }
0x7e: {  	[sflag:s24] =	ssyncadd.s32 $0xFFFFC000  }
0x7f: {  	[spmem:s1] =	stream.indirect.scatter.add.f32 [tilespmem:s22], [sflag:$0x3], $0x80, s21, s19, $0xb8;
	[tilespmem:$0x1C200] =	vst v63  }
0x80: {  	_ =	swait.ge [sflag:s17], $0x4000  }
0x81: {  	[sflag:s17] =	ssyncset.done $0x0  }
0x82: {  	[sflag:s17] =	ssyncadd.s32 $0xFFFFC000  }
0x83: {  	[tilespmem:s19], [sflag:$0x3] =	stream.linear.gather [hbm4b:s13+s2], $0x80, $0x38;
	[tilespmem:$0x1C200] =	vst v63  }
0x84: {  	_ =	swait.ge [sflag:s17], $0x80  }
0x85: {  	[sflag:s17] =	ssyncset.done $0x0  }
0x86: {  	[sflag:s17] =	ssyncadd.s32 $0xFFFFFF80  }
0x87: {  	[tilespmem:s21], [sflag:$0x3] =	stream.linear.gather [hbm4b:s14+s2], $0x80, $0x38;
	[tilespmem:$0x1C200] =	vst v63  }
0x88: {  	_ =	swait.ge [sflag:s17], $0x80  }
0x89: {  	[sflag:s17] =	ssyncset.done $0x0  }
0x8a: {  	[sflag:s17] =	ssyncadd.s32 $0xFFFFFF80  }
0x8b: {  	[tilespmem:s22], [sflag:$0x2] =	stream.indirect.gather [hbm4b:s4+s19], $0x80, s19, s19, $0xb8;
	[tilespmem:$0x1C200] =	vst v63  }
0x8c: {  	_ =	swait.ge [sflag:s23], $0x4000  }
0x8d: {  	[sflag:s23] =	ssyncset.done $0x0  }
0x8e: {  	[sflag:s23] =	ssyncadd.s32 $0xFFFFC000  }
0x8f: {  	[spmem:s1] =	stream.indirect.scatter.add.f32 [tilespmem:s20], [sflag:$0x3], $0x80, s18, s19, $0xb8;
	[tilespmem:$0x1C200] =	vst v63  }
0x90: {  	_ =	swait.ge [sflag:s17], $0x4000  }
0x91: {  	[sflag:s17] =	ssyncset.done $0x0  }
0x92: {  	[sflag:s17] =	ssyncadd.s32 $0xFFFFC000  }
0x93: {  	_ =	swait.ge [sflag:s24], $0x4000  }
0x94: {  	[sflag:s24] =	ssyncset.done $0x0  }
0x95: {  	[sflag:s24] =	ssyncadd.s32 $0xFFFFC000  }
0x96: {  	[spmem:s1] =	stream.indirect.scatter.add.f32 [tilespmem:s22], [sflag:$0x3], $0x80, s21, s19, $0xb8;
	[tilespmem:$0x1C200] =	vst v63  }
0x97: {  	_ =	swait.ge [sflag:s17], $0x4000  }
0x98: {  	s25 =	sadd.s32 $0x1, s25;
	[sflag:s17] =	ssyncset.done $0x0  }
0x99: {  	p0 =	sne.s32 s25, s12;
	[sflag:s17] =	ssyncadd.s32 $0xFFFFC000  }
.Ltmp1:
0x9a: {  	[bflag:$0x0] =	sbarrier.arrive $0xFFFF;
	(pc) =	sbr.rel @p0 .LBB2_1-.Ltmp1, $4  }
0x9b: {  	[hbm:s15], [sflag:s9] =	dma.local [spmem:s16], $0x2800  }
0x9c: {  	_ =	swait.ge [sflag:s17], $0x2800  }
0x9d: {  	[sflag:s17] =	ssyncset.done $0x0  }
0x9e: {  	[sflag:s17] =	ssyncadd.s32 $0xFFFFD800  }
0x9f: {  	_ =	sfence.sel $0x180000  }
0xa0: {  	[bflag:$0x0] =	sbarrier.arrive $0xFFFF  }
0xa1: {  	p0 =	sne.s32 s3, $0x0;
	_ =	strace $0x90000053  }
0xa2: {  	s0 =	sadd.s32 @!p0 $0x100000, s0;
	[bflag:$0x2] =	sbarrier.arrive $0xFFFF  }
0xa3: {  	[sflag:s0] =	ssyncadd.tile.s32 @!p0 $0x1;
	_ =	shalt  }
.Lfunc_end2:
_tile_overlayer_lowered:
.L_overlay_start_2:
0xa4: {  	(tag) =	ssettag $0x2  }
0xa5: {  	s0 =	rddreg [dreg:$0x0];
	s2 =	stileid.u32  }
0xa6: {  	s1 =	rddreg [dreg:$0x1];
	p0 =	sne.s32 s2, $0x0  }
0xa7: {  	s3 =	rddreg [dreg:$0x2];
	[bflag:$0x3] =	sbarrier.arrive $0xFFFF;
	s2 =	simm.s32 @!p0 $0x1C03  }
0xa8: {  	[timem:s3], [sflag:s2] =	dma.local @!p0 [hbm:s0], s1  }
0xa9: {  	s0 =	simm.s32 @!p0 $0x3  }
0xaa: {  	_ =	swait.ge @!p0 [sflag:s0], s1  }
0xab: {  	s1 =	ssub.s32 @!p0 $0x0, s1;
	[sflag:s0] =	ssyncset.done @!p0 $0x0  }
0xac: {  	[sflag:s0] =	ssyncadd.s32 @!p0 s1  }
0xad: {  	[bflag:$0x3] =	sbarrier.arrive $0xFFFF  }
0xae: {  	_ =	shalt  }

// kernel: kernel.28.cloned.1.call-start
scs
__scs_entry_jumppad:
0x0: {  	(pc) =	sbr.rel $0x88, $3  }
0x1: {  	(tag) =	ssettag $0x0;
	lr =	simm.s32 $0x1  }
0x2: {  	[smem:$0x3F85] =	sst lr;
	_ =	strace $0xD0000000  }
0x3: {  	_ = 	snop  }
0x4: {  	_ = 	snop  }
0x5: {  	_ = 	snop  }
0x6: {  	_ = 	snop  }
0x7: {  	_ = 	snop  }
__scs_overlays_trampoline_lowered:
0x8: {  	[smem:$0x3F94] =	sst s0  }
0x9: {  	[smem:$0x3F95] =	sst s1  }
0xa: {  	[smem:$0x3F96] =	sst s2  }
0xb: {  	[smem:$0x3F97] =	sst s3  }
0xc: {  	[smem:$0x3F98] =	sst s4  }
0xd: {  	[smem:$0x3F99] =	sst s5  }
0xe: {  	[smem:$0x3F9A] =	sst s6  }
0xf: {  	[smem:$0x3F9B] =	sst s7  }
0x10: {  	[smem:$0x3F9C] =	sst s8  }
0x11: {  	[smem:$0x3F9D] =	sst s9;
	s0 =	simm.s32 @!p0 $0x0  }
0x12: {  	s1 =	sld [smem:$0x3F83];
	s0 =	simm.s32 @p0 $0x1  }
0x13: {  	[smem:$0x3F9E] =	sst s0;
	s0 =	simm.s32 @!p1 $0x0  }
0x14: {  	s2 =	sld [smem:$0x3F82];
	s0 =	simm.s32 @p1 $0x1  }
0x15: {  	[smem:$0x3F9F] =	sst s0;
	s0 =	simm.s32 @!p2 $0x0  }
0x16: {  	s3 =	sld [smem:$0x3FDB];
	s0 =	simm.s32 @p2 $0x1  }
0x17: {  	s4 =	simm.s32 $0x1BF5;
	[smem:$0x3FA1] =	sst s0  }
0x18: {  	s0 =	sld [smem:$0x3F84];
	_ =	swait.ge [sflag:s4], $0x0  }
0x19: {  	s7 =	sld [smem:$0x3F85]  }
0x1a: {  	s8 =	sadd.s32 $0xFFFFE003, lr  }
0x1b: {  	s9 =	sadd.s32 $0xFFFFFEF7, lr;
	s5 =	simm.s32 $0xFFFFFFFF;
	p2 =	slt.u32 s8, $0xFFFFF086  }
0x1c: {  	p1 =	slt.u32 s9, $0xF7A;
	s5 =	simm.s32 @!p2 $0x0  }
0x1d: {  	s5 =	simm.s32 @p1 $0x1;
	p0 =	seq.s32 s7, s2  }
0x1e: {  	s7 =	smul.u32 @!p0 $0xF7A, s2;
	p2 =	seq.s32 @!p0 s5, $0x0  }
0x1f: {  	s9 =	smul.u32 $0xF7A, s1;
	s8 =	simm.s32 @!p0 $0x1BF5;
	p2 =	por !p2, p0  }
0x20: {  	[sflag:s8] =	ssyncset.s32 @!p0 $0xFFFFF086;
	s6 =	sadd.s32 @!p0 s3, s7;
	s7 =	simm.s32 @!p0 $0x108  }
0x21: {  	s3 =	sadd.s32 s3, s9;
	s6 =	sadd.s32 @!p0 $0x88, s6;
	s7 =	simm.s32 @p2 $0x1082  }
0x22: {  	[simem:s7], [sflag:s8] =	dma.local @!p0 [hbm:s6], $0xF7A  }
0x23: {  	s9 =	sor.u32 $0xD0000000, s2;
	s6 =	simm.s32 $0x108;
	_ =	swait.ge @!p0 [sflag:s8], $0x0  }
0x24: {  	s3 =	sadd.s32 $0x88, s3;
	s6 =	simm.s32 @!p1 $0x1082;
	[sflag:s4] =	ssyncset.s32 $0xFFFFF086  }
0x25: {  	[simem:s6], [sflag:s4] =	dma.local [hbm:s3], $0xF7A  }
0x26: {  	[smem:$0x3F85] =	sst s1;
	(tag) =	ssettag s2;
	_ =	strace s9  }
0x27: {  	s1 =	sld [smem:$0x3F95]  }
0x28: {  	s2 =	sld [smem:$0x3F96]  }
0x29: {  	s4 =	sld [smem:$0x3F98]  }
0x2a: {  	p0 =	seq.s32 s5, $0x0;
	s5 =	sld [smem:$0x3F99]  }
0x2b: {  	s6 =	sld [smem:$0x3F9A]  }
0x2c: {  	s7 =	sld [smem:$0x3F9B]  }
0x2d: {  	s3 =	simm.s32 $0x108;
	s8 =	sld [smem:$0x3F9C]  }
0x2e: {  	s3 =	simm.s32 @!p0 $0x1082;
	s9 =	sld [smem:$0x3F9D]  }
0x2f: {  	lr =	sadd.s32 s0, s3;
	s0 =	sld [smem:$0x3F94]  }
0x30: {  	s3 =	sld [smem:$0x3F97]  }
0x31: {  	[smem:$0x3FA0] =	sst s10  }
0x32: {  	s10 =	sld [smem:$0x3F9E];
	_ =	sdelay $0x3  }
0x33: {  	p0 =	seq.s32 s10, $0x1;
	s10 =	sld [smem:$0x3FA0];
	_ =	sdelay $0x3  }
0x34: {  	[smem:$0x3FA0] =	sst s10  }
0x35: {  	s10 =	sld [smem:$0x3F9F];
	_ =	sdelay $0x3  }
0x36: {  	p1 =	seq.s32 s10, $0x1;
	s10 =	sld [smem:$0x3FA0];
	_ =	sdelay $0x3  }
0x37: {  	[smem:$0x3FA0] =	sst s10  }
0x38: {  	s10 =	sld [smem:$0x3FA1]  }
0x39: {  	_ = 	snop;
	(pc) =	sbr.ind lr, $3  }
0x3a: {  	_ = 	snop  }
0x3b: {  	_ = 	snop  }
0x3c: {  	p2 =	seq.s32 s10, $0x1;
	s10 =	sld [smem:$0x3FA0]  }
0x3d: {  	_ =	shalt  }
0x3e: {  	_ =	shalt  }
0x3f: {  	_ =	shalt  }
0x40: {  	_ =	shalt  }
0x41: {  	_ =	shalt  }
0x42: {  	_ =	shalt  }
0x43: {  	_ =	shalt  }
0x44: {  	_ =	shalt  }
0x45: {  	_ =	shalt  }
0x46: {  	_ =	shalt  }
0x47: {  	_ =	shalt  }
0x48: {  	_ =	shalt  }
0x49: {  	_ =	shalt  }
0x4a: {  	_ =	shalt  }
0x4b: {  	_ =	shalt  }
0x4c: {  	_ =	shalt  }
0x4d: {  	_ =	shalt  }
0x4e: {  	_ =	shalt  }
0x4f: {  	_ =	shalt  }
0x50: {  	_ =	shalt  }
0x51: {  	_ =	shalt  }
0x52: {  	_ =	shalt  }
0x53: {  	_ =	shalt  }
0x54: {  	_ =	shalt  }
0x55: {  	_ =	shalt  }
0x56: {  	_ =	shalt  }
0x57: {  	_ =	shalt  }
0x58: {  	_ =	shalt  }
0x59: {  	_ =	shalt  }
0x5a: {  	_ =	shalt  }
0x5b: {  	_ =	shalt  }
0x5c: {  	_ =	shalt  }
0x5d: {  	_ =	shalt  }
0x5e: {  	_ =	shalt  }
0x5f: {  	_ =	shalt  }
0x60: {  	_ =	shalt  }
0x61: {  	_ =	shalt  }
0x62: {  	_ =	shalt  }
0x63: {  	_ =	shalt  }
0x64: {  	_ =	shalt  }
0x65: {  	_ =	shalt  }
0x66: {  	_ =	shalt  }
0x67: {  	_ =	shalt  }
0x68: {  	_ =	shalt  }
0x69: {  	_ =	shalt  }
0x6a: {  	_ =	shalt  }
0x6b: {  	_ =	shalt  }
0x6c: {  	_ =	shalt  }
0x6d: {  	_ =	shalt  }
0x6e: {  	_ =	shalt  }
0x6f: {  	_ =	shalt  }
0x70: {  	_ =	shalt  }
0x71: {  	_ =	shalt  }
0x72: {  	_ =	shalt  }
0x73: {  	_ =	shalt  }
0x74: {  	_ =	shalt  }
0x75: {  	_ =	shalt  }
0x76: {  	_ =	shalt  }
0x77: {  	_ =	shalt  }
0x78: {  	_ =	shalt  }
0x79: {  	_ =	shalt  }
0x7a: {  	_ =	shalt  }
0x7b: {  	_ =	shalt  }
0x7c: {  	_ =	shalt  }
0x7d: {  	_ =	shalt  }
0x7e: {  	_ =	shalt  }
0x7f: {  	_ =	shalt  }
0x80: {  	_ =	shalt  }
0x81: {  	_ =	shalt  }
0x82: {  	_ =	shalt  }
0x83: {  	_ =	shalt  }
0x84: {  	_ =	shalt  }
0x85: {  	_ =	shalt  }
0x86: {  	_ =	shalt  }
0x87: {  	_ =	shalt  }
.Lfunc_end0:
.L_simem_size_0:
called_computation.5_lowered:
.L_overlay_start_0:
0x88: {  	s2 =	sld [smem:$0x3FD9]  }
0x89: {  	s3 =	sld [smem:$0x3FFE];
	_ =	sdelay $0x1  }
0x8a: {  	s1 =	srdreg.scid  }
0x8b: {  	s0 =	sand.u32 $0x1, s1  }
0x8c: {  	s16 =	sshll.u32 s0, $0xA;
	s2 =	sadd.s32 s3, s2  }
0x8d: {  	s2 =	sadd.s32 s2, s16  }
0x8e: {  	[smem:$0x3FAC] =	sst s2  }
0x8f: {  	_ = 	snop  }
0x90: {  	(tm) =	ssettm $0x1  }
0x91: {  	s17 =	sld [smem:$0x3FFB];
	_ =	sdelay $0x3  }
0x92: {  	_ =	strace s17  }
0x93: {  	s2 =	sld [smem:$0x3FFC];
	_ =	sdelay $0x3  }
0x94: {  	_ =	strace s2  }
0x95: {  	s2 =	sld [smem:$0x3FFD];
	_ =	sdelay $0x3  }
0x96: {  	_ =	strace s2  }
0x97: {  	_ =	strace $0x8FFFFFFF  }
0x98: {  	s18 =	sld [smem:$0x3FDB];
	_ =	sdelay $0x1  }
0x99: {  	s19 =	simm.s32 $_scs_section_size  }
0x9a: {  	s4 =	simm.s32 $_size__tile_overlayer_lowered;
	s5 =	simm.s32 $_tile_overlayer_lowered  }
0x9b: {  	s22 =	simm.s32 $0x1BFF;
	s21 =	sshll.u32 s5, $0x1;
	s2 =	sadd.s32 s19, s18  }
0x9c: {  	s6 =	simm.s32 $0x0;
	s20 =	sshll.u32 s4, $0x1;
	s4 =	sadd.s32 s21, s2  }
0x9d: {  	[timem:s6], [sflag:s22] =	dma.local [hbm:s4], s20  }
0x9e: {  	_ =	swait.ge [sflag:s22], s20  }
0x9f: {  	s3 =	ssub.s32 $0x0, s20;
	[sflag:s22] =	ssyncset.done $0x0  }
0xa0: {  	[sflag:s22] =	ssyncadd.s32 s3;
	_ =	sdelay $0x1  }
0xa1: {  	s23 =	simm.s32 $0x1B8B  }
0xa2: {  	_ =	swait.ge [sflag:s23], $0x1  }
0xa3: {  	[sflag:s23] =	ssyncset.done $0x0  }
0xa4: {  	s25 =	simm.s32 $0x1B8E;
	s24 =	sld [smem:$0x3FFE];
	[sflag:s23] =	ssyncadd.s32 $0xFFFFFFFF  }
0xa5: {  	s26 =	simm.s32 $execute0_lowered;
	[smem:$0x3FD2] =	sst s25  }
0xa6: {  	s4 =	sshll.u32 s26, $0x1;
	_ =	strace $0x80000055;
	[dreg:$0x1] =	wrdreg $0xFFFFFFFF  }
0xa7: {  	s28 =	simm.s32 $_size_execute0_lowered;
	s2 =	sadd.s32 s2, s4;
	[dreg:$0x0] =	wrdreg $0x0  }
0xa8: {  	s4 =	sshll.u32 s28, $0x1;
	[dreg:$0x2] =	wrdreg s2  }
0xa9: {  	[dreg:$0x3] =	wrdreg s4  }
0xaa: {  	[dreg:$0x4] =	wrdreg $0xC0  }
0xab: {  	_ =	task [dreg:s6], $0x5FFFF  }
0xac: {  	[dreg:$0x1] =	wrdreg $0xFFFFFFFF  }
0xad: {  	[dreg:$0x0] =	wrdreg $0x60  }
0xae: {  	[dreg:$0x2] =	wrdreg s24  }
0xaf: {  	[dreg:$0x3] =	wrdreg $0x82000  }
0xb0: {  	[dreg:$0x4] =	wrdreg $0x9  }
0xb1: {  	_ =	task.clear_ibuf [dreg:s6], $0x5FFFF;
	_ =	strace $0x90000055  }
0xb2: {  	s29 =	simm.s32 $0x9;
	_ =	strace $0x80000057  }
0xb3: {  	_ =	swait.ge [sflag:s29], $0x1  }
0xb4: {  	[sflag:s29] =	ssyncadd.s32 $0xFFFFFFFF  }
0xb5: {  	_ =	strace $0x90000057  }
0xb6: {  	_ =	sfence  }
0xb7: {  	s30 =	sld [smem:$0x0];
	_ =	sdelay $0x2  }
0xb8: {  	s31 =	sshll.u32 s1, $0xD;
	s1 =	sshrl.u32 s1, $0x2  }
0xb9: {  	s3 =	sand.u32 $0x4000, s31;
	s1 =	sadd.s32 s1, s30  }
0xba: {  	s0 =	sor.u32 s3, s0;
	s1 =	sshll.u32 s1, $0x11  }
0xbb: {  	s0 =	sor.u32 s1, s0  }
0xbc: {  	s0 =	sadd.s32 $0x8F2B, s0  }
0xbd: {  	[sflag:s0] =	ssyncadd.remote.s32 $0x1  }
0xbe: {  	_ =	sfence.sel $0xFFFF  }
0xbf: {  	[dreg:$0x0] =	wrdreg $0xFFFFFFFF;
	(pc) =	sbr.abs _section_cstart, $3  }
0xc0: {  	[dreg:$0x1] =	wrdreg $0xFFFFFFFF  }
0xc1: {  	_ =	task.clear_ibuf [dreg:s6], $0x2FFFF;
	_ =	strace $0x9FFFFFFF  }
0xc2: {  	(tm) =	ssettm $0x7FFFFFFF  }
0xc3: {  	_ =	shalt  }
tec
execute0_lowered:
.L_overlay_start_1:
0x0: {  	(tag) =	ssettag $0x1  }
0x1: {  	s7 =	rddreg [dreg:$0x0]  }
0x2: {  	s1 =	rddreg [dreg:$0x1]  }
0x3: {  	s0 =	rddreg [dreg:$0x2];
	s2 =	simm.s32 $0x0  }
0x4: {  	s3 =	stileid.u32;
	s8 =	srdreg.scid;
	s17 =	simm.s32 $0xC3400  }
0x5: {  	s18 =	simm.s32 $0x100;
	s19 =	simm.s32 $0x80;
	s20 =	simm.s32 $0x200  }
0x6: {  	s21 =	simm.s32 $0x180;
	s22 =	simm.s32 $0x4200;
	s23 =	simm.s32 $0x1  }
0x7: {  	s24 =	simm.s32 $0x2;
	s25 =	simm.s32 $0x0;
	[smem:$0x7FF] =	sst s2  }
0x8: {  	s4 =	sadd.s32 $0x73400, s7;
	s5 =	sadd.s32 $0xFA00, s7;
	s9 =	smul.u32 $0x2800, s3  }
0x9: {  	s6 =	sadd.s32 $0x5A00, s7;
	s12 =	sand.u32 $0x1, s8;
	s11 =	smul.u32 $0x50000, s3  }
0xa: {  	s31 =	sshll.u32 s3, $0x6;
	_ =	strace $0x80000056;
	s8 =	ssub.s32 $0x2, s12  }
0xb: {  	s10 =	sshll.u32 s12, $0x4;
	p0 =	seq.s32 s12, $0x1;
	s15 =	sadd.s32 s9, s7  }
0xc: {  	s28 =	sshrl.u32 s8, $0x1;
	s29 =	sor.u32 s3, s10;
	s30 =	sshrl.u32 s11, $0x2  }
0xd: {  	s9 =	sor.u32 $0x1C03, s31;
	s17 =	simm.s32 @!p0 $0x9B400;
	s13 =	ssub.s32 s8, s28  }
0xe: {  	s7 =	smul.u32 $0x500, s29;
	s16 =	sadd.s32 s30, s1;
	s8 =	sadd.s32 $0x4B400, s15  }
0xf: {  	s15 =	sadd.s32 s17, s15;
	s17 =	simm.s32 $0x3;
	s12 =	smax.u32 s13, $0x1  }
0x10: {  	s16 =	sshrl.u32 s16, $0x3;
	s10 =	sadd.s32 s5, s7;
	s14 =	sadd.s32 $0x4F0, s7  }
0x11: {  	s11 =	sadd.s32 s6, s7;
	s13 =	sadd.s32 s5, s14;
	s14 =	sadd.s32 s6, s14  }
.LBB2_1:
0x12: {  	[spmem:s16], [sflag:s9] =	dma.local [hbm:s8], $0x2800  }
0x13: {  	_ =	swait.ge [sflag:s17], $0x2800  }
0x14: {  	[sflag:s17] =	ssyncset.done $0x0  }
0x15: {  	[sflag:s17] =	ssyncadd.s32 $0xFFFFD800  }
0x16: {  	[bflag:$0x0] =	sbarrier.arrive $0xFFFF  }
0x17: {  	[tilespmem:s2], [sflag:$0x3] =	stream.linear.gather [hbm4b:s10+s2], $0x80, $0x38;
	[tilespmem:$0x1C200] =	vst v63  }
0x18: {  	_ =	swait.ge [sflag:s17], $0x80  }
0x19: {  	[sflag:s17] =	ssyncset.done $0x0  }
0x1a: {  	s26 =	simm.s32 $0x0;
	s28 =	sadd.s32 $0x0, s7;
	[sflag:s17] =	ssyncadd.s32 $0xFFFFFF80  }
0x1b: {  	[tilespmem:s18], [sflag:$0x3] =	stream.linear.gather [hbm4b:s11+s2], $0x80, $0x38;
	[tilespmem:$0x1C200] =	vst v63  }
0x1c: {  	s29 =	sand.u32 $0xFFFFF80, s28;
	s26 =	sand.u32 $0x60, s26;
	_ =	swait.ge [sflag:s17], $0x80  }
0x1d: {  	s26 =	sor.u32 s29, s26;
	[sflag:s17] =	ssyncset.done $0x0  }
0x1e: {  	s26 =	sor.u32 $0x10, s26;
	[sflag:s17] =	ssyncadd.s32 $0xFFFFFF80  }
0x1f: {  	[tilespmem:s20], [sflag:$0x1] =	stream.indirect.gather [hbm4b:s4+s19], $0x80, s2, s19, $0xb8;
	[tilespmem:$0x1C200] =	vst v63  }
0x20: {  	s29 =	sadd.s32 s5, s26  }
0x21: {  	[tilespmem:s19], [sflag:$0x3] =	stream.linear.gather [hbm4b:s29+s2], $0x80, $0x38;
	[tilespmem:$0x1C200] =	vst v63  }
0x22: {  	_ =	swait.ge [sflag:s17], $0x80  }
0x23: {  	[sflag:s17] =	ssyncset.done $0x0  }
0x24: {  	s26 =	sadd.s32 s6, s26;
	[sflag:s17] =	ssyncadd.s32 $0xFFFFFF80  }
0x25: {  	[tilespmem:s21], [sflag:$0x3] =	stream.linear.gather [hbm4b:s26+s2], $0x80, $0x38;
	[tilespmem:$0x1C200] =	vst v63  }
0x26: {  	_ =	swait.ge [sflag:s17], $0x80  }
0x27: {  	[sflag:s17] =	ssyncset.done $0x0  }
0x28: {  	[sflag:s17] =	ssyncadd.s32 $0xFFFFFF80  }
0x29: {  	[tilespmem:s22], [sflag:$0x2] =	stream.indirect.gather [hbm4b:s4+s19], $0x80, s19, s19, $0xb8;
	[tilespmem:$0x1C200] =	vst v63  }
0x2a: {  	_ =	swait.ge [sflag:s23], $0x4000  }
0x2b: {  	[sflag:s23] =	ssyncset.done $0x0  }
0x2c: {  	[sflag:s23] =	ssyncadd.s32 $0xFFFFC000  }
0x2d: {  	[spmem:s1] =	stream.indirect.scatter.add.f32 [tilespmem:s20], [sflag:$0x3], $0x80, s18, s19, $0xb8;
	[tilespmem:$0x1C200] =	vst v63  }
0x2e: {  	_ =	swait.ge [sflag:s17], $0x4000  }
0x2f: {  	s31 =	sadd.s32 $0x20, s28;
	[sflag:s17] =	ssyncset.done $0x0  }
0x30: {  	s28 =	sadd.s32 s5, s31;
	[sflag:s17] =	ssyncadd.s32 $0xFFFFC000  }
0x31: {  	[tilespmem:s2], [sflag:$0x3] =	stream.linear.gather [hbm4b:s28+s2], $0x80, $0x38;
	[tilespmem:$0x1C200] =	vst v63  }
0x32: {  	_ =	swait.ge [sflag:s17], $0x80  }
0x33: {  	[sflag:s17] =	ssyncset.done $0x0  }
0x34: {  	s26 =	sadd.s32 s6, s31;
	[sflag:s17] =	ssyncadd.s32 $0xFFFFFF80  }
0x35: {  	[tilespmem:s18], [sflag:$0x3] =	stream.linear.gather [hbm4b:s26+s2], $0x80, $0x38;
	[tilespmem:$0x1C200] =	vst v63  }
0x36: {  	_ =	swait.ge [sflag:s17], $0x80  }
0x37: {  	[sflag:s17] =	ssyncset.done $0x0  }
0x38: {  	s30 =	sadd.s32 $0x20, s7;
	s28 =	simm.s32 $0x20;
	[sflag:s17] =	ssyncadd.s32 $0xFFFFFF80  }
0x39: {  	[tilespmem:s20], [sflag:$0x1] =	stream.indirect.gather [hbm4b:s4+s19], $0x80, s2, s19, $0xb8;
	[tilespmem:$0x1C200] =	vst v63  }
0x3a: {  	s29 =	sand.u32 $0xFFFFF80, s30;
	s28 =	sand.u32 $0x60, s28;
	_ =	swait.ge [sflag:s24], $0x4000  }
0x3b: {  	s29 =	sor.u32 s29, s28;
	[sflag:s24] =	ssyncset.done $0x0  }
0x3c: {  	s28 =	sadd.s32 $0x20, s30;
	s26 =	simm.s32 $0x2;
	[sflag:s24] =	ssyncadd.s32 $0xFFFFC000  }
.LBB2_2:
0x3d: {  	p0 =	sne.s32 s26, $0x26  }
0x3e: {  	s29 =	sor.u32 $0x10, s29;
	s30 =	smov.u32 s26;
	s26 =	sadd.s32 $0x1, s26  }
0x3f: {  	[spmem:s1] =	stream.indirect.scatter.add.f32 [tilespmem:s22], [sflag:$0x3], $0x80, s21, s19, $0xb8;
	[tilespmem:$0x1C200] =	vst v63  }
0x40: {  	_ =	swait.ge [sflag:s17], $0x4000  }
0x41: {  	[sflag:s17] =	ssyncset.done $0x0  }
0x42: {  	s31 =	sadd.s32 s5, s29;
	[sflag:s17] =	ssyncadd.s32 $0xFFFFC000  }
0x43: {  	[tilespmem:s19], [sflag:$0x3] =	stream.linear.gather [hbm4b:s31+s2], $0x80, $0x38;
	[tilespmem:$0x1C200] =	vst v63  }
0x44: {  	_ =	swait.ge [sflag:s17], $0x80  }
0x45: {  	[sflag:s17] =	ssyncset.done $0x0  }
0x46: {  	s29 =	sadd.s32 s6, s29;
	[sflag:s17] =	ssyncadd.s32 $0xFFFFFF80  }
0x47: {  	[tilespmem:s21], [sflag:$0x3] =	stream.linear.gather [hbm4b:s29+s2], $0x80, $0x38;
	[tilespmem:$0x1C200] =	vst v63  }
0x48: {  	_ =	swait.ge [sflag:s17], $0x80  }
0x49: {  	[sflag:s17] =	ssyncset.done $0x0  }
0x4a: {  	[sflag:s17] =	ssyncadd.s32 $0xFFFFFF80  }
0x4b: {  	[tilespmem:s22], [sflag:$0x2] =	stream.indirect.gather [hbm4b:s4+s19], $0x80, s19, s19, $0xb8;
	[tilespmem:$0x1C200] =	vst v63  }
0x4c: {  	_ =	swait.ge [sflag:s23], $0x4000  }
0x4d: {  	[sflag:s23] =	ssyncset.done $0x0  }
0x4e: {  	[sflag:s23] =	ssyncadd.s32 $0xFFFFC000  }
0x4f: {  	[spmem:s1] =	stream.indirect.scatter.add.f32 [tilespmem:s20], [sflag:$0x3], $0x80, s18, s19, $0xb8;
	[tilespmem:$0x1C200] =	vst v63  }
0x50: {  	_ =	swait.ge [sflag:s17], $0x4000  }
0x51: {  	[sflag:s17] =	ssyncset.done $0x0  }
0x52: {  	s29 =	sadd.s32 s5, s28;
	[sflag:s17] =	ssyncadd.s32 $0xFFFFC000  }
0x53: {  	[tilespmem:s2], [sflag:$0x3] =	stream.linear.gather [hbm4b:s29+s2], $0x80, $0x38;
	[tilespmem:$0x1C200] =	vst v63  }
0x54: {  	_ =	swait.ge [sflag:s17], $0x80  }
0x55: {  	[sflag:s17] =	ssyncset.done $0x0  }
0x56: {  	s28 =	sadd.s32 s6, s28;
	[sflag:s17] =	ssyncadd.s32 $0xFFFFFF80  }
0x57: {  	[tilespmem:s18], [sflag:$0x3] =	stream.linear.gather [hbm4b:s28+s2], $0x80, $0x38;
	[tilespmem:$0x1C200] =	vst v63  }
0x58: {  	_ =	swait.ge [sflag:s17], $0x80  }
0x59: {  	[sflag:s17] =	ssyncset.done $0x0  }
.Ltmp0:
0x5a: {  	s28 =	sshll.u32 s30, $0x5;
	[sflag:s17] =	ssyncadd.s32 $0xFFFFFF80;
	(pc) =	sbr.rel @p0 .LBB2_2-.Ltmp0, $4  }
0x5b: {  	[tilespmem:s20], [sflag:$0x1] =	stream.indirect.gather [hbm4b:s4+s19], $0x80, s2, s19, $0xb8;
	[tilespmem:$0x1C200] =	vst v63  }
0x5c: {  	s30 =	sadd.s32 s7, s28;
	_ =	swait.ge [sflag:s24], $0x4000  }
0x5d: {  	s28 =	sand.u32 $0x60, s28;
	s29 =	sand.u32 $0xFFFFF80, s30;
	[sflag:s24] =	ssyncset.done $0x0  }
0x5e: {  	s29 =	sor.u32 s29, s28;
	s28 =	sadd.s32 $0x20, s30;
	[sflag:s24] =	ssyncadd.s32 $0xFFFFC000  }
0x5f: {  	[spmem:s1] =	stream.indirect.scatter.add.f32 [tilespmem:s22], [sflag:$0x3], $0x80, s21, s19, $0xb8;
	[tilespmem:$0x1C200] =	vst v63  }
0x60: {  	_ =	swait.ge [sflag:s17], $0x4000  }
0x61: {  	s26 =	sor.u32 $0x10, s29;
	[sflag:s17] =	ssyncset.done $0x0  }
0x62: {  	s29 =	sadd.s32 s5, s26;
	[sflag:s17] =	ssyncadd.s32 $0xFFFFC000  }
0x63: {  	[tilespmem:s19], [sflag:$0x3] =	stream.linear.gather [hbm4b:s29+s2], $0x80, $0x38;
	[tilespmem:$0x1C200] =	vst v63  }
0x64: {  	_ =	swait.ge [sflag:s17], $0x80  }
0x65: {  	[sflag:s17] =	ssyncset.done $0x0  }
0x66: {  	s26 =	sadd.s32 s6, s26;
	[sflag:s17] =	ssyncadd.s32 $0xFFFFFF80  }
0x67: {  	[tilespmem:s21], [sflag:$0x3] =	stream.linear.gather [hbm4b:s26+s2], $0x80, $0x38;
	[tilespmem:$0x1C200] =	vst v63  }
0x68: {  	_ =	swait.ge [sflag:s17], $0x80  }
0x69: {  	[sflag:s17] =	ssyncset.done $0x0  }
0x6a: {  	[sflag:s17] =	ssyncadd.s32 $0xFFFFFF80  }
0x6b: {  	[tilespmem:s22], [sflag:$0x2] =	stream.indirect.gather [hbm4b:s4+s19], $0x80, s19, s19, $0xb8;
	[tilespmem:$0x1C200] =	vst v63  }
0x6c: {  	_ =	swait.ge [sflag:s23], $0x4000  }
0x6d: {  	[sflag:s23] =	ssyncset.done $0x0  }
0x6e: {  	[sflag:s23] =	ssyncadd.s32 $0xFFFFC000  }
0x6f: {  	[spmem:s1] =	stream.indirect.scatter.add.f32 [tilespmem:s20], [sflag:$0x3], $0x80, s18, s19, $0xb8;
	[tilespmem:$0x1C200] =	vst v63  }
0x70: {  	_ =	swait.ge [sflag:s17], $0x4000  }
0x71: {  	[sflag:s17] =	ssyncset.done $0x0  }
0x72: {  	s30 =	sadd.s32 s5, s28;
	[sflag:s17] =	ssyncadd.s32 $0xFFFFC000  }
0x73: {  	[tilespmem:s2], [sflag:$0x3] =	stream.linear.gather [hbm4b:s30+s2], $0x80, $0x38;
	[tilespmem:$0x1C200] =	vst v63  }
0x74: {  	_ =	swait.ge [sflag:s17], $0x80  }
0x75: {  	[sflag:s17] =	ssyncset.done $0x0  }
0x76: {  	s31 =	sadd.s32 s6, s28;
	[sflag:s17] =	ssyncadd.s32 $0xFFFFFF80  }
0x77: {  	[tilespmem:s18], [sflag:$0x3] =	stream.linear.gather [hbm4b:s31+s2], $0x80, $0x38;
	[tilespmem:$0x1C200] =	vst v63  }
0x78: {  	_ =	swait.ge [sflag:s17], $0x80  }
0x79: {  	[sflag:s17] =	ssyncset.done $0x0  }
0x7a: {  	[sflag:s17] =	ssyncadd.s32 $0xFFFFFF80  }
0x7b: {  	[tilespmem:s20], [sflag:$0x1] =	stream.indirect.gather [hbm4b:s4+s19], $0x80, s2, s19, $0xb8;
	[tilespmem:$0x1C200] =	vst v63  }
0x7c: {  	_ =	swait.ge [sflag:s24], $0x4000  }
0x7d: {  	[sflag:s24] =	ssyncset.done $0x0  }
0x7e: {  	[sflag:s24] =	ssyncadd.s32 $0xFFFFC000  }
0x7f: {  	[spmem:s1] =	stream.indirect.scatter.add.f32 [tilespmem:s22], [sflag:$0x3], $0x80, s21, s19, $0xb8;
	[tilespmem:$0x1C200] =	vst v63  }
0x80: {  	_ =	swait.ge [sflag:s17], $0x4000  }
0x81: {  	[sflag:s17] =	ssyncset.done $0x0  }
0x82: {  	[sflag:s17] =	ssyncadd.s32 $0xFFFFC000  }
0x83: {  	[tilespmem:s19], [sflag:$0x3] =	stream.linear.gather [hbm4b:s13+s2], $0x80, $0x38;
	[tilespmem:$0x1C200] =	vst v63  }
0x84: {  	_ =	swait.ge [sflag:s17], $0x80  }
0x85: {  	[sflag:s17] =	ssyncset.done $0x0  }
0x86: {  	[sflag:s17] =	ssyncadd.s32 $0xFFFFFF80  }
0x87: {  	[tilespmem:s21], [sflag:$0x3] =	stream.linear.gather [hbm4b:s14+s2], $0x80, $0x38;
	[tilespmem:$0x1C200] =	vst v63  }
0x88: {  	_ =	swait.ge [sflag:s17], $0x80  }
0x89: {  	[sflag:s17] =	ssyncset.done $0x0  }
0x8a: {  	[sflag:s17] =	ssyncadd.s32 $0xFFFFFF80  }
0x8b: {  	[tilespmem:s22], [sflag:$0x2] =	stream.indirect.gather [hbm4b:s4+s19], $0x80, s19, s19, $0xb8;
	[tilespmem:$0x1C200] =	vst v63  }
0x8c: {  	_ =	swait.ge [sflag:s23], $0x4000  }
0x8d: {  	[sflag:s23] =	ssyncset.done $0x0  }
0x8e: {  	[sflag:s23] =	ssyncadd.s32 $0xFFFFC000  }
0x8f: {  	[spmem:s1] =	stream.indirect.scatter.add.f32 [tilespmem:s20], [sflag:$0x3], $0x80, s18, s19, $0xb8;
	[tilespmem:$0x1C200] =	vst v63  }
0x90: {  	_ =	swait.ge [sflag:s17], $0x4000  }
0x91: {  	[sflag:s17] =	ssyncset.done $0x0  }
0x92: {  	[sflag:s17] =	ssyncadd.s32 $0xFFFFC000  }
0x93: {  	_ =	swait.ge [sflag:s24], $0x4000  }
0x94: {  	[sflag:s24] =	ssyncset.done $0x0  }
0x95: {  	[sflag:s24] =	ssyncadd.s32 $0xFFFFC000  }
0x96: {  	[spmem:s1] =	stream.indirect.scatter.add.f32 [tilespmem:s22], [sflag:$0x3], $0x80, s21, s19, $0xb8;
	[tilespmem:$0x1C200] =	vst v63  }
0x97: {  	_ =	swait.ge [sflag:s17], $0x4000  }
0x98: {  	s25 =	sadd.s32 $0x1, s25;
	[sflag:s17] =	ssyncset.done $0x0  }
0x99: {  	p0 =	sne.s32 s25, s12;
	[sflag:s17] =	ssyncadd.s32 $0xFFFFC000  }
.Ltmp1:
0x9a: {  	[bflag:$0x0] =	sbarrier.arrive $0xFFFF;
	(pc) =	sbr.rel @p0 .LBB2_1-.Ltmp1, $4  }
0x9b: {  	[hbm:s15], [sflag:s9] =	dma.local [spmem:s16], $0x2800  }
0x9c: {  	_ =	swait.ge [sflag:s17], $0x2800  }
0x9d: {  	[sflag:s17] =	ssyncset.done $0x0  }
0x9e: {  	[sflag:s17] =	ssyncadd.s32 $0xFFFFD800  }
0x9f: {  	_ =	sfence.sel $0x180000  }
0xa0: {  	[bflag:$0x0] =	sbarrier.arrive $0xFFFF  }
0xa1: {  	p0 =	sne.s32 s3, $0x0;
	_ =	strace $0x90000056  }
0xa2: {  	s0 =	sadd.s32 @!p0 $0x100000, s0;
	[bflag:$0x2] =	sbarrier.arrive $0xFFFF  }
0xa3: {  	[sflag:s0] =	ssyncadd.tile.s32 @!p0 $0x1;
	_ =	shalt  }
.Lfunc_end2:
_tile_overlayer_lowered:
.L_overlay_start_2:
0xa4: {  	(tag) =	ssettag $0x2  }
0xa5: {  	s0 =	rddreg [dreg:$0x0];
	s2 =	stileid.u32  }
0xa6: {  	s1 =	rddreg [dreg:$0x1];
	p0 =	sne.s32 s2, $0x0  }
0xa7: {  	s3 =	rddreg [dreg:$0x2];
	[bflag:$0x3] =	sbarrier.arrive $0xFFFF;
	s2 =	simm.s32 @!p0 $0x1C03  }
0xa8: {  	[timem:s3], [sflag:s2] =	dma.local @!p0 [hbm:s0], s1  }
0xa9: {  	s0 =	simm.s32 @!p0 $0x3  }
0xaa: {  	_ =	swait.ge @!p0 [sflag:s0], s1  }
0xab: {  	s1 =	ssub.s32 @!p0 $0x0, s1;
	[sflag:s0] =	ssyncset.done @!p0 $0x0  }
0xac: {  	[sflag:s0] =	ssyncadd.s32 @!p0 s1  }
0xad: {  	[bflag:$0x3] =	sbarrier.arrive $0xFFFF  }
0xae: {  	_ =	shalt  }

</sc_bundles>
